<compile_context>
chip_gen: v7x
topology: tpu7x:2x2x1
jax: 0.10.2.dev20260603
libtpu: 0.0.44.dev20260713+nightly
codegen_flags: <defaults>
</compile_context>

<pallas_src>
import functools

import jax
import jax.numpy as jnp
from jax import lax
from jax.experimental import pallas as pl
from jax.experimental.pallas import tpu as pltpu
from jax.experimental.pallas import tpu_sc as plsc

N = 10000
E = 320000
NC = 2
NS = 16
NW = NC * NS
EP = E // NW
CH = 80
NCH = 125
NPAD = 10240
ROWS_PER_TILE = NPAD // NS

_mesh = plsc.VectorSubcoreMesh(core_axis_name="c", subcore_axis_name="s")
_sc_params = pltpu.CompilerParams(use_tc_tiling_on_sc=False)


@functools.partial(
    pl.kernel,
    out_type=jax.ShapeDtypeStruct((NC * NPAD,), jnp.float32),
    mesh=_mesh,
    compiler_params=_sc_params,
    scratch_types=[
        pltpu.VMEM((NCH, CH), jnp.int32),
        pltpu.VMEM((CH,), jnp.float32),
        pltpu.VMEM((ROWS_PER_TILE,), jnp.float32),
        pltpu.VMEM_SHARED((NPAD,), jnp.float32),
    ],
)
def _deg_kernel(dst_hbm, out_hbm, didx, ones_v, zbuf, deg_sp):
    c = lax.axis_index("c")
    s = lax.axis_index("s")
    wid = c * NS + s

    def zstore(i, _):
        zbuf[pl.ds(i * 16, 16)] = jnp.zeros((16,), jnp.float32)
        return 0

    lax.fori_loop(0, ROWS_PER_TILE // 16, zstore, 0)

    def fill_ones(i, _):
        ones_v[pl.ds(i * 16, 16)] = jnp.ones((16,), jnp.float32)
        return 0

    lax.fori_loop(0, CH // 16, fill_ones, 0)

    pltpu.sync_copy(zbuf, deg_sp.at[pl.ds(s * ROWS_PER_TILE, ROWS_PER_TILE)])
    plsc.subcore_barrier()

    pltpu.sync_copy(dst_hbm.at[wid], didx)

    def body(j, _):
        pltpu.sync_copy(ones_v, deg_sp.at[didx.at[j]], add=True)
        return 0

    lax.fori_loop(0, NCH, body, 0)

    plsc.subcore_barrier()

    pltpu.sync_copy(deg_sp.at[pl.ds(s * ROWS_PER_TILE, ROWS_PER_TILE)], zbuf)
    pltpu.sync_copy(
        zbuf, out_hbm.at[pl.ds(c * NPAD + s * ROWS_PER_TILE, ROWS_PER_TILE)])


def _make_agg(W):
    zr = 32
    cols = W // 16

    @functools.partial(
        pl.kernel,
        out_type=jax.ShapeDtypeStruct((NC, NPAD, W), jnp.float32),
        mesh=_mesh,
        compiler_params=_sc_params,
        scratch_types=[
            pltpu.VMEM((NCH, CH), jnp.int32),
            pltpu.VMEM((NCH, CH), jnp.int32),
            pltpu.VMEM((CH, W), jnp.float32),
            pltpu.VMEM((CH, W), jnp.float32),
            pltpu.VMEM((zr, W), jnp.float32),
            pltpu.VMEM_SHARED((NPAD, W), jnp.float32),
            pltpu.SemaphoreType.DMA,
            pltpu.SemaphoreType.DMA,
        ],
    )
    def agg(y_hbm, src_hbm, dst_hbm, out_hbm,
            sidx, didx, rows0, rows1, zbuf, acc, sem0, sem1):
        c = lax.axis_index("c")
        s = lax.axis_index("s")
        wid = c * NS + s

        def zstore(t, _):
            zbuf[t // cols, pl.ds((t % cols) * 16, 16)] = jnp.zeros(
                (16,), jnp.float32)
            return 0

        lax.fori_loop(0, zr * cols, zstore, 0)

        pltpu.sync_copy(src_hbm.at[wid], sidx)
        pltpu.sync_copy(dst_hbm.at[wid], didx)

        for k in range(ROWS_PER_TILE // zr):
            pltpu.sync_copy(
                zbuf, acc.at[pl.ds(s * ROWS_PER_TILE + k * zr, zr)])
        plsc.subcore_barrier()

        def gather_start(j, buf, sem):
            return pltpu.async_copy(y_hbm.at[sidx.at[j]], buf, sem)

        def gather_wait(j, buf, sem):
            pltpu.make_async_copy(y_hbm.at[sidx.at[j]], buf, sem).wait()

        def scat(j, buf):
            pltpu.sync_copy(buf, acc.at[didx.at[j]], add=True)

        gather_start(0, rows0, sem0)

        def body(k, _):
            j0 = 2 * k
            gather_start(j0 + 1, rows1, sem1)
            gather_wait(j0, rows0, sem0)
            scat(j0, rows0)
            gather_start(j0 + 2, rows0, sem0)
            gather_wait(j0 + 1, rows1, sem1)
            scat(j0 + 1, rows1)
            return 0

        lax.fori_loop(0, (NCH - 1) // 2, body, 0)

        gather_wait(NCH - 1, rows0, sem0)
        scat(NCH - 1, rows0)

        plsc.subcore_barrier()

        for k in range(ROWS_PER_TILE // zr):
            base = s * ROWS_PER_TILE + k * zr
            pltpu.sync_copy(acc.at[pl.ds(base, zr)], zbuf)
            pltpu.sync_copy(zbuf, out_hbm.at[c, pl.ds(base, zr)])

    return agg


_agg_l1 = _make_agg(128)
_agg_l2 = _make_agg(64)


def _tc1_body(x_ref, w_ref, d0_ref, d1_ref, y_ref, dinv_ref):
    deg = d0_ref[0:N, :] + d1_ref[0:N, :] + 1.0
    dinv = lax.rsqrt(deg)
    dinv_ref[...] = dinv
    xw = jnp.dot(x_ref[...], w_ref[...],
                 preferred_element_type=jnp.float32,
                 precision=lax.Precision.HIGHEST)
    y_ref[...] = xw * dinv


_SELU_SCALE = 1.0507009873554804934193349852946
_SELU_ALPHA = 1.6732632423543772848170429916717


def _tc2_body(q0_ref, q1_ref, y_ref, dinv_ref, b1_ref, w2_ref, y2_ref):
    dinv = dinv_ref[...]
    agg = q0_ref[0] + q1_ref[0] + y_ref[...]
    pre = dinv * agg + b1_ref[...]
    h = _SELU_SCALE * jnp.where(
        pre > 0.0, pre, _SELU_ALPHA * (jnp.exp(pre) - 1.0))
    hw = jnp.dot(h, w2_ref[...],
                 preferred_element_type=jnp.float32,
                 precision=lax.Precision.HIGHEST)
    y2_ref[...] = hw * dinv


def _tc3_body(q0_ref, q1_ref, y2_ref, dinv_ref, b2_ref, out_ref):
    o = (dinv_ref[...] * (q0_ref[0] + q1_ref[0] + y2_ref[...])
         + b2_ref[...])
    m = jnp.max(o, axis=1, keepdims=True)
    lse = m + jnp.log(jnp.sum(jnp.exp(o - m), axis=1, keepdims=True))
    out_ref[...] = o - lse


def kernel(x, edge_index, W1, b1, W2, b2):
    D_h = W1.shape[1]
    D_out = W2.shape[1]

    src3 = edge_index[0].reshape(NW, NCH, CH)
    dst3 = edge_index[1].reshape(NW, NCH, CH)

    degp = _deg_kernel(dst3)
    d0 = degp[:NPAD].reshape(NPAD, 1)
    d1 = degp[NPAD:].reshape(NPAD, 1)

    y, dinv = pl.pallas_call(
        _tc1_body,
        out_shape=[
            jax.ShapeDtypeStruct((N, D_h), jnp.float32),
            jax.ShapeDtypeStruct((N, 1), jnp.float32),
        ],
    )(x, W1, d0, d1)

    r1 = _agg_l1(y, src3, dst3)

    R = 2000
    _rows1 = pl.BlockSpec((R, 1), lambda i: (i, 0))

    y2 = pl.pallas_call(
        _tc2_body,
        grid=(N // R,),
        in_specs=[pl.BlockSpec((1, R, D_h), lambda i: (0, i, 0)),
                  pl.BlockSpec((1, R, D_h), lambda i: (1, i, 0)),
                  pl.BlockSpec((R, D_h), lambda i: (i, 0)),
                  _rows1,
                  pl.BlockSpec((1, D_h), lambda i: (0, 0)),
                  pl.BlockSpec((D_h, D_out), lambda i: (0, 0))],
        out_specs=pl.BlockSpec((R, D_out), lambda i: (i, 0)),
        out_shape=jax.ShapeDtypeStruct((N, D_out), jnp.float32),
    )(r1, r1, y, dinv, b1.reshape(1, D_h), W2)

    r2 = _agg_l2(y2, src3, dst3)

    out = pl.pallas_call(
        _tc3_body,
        grid=(N // R,),
        in_specs=[pl.BlockSpec((1, R, D_out), lambda i: (0, i, 0)),
                  pl.BlockSpec((1, R, D_out), lambda i: (1, i, 0)),
                  pl.BlockSpec((R, D_out), lambda i: (i, 0)),
                  _rows1,
                  pl.BlockSpec((1, D_out), lambda i: (0, 0))],
        out_specs=pl.BlockSpec((R, D_out), lambda i: (i, 0)),
        out_shape=jax.ShapeDtypeStruct((N, D_out), jnp.float32),
    )(r2, r2, y2, dinv, b2.reshape(1, D_out))

    return out

# --- scband reference (transcript-rebuilt; emitter-appended) ---
"""Pipeline reference for scband-gcn-25374666785385 (READ-ONLY COPY).

The authoritative reference and input builder live on the scoring server;
editing this copy changes nothing except your own understanding.
"""

import jax, jax.numpy as jnp
import numpy as np

N = 10000
E = 320000
D_IN = 128
D_H = 128
D_OUT = 64


def setup_inputs(seed: int = 0) -> dict:
    key = jax.random.key(seed)
    k1, k2, k3, k4 = jax.random.split(key, 4)
    x = jax.random.normal(k1, (N, D_IN), dtype=jnp.float32)
    edge_index = jax.random.randint(k2, (2, E), 0, N, dtype=jnp.int32)
    W1 = jax.random.normal(k3, (D_IN, D_H), dtype=jnp.float32) * (1.0 / np.sqrt(D_IN))
    b1 = jnp.zeros((D_H,), dtype=jnp.float32)
    W2 = jax.random.normal(k4, (D_H, D_OUT), dtype=jnp.float32) * (1.0 / np.sqrt(D_H))
    b2 = jnp.zeros((D_OUT,), dtype=jnp.float32)
    return {"x": x, "edge_index": edge_index, "W1": W1, "b1": b1, "W2": W2, "b2": b2}


def _gcn_conv(x, W, b, src, dst):
    # GCNConv with normalize=True and add_self_loops=True, edge_weight=None (all ones)
    xw = x @ W
    loop = jnp.arange(N, dtype=src.dtype)
    s = jnp.concatenate([src, loop])
    d = jnp.concatenate([dst, loop])
    ew = jnp.ones((s.shape[0],), dtype=x.dtype)
    deg = jax.ops.segment_sum(ew, d, num_segments=N)
    dinv = jnp.where(deg > 0, jax.lax.rsqrt(deg), 0.0)
    norm = dinv[s] * ew * dinv[d]
    msgs = xw[s] * norm[:, None]
    out = jax.ops.segment_sum(msgs, d, num_segments=N)
    return out + b


def reference(x, edge_index, W1, b1, W2, b2):
    src = edge_index[0]
    dst = edge_index[1]
    h = _gcn_conv(x, W1, b1, src, dst)
    h = jax.nn.selu(h)
    # dropout in eval mode -> identity
    h = _gcn_conv(h, W2, b2, src, dst)
    return jax.nn.log_softmax(h, axis=1)

if __name__ == "__main__":
    import jax
    _d = setup_inputs()
    print(jax.jit(kernel)(*tuple(_d.values())))

</pallas_src>

<mosaic_0001>
#map = affine_map<(d0, d1) -> (0, 0, 0)>
#map1 = affine_map<(d0, d1) -> (0)>
module attributes {stable_mosaic.version = 14 : i64} {
  func.func @_deg_kernel(%arg0: i32, %arg1: i32, %arg2: memref<32x125x80xi32, #tpu.memory_space<hbm>>, %arg3: memref<20480xf32, #tpu.memory_space<hbm>>, %arg4: memref<125x80xi32, #tpu.memory_space<vmem>>, %arg5: memref<80xf32, #tpu.memory_space<vmem>>, %arg6: memref<640xf32, #tpu.memory_space<vmem>>, %arg7: memref<10240xf32, #tpu.memory_space<vmem_shared>>) attributes {dimension_semantics = [#tpu.dimension_semantics<core_parallel>, #tpu.dimension_semantics<subcore_parallel>], iteration_bounds = array<i64: 2, 16>, scalar_prefetch = 0 : i64, scratch_operands = 4 : i64, tpu.core_type = #tpu.core_type<sc_vector_subcore>, window_params = [{transform_indices = #map}, {transform_indices = #map1}]} {
    %mul3A = arith.constant 16 : i32
    %mul3A_0 = arith.muli %arg0, %mul3A : i32
    %add3A = arith.addi %mul3A_0, %arg1 : i32
    %scan3A = arith.constant 0 : i32
    %scan3A_1 = arith.constant 0 : i32
    %scan3A_2 = arith.constant 40 : i32
    %scan3A_3 = arith.addi %scan3A_1, %scan3A_2 : i32
    %scan3A_4 = arith.constant 1 : i32
    %scan3A_5 = scf.for %scan3A_31 = %scan3A_1 to %scan3A_3 step %scan3A_4 iter_args(%scan3A_32 = %scan3A) -> (i32)  : i32 {
      %broadcast_in_dim3A = arith.constant 0.000000e+00 : f32
      %broadcast_in_dim3A_33 = vector.broadcast %broadcast_in_dim3A : f32 to vector<16xf32>
      %mul3A_34 = arith.constant 16 : i32
      %mul3A_35 = arith.muli %scan3A_31, %mul3A_34 : i32
      %swap3A = arith.index_cast %mul3A_35 : i32 to index
      %swap3A_36 = tpu.vector_load %arg6[%swap3A] {strides = array<i32>} : memref<640xf32, #tpu.memory_space<vmem>>, vector<16xf32>,
      %swap3A_37 = vector.shape_cast %swap3A_36 : vector<16xf32> to vector<16xf32>
      %swap3A_38 = vector.shape_cast %broadcast_in_dim3A_33 : vector<16xf32> to vector<16xf32>
      tpu.vector_store %arg6[%swap3A], %swap3A_38 {strides = array<i32>} : memref<640xf32, #tpu.memory_space<vmem>>, vector<16xf32>,
      %scan3A_39 = arith.constant 0 : i32
      scf.yield %scan3A_39 : i32
    }
    %scan3A_6 = arith.constant 40 : i32
    %scan3A_7 = arith.constant 0 : i32
    %scan3A_8 = arith.constant 0 : i32
    %scan3A_9 = arith.constant 5 : i32
    %scan3A_10 = arith.addi %scan3A_8, %scan3A_9 : i32
    %scan3A_11 = arith.constant 1 : i32
    %scan3A_12 = scf.for %scan3A_31 = %scan3A_8 to %scan3A_10 step %scan3A_11 iter_args(%scan3A_32 = %scan3A_7) -> (i32)  : i32 {
      %broadcast_in_dim3A = arith.constant 1.000000e+00 : f32
      %broadcast_in_dim3A_33 = vector.broadcast %broadcast_in_dim3A : f32 to vector<16xf32>
      %mul3A_34 = arith.constant 16 : i32
      %mul3A_35 = arith.muli %scan3A_31, %mul3A_34 : i32
      %swap3A = arith.index_cast %mul3A_35 : i32 to index
      %swap3A_36 = tpu.vector_load %arg5[%swap3A] {strides = array<i32>} : memref<80xf32, #tpu.memory_space<vmem>>, vector<16xf32>,
      %swap3A_37 = vector.shape_cast %swap3A_36 : vector<16xf32> to vector<16xf32>
      %swap3A_38 = vector.shape_cast %broadcast_in_dim3A_33 : vector<16xf32> to vector<16xf32>
      tpu.vector_store %arg5[%swap3A], %swap3A_38 {strides = array<i32>} : memref<80xf32, #tpu.memory_space<vmem>>, vector<16xf32>,
      %scan3A_39 = arith.constant 0 : i32
      scf.yield %scan3A_39 : i32
    }
    %scan3A_13 = arith.constant 5 : i32
    %mul3A_14 = arith.constant 640 : i32
    %mul3A_15 = arith.muli %arg1, %mul3A_14 : i32
    "tpu.region"() ({
      %run_scoped3A = tpu.sem_alloc : memref<!tpu.dma_semaphore, #tpu.memory_space<semaphore_mem>>
      %dma_start3A = tpu.memref_slice %arg7[%mul3A_15] : memref<10240xf32, #tpu.memory_space<vmem_shared>> -> memref<640xf32, #tpu.memory_space<vmem_shared>>
      %dma_start3A_31 = tpu.memref_slice %arg7[%mul3A_15] : memref<10240xf32, #tpu.memory_space<vmem_shared>> -> memref<640xf32, #tpu.memory_space<vmem_shared>>
      tpu.enqueue_dma source(%arg6 : memref<640xf32, #tpu.memory_space<vmem>>) target(%dma_start3A_31 : memref<640xf32, #tpu.memory_space<vmem_shared>>) target_semaphore(%run_scoped3A : memref<!tpu.dma_semaphore, #tpu.memory_space<semaphore_mem>>)
      %dma_wait3A = tpu.memref_slice %arg7[%mul3A_15] : memref<10240xf32, #tpu.memory_space<vmem_shared>> -> memref<640xf32, #tpu.memory_space<vmem_shared>>
      %dma_wait3A_32 = tpu.memref_slice %arg7[%mul3A_15] : memref<10240xf32, #tpu.memory_space<vmem_shared>> -> memref<640xf32, #tpu.memory_space<vmem_shared>>
      tpu.wait_dma2 semaphore(%run_scoped3A : memref<!tpu.dma_semaphore, #tpu.memory_space<semaphore_mem>>) src(%arg6 : memref<640xf32, #tpu.memory_space<vmem>>) dst(%dma_wait3A_32 : memref<640xf32, #tpu.memory_space<vmem_shared>>)
      tpu.yield
    }) : () -> ()
    %barrier3A = arith.constant 0 : index
    tpu.barrier barrier_id(%barrier3A)
    "tpu.region"() ({
      %run_scoped3A = tpu.sem_alloc : memref<!tpu.dma_semaphore, #tpu.memory_space<semaphore_mem>>
      %dma_start3A = arith.constant 0 : i32
      %dma_start3A_31 = arith.constant 0 : i32
      %dma_start3A_32 = tpu.memref_slice %arg2[%add3A, %dma_start3A, %dma_start3A_31] : memref<32x125x80xi32, #tpu.memory_space<hbm>> -> memref<1x125x80xi32, #tpu.memory_space<hbm>>
      %dma_start3A_33 = tpu.memref_squeeze %dma_start3A_32 : memref<1x125x80xi32, #tpu.memory_space<hbm>> -> memref<125x80xi32, #tpu.memory_space<hbm>>
      %dma_start3A_34 = arith.constant 0 : i32
      %dma_start3A_35 = arith.constant 0 : i32
      %dma_start3A_36 = tpu.memref_slice %arg2[%add3A, %dma_start3A_34, %dma_start3A_35] : memref<32x125x80xi32, #tpu.memory_space<hbm>> -> memref<1x125x80xi32, #tpu.memory_space<hbm>>
      %dma_start3A_37 = tpu.memref_squeeze %dma_start3A_36 : memref<1x125x80xi32, #tpu.memory_space<hbm>> -> memref<125x80xi32, #tpu.memory_space<hbm>>
      tpu.enqueue_dma source(%dma_start3A_37 : memref<125x80xi32, #tpu.memory_space<hbm>>) target(%arg4 : memref<125x80xi32, #tpu.memory_space<vmem>>) target_semaphore(%run_scoped3A : memref<!tpu.dma_semaphore, #tpu.memory_space<semaphore_mem>>)
      %dma_wait3A = arith.constant 0 : i32
      %dma_wait3A_38 = arith.constant 0 : i32
      %dma_wait3A_39 = tpu.memref_slice %arg2[%add3A, %dma_wait3A, %dma_wait3A_38] : memref<32x125x80xi32, #tpu.memory_space<hbm>> -> memref<1x125x80xi32, #tpu.memory_space<hbm>>
      %dma_wait3A_40 = tpu.memref_squeeze %dma_wait3A_39 : memref<1x125x80xi32, #tpu.memory_space<hbm>> -> memref<125x80xi32, #tpu.memory_space<hbm>>
      %dma_wait3A_41 = arith.constant 0 : i32
      %dma_wait3A_42 = arith.constant 0 : i32
      %dma_wait3A_43 = tpu.memref_slice %arg2[%add3A, %dma_wait3A_41, %dma_wait3A_42] : memref<32x125x80xi32, #tpu.memory_space<hbm>> -> memref<1x125x80xi32, #tpu.memory_space<hbm>>
      %dma_wait3A_44 = tpu.memref_squeeze %dma_wait3A_43 : memref<1x125x80xi32, #tpu.memory_space<hbm>> -> memref<125x80xi32, #tpu.memory_space<hbm>>
      tpu.wait_dma2 semaphore(%run_scoped3A : memref<!tpu.dma_semaphore, #tpu.memory_space<semaphore_mem>>) src(%dma_wait3A_44 : memref<125x80xi32, #tpu.memory_space<hbm>>) dst(%arg4 : memref<125x80xi32, #tpu.memory_space<vmem>>)
      tpu.yield
    }) : () -> ()
    %scan3A_16 = arith.constant 0 : i32
    %scan3A_17 = arith.constant 0 : i32
    %scan3A_18 = arith.constant 125 : i32
    %scan3A_19 = arith.addi %scan3A_17, %scan3A_18 : i32
    %scan3A_20 = arith.constant 1 : i32
    %scan3A_21 = scf.for %scan3A_31 = %scan3A_17 to %scan3A_19 step %scan3A_20 iter_args(%scan3A_32 = %scan3A_16) -> (i32)  : i32 {
      "tpu.region"() ({
        %run_scoped3A = tpu.sem_alloc : memref<!tpu.dma_semaphore, #tpu.memory_space<semaphore_mem>>
        %dma_start3A = arith.constant 0 : i32
        %dma_start3A_34 = tpu.memref_slice %arg4[%scan3A_31, %dma_start3A] : memref<125x80xi32, #tpu.memory_space<vmem>> -> memref<1x80xi32, #tpu.memory_space<vmem>>
        %dma_start3A_35 = tpu.memref_squeeze %dma_start3A_34 : memref<1x80xi32, #tpu.memory_space<vmem>> -> memref<80xi32, #tpu.memory_space<vmem>>
        %dma_start3A_36 = arith.constant 0 : i32
        %dma_start3A_37 = tpu.memref_slice %arg7[%dma_start3A_36] : memref<10240xf32, #tpu.memory_space<vmem_shared>> -> memref<10240xf32, #tpu.memory_space<vmem_shared>>
        tpu.enqueue_indirect_dma source(%arg5 : memref<80xf32, #tpu.memory_space<vmem>>) target(%dma_start3A_37 : memref<10240xf32, #tpu.memory_space<vmem_shared>>) offsets(%dma_start3A_35 : memref<80xi32, #tpu.memory_space<vmem>>) semaphore(%run_scoped3A : memref<!tpu.dma_semaphore, #tpu.memory_space<semaphore_mem>>) {add = true}
        %dma_wait3A = arith.constant 0 : i32
        %dma_wait3A_38 = tpu.memref_slice %arg4[%scan3A_31, %dma_wait3A] : memref<125x80xi32, #tpu.memory_space<vmem>> -> memref<1x80xi32, #tpu.memory_space<vmem>>
        %dma_wait3A_39 = tpu.memref_squeeze %dma_wait3A_38 : memref<1x80xi32, #tpu.memory_space<vmem>> -> memref<80xi32, #tpu.memory_space<vmem>>
        %dma_wait3A_40 = arith.constant 0 : i32
        %dma_wait3A_41 = tpu.memref_slice %arg7[%dma_wait3A_40] : memref<10240xf32, #tpu.memory_space<vmem_shared>> -> memref<10240xf32, #tpu.memory_space<vmem_shared>>
        tpu.wait_indirect_dma semaphore(%run_scoped3A : memref<!tpu.dma_semaphore, #tpu.memory_space<semaphore_mem>>) src(%arg5 : memref<80xf32, #tpu.memory_space<vmem>>) dst(%dma_wait3A_41 : memref<10240xf32, #tpu.memory_space<vmem_shared>>)
        tpu.yield
      }) : () -> ()
      %scan3A_33 = arith.constant 0 : i32
      scf.yield %scan3A_33 : i32
    }
    %scan3A_22 = arith.constant 125 : i32
    %barrier3A_23 = arith.constant 0 : index
    tpu.barrier barrier_id(%barrier3A_23)
    %mul3A_24 = arith.constant 640 : i32
    %mul3A_25 = arith.muli %arg1, %mul3A_24 : i32
    "tpu.region"() ({
      %run_scoped3A = tpu.sem_alloc : memref<!tpu.dma_semaphore, #tpu.memory_space<semaphore_mem>>
      %dma_start3A = tpu.memref_slice %arg7[%mul3A_25] : memref<10240xf32, #tpu.memory_space<vmem_shared>> -> memref<640xf32, #tpu.memory_space<vmem_shared>>
      %dma_start3A_31 = tpu.memref_slice %arg7[%mul3A_25] : memref<10240xf32, #tpu.memory_space<vmem_shared>> -> memref<640xf32, #tpu.memory_space<vmem_shared>>
      tpu.enqueue_dma source(%dma_start3A_31 : memref<640xf32, #tpu.memory_space<vmem_shared>>) target(%arg6 : memref<640xf32, #tpu.memory_space<vmem>>) target_semaphore(%run_scoped3A : memref<!tpu.dma_semaphore, #tpu.memory_space<semaphore_mem>>)
      %dma_wait3A = tpu.memref_slice %arg7[%mul3A_25] : memref<10240xf32, #tpu.memory_space<vmem_shared>> -> memref<640xf32, #tpu.memory_space<vmem_shared>>
      %dma_wait3A_32 = tpu.memref_slice %arg7[%mul3A_25] : memref<10240xf32, #tpu.memory_space<vmem_shared>> -> memref<640xf32, #tpu.memory_space<vmem_shared>>
      tpu.wait_dma2 semaphore(%run_scoped3A : memref<!tpu.dma_semaphore, #tpu.memory_space<semaphore_mem>>) src(%dma_wait3A_32 : memref<640xf32, #tpu.memory_space<vmem_shared>>) dst(%arg6 : memref<640xf32, #tpu.memory_space<vmem>>)
      tpu.yield
    }) : () -> ()
    %mul3A_26 = arith.constant 10240 : i32
    %mul3A_27 = arith.muli %arg0, %mul3A_26 : i32
    %mul3A_28 = arith.constant 640 : i32
    %mul3A_29 = arith.muli %arg1, %mul3A_28 : i32
    %add3A_30 = arith.addi %mul3A_27, %mul3A_29 : i32
    "tpu.region"() ({
      %run_scoped3A = tpu.sem_alloc : memref<!tpu.dma_semaphore, #tpu.memory_space<semaphore_mem>>
      %dma_start3A = tpu.memref_slice %arg3[%add3A_30] : memref<20480xf32, #tpu.memory_space<hbm>> -> memref<640xf32, #tpu.memory_space<hbm>>
      %dma_start3A_31 = tpu.memref_slice %arg3[%add3A_30] : memref<20480xf32, #tpu.memory_space<hbm>> -> memref<640xf32, #tpu.memory_space<hbm>>
      tpu.enqueue_dma source(%arg6 : memref<640xf32, #tpu.memory_space<vmem>>) target(%dma_start3A_31 : memref<640xf32, #tpu.memory_space<hbm>>) target_semaphore(%run_scoped3A : memref<!tpu.dma_semaphore, #tpu.memory_space<semaphore_mem>>)
      %dma_wait3A = tpu.memref_slice %arg3[%add3A_30] : memref<20480xf32, #tpu.memory_space<hbm>> -> memref<640xf32, #tpu.memory_space<hbm>>
      %dma_wait3A_32 = tpu.memref_slice %arg3[%add3A_30] : memref<20480xf32, #tpu.memory_space<hbm>> -> memref<640xf32, #tpu.memory_space<hbm>>
      tpu.wait_dma2 semaphore(%run_scoped3A : memref<!tpu.dma_semaphore, #tpu.memory_space<semaphore_mem>>) src(%arg6 : memref<640xf32, #tpu.memory_space<vmem>>) dst(%dma_wait3A_32 : memref<640xf32, #tpu.memory_space<hbm>>)
      tpu.yield
    }) : () -> ()
    return
  }
}

#map = affine_map<(d0, d1) -> (0, 0)>
#map1 = affine_map<(d0, d1) -> (0, 0, 0)>
module attributes {stable_mosaic.version = 14 : i64} {
  func.func @agg(%arg0: i32, %arg1: i32, %arg2: memref<10000x64xf32, #tpu.memory_space<hbm>>, %arg3: memref<32x125x80xi32, #tpu.memory_space<hbm>>, %arg4: memref<32x125x80xi32, #tpu.memory_space<hbm>>, %arg5: memref<2x10240x64xf32, #tpu.memory_space<hbm>>, %arg6: memref<125x80xi32, #tpu.memory_space<vmem>>, %arg7: memref<125x80xi32, #tpu.memory_space<vmem>>, %arg8: memref<80x64xf32, #tpu.memory_space<vmem>>, %arg9: memref<80x64xf32, #tpu.memory_space<vmem>>, %arg10: memref<32x64xf32, #tpu.memory_space<vmem>>, %arg11: memref<10240x64xf32, #tpu.memory_space<vmem_shared>>, %arg12: memref<!tpu.dma_semaphore, #tpu.memory_space<semaphore_mem>>, %arg13: memref<!tpu.dma_semaphore, #tpu.memory_space<semaphore_mem>>) attributes {dimension_semantics = [#tpu.dimension_semantics<core_parallel>, #tpu.dimension_semantics<subcore_parallel>], iteration_bounds = array<i64: 2, 16>, scalar_prefetch = 0 : i64, scratch_operands = 8 : i64, tpu.core_type = #tpu.core_type<sc_vector_subcore>, window_params = [{transform_indices = #map}, {transform_indices = #map1}, {transform_indices = #map1}, {transform_indices = #map1}]} {
    %mul3A = arith.constant 16 : i32
    %mul3A_0 = arith.muli %arg0, %mul3A : i32
    %add3A = arith.addi %mul3A_0, %arg1 : i32
    %scan3A = arith.constant 0 : i32
    %scan3A_1 = arith.constant 0 : i32
    %scan3A_2 = arith.constant 128 : i32
    %scan3A_3 = arith.addi %scan3A_1, %scan3A_2 : i32
    %scan3A_4 = arith.constant 1 : i32
    %scan3A_5 = scf.for %scan3A_187 = %scan3A_1 to %scan3A_3 step %scan3A_4 iter_args(%scan3A_188 = %scan3A) -> (i32)  : i32 {
      %broadcast_in_dim3A = arith.constant 0.000000e+00 : f32
      %broadcast_in_dim3A_189 = vector.broadcast %broadcast_in_dim3A : f32 to vector<16xf32>
      %jit3A = arith.constant 4 : i32
      %div3A = arith.divsi %scan3A_187, %jit3A : i32
      %sign3A = arith.constant 0 : i32
      %sign3A_190 = arith.cmpi sgt, %scan3A_187, %sign3A : i32
      %sign3A_191 = arith.extui %sign3A_190 : i1 to i32
      %sign3A_192 = arith.constant 0 : i32
      %sign3A_193 = arith.cmpi slt, %scan3A_187, %sign3A_192 : i32
      %sign3A_194 = arith.extui %sign3A_193 : i1 to i32
      %sign3A_195 = arith.subi %sign3A_191, %sign3A_194 : i32
      %sign3A_196 = arith.constant 0 : i32
      %sign3A_197 = arith.cmpi sgt, %jit3A, %sign3A_196 : i32
      %sign3A_198 = arith.extui %sign3A_197 : i1 to i32
      %sign3A_199 = arith.constant 0 : i32
      %sign3A_200 = arith.cmpi slt, %jit3A, %sign3A_199 : i32
      %sign3A_201 = arith.extui %sign3A_200 : i1 to i32
      %sign3A_202 = arith.subi %sign3A_198, %sign3A_201 : i32
      %ne3A = arith.cmpi ne, %sign3A_195, %sign3A_202 : i32
      %rem3A = arith.remsi %scan3A_187, %jit3A : i32
      %ne3A_203 = arith.constant 0 : i32
      %ne3A_204 = arith.cmpi ne, %rem3A, %ne3A_203 : i32
      %and3A = arith.andi %ne3A, %ne3A_204 : i1
      %sub3A = arith.constant 1 : i32
      %sub3A_205 = arith.subi %div3A, %sub3A : i32
      %select_n3A = arith.select %and3A, %sub3A_205, %div3A : i32
      %jit3A_206 = arith.constant 4 : i32
      %eq3A = arith.constant 0 : i32
      %eq3A_207 = arith.cmpi eq, %jit3A_206, %eq3A : i32
      %jit3A_208 = arith.constant 1 : i32
      %select_n3A_209 = arith.select %eq3A_207, %jit3A_208, %jit3A_206 : i32
      %rem3A_210 = arith.remsi %scan3A_187, %select_n3A_209 : i32
      %ne3A_211 = arith.constant 0 : i32
      %ne3A_212 = arith.cmpi ne, %rem3A_210, %ne3A_211 : i32
      %lt3A = arith.constant 0 : i32
      %lt3A_213 = arith.cmpi slt, %rem3A_210, %lt3A : i32
      %lt3A_214 = arith.constant 0 : i32
      %lt3A_215 = arith.cmpi slt, %select_n3A_209, %lt3A_214 : i32
      %ne3A_216 = arith.xori %lt3A_213, %lt3A_215 : i1
      %and3A_217 = arith.andi %ne3A_216, %ne3A_212 : i1
      %add3A_218 = arith.addi %rem3A_210, %select_n3A_209 : i32
      %select_n3A_219 = arith.select %and3A_217, %add3A_218, %rem3A_210 : i32
      %mul3A_220 = arith.constant 16 : i32
      %mul3A_221 = arith.muli %select_n3A_219, %mul3A_220 : i32
      %swap3A = arith.index_cast %select_n3A : i32 to index
      %swap3A_222 = arith.index_cast %mul3A_221 : i32 to index
      %swap3A_223 = tpu.vector_load %arg10[%swap3A, %swap3A_222] {strides = array<i32>} : memref<32x64xf32, #tpu.memory_space<vmem>>, vector<1x16xf32>,
      %swap3A_224 = vector.shape_cast %swap3A_223 : vector<1x16xf32> to vector<16xf32>
      %swap3A_225 = vector.shape_cast %broadcast_in_dim3A_189 : vector<16xf32> to vector<1x16xf32>
      tpu.vector_store %arg10[%swap3A, %swap3A_222], %swap3A_225 {strides = array<i32>} : memref<32x64xf32, #tpu.memory_space<vmem>>, vector<1x16xf32>,
      %scan3A_226 = arith.constant 0 : i32
      scf.yield %scan3A_226 : i32
    }
    %scan3A_6 = arith.constant 128 : i32
    "tpu.region"() ({
      %run_scoped3A_187 = tpu.sem_alloc : memref<!tpu.dma_semaphore, #tpu.memory_space<semaphore_mem>>
      %dma_start3A_188 = arith.constant 0 : i32
      %dma_start3A_189 = arith.constant 0 : i32
      %dma_start3A_190 = tpu.memref_slice %arg3[%add3A, %dma_start3A_188, %dma_start3A_189] : memref<32x125x80xi32, #tpu.memory_space<hbm>> -> memref<1x125x80xi32, #tpu.memory_space<hbm>>
      %dma_start3A_191 = tpu.memref_squeeze %dma_start3A_190 : memref<1x125x80xi32, #tpu.memory_space<hbm>> -> memref<125x80xi32, #tpu.memory_space<hbm>>
      %dma_start3A_192 = arith.constant 0 : i32
      %dma_start3A_193 = arith.constant 0 : i32
      %dma_start3A_194 = tpu.memref_slice %arg3[%add3A, %dma_start3A_192, %dma_start3A_193] : memref<32x125x80xi32, #tpu.memory_space<hbm>> -> memref<1x125x80xi32, #tpu.memory_space<hbm>>
      %dma_start3A_195 = tpu.memref_squeeze %dma_start3A_194 : memref<1x125x80xi32, #tpu.memory_space<hbm>> -> memref<125x80xi32, #tpu.memory_space<hbm>>
      tpu.enqueue_dma source(%dma_start3A_195 : memref<125x80xi32, #tpu.memory_space<hbm>>) target(%arg6 : memref<125x80xi32, #tpu.memory_space<vmem>>) target_semaphore(%run_scoped3A_187 : memref<!tpu.dma_semaphore, #tpu.memory_space<semaphore_mem>>)
      %dma_wait3A_196 = arith.constant 0 : i32
      %dma_wait3A_197 = arith.constant 0 : i32
      %dma_wait3A_198 = tpu.memref_slice %arg3[%add3A, %dma_wait3A_196, %dma_wait3A_197] : memref<32x125x80xi32, #tpu.memory_space<hbm>> -> memref<1x125x80xi32, #tpu.memory_space<hbm>>
      %dma_wait3A_199 = tpu.memref_squeeze %dma_wait3A_198 : memref<1x125x80xi32, #tpu.memory_space<hbm>> -> memref<125x80xi32, #tpu.memory_space<hbm>>
      %dma_wait3A_200 = arith.constant 0 : i32
      %dma_wait3A_201 = arith.constant 0 : i32
      %dma_wait3A_202 = tpu.memref_slice %arg3[%add3A, %dma_wait3A_200, %dma_wait3A_201] : memref<32x125x80xi32, #tpu.memory_space<hbm>> -> memref<1x125x80xi32, #tpu.memory_space<hbm>>
      %dma_wait3A_203 = tpu.memref_squeeze %dma_wait3A_202 : memref<1x125x80xi32, #tpu.memory_space<hbm>> -> memref<125x80xi32, #tpu.memory_space<hbm>>
      tpu.wait_dma2 semaphore(%run_scoped3A_187 : memref<!tpu.dma_semaphore, #tpu.memory_space<semaphore_mem>>) src(%dma_wait3A_203 : memref<125x80xi32, #tpu.memory_space<hbm>>) dst(%arg6 : memref<125x80xi32, #tpu.memory_space<vmem>>)
      tpu.yield
    }) : () -> ()
    "tpu.region"() ({
      %run_scoped3A_187 = tpu.sem_alloc : memref<!tpu.dma_semaphore, #tpu.memory_space<semaphore_mem>>
      %dma_start3A_188 = arith.constant 0 : i32
      %dma_start3A_189 = arith.constant 0 : i32
      %dma_start3A_190 = tpu.memref_slice %arg4[%add3A, %dma_start3A_188, %dma_start3A_189] : memref<32x125x80xi32, #tpu.memory_space<hbm>> -> memref<1x125x80xi32, #tpu.memory_space<hbm>>
      %dma_start3A_191 = tpu.memref_squeeze %dma_start3A_190 : memref<1x125x80xi32, #tpu.memory_space<hbm>> -> memref<125x80xi32, #tpu.memory_space<hbm>>
      %dma_start3A_192 = arith.constant 0 : i32
      %dma_start3A_193 = arith.constant 0 : i32
      %dma_start3A_194 = tpu.memref_slice %arg4[%add3A, %dma_start3A_192, %dma_start3A_193] : memref<32x125x80xi32, #tpu.memory_space<hbm>> -> memref<1x125x80xi32, #tpu.memory_space<hbm>>
      %dma_start3A_195 = tpu.memref_squeeze %dma_start3A_194 : memref<1x125x80xi32, #tpu.memory_space<hbm>> -> memref<125x80xi32, #tpu.memory_space<hbm>>
      tpu.enqueue_dma source(%dma_start3A_195 : memref<125x80xi32, #tpu.memory_space<hbm>>) target(%arg7 : memref<125x80xi32, #tpu.memory_space<vmem>>) target_semaphore(%run_scoped3A_187 : memref<!tpu.dma_semaphore, #tpu.memory_space<semaphore_mem>>)
      %dma_wait3A_196 = arith.constant 0 : i32
      %dma_wait3A_197 = arith.constant 0 : i32
      %dma_wait3A_198 = tpu.memref_slice %arg4[%add3A, %dma_wait3A_196, %dma_wait3A_197] : memref<32x125x80xi32, #tpu.memory_space<hbm>> -> memref<1x125x80xi32, #tpu.memory_space<hbm>>
      %dma_wait3A_199 = tpu.memref_squeeze %dma_wait3A_198 : memref<1x125x80xi32, #tpu.memory_space<hbm>> -> memref<125x80xi32, #tpu.memory_space<hbm>>
      %dma_wait3A_200 = arith.constant 0 : i32
      %dma_wait3A_201 = arith.constant 0 : i32
      %dma_wait3A_202 = tpu.memref_slice %arg4[%add3A, %dma_wait3A_200, %dma_wait3A_201] : memref<32x125x80xi32, #tpu.memory_space<hbm>> -> memref<1x125x80xi32, #tpu.memory_space<hbm>>
      %dma_wait3A_203 = tpu.memref_squeeze %dma_wait3A_202 : memref<1x125x80xi32, #tpu.memory_space<hbm>> -> memref<125x80xi32, #tpu.memory_space<hbm>>
      tpu.wait_dma2 semaphore(%run_scoped3A_187 : memref<!tpu.dma_semaphore, #tpu.memory_space<semaphore_mem>>) src(%dma_wait3A_203 : memref<125x80xi32, #tpu.memory_space<hbm>>) dst(%arg7 : memref<125x80xi32, #tpu.memory_space<vmem>>)
      tpu.yield
    }) : () -> ()
    %mul3A_7 = arith.constant 640 : i32
    %mul3A_8 = arith.muli %arg1, %mul3A_7 : i32
    %add3A_9 = arith.constant 0 : i32
    %add3A_10 = arith.addi %mul3A_8, %add3A_9 : i32
    "tpu.region"() ({
      %run_scoped3A_187 = tpu.sem_alloc : memref<!tpu.dma_semaphore, #tpu.memory_space<semaphore_mem>>
      %dma_start3A_188 = arith.constant 0 : i32
      %dma_start3A_189 = tpu.memref_slice %arg11[%add3A_10, %dma_start3A_188] : memref<10240x64xf32, #tpu.memory_space<vmem_shared>> -> memref<32x64xf32, #tpu.memory_space<vmem_shared>>
      %dma_start3A_190 = arith.constant 0 : i32
      %dma_start3A_191 = tpu.memref_slice %arg11[%add3A_10, %dma_start3A_190] : memref<10240x64xf32, #tpu.memory_space<vmem_shared>> -> memref<32x64xf32, #tpu.memory_space<vmem_shared>>
      tpu.enqueue_dma source(%arg10 : memref<32x64xf32, #tpu.memory_space<vmem>>) target(%dma_start3A_191 : memref<32x64xf32, #tpu.memory_space<vmem_shared>>) target_semaphore(%run_scoped3A_187 : memref<!tpu.dma_semaphore, #tpu.memory_space<semaphore_mem>>)
      %dma_wait3A_192 = arith.constant 0 : i32
      %dma_wait3A_193 = tpu.memref_slice %arg11[%add3A_10, %dma_wait3A_192] : memref<10240x64xf32, #tpu.memory_space<vmem_shared>> -> memref<32x64xf32, #tpu.memory_space<vmem_shared>>
      %dma_wait3A_194 = arith.constant 0 : i32
      %dma_wait3A_195 = tpu.memref_slice %arg11[%add3A_10, %dma_wait3A_194] : memref<10240x64xf32, #tpu.memory_space<vmem_shared>> -> memref<32x64xf32, #tpu.memory_space<vmem_shared>>
      tpu.wait_dma2 semaphore(%run_scoped3A_187 : memref<!tpu.dma_semaphore, #tpu.memory_space<semaphore_mem>>) src(%arg10 : memref<32x64xf32, #tpu.memory_space<vmem>>) dst(%dma_wait3A_195 : memref<32x64xf32, #tpu.memory_space<vmem_shared>>)
      tpu.yield
    }) : () -> ()
    %mul3A_11 = arith.constant 640 : i32
    %mul3A_12 = arith.muli %arg1, %mul3A_11 : i32
    %add3A_13 = arith.constant 32 : i32
    %add3A_14 = arith.addi %mul3A_12, %add3A_13 : i32
    "tpu.region"() ({
      %run_scoped3A_187 = tpu.sem_alloc : memref<!tpu.dma_semaphore, #tpu.memory_space<semaphore_mem>>
      %dma_start3A_188 = arith.constant 0 : i32
      %dma_start3A_189 = tpu.memref_slice %arg11[%add3A_14, %dma_start3A_188] : memref<10240x64xf32, #tpu.memory_space<vmem_shared>> -> memref<32x64xf32, #tpu.memory_space<vmem_shared>>
      %dma_start3A_190 = arith.constant 0 : i32
      %dma_start3A_191 = tpu.memref_slice %arg11[%add3A_14, %dma_start3A_190] : memref<10240x64xf32, #tpu.memory_space<vmem_shared>> -> memref<32x64xf32, #tpu.memory_space<vmem_shared>>
      tpu.enqueue_dma source(%arg10 : memref<32x64xf32, #tpu.memory_space<vmem>>) target(%dma_start3A_191 : memref<32x64xf32, #tpu.memory_space<vmem_shared>>) target_semaphore(%run_scoped3A_187 : memref<!tpu.dma_semaphore, #tpu.memory_space<semaphore_mem>>)
      %dma_wait3A_192 = arith.constant 0 : i32
      %dma_wait3A_193 = tpu.memref_slice %arg11[%add3A_14, %dma_wait3A_192] : memref<10240x64xf32, #tpu.memory_space<vmem_shared>> -> memref<32x64xf32, #tpu.memory_space<vmem_shared>>
      %dma_wait3A_194 = arith.constant 0 : i32
      %dma_wait3A_195 = tpu.memref_slice %arg11[%add3A_14, %dma_wait3A_194] : memref<10240x64xf32, #tpu.memory_space<vmem_shared>> -> memref<32x64xf32, #tpu.memory_space<vmem_shared>>
      tpu.wait_dma2 semaphore(%run_scoped3A_187 : memref<!tpu.dma_semaphore, #tpu.memory_space<semaphore_mem>>) src(%arg10 : memref<32x64xf32, #tpu.memory_space<vmem>>) dst(%dma_wait3A_195 : memref<32x64xf32, #tpu.memory_space<vmem_shared>>)
      tpu.yield
    }) : () -> ()
    %mul3A_15 = arith.constant 640 : i32
    %mul3A_16 = arith.muli %arg1, %mul3A_15 : i32
    %add3A_17 = arith.constant 64 : i32
    %add3A_18 = arith.addi %mul3A_16, %add3A_17 : i32
    "tpu.region"() ({
      %run_scoped3A_187 = tpu.sem_alloc : memref<!tpu.dma_semaphore, #tpu.memory_space<semaphore_mem>>
      %dma_start3A_188 = arith.constant 0 : i32
      %dma_start3A_189 = tpu.memref_slice %arg11[%add3A_18, %dma_start3A_188] : memref<10240x64xf32, #tpu.memory_space<vmem_shared>> -> memref<32x64xf32, #tpu.memory_space<vmem_shared>>
      %dma_start3A_190 = arith.constant 0 : i32
      %dma_start3A_191 = tpu.memref_slice %arg11[%add3A_18, %dma_start3A_190] : memref<10240x64xf32, #tpu.memory_space<vmem_shared>> -> memref<32x64xf32, #tpu.memory_space<vmem_shared>>
      tpu.enqueue_dma source(%arg10 : memref<32x64xf32, #tpu.memory_space<vmem>>) target(%dma_start3A_191 : memref<32x64xf32, #tpu.memory_space<vmem_shared>>) target_semaphore(%run_scoped3A_187 : memref<!tpu.dma_semaphore, #tpu.memory_space<semaphore_mem>>)
      %dma_wait3A_192 = arith.constant 0 : i32
      %dma_wait3A_193 = tpu.memref_slice %arg11[%add3A_18, %dma_wait3A_192] : memref<10240x64xf32, #tpu.memory_space<vmem_shared>> -> memref<32x64xf32, #tpu.memory_space<vmem_shared>>
      %dma_wait3A_194 = arith.constant 0 : i32
      %dma_wait3A_195 = tpu.memref_slice %arg11[%add3A_18, %dma_wait3A_194] : memref<10240x64xf32, #tpu.memory_space<vmem_shared>> -> memref<32x64xf32, #tpu.memory_space<vmem_shared>>
      tpu.wait_dma2 semaphore(%run_scoped3A_187 : memref<!tpu.dma_semaphore, #tpu.memory_space<semaphore_mem>>) src(%arg10 : memref<32x64xf32, #tpu.memory_space<vmem>>) dst(%dma_wait3A_195 : memref<32x64xf32, #tpu.memory_space<vmem_shared>>)
      tpu.yield
    }) : () -> ()
    %mul3A_19 = arith.constant 640 : i32
    %mul3A_20 = arith.muli %arg1, %mul3A_19 : i32
    %add3A_21 = arith.constant 96 : i32
    %add3A_22 = arith.addi %mul3A_20, %add3A_21 : i32
    "tpu.region"() ({
      %run_scoped3A_187 = tpu.sem_alloc : memref<!tpu.dma_semaphore, #tpu.memory_space<semaphore_mem>>
      %dma_start3A_188 = arith.constant 0 : i32
      %dma_start3A_189 = tpu.memref_slice %arg11[%add3A_22, %dma_start3A_188] : memref<10240x64xf32, #tpu.memory_space<vmem_shared>> -> memref<32x64xf32, #tpu.memory_space<vmem_shared>>
      %dma_start3A_190 = arith.constant 0 : i32
      %dma_start3A_191 = tpu.memref_slice %arg11[%add3A_22, %dma_start3A_190] : memref<10240x64xf32, #tpu.memory_space<vmem_shared>> -> memref<32x64xf32, #tpu.memory_space<vmem_shared>>
      tpu.enqueue_dma source(%arg10 : memref<32x64xf32, #tpu.memory_space<vmem>>) target(%dma_start3A_191 : memref<32x64xf32, #tpu.memory_space<vmem_shared>>) target_semaphore(%run_scoped3A_187 : memref<!tpu.dma_semaphore, #tpu.memory_space<semaphore_mem>>)
      %dma_wait3A_192 = arith.constant 0 : i32
      %dma_wait3A_193 = tpu.memref_slice %arg11[%add3A_22, %dma_wait3A_192] : memref<10240x64xf32, #tpu.memory_space<vmem_shared>> -> memref<32x64xf32, #tpu.memory_space<vmem_shared>>
      %dma_wait3A_194 = arith.constant 0 : i32
      %dma_wait3A_195 = tpu.memref_slice %arg11[%add3A_22, %dma_wait3A_194] : memref<10240x64xf32, #tpu.memory_space<vmem_shared>> -> memref<32x64xf32, #tpu.memory_space<vmem_shared>>
      tpu.wait_dma2 semaphore(%run_scoped3A_187 : memref<!tpu.dma_semaphore, #tpu.memory_space<semaphore_mem>>) src(%arg10 : memref<32x64xf32, #tpu.memory_space<vmem>>) dst(%dma_wait3A_195 : memref<32x64xf32, #tpu.memory_space<vmem_shared>>)
      tpu.yield
    }) : () -> ()
    %mul3A_23 = arith.constant 640 : i32
    %mul3A_24 = arith.muli %arg1, %mul3A_23 : i32
    %add3A_25 = arith.constant 128 : i32
    %add3A_26 = arith.addi %mul3A_24, %add3A_25 : i32
    "tpu.region"() ({
      %run_scoped3A_187 = tpu.sem_alloc : memref<!tpu.dma_semaphore, #tpu.memory_space<semaphore_mem>>
      %dma_start3A_188 = arith.constant 0 : i32
      %dma_start3A_189 = tpu.memref_slice %arg11[%add3A_26, %dma_start3A_188] : memref<10240x64xf32, #tpu.memory_space<vmem_shared>> -> memref<32x64xf32, #tpu.memory_space<vmem_shared>>
      %dma_start3A_190 = arith.constant 0 : i32
      %dma_start3A_191 = tpu.memref_slice %arg11[%add3A_26, %dma_start3A_190] : memref<10240x64xf32, #tpu.memory_space<vmem_shared>> -> memref<32x64xf32, #tpu.memory_space<vmem_shared>>
      tpu.enqueue_dma source(%arg10 : memref<32x64xf32, #tpu.memory_space<vmem>>) target(%dma_start3A_191 : memref<32x64xf32, #tpu.memory_space<vmem_shared>>) target_semaphore(%run_scoped3A_187 : memref<!tpu.dma_semaphore, #tpu.memory_space<semaphore_mem>>)
      %dma_wait3A_192 = arith.constant 0 : i32
      %dma_wait3A_193 = tpu.memref_slice %arg11[%add3A_26, %dma_wait3A_192] : memref<10240x64xf32, #tpu.memory_space<vmem_shared>> -> memref<32x64xf32, #tpu.memory_space<vmem_shared>>
      %dma_wait3A_194 = arith.constant 0 : i32
      %dma_wait3A_195 = tpu.memref_slice %arg11[%add3A_26, %dma_wait3A_194] : memref<10240x64xf32, #tpu.memory_space<vmem_shared>> -> memref<32x64xf32, #tpu.memory_space<vmem_shared>>
      tpu.wait_dma2 semaphore(%run_scoped3A_187 : memref<!tpu.dma_semaphore, #tpu.memory_space<semaphore_mem>>) src(%arg10 : memref<32x64xf32, #tpu.memory_space<vmem>>) dst(%dma_wait3A_195 : memref<32x64xf32, #tpu.memory_space<vmem_shared>>)
      tpu.yield
    }) : () -> ()
    %mul3A_27 = arith.constant 640 : i32
    %mul3A_28 = arith.muli %arg1, %mul3A_27 : i32
    %add3A_29 = arith.constant 160 : i32
    %add3A_30 = arith.addi %mul3A_28, %add3A_29 : i32
    "tpu.region"() ({
      %run_scoped3A_187 = tpu.sem_alloc : memref<!tpu.dma_semaphore, #tpu.memory_space<semaphore_mem>>
      %dma_start3A_188 = arith.constant 0 : i32
      %dma_start3A_189 = tpu.memref_slice %arg11[%add3A_30, %dma_start3A_188] : memref<10240x64xf32, #tpu.memory_space<vmem_shared>> -> memref<32x64xf32, #tpu.memory_space<vmem_shared>>
      %dma_start3A_190 = arith.constant 0 : i32
      %dma_start3A_191 = tpu.memref_slice %arg11[%add3A_30, %dma_start3A_190] : memref<10240x64xf32, #tpu.memory_space<vmem_shared>> -> memref<32x64xf32, #tpu.memory_space<vmem_shared>>
      tpu.enqueue_dma source(%arg10 : memref<32x64xf32, #tpu.memory_space<vmem>>) target(%dma_start3A_191 : memref<32x64xf32, #tpu.memory_space<vmem_shared>>) target_semaphore(%run_scoped3A_187 : memref<!tpu.dma_semaphore, #tpu.memory_space<semaphore_mem>>)
      %dma_wait3A_192 = arith.constant 0 : i32
      %dma_wait3A_193 = tpu.memref_slice %arg11[%add3A_30, %dma_wait3A_192] : memref<10240x64xf32, #tpu.memory_space<vmem_shared>> -> memref<32x64xf32, #tpu.memory_space<vmem_shared>>
      %dma_wait3A_194 = arith.constant 0 : i32
      %dma_wait3A_195 = tpu.memref_slice %arg11[%add3A_30, %dma_wait3A_194] : memref<10240x64xf32, #tpu.memory_space<vmem_shared>> -> memref<32x64xf32, #tpu.memory_space<vmem_shared>>
      tpu.wait_dma2 semaphore(%run_scoped3A_187 : memref<!tpu.dma_semaphore, #tpu.memory_space<semaphore_mem>>) src(%arg10 : memref<32x64xf32, #tpu.memory_space<vmem>>) dst(%dma_wait3A_195 : memref<32x64xf32, #tpu.memory_space<vmem_shared>>)
      tpu.yield
    }) : () -> ()
    %mul3A_31 = arith.constant 640 : i32
    %mul3A_32 = arith.muli %arg1, %mul3A_31 : i32
    %add3A_33 = arith.constant 192 : i32
    %add3A_34 = arith.addi %mul3A_32, %add3A_33 : i32
    "tpu.region"() ({
      %run_scoped3A_187 = tpu.sem_alloc : memref<!tpu.dma_semaphore, #tpu.memory_space<semaphore_mem>>
      %dma_start3A_188 = arith.constant 0 : i32
      %dma_start3A_189 = tpu.memref_slice %arg11[%add3A_34, %dma_start3A_188] : memref<10240x64xf32, #tpu.memory_space<vmem_shared>> -> memref<32x64xf32, #tpu.memory_space<vmem_shared>>
      %dma_start3A_190 = arith.constant 0 : i32
      %dma_start3A_191 = tpu.memref_slice %arg11[%add3A_34, %dma_start3A_190] : memref<10240x64xf32, #tpu.memory_space<vmem_shared>> -> memref<32x64xf32, #tpu.memory_space<vmem_shared>>
      tpu.enqueue_dma source(%arg10 : memref<32x64xf32, #tpu.memory_space<vmem>>) target(%dma_start3A_191 : memref<32x64xf32, #tpu.memory_space<vmem_shared>>) target_semaphore(%run_scoped3A_187 : memref<!tpu.dma_semaphore, #tpu.memory_space<semaphore_mem>>)
      %dma_wait3A_192 = arith.constant 0 : i32
      %dma_wait3A_193 = tpu.memref_slice %arg11[%add3A_34, %dma_wait3A_192] : memref<10240x64xf32, #tpu.memory_space<vmem_shared>> -> memref<32x64xf32, #tpu.memory_space<vmem_shared>>
      %dma_wait3A_194 = arith.constant 0 : i32
      %dma_wait3A_195 = tpu.memref_slice %arg11[%add3A_34, %dma_wait3A_194] : memref<10240x64xf32, #tpu.memory_space<vmem_shared>> -> memref<32x64xf32, #tpu.memory_space<vmem_shared>>
      tpu.wait_dma2 semaphore(%run_scoped3A_187 : memref<!tpu.dma_semaphore, #tpu.memory_space<semaphore_mem>>) src(%arg10 : memref<32x64xf32, #tpu.memory_space<vmem>>) dst(%dma_wait3A_195 : memref<32x64xf32, #tpu.memory_space<vmem_shared>>)
      tpu.yield
    }) : () -> ()
    %mul3A_35 = arith.constant 640 : i32
    %mul3A_36 = arith.muli %arg1, %mul3A_35 : i32
    %add3A_37 = arith.constant 224 : i32
    %add3A_38 = arith.addi %mul3A_36, %add3A_37 : i32
    "tpu.region"() ({
      %run_scoped3A_187 = tpu.sem_alloc : memref<!tpu.dma_semaphore, #tpu.memory_space<semaphore_mem>>
      %dma_start3A_188 = arith.constant 0 : i32
      %dma_start3A_189 = tpu.memref_slice %arg11[%add3A_38, %dma_start3A_188] : memref<10240x64xf32, #tpu.memory_space<vmem_shared>> -> memref<32x64xf32, #tpu.memory_space<vmem_shared>>
      %dma_start3A_190 = arith.constant 0 : i32
      %dma_start3A_191 = tpu.memref_slice %arg11[%add3A_38, %dma_start3A_190] : memref<10240x64xf32, #tpu.memory_space<vmem_shared>> -> memref<32x64xf32, #tpu.memory_space<vmem_shared>>
      tpu.enqueue_dma source(%arg10 : memref<32x64xf32, #tpu.memory_space<vmem>>) target(%dma_start3A_191 : memref<32x64xf32, #tpu.memory_space<vmem_shared>>) target_semaphore(%run_scoped3A_187 : memref<!tpu.dma_semaphore, #tpu.memory_space<semaphore_mem>>)
      %dma_wait3A_192 = arith.constant 0 : i32
      %dma_wait3A_193 = tpu.memref_slice %arg11[%add3A_38, %dma_wait3A_192] : memref<10240x64xf32, #tpu.memory_space<vmem_shared>> -> memref<32x64xf32, #tpu.memory_space<vmem_shared>>
      %dma_wait3A_194 = arith.constant 0 : i32
      %dma_wait3A_195 = tpu.memref_slice %arg11[%add3A_38, %dma_wait3A_194] : memref<10240x64xf32, #tpu.memory_space<vmem_shared>> -> memref<32x64xf32, #tpu.memory_space<vmem_shared>>
      tpu.wait_dma2 semaphore(%run_scoped3A_187 : memref<!tpu.dma_semaphore, #tpu.memory_space<semaphore_mem>>) src(%arg10 : memref<32x64xf32, #tpu.memory_space<vmem>>) dst(%dma_wait3A_195 : memref<32x64xf32, #tpu.memory_space<vmem_shared>>)
      tpu.yield
    }) : () -> ()
    %mul3A_39 = arith.constant 640 : i32
    %mul3A_40 = arith.muli %arg1, %mul3A_39 : i32
    %add3A_41 = arith.constant 256 : i32
    %add3A_42 = arith.addi %mul3A_40, %add3A_41 : i32
    "tpu.region"() ({
      %run_scoped3A_187 = tpu.sem_alloc : memref<!tpu.dma_semaphore, #tpu.memory_space<semaphore_mem>>
      %dma_start3A_188 = arith.constant 0 : i32
      %dma_start3A_189 = tpu.memref_slice %arg11[%add3A_42, %dma_start3A_188] : memref<10240x64xf32, #tpu.memory_space<vmem_shared>> -> memref<32x64xf32, #tpu.memory_space<vmem_shared>>
      %dma_start3A_190 = arith.constant 0 : i32
      %dma_start3A_191 = tpu.memref_slice %arg11[%add3A_42, %dma_start3A_190] : memref<10240x64xf32, #tpu.memory_space<vmem_shared>> -> memref<32x64xf32, #tpu.memory_space<vmem_shared>>
      tpu.enqueue_dma source(%arg10 : memref<32x64xf32, #tpu.memory_space<vmem>>) target(%dma_start3A_191 : memref<32x64xf32, #tpu.memory_space<vmem_shared>>) target_semaphore(%run_scoped3A_187 : memref<!tpu.dma_semaphore, #tpu.memory_space<semaphore_mem>>)
      %dma_wait3A_192 = arith.constant 0 : i32
      %dma_wait3A_193 = tpu.memref_slice %arg11[%add3A_42, %dma_wait3A_192] : memref<10240x64xf32, #tpu.memory_space<vmem_shared>> -> memref<32x64xf32, #tpu.memory_space<vmem_shared>>
      %dma_wait3A_194 = arith.constant 0 : i32
      %dma_wait3A_195 = tpu.memref_slice %arg11[%add3A_42, %dma_wait3A_194] : memref<10240x64xf32, #tpu.memory_space<vmem_shared>> -> memref<32x64xf32, #tpu.memory_space<vmem_shared>>
      tpu.wait_dma2 semaphore(%run_scoped3A_187 : memref<!tpu.dma_semaphore, #tpu.memory_space<semaphore_mem>>) src(%arg10 : memref<32x64xf32, #tpu.memory_space<vmem>>) dst(%dma_wait3A_195 : memref<32x64xf32, #tpu.memory_space<vmem_shared>>)
      tpu.yield
    }) : () -> ()
    %mul3A_43 = arith.constant 640 : i32
    %mul3A_44 = arith.muli %arg1, %mul3A_43 : i32
    %add3A_45 = arith.constant 288 : i32
    %add3A_46 = arith.addi %mul3A_44, %add3A_45 : i32
    "tpu.region"() ({
      %run_scoped3A_187 = tpu.sem_alloc : memref<!tpu.dma_semaphore, #tpu.memory_space<semaphore_mem>>
      %dma_start3A_188 = arith.constant 0 : i32
      %dma_start3A_189 = tpu.memref_slice %arg11[%add3A_46, %dma_start3A_188] : memref<10240x64xf32, #tpu.memory_space<vmem_shared>> -> memref<32x64xf32, #tpu.memory_space<vmem_shared>>
      %dma_start3A_190 = arith.constant 0 : i32
      %dma_start3A_191 = tpu.memref_slice %arg11[%add3A_46, %dma_start3A_190] : memref<10240x64xf32, #tpu.memory_space<vmem_shared>> -> memref<32x64xf32, #tpu.memory_space<vmem_shared>>
      tpu.enqueue_dma source(%arg10 : memref<32x64xf32, #tpu.memory_space<vmem>>) target(%dma_start3A_191 : memref<32x64xf32, #tpu.memory_space<vmem_shared>>) target_semaphore(%run_scoped3A_187 : memref<!tpu.dma_semaphore, #tpu.memory_space<semaphore_mem>>)
      %dma_wait3A_192 = arith.constant 0 : i32
      %dma_wait3A_193 = tpu.memref_slice %arg11[%add3A_46, %dma_wait3A_192] : memref<10240x64xf32, #tpu.memory_space<vmem_shared>> -> memref<32x64xf32, #tpu.memory_space<vmem_shared>>
      %dma_wait3A_194 = arith.constant 0 : i32
      %dma_wait3A_195 = tpu.memref_slice %arg11[%add3A_46, %dma_wait3A_194] : memref<10240x64xf32, #tpu.memory_space<vmem_shared>> -> memref<32x64xf32, #tpu.memory_space<vmem_shared>>
      tpu.wait_dma2 semaphore(%run_scoped3A_187 : memref<!tpu.dma_semaphore, #tpu.memory_space<semaphore_mem>>) src(%arg10 : memref<32x64xf32, #tpu.memory_space<vmem>>) dst(%dma_wait3A_195 : memref<32x64xf32, #tpu.memory_space<vmem_shared>>)
      tpu.yield
    }) : () -> ()
    %mul3A_47 = arith.constant 640 : i32
    %mul3A_48 = arith.muli %arg1, %mul3A_47 : i32
    %add3A_49 = arith.constant 320 : i32
    %add3A_50 = arith.addi %mul3A_48, %add3A_49 : i32
    "tpu.region"() ({
      %run_scoped3A_187 = tpu.sem_alloc : memref<!tpu.dma_semaphore, #tpu.memory_space<semaphore_mem>>
      %dma_start3A_188 = arith.constant 0 : i32
      %dma_start3A_189 = tpu.memref_slice %arg11[%add3A_50, %dma_start3A_188] : memref<10240x64xf32, #tpu.memory_space<vmem_shared>> -> memref<32x64xf32, #tpu.memory_space<vmem_shared>>
      %dma_start3A_190 = arith.constant 0 : i32
      %dma_start3A_191 = tpu.memref_slice %arg11[%add3A_50, %dma_start3A_190] : memref<10240x64xf32, #tpu.memory_space<vmem_shared>> -> memref<32x64xf32, #tpu.memory_space<vmem_shared>>
      tpu.enqueue_dma source(%arg10 : memref<32x64xf32, #tpu.memory_space<vmem>>) target(%dma_start3A_191 : memref<32x64xf32, #tpu.memory_space<vmem_shared>>) target_semaphore(%run_scoped3A_187 : memref<!tpu.dma_semaphore, #tpu.memory_space<semaphore_mem>>)
      %dma_wait3A_192 = arith.constant 0 : i32
      %dma_wait3A_193 = tpu.memref_slice %arg11[%add3A_50, %dma_wait3A_192] : memref<10240x64xf32, #tpu.memory_space<vmem_shared>> -> memref<32x64xf32, #tpu.memory_space<vmem_shared>>
      %dma_wait3A_194 = arith.constant 0 : i32
      %dma_wait3A_195 = tpu.memref_slice %arg11[%add3A_50, %dma_wait3A_194] : memref<10240x64xf32, #tpu.memory_space<vmem_shared>> -> memref<32x64xf32, #tpu.memory_space<vmem_shared>>
      tpu.wait_dma2 semaphore(%run_scoped3A_187 : memref<!tpu.dma_semaphore, #tpu.memory_space<semaphore_mem>>) src(%arg10 : memref<32x64xf32, #tpu.memory_space<vmem>>) dst(%dma_wait3A_195 : memref<32x64xf32, #tpu.memory_space<vmem_shared>>)
      tpu.yield
    }) : () -> ()
    %mul3A_51 = arith.constant 640 : i32
    %mul3A_52 = arith.muli %arg1, %mul3A_51 : i32
    %add3A_53 = arith.constant 352 : i32
    %add3A_54 = arith.addi %mul3A_52, %add3A_53 : i32
    "tpu.region"() ({
      %run_scoped3A_187 = tpu.sem_alloc : memref<!tpu.dma_semaphore, #tpu.memory_space<semaphore_mem>>
      %dma_start3A_188 = arith.constant 0 : i32
      %dma_start3A_189 = tpu.memref_slice %arg11[%add3A_54, %dma_start3A_188] : memref<10240x64xf32, #tpu.memory_space<vmem_shared>> -> memref<32x64xf32, #tpu.memory_space<vmem_shared>>
      %dma_start3A_190 = arith.constant 0 : i32
      %dma_start3A_191 = tpu.memref_slice %arg11[%add3A_54, %dma_start3A_190] : memref<10240x64xf32, #tpu.memory_space<vmem_shared>> -> memref<32x64xf32, #tpu.memory_space<vmem_shared>>
      tpu.enqueue_dma source(%arg10 : memref<32x64xf32, #tpu.memory_space<vmem>>) target(%dma_start3A_191 : memref<32x64xf32, #tpu.memory_space<vmem_shared>>) target_semaphore(%run_scoped3A_187 : memref<!tpu.dma_semaphore, #tpu.memory_space<semaphore_mem>>)
      %dma_wait3A_192 = arith.constant 0 : i32
      %dma_wait3A_193 = tpu.memref_slice %arg11[%add3A_54, %dma_wait3A_192] : memref<10240x64xf32, #tpu.memory_space<vmem_shared>> -> memref<32x64xf32, #tpu.memory_space<vmem_shared>>
      %dma_wait3A_194 = arith.constant 0 : i32
      %dma_wait3A_195 = tpu.memref_slice %arg11[%add3A_54, %dma_wait3A_194] : memref<10240x64xf32, #tpu.memory_space<vmem_shared>> -> memref<32x64xf32, #tpu.memory_space<vmem_shared>>
      tpu.wait_dma2 semaphore(%run_scoped3A_187 : memref<!tpu.dma_semaphore, #tpu.memory_space<semaphore_mem>>) src(%arg10 : memref<32x64xf32, #tpu.memory_space<vmem>>) dst(%dma_wait3A_195 : memref<32x64xf32, #tpu.memory_space<vmem_shared>>)
      tpu.yield
    }) : () -> ()
    %mul3A_55 = arith.constant 640 : i32
    %mul3A_56 = arith.muli %arg1, %mul3A_55 : i32
    %add3A_57 = arith.constant 384 : i32
    %add3A_58 = arith.addi %mul3A_56, %add3A_57 : i32
    "tpu.region"() ({
      %run_scoped3A_187 = tpu.sem_alloc : memref<!tpu.dma_semaphore, #tpu.memory_space<semaphore_mem>>
      %dma_start3A_188 = arith.constant 0 : i32
      %dma_start3A_189 = tpu.memref_slice %arg11[%add3A_58, %dma_start3A_188] : memref<10240x64xf32, #tpu.memory_space<vmem_shared>> -> memref<32x64xf32, #tpu.memory_space<vmem_shared>>
      %dma_start3A_190 = arith.constant 0 : i32
      %dma_start3A_191 = tpu.memref_slice %arg11[%add3A_58, %dma_start3A_190] : memref<10240x64xf32, #tpu.memory_space<vmem_shared>> -> memref<32x64xf32, #tpu.memory_space<vmem_shared>>
      tpu.enqueue_dma source(%arg10 : memref<32x64xf32, #tpu.memory_space<vmem>>) target(%dma_start3A_191 : memref<32x64xf32, #tpu.memory_space<vmem_shared>>) target_semaphore(%run_scoped3A_187 : memref<!tpu.dma_semaphore, #tpu.memory_space<semaphore_mem>>)
      %dma_wait3A_192 = arith.constant 0 : i32
      %dma_wait3A_193 = tpu.memref_slice %arg11[%add3A_58, %dma_wait3A_192] : memref<10240x64xf32, #tpu.memory_space<vmem_shared>> -> memref<32x64xf32, #tpu.memory_space<vmem_shared>>
      %dma_wait3A_194 = arith.constant 0 : i32
      %dma_wait3A_195 = tpu.memref_slice %arg11[%add3A_58, %dma_wait3A_194] : memref<10240x64xf32, #tpu.memory_space<vmem_shared>> -> memref<32x64xf32, #tpu.memory_space<vmem_shared>>
      tpu.wait_dma2 semaphore(%run_scoped3A_187 : memref<!tpu.dma_semaphore, #tpu.memory_space<semaphore_mem>>) src(%arg10 : memref<32x64xf32, #tpu.memory_space<vmem>>) dst(%dma_wait3A_195 : memref<32x64xf32, #tpu.memory_space<vmem_shared>>)
      tpu.yield
    }) : () -> ()
    %mul3A_59 = arith.constant 640 : i32
    %mul3A_60 = arith.muli %arg1, %mul3A_59 : i32
    %add3A_61 = arith.constant 416 : i32
    %add3A_62 = arith.addi %mul3A_60, %add3A_61 : i32
    "tpu.region"() ({
      %run_scoped3A_187 = tpu.sem_alloc : memref<!tpu.dma_semaphore, #tpu.memory_space<semaphore_mem>>
      %dma_start3A_188 = arith.constant 0 : i32
      %dma_start3A_189 = tpu.memref_slice %arg11[%add3A_62, %dma_start3A_188] : memref<10240x64xf32, #tpu.memory_space<vmem_shared>> -> memref<32x64xf32, #tpu.memory_space<vmem_shared>>
      %dma_start3A_190 = arith.constant 0 : i32
      %dma_start3A_191 = tpu.memref_slice %arg11[%add3A_62, %dma_start3A_190] : memref<10240x64xf32, #tpu.memory_space<vmem_shared>> -> memref<32x64xf32, #tpu.memory_space<vmem_shared>>
      tpu.enqueue_dma source(%arg10 : memref<32x64xf32, #tpu.memory_space<vmem>>) target(%dma_start3A_191 : memref<32x64xf32, #tpu.memory_space<vmem_shared>>) target_semaphore(%run_scoped3A_187 : memref<!tpu.dma_semaphore, #tpu.memory_space<semaphore_mem>>)
      %dma_wait3A_192 = arith.constant 0 : i32
      %dma_wait3A_193 = tpu.memref_slice %arg11[%add3A_62, %dma_wait3A_192] : memref<10240x64xf32, #tpu.memory_space<vmem_shared>> -> memref<32x64xf32, #tpu.memory_space<vmem_shared>>
      %dma_wait3A_194 = arith.constant 0 : i32
      %dma_wait3A_195 = tpu.memref_slice %arg11[%add3A_62, %dma_wait3A_194] : memref<10240x64xf32, #tpu.memory_space<vmem_shared>> -> memref<32x64xf32, #tpu.memory_space<vmem_shared>>
      tpu.wait_dma2 semaphore(%run_scoped3A_187 : memref<!tpu.dma_semaphore, #tpu.memory_space<semaphore_mem>>) src(%arg10 : memref<32x64xf32, #tpu.memory_space<vmem>>) dst(%dma_wait3A_195 : memref<32x64xf32, #tpu.memory_space<vmem_shared>>)
      tpu.yield
    }) : () -> ()
    %mul3A_63 = arith.constant 640 : i32
    %mul3A_64 = arith.muli %arg1, %mul3A_63 : i32
    %add3A_65 = arith.constant 448 : i32
    %add3A_66 = arith.addi %mul3A_64, %add3A_65 : i32
    "tpu.region"() ({
      %run_scoped3A_187 = tpu.sem_alloc : memref<!tpu.dma_semaphore, #tpu.memory_space<semaphore_mem>>
      %dma_start3A_188 = arith.constant 0 : i32
      %dma_start3A_189 = tpu.memref_slice %arg11[%add3A_66, %dma_start3A_188] : memref<10240x64xf32, #tpu.memory_space<vmem_shared>> -> memref<32x64xf32, #tpu.memory_space<vmem_shared>>
      %dma_start3A_190 = arith.constant 0 : i32
      %dma_start3A_191 = tpu.memref_slice %arg11[%add3A_66, %dma_start3A_190] : memref<10240x64xf32, #tpu.memory_space<vmem_shared>> -> memref<32x64xf32, #tpu.memory_space<vmem_shared>>
      tpu.enqueue_dma source(%arg10 : memref<32x64xf32, #tpu.memory_space<vmem>>) target(%dma_start3A_191 : memref<32x64xf32, #tpu.memory_space<vmem_shared>>) target_semaphore(%run_scoped3A_187 : memref<!tpu.dma_semaphore, #tpu.memory_space<semaphore_mem>>)
      %dma_wait3A_192 = arith.constant 0 : i32
      %dma_wait3A_193 = tpu.memref_slice %arg11[%add3A_66, %dma_wait3A_192] : memref<10240x64xf32, #tpu.memory_space<vmem_shared>> -> memref<32x64xf32, #tpu.memory_space<vmem_shared>>
      %dma_wait3A_194 = arith.constant 0 : i32
      %dma_wait3A_195 = tpu.memref_slice %arg11[%add3A_66, %dma_wait3A_194] : memref<10240x64xf32, #tpu.memory_space<vmem_shared>> -> memref<32x64xf32, #tpu.memory_space<vmem_shared>>
      tpu.wait_dma2 semaphore(%run_scoped3A_187 : memref<!tpu.dma_semaphore, #tpu.memory_space<semaphore_mem>>) src(%arg10 : memref<32x64xf32, #tpu.memory_space<vmem>>) dst(%dma_wait3A_195 : memref<32x64xf32, #tpu.memory_space<vmem_shared>>)
      tpu.yield
    }) : () -> ()
    %mul3A_67 = arith.constant 640 : i32
    %mul3A_68 = arith.muli %arg1, %mul3A_67 : i32
    %add3A_69 = arith.constant 480 : i32
    %add3A_70 = arith.addi %mul3A_68, %add3A_69 : i32
    "tpu.region"() ({
      %run_scoped3A_187 = tpu.sem_alloc : memref<!tpu.dma_semaphore, #tpu.memory_space<semaphore_mem>>
      %dma_start3A_188 = arith.constant 0 : i32
      %dma_start3A_189 = tpu.memref_slice %arg11[%add3A_70, %dma_start3A_188] : memref<10240x64xf32, #tpu.memory_space<vmem_shared>> -> memref<32x64xf32, #tpu.memory_space<vmem_shared>>
      %dma_start3A_190 = arith.constant 0 : i32
      %dma_start3A_191 = tpu.memref_slice %arg11[%add3A_70, %dma_start3A_190] : memref<10240x64xf32, #tpu.memory_space<vmem_shared>> -> memref<32x64xf32, #tpu.memory_space<vmem_shared>>
      tpu.enqueue_dma source(%arg10 : memref<32x64xf32, #tpu.memory_space<vmem>>) target(%dma_start3A_191 : memref<32x64xf32, #tpu.memory_space<vmem_shared>>) target_semaphore(%run_scoped3A_187 : memref<!tpu.dma_semaphore, #tpu.memory_space<semaphore_mem>>)
      %dma_wait3A_192 = arith.constant 0 : i32
      %dma_wait3A_193 = tpu.memref_slice %arg11[%add3A_70, %dma_wait3A_192] : memref<10240x64xf32, #tpu.memory_space<vmem_shared>> -> memref<32x64xf32, #tpu.memory_space<vmem_shared>>
      %dma_wait3A_194 = arith.constant 0 : i32
      %dma_wait3A_195 = tpu.memref_slice %arg11[%add3A_70, %dma_wait3A_194] : memref<10240x64xf32, #tpu.memory_space<vmem_shared>> -> memref<32x64xf32, #tpu.memory_space<vmem_shared>>
      tpu.wait_dma2 semaphore(%run_scoped3A_187 : memref<!tpu.dma_semaphore, #tpu.memory_space<semaphore_mem>>) src(%arg10 : memref<32x64xf32, #tpu.memory_space<vmem>>) dst(%dma_wait3A_195 : memref<32x64xf32, #tpu.memory_space<vmem_shared>>)
      tpu.yield
    }) : () -> ()
    %mul3A_71 = arith.constant 640 : i32
    %mul3A_72 = arith.muli %arg1, %mul3A_71 : i32
    %add3A_73 = arith.constant 512 : i32
    %add3A_74 = arith.addi %mul3A_72, %add3A_73 : i32
    "tpu.region"() ({
      %run_scoped3A_187 = tpu.sem_alloc : memref<!tpu.dma_semaphore, #tpu.memory_space<semaphore_mem>>
      %dma_start3A_188 = arith.constant 0 : i32
      %dma_start3A_189 = tpu.memref_slice %arg11[%add3A_74, %dma_start3A_188] : memref<10240x64xf32, #tpu.memory_space<vmem_shared>> -> memref<32x64xf32, #tpu.memory_space<vmem_shared>>
      %dma_start3A_190 = arith.constant 0 : i32
      %dma_start3A_191 = tpu.memref_slice %arg11[%add3A_74, %dma_start3A_190] : memref<10240x64xf32, #tpu.memory_space<vmem_shared>> -> memref<32x64xf32, #tpu.memory_space<vmem_shared>>
      tpu.enqueue_dma source(%arg10 : memref<32x64xf32, #tpu.memory_space<vmem>>) target(%dma_start3A_191 : memref<32x64xf32, #tpu.memory_space<vmem_shared>>) target_semaphore(%run_scoped3A_187 : memref<!tpu.dma_semaphore, #tpu.memory_space<semaphore_mem>>)
      %dma_wait3A_192 = arith.constant 0 : i32
      %dma_wait3A_193 = tpu.memref_slice %arg11[%add3A_74, %dma_wait3A_192] : memref<10240x64xf32, #tpu.memory_space<vmem_shared>> -> memref<32x64xf32, #tpu.memory_space<vmem_shared>>
      %dma_wait3A_194 = arith.constant 0 : i32
      %dma_wait3A_195 = tpu.memref_slice %arg11[%add3A_74, %dma_wait3A_194] : memref<10240x64xf32, #tpu.memory_space<vmem_shared>> -> memref<32x64xf32, #tpu.memory_space<vmem_shared>>
      tpu.wait_dma2 semaphore(%run_scoped3A_187 : memref<!tpu.dma_semaphore, #tpu.memory_space<semaphore_mem>>) src(%arg10 : memref<32x64xf32, #tpu.memory_space<vmem>>) dst(%dma_wait3A_195 : memref<32x64xf32, #tpu.memory_space<vmem_shared>>)
      tpu.yield
    }) : () -> ()
    %mul3A_75 = arith.constant 640 : i32
    %mul3A_76 = arith.muli %arg1, %mul3A_75 : i32
    %add3A_77 = arith.constant 544 : i32
    %add3A_78 = arith.addi %mul3A_76, %add3A_77 : i32
    "tpu.region"() ({
      %run_scoped3A_187 = tpu.sem_alloc : memref<!tpu.dma_semaphore, #tpu.memory_space<semaphore_mem>>
      %dma_start3A_188 = arith.constant 0 : i32
      %dma_start3A_189 = tpu.memref_slice %arg11[%add3A_78, %dma_start3A_188] : memref<10240x64xf32, #tpu.memory_space<vmem_shared>> -> memref<32x64xf32, #tpu.memory_space<vmem_shared>>
      %dma_start3A_190 = arith.constant 0 : i32
      %dma_start3A_191 = tpu.memref_slice %arg11[%add3A_78, %dma_start3A_190] : memref<10240x64xf32, #tpu.memory_space<vmem_shared>> -> memref<32x64xf32, #tpu.memory_space<vmem_shared>>
      tpu.enqueue_dma source(%arg10 : memref<32x64xf32, #tpu.memory_space<vmem>>) target(%dma_start3A_191 : memref<32x64xf32, #tpu.memory_space<vmem_shared>>) target_semaphore(%run_scoped3A_187 : memref<!tpu.dma_semaphore, #tpu.memory_space<semaphore_mem>>)
      %dma_wait3A_192 = arith.constant 0 : i32
      %dma_wait3A_193 = tpu.memref_slice %arg11[%add3A_78, %dma_wait3A_192] : memref<10240x64xf32, #tpu.memory_space<vmem_shared>> -> memref<32x64xf32, #tpu.memory_space<vmem_shared>>
      %dma_wait3A_194 = arith.constant 0 : i32
      %dma_wait3A_195 = tpu.memref_slice %arg11[%add3A_78, %dma_wait3A_194] : memref<10240x64xf32, #tpu.memory_space<vmem_shared>> -> memref<32x64xf32, #tpu.memory_space<vmem_shared>>
      tpu.wait_dma2 semaphore(%run_scoped3A_187 : memref<!tpu.dma_semaphore, #tpu.memory_space<semaphore_mem>>) src(%arg10 : memref<32x64xf32, #tpu.memory_space<vmem>>) dst(%dma_wait3A_195 : memref<32x64xf32, #tpu.memory_space<vmem_shared>>)
      tpu.yield
    }) : () -> ()
    %mul3A_79 = arith.constant 640 : i32
    %mul3A_80 = arith.muli %arg1, %mul3A_79 : i32
    %add3A_81 = arith.constant 576 : i32
    %add3A_82 = arith.addi %mul3A_80, %add3A_81 : i32
    "tpu.region"() ({
      %run_scoped3A_187 = tpu.sem_alloc : memref<!tpu.dma_semaphore, #tpu.memory_space<semaphore_mem>>
      %dma_start3A_188 = arith.constant 0 : i32
      %dma_start3A_189 = tpu.memref_slice %arg11[%add3A_82, %dma_start3A_188] : memref<10240x64xf32, #tpu.memory_space<vmem_shared>> -> memref<32x64xf32, #tpu.memory_space<vmem_shared>>
      %dma_start3A_190 = arith.constant 0 : i32
      %dma_start3A_191 = tpu.memref_slice %arg11[%add3A_82, %dma_start3A_190] : memref<10240x64xf32, #tpu.memory_space<vmem_shared>> -> memref<32x64xf32, #tpu.memory_space<vmem_shared>>
      tpu.enqueue_dma source(%arg10 : memref<32x64xf32, #tpu.memory_space<vmem>>) target(%dma_start3A_191 : memref<32x64xf32, #tpu.memory_space<vmem_shared>>) target_semaphore(%run_scoped3A_187 : memref<!tpu.dma_semaphore, #tpu.memory_space<semaphore_mem>>)
      %dma_wait3A_192 = arith.constant 0 : i32
      %dma_wait3A_193 = tpu.memref_slice %arg11[%add3A_82, %dma_wait3A_192] : memref<10240x64xf32, #tpu.memory_space<vmem_shared>> -> memref<32x64xf32, #tpu.memory_space<vmem_shared>>
      %dma_wait3A_194 = arith.constant 0 : i32
      %dma_wait3A_195 = tpu.memref_slice %arg11[%add3A_82, %dma_wait3A_194] : memref<10240x64xf32, #tpu.memory_space<vmem_shared>> -> memref<32x64xf32, #tpu.memory_space<vmem_shared>>
      tpu.wait_dma2 semaphore(%run_scoped3A_187 : memref<!tpu.dma_semaphore, #tpu.memory_space<semaphore_mem>>) src(%arg10 : memref<32x64xf32, #tpu.memory_space<vmem>>) dst(%dma_wait3A_195 : memref<32x64xf32, #tpu.memory_space<vmem_shared>>)
      tpu.yield
    }) : () -> ()
    %mul3A_83 = arith.constant 640 : i32
    %mul3A_84 = arith.muli %arg1, %mul3A_83 : i32
    %add3A_85 = arith.constant 608 : i32
    %add3A_86 = arith.addi %mul3A_84, %add3A_85 : i32
    "tpu.region"() ({
      %run_scoped3A_187 = tpu.sem_alloc : memref<!tpu.dma_semaphore, #tpu.memory_space<semaphore_mem>>
      %dma_start3A_188 = arith.constant 0 : i32
      %dma_start3A_189 = tpu.memref_slice %arg11[%add3A_86, %dma_start3A_188] : memref<10240x64xf32, #tpu.memory_space<vmem_shared>> -> memref<32x64xf32, #tpu.memory_space<vmem_shared>>
      %dma_start3A_190 = arith.constant 0 : i32
      %dma_start3A_191 = tpu.memref_slice %arg11[%add3A_86, %dma_start3A_190] : memref<10240x64xf32, #tpu.memory_space<vmem_shared>> -> memref<32x64xf32, #tpu.memory_space<vmem_shared>>
      tpu.enqueue_dma source(%arg10 : memref<32x64xf32, #tpu.memory_space<vmem>>) target(%dma_start3A_191 : memref<32x64xf32, #tpu.memory_space<vmem_shared>>) target_semaphore(%run_scoped3A_187 : memref<!tpu.dma_semaphore, #tpu.memory_space<semaphore_mem>>)
      %dma_wait3A_192 = arith.constant 0 : i32
      %dma_wait3A_193 = tpu.memref_slice %arg11[%add3A_86, %dma_wait3A_192] : memref<10240x64xf32, #tpu.memory_space<vmem_shared>> -> memref<32x64xf32, #tpu.memory_space<vmem_shared>>
      %dma_wait3A_194 = arith.constant 0 : i32
      %dma_wait3A_195 = tpu.memref_slice %arg11[%add3A_86, %dma_wait3A_194] : memref<10240x64xf32, #tpu.memory_space<vmem_shared>> -> memref<32x64xf32, #tpu.memory_space<vmem_shared>>
      tpu.wait_dma2 semaphore(%run_scoped3A_187 : memref<!tpu.dma_semaphore, #tpu.memory_space<semaphore_mem>>) src(%arg10 : memref<32x64xf32, #tpu.memory_space<vmem>>) dst(%dma_wait3A_195 : memref<32x64xf32, #tpu.memory_space<vmem_shared>>)
      tpu.yield
    }) : () -> ()
    %barrier3A = arith.constant 0 : index
    tpu.barrier barrier_id(%barrier3A)
    %dma_start3A = arith.constant 0 : i32
    %dma_start3A_87 = arith.constant 0 : i32
    %dma_start3A_88 = tpu.memref_slice %arg6[%dma_start3A, %dma_start3A_87] : memref<125x80xi32, #tpu.memory_space<vmem>> -> memref<1x80xi32, #tpu.memory_space<vmem>>
    %dma_start3A_89 = tpu.memref_squeeze %dma_start3A_88 : memref<1x80xi32, #tpu.memory_space<vmem>> -> memref<80xi32, #tpu.memory_space<vmem>>
    %dma_start3A_90 = arith.constant 0 : i32
    %dma_start3A_91 = arith.constant 0 : i32
    %dma_start3A_92 = tpu.memref_slice %arg2[%dma_start3A_90, %dma_start3A_91] : memref<10000x64xf32, #tpu.memory_space<hbm>> -> memref<10000x64xf32, #tpu.memory_space<hbm>>
    tpu.enqueue_indirect_dma source(%dma_start3A_92 : memref<10000x64xf32, #tpu.memory_space<hbm>>) target(%arg8 : memref<80x64xf32, #tpu.memory_space<vmem>>) offsets(%dma_start3A_89 : memref<80xi32, #tpu.memory_space<vmem>>) semaphore(%arg12 : memref<!tpu.dma_semaphore, #tpu.memory_space<semaphore_mem>>)
    %scan3A_93 = arith.constant 0 : i32
    %scan3A_94 = arith.constant 0 : i32
    %scan3A_95 = arith.constant 62 : i32
    %scan3A_96 = arith.addi %scan3A_94, %scan3A_95 : i32
    %scan3A_97 = arith.constant 1 : i32
    %scan3A_98 = scf.for %scan3A_187 = %scan3A_94 to %scan3A_96 step %scan3A_97 iter_args(%scan3A_188 = %scan3A_93) -> (i32)  : i32 {
      %mul3A_189 = arith.constant 2 : i32
      %mul3A_190 = arith.muli %mul3A_189, %scan3A_187 : i32
      %add3A_191 = arith.constant 1 : i32
      %add3A_192 = arith.addi %mul3A_190, %add3A_191 : i32
      %dma_start3A_193 = arith.constant 0 : i32
      %dma_start3A_194 = tpu.memref_slice %arg6[%add3A_192, %dma_start3A_193] : memref<125x80xi32, #tpu.memory_space<vmem>> -> memref<1x80xi32, #tpu.memory_space<vmem>>
      %dma_start3A_195 = tpu.memref_squeeze %dma_start3A_194 : memref<1x80xi32, #tpu.memory_space<vmem>> -> memref<80xi32, #tpu.memory_space<vmem>>
      %dma_start3A_196 = arith.constant 0 : i32
      %dma_start3A_197 = arith.constant 0 : i32
      %dma_start3A_198 = tpu.memref_slice %arg2[%dma_start3A_196, %dma_start3A_197] : memref<10000x64xf32, #tpu.memory_space<hbm>> -> memref<10000x64xf32, #tpu.memory_space<hbm>>
      tpu.enqueue_indirect_dma source(%dma_start3A_198 : memref<10000x64xf32, #tpu.memory_space<hbm>>) target(%arg9 : memref<80x64xf32, #tpu.memory_space<vmem>>) offsets(%dma_start3A_195 : memref<80xi32, #tpu.memory_space<vmem>>) semaphore(%arg13 : memref<!tpu.dma_semaphore, #tpu.memory_space<semaphore_mem>>)
      %dma_wait3A_199 = arith.constant 0 : i32
      %dma_wait3A_200 = tpu.memref_slice %arg6[%mul3A_190, %dma_wait3A_199] : memref<125x80xi32, #tpu.memory_space<vmem>> -> memref<1x80xi32, #tpu.memory_space<vmem>>
      %dma_wait3A_201 = tpu.memref_squeeze %dma_wait3A_200 : memref<1x80xi32, #tpu.memory_space<vmem>> -> memref<80xi32, #tpu.memory_space<vmem>>
      %dma_wait3A_202 = arith.constant 0 : i32
      %dma_wait3A_203 = arith.constant 0 : i32
      %dma_wait3A_204 = tpu.memref_slice %arg2[%dma_wait3A_202, %dma_wait3A_203] : memref<10000x64xf32, #tpu.memory_space<hbm>> -> memref<10000x64xf32, #tpu.memory_space<hbm>>
      tpu.wait_indirect_dma semaphore(%arg12 : memref<!tpu.dma_semaphore, #tpu.memory_space<semaphore_mem>>) src(%dma_wait3A_204 : memref<10000x64xf32, #tpu.memory_space<hbm>>) dst(%arg8 : memref<80x64xf32, #tpu.memory_space<vmem>>)
      "tpu.region"() ({
        %run_scoped3A_224 = tpu.sem_alloc : memref<!tpu.dma_semaphore, #tpu.memory_space<semaphore_mem>>
        %dma_start3A_225 = arith.constant 0 : i32
        %dma_start3A_226 = tpu.memref_slice %arg7[%mul3A_190, %dma_start3A_225] : memref<125x80xi32, #tpu.memory_space<vmem>> -> memref<1x80xi32, #tpu.memory_space<vmem>>
        %dma_start3A_227 = tpu.memref_squeeze %dma_start3A_226 : memref<1x80xi32, #tpu.memory_space<vmem>> -> memref<80xi32, #tpu.memory_space<vmem>>
        %dma_start3A_228 = arith.constant 0 : i32
        %dma_start3A_229 = arith.constant 0 : i32
        %dma_start3A_230 = tpu.memref_slice %arg11[%dma_start3A_228, %dma_start3A_229] : memref<10240x64xf32, #tpu.memory_space<vmem_shared>> -> memref<10240x64xf32, #tpu.memory_space<vmem_shared>>
        tpu.enqueue_indirect_dma source(%arg8 : memref<80x64xf32, #tpu.memory_space<vmem>>) target(%dma_start3A_230 : memref<10240x64xf32, #tpu.memory_space<vmem_shared>>) offsets(%dma_start3A_227 : memref<80xi32, #tpu.memory_space<vmem>>) semaphore(%run_scoped3A_224 : memref<!tpu.dma_semaphore, #tpu.memory_space<semaphore_mem>>) {add = true}
        %dma_wait3A_231 = arith.constant 0 : i32
        %dma_wait3A_232 = tpu.memref_slice %arg7[%mul3A_190, %dma_wait3A_231] : memref<125x80xi32, #tpu.memory_space<vmem>> -> memref<1x80xi32, #tpu.memory_space<vmem>>
        %dma_wait3A_233 = tpu.memref_squeeze %dma_wait3A_232 : memref<1x80xi32, #tpu.memory_space<vmem>> -> memref<80xi32, #tpu.memory_space<vmem>>
        %dma_wait3A_234 = arith.constant 0 : i32
        %dma_wait3A_235 = arith.constant 0 : i32
        %dma_wait3A_236 = tpu.memref_slice %arg11[%dma_wait3A_234, %dma_wait3A_235] : memref<10240x64xf32, #tpu.memory_space<vmem_shared>> -> memref<10240x64xf32, #tpu.memory_space<vmem_shared>>
        tpu.wait_indirect_dma semaphore(%run_scoped3A_224 : memref<!tpu.dma_semaphore, #tpu.memory_space<semaphore_mem>>) src(%arg8 : memref<80x64xf32, #tpu.memory_space<vmem>>) dst(%dma_wait3A_236 : memref<10240x64xf32, #tpu.memory_space<vmem_shared>>)
        tpu.yield
      }) : () -> ()
      %add3A_205 = arith.constant 2 : i32
      %add3A_206 = arith.addi %mul3A_190, %add3A_205 : i32
      %dma_start3A_207 = arith.constant 0 : i32
      %dma_start3A_208 = tpu.memref_slice %arg6[%add3A_206, %dma_start3A_207] : memref<125x80xi32, #tpu.memory_space<vmem>> -> memref<1x80xi32, #tpu.memory_space<vmem>>
      %dma_start3A_209 = tpu.memref_squeeze %dma_start3A_208 : memref<1x80xi32, #tpu.memory_space<vmem>> -> memref<80xi32, #tpu.memory_space<vmem>>
      %dma_start3A_210 = arith.constant 0 : i32
      %dma_start3A_211 = arith.constant 0 : i32
      %dma_start3A_212 = tpu.memref_slice %arg2[%dma_start3A_210, %dma_start3A_211] : memref<10000x64xf32, #tpu.memory_space<hbm>> -> memref<10000x64xf32, #tpu.memory_space<hbm>>
      tpu.enqueue_indirect_dma source(%dma_start3A_212 : memref<10000x64xf32, #tpu.memory_space<hbm>>) target(%arg8 : memref<80x64xf32, #tpu.memory_space<vmem>>) offsets(%dma_start3A_209 : memref<80xi32, #tpu.memory_space<vmem>>) semaphore(%arg12 : memref<!tpu.dma_semaphore, #tpu.memory_space<semaphore_mem>>)
      %add3A_213 = arith.constant 1 : i32
      %add3A_214 = arith.addi %mul3A_190, %add3A_213 : i32
      %dma_wait3A_215 = arith.constant 0 : i32
      %dma_wait3A_216 = tpu.memref_slice %arg6[%add3A_214, %dma_wait3A_215] : memref<125x80xi32, #tpu.memory_space<vmem>> -> memref<1x80xi32, #tpu.memory_space<vmem>>
      %dma_wait3A_217 = tpu.memref_squeeze %dma_wait3A_216 : memref<1x80xi32, #tpu.memory_space<vmem>> -> memref<80xi32, #tpu.memory_space<vmem>>
      %dma_wait3A_218 = arith.constant 0 : i32
      %dma_wait3A_219 = arith.constant 0 : i32
      %dma_wait3A_220 = tpu.memref_slice %arg2[%dma_wait3A_218, %dma_wait3A_219] : memref<10000x64xf32, #tpu.memory_space<hbm>> -> memref<10000x64xf32, #tpu.memory_space<hbm>>
      tpu.wait_indirect_dma semaphore(%arg13 : memref<!tpu.dma_semaphore, #tpu.memory_space<semaphore_mem>>) src(%dma_wait3A_220 : memref<10000x64xf32, #tpu.memory_space<hbm>>) dst(%arg9 : memref<80x64xf32, #tpu.memory_space<vmem>>)
      %add3A_221 = arith.constant 1 : i32
      %add3A_222 = arith.addi %mul3A_190, %add3A_221 : i32
      "tpu.region"() ({
        %run_scoped3A_224 = tpu.sem_alloc : memref<!tpu.dma_semaphore, #tpu.memory_space<semaphore_mem>>
        %dma_start3A_225 = arith.constant 0 : i32
        %dma_start3A_226 = tpu.memref_slice %arg7[%add3A_222, %dma_start3A_225] : memref<125x80xi32, #tpu.memory_space<vmem>> -> memref<1x80xi32, #tpu.memory_space<vmem>>
        %dma_start3A_227 = tpu.memref_squeeze %dma_start3A_226 : memref<1x80xi32, #tpu.memory_space<vmem>> -> memref<80xi32, #tpu.memory_space<vmem>>
        %dma_start3A_228 = arith.constant 0 : i32
        %dma_start3A_229 = arith.constant 0 : i32
        %dma_start3A_230 = tpu.memref_slice %arg11[%dma_start3A_228, %dma_start3A_229] : memref<10240x64xf32, #tpu.memory_space<vmem_shared>> -> memref<10240x64xf32, #tpu.memory_space<vmem_shared>>
        tpu.enqueue_indirect_dma source(%arg9 : memref<80x64xf32, #tpu.memory_space<vmem>>) target(%dma_start3A_230 : memref<10240x64xf32, #tpu.memory_space<vmem_shared>>) offsets(%dma_start3A_227 : memref<80xi32, #tpu.memory_space<vmem>>) semaphore(%run_scoped3A_224 : memref<!tpu.dma_semaphore, #tpu.memory_space<semaphore_mem>>) {add = true}
        %dma_wait3A_231 = arith.constant 0 : i32
        %dma_wait3A_232 = tpu.memref_slice %arg7[%add3A_222, %dma_wait3A_231] : memref<125x80xi32, #tpu.memory_space<vmem>> -> memref<1x80xi32, #tpu.memory_space<vmem>>
        %dma_wait3A_233 = tpu.memref_squeeze %dma_wait3A_232 : memref<1x80xi32, #tpu.memory_space<vmem>> -> memref<80xi32, #tpu.memory_space<vmem>>
        %dma_wait3A_234 = arith.constant 0 : i32
        %dma_wait3A_235 = arith.constant 0 : i32
        %dma_wait3A_236 = tpu.memref_slice %arg11[%dma_wait3A_234, %dma_wait3A_235] : memref<10240x64xf32, #tpu.memory_space<vmem_shared>> -> memref<10240x64xf32, #tpu.memory_space<vmem_shared>>
        tpu.wait_indirect_dma semaphore(%run_scoped3A_224 : memref<!tpu.dma_semaphore, #tpu.memory_space<semaphore_mem>>) src(%arg9 : memref<80x64xf32, #tpu.memory_space<vmem>>) dst(%dma_wait3A_236 : memref<10240x64xf32, #tpu.memory_space<vmem_shared>>)
        tpu.yield
      }) : () -> ()
      %scan3A_223 = arith.constant 0 : i32
      scf.yield %scan3A_223 : i32
    }
    %scan3A_99 = arith.constant 62 : i32
    %dma_wait3A = arith.constant 124 : i32
    %dma_wait3A_100 = arith.constant 0 : i32
    %dma_wait3A_101 = tpu.memref_slice %arg6[%dma_wait3A, %dma_wait3A_100] : memref<125x80xi32, #tpu.memory_space<vmem>> -> memref<1x80xi32, #tpu.memory_space<vmem>>
    %dma_wait3A_102 = tpu.memref_squeeze %dma_wait3A_101 : memref<1x80xi32, #tpu.memory_space<vmem>> -> memref<80xi32, #tpu.memory_space<vmem>>
    %dma_wait3A_103 = arith.constant 0 : i32
    %dma_wait3A_104 = arith.constant 0 : i32
    %dma_wait3A_105 = tpu.memref_slice %arg2[%dma_wait3A_103, %dma_wait3A_104] : memref<10000x64xf32, #tpu.memory_space<hbm>> -> memref<10000x64xf32, #tpu.memory_space<hbm>>
    tpu.wait_indirect_dma semaphore(%arg12 : memref<!tpu.dma_semaphore, #tpu.memory_space<semaphore_mem>>) src(%dma_wait3A_105 : memref<10000x64xf32, #tpu.memory_space<hbm>>) dst(%arg8 : memref<80x64xf32, #tpu.memory_space<vmem>>)
    %run_scoped3A = arith.constant 124 : i32
    "tpu.region"() ({
      %run_scoped3A_187 = tpu.sem_alloc : memref<!tpu.dma_semaphore, #tpu.memory_space<semaphore_mem>>
      %dma_start3A_188 = arith.constant 0 : i32
      %dma_start3A_189 = tpu.memref_slice %arg7[%run_scoped3A, %dma_start3A_188] : memref<125x80xi32, #tpu.memory_space<vmem>> -> memref<1x80xi32, #tpu.memory_space<vmem>>
      %dma_start3A_190 = tpu.memref_squeeze %dma_start3A_189 : memref<1x80xi32, #tpu.memory_space<vmem>> -> memref<80xi32, #tpu.memory_space<vmem>>
      %dma_start3A_191 = arith.constant 0 : i32
      %dma_start3A_192 = arith.constant 0 : i32
      %dma_start3A_193 = tpu.memref_slice %arg11[%dma_start3A_191, %dma_start3A_192] : memref<10240x64xf32, #tpu.memory_space<vmem_shared>> -> memref<10240x64xf32, #tpu.memory_space<vmem_shared>>
      tpu.enqueue_indirect_dma source(%arg8 : memref<80x64xf32, #tpu.memory_space<vmem>>) target(%dma_start3A_193 : memref<10240x64xf32, #tpu.memory_space<vmem_shared>>) offsets(%dma_start3A_190 : memref<80xi32, #tpu.memory_space<vmem>>) semaphore(%run_scoped3A_187 : memref<!tpu.dma_semaphore, #tpu.memory_space<semaphore_mem>>) {add = true}
      %dma_wait3A_194 = arith.constant 0 : i32
      %dma_wait3A_195 = tpu.memref_slice %arg7[%run_scoped3A, %dma_wait3A_194] : memref<125x80xi32, #tpu.memory_space<vmem>> -> memref<1x80xi32, #tpu.memory_space<vmem>>
      %dma_wait3A_196 = tpu.memref_squeeze %dma_wait3A_195 : memref<1x80xi32, #tpu.memory_space<vmem>> -> memref<80xi32, #tpu.memory_space<vmem>>
      %dma_wait3A_197 = arith.constant 0 : i32
      %dma_wait3A_198 = arith.constant 0 : i32
      %dma_wait3A_199 = tpu.memref_slice %arg11[%dma_wait3A_197, %dma_wait3A_198] : memref<10240x64xf32, #tpu.memory_space<vmem_shared>> -> memref<10240x64xf32, #tpu.memory_space<vmem_shared>>
      tpu.wait_indirect_dma semaphore(%run_scoped3A_187 : memref<!tpu.dma_semaphore, #tpu.memory_space<semaphore_mem>>) src(%arg8 : memref<80x64xf32, #tpu.memory_space<vmem>>) dst(%dma_wait3A_199 : memref<10240x64xf32, #tpu.memory_space<vmem_shared>>)
      tpu.yield
    }) : () -> ()
    %barrier3A_106 = arith.constant 0 : index
    tpu.barrier barrier_id(%barrier3A_106)
    %mul3A_107 = arith.constant 640 : i32
    %mul3A_108 = arith.muli %arg1, %mul3A_107 : i32
    %add3A_109 = arith.constant 0 : i32
    %add3A_110 = arith.addi %mul3A_108, %add3A_109 : i32
    "tpu.region"() ({
      %run_scoped3A_187 = tpu.sem_alloc : memref<!tpu.dma_semaphore, #tpu.memory_space<semaphore_mem>>
      %dma_start3A_188 = arith.constant 0 : i32
      %dma_start3A_189 = tpu.memref_slice %arg11[%add3A_110, %dma_start3A_188] : memref<10240x64xf32, #tpu.memory_space<vmem_shared>> -> memref<32x64xf32, #tpu.memory_space<vmem_shared>>
      %dma_start3A_190 = arith.constant 0 : i32
      %dma_start3A_191 = tpu.memref_slice %arg11[%add3A_110, %dma_start3A_190] : memref<10240x64xf32, #tpu.memory_space<vmem_shared>> -> memref<32x64xf32, #tpu.memory_space<vmem_shared>>
      tpu.enqueue_dma source(%dma_start3A_191 : memref<32x64xf32, #tpu.memory_space<vmem_shared>>) target(%arg10 : memref<32x64xf32, #tpu.memory_space<vmem>>) target_semaphore(%run_scoped3A_187 : memref<!tpu.dma_semaphore, #tpu.memory_space<semaphore_mem>>)
      %dma_wait3A_192 = arith.constant 0 : i32
      %dma_wait3A_193 = tpu.memref_slice %arg11[%add3A_110, %dma_wait3A_192] : memref<10240x64xf32, #tpu.memory_space<vmem_shared>> -> memref<32x64xf32, #tpu.memory_space<vmem_shared>>
      %dma_wait3A_194 = arith.constant 0 : i32
      %dma_wait3A_195 = tpu.memref_slice %arg11[%add3A_110, %dma_wait3A_194] : memref<10240x64xf32, #tpu.memory_space<vmem_shared>> -> memref<32x64xf32, #tpu.memory_space<vmem_shared>>
      tpu.wait_dma2 semaphore(%run_scoped3A_187 : memref<!tpu.dma_semaphore, #tpu.memory_space<semaphore_mem>>) src(%dma_wait3A_195 : memref<32x64xf32, #tpu.memory_space<vmem_shared>>) dst(%arg10 : memref<32x64xf32, #tpu.memory_space<vmem>>)
      tpu.yield
    }) : () -> ()
    "tpu.region"() ({
      %run_scoped3A_187 = tpu.sem_alloc : memref<!tpu.dma_semaphore, #tpu.memory_space<semaphore_mem>>
      %dma_start3A_188 = arith.constant 0 : i32
      %dma_start3A_189 = tpu.memref_slice %arg5[%arg0, %add3A_110, %dma_start3A_188] : memref<2x10240x64xf32, #tpu.memory_space<hbm>> -> memref<1x32x64xf32, #tpu.memory_space<hbm>>
      %dma_start3A_190 = tpu.memref_squeeze %dma_start3A_189 : memref<1x32x64xf32, #tpu.memory_space<hbm>> -> memref<32x64xf32, #tpu.memory_space<hbm>>
      %dma_start3A_191 = arith.constant 0 : i32
      %dma_start3A_192 = tpu.memref_slice %arg5[%arg0, %add3A_110, %dma_start3A_191] : memref<2x10240x64xf32, #tpu.memory_space<hbm>> -> memref<1x32x64xf32, #tpu.memory_space<hbm>>
      %dma_start3A_193 = tpu.memref_squeeze %dma_start3A_192 : memref<1x32x64xf32, #tpu.memory_space<hbm>> -> memref<32x64xf32, #tpu.memory_space<hbm>>
      tpu.enqueue_dma source(%arg10 : memref<32x64xf32, #tpu.memory_space<vmem>>) target(%dma_start3A_193 : memref<32x64xf32, #tpu.memory_space<hbm>>) target_semaphore(%run_scoped3A_187 : memref<!tpu.dma_semaphore, #tpu.memory_space<semaphore_mem>>)
      %dma_wait3A_194 = arith.constant 0 : i32
      %dma_wait3A_195 = tpu.memref_slice %arg5[%arg0, %add3A_110, %dma_wait3A_194] : memref<2x10240x64xf32, #tpu.memory_space<hbm>> -> memref<1x32x64xf32, #tpu.memory_space<hbm>>
      %dma_wait3A_196 = tpu.memref_squeeze %dma_wait3A_195 : memref<1x32x64xf32, #tpu.memory_space<hbm>> -> memref<32x64xf32, #tpu.memory_space<hbm>>
      %dma_wait3A_197 = arith.constant 0 : i32
      %dma_wait3A_198 = tpu.memref_slice %arg5[%arg0, %add3A_110, %dma_wait3A_197] : memref<2x10240x64xf32, #tpu.memory_space<hbm>> -> memref<1x32x64xf32, #tpu.memory_space<hbm>>
      %dma_wait3A_199 = tpu.memref_squeeze %dma_wait3A_198 : memref<1x32x64xf32, #tpu.memory_space<hbm>> -> memref<32x64xf32, #tpu.memory_space<hbm>>
      tpu.wait_dma2 semaphore(%run_scoped3A_187 : memref<!tpu.dma_semaphore, #tpu.memory_space<semaphore_mem>>) src(%arg10 : memref<32x64xf32, #tpu.memory_space<vmem>>) dst(%dma_wait3A_199 : memref<32x64xf32, #tpu.memory_space<hbm>>)
      tpu.yield
    }) : () -> ()
    %mul3A_111 = arith.constant 640 : i32
    %mul3A_112 = arith.muli %arg1, %mul3A_111 : i32
    %add3A_113 = arith.constant 32 : i32
    %add3A_114 = arith.addi %mul3A_112, %add3A_113 : i32
    "tpu.region"() ({
      %run_scoped3A_187 = tpu.sem_alloc : memref<!tpu.dma_semaphore, #tpu.memory_space<semaphore_mem>>
      %dma_start3A_188 = arith.constant 0 : i32
      %dma_start3A_189 = tpu.memref_slice %arg11[%add3A_114, %dma_start3A_188] : memref<10240x64xf32, #tpu.memory_space<vmem_shared>> -> memref<32x64xf32, #tpu.memory_space<vmem_shared>>
      %dma_start3A_190 = arith.constant 0 : i32
      %dma_start3A_191 = tpu.memref_slice %arg11[%add3A_114, %dma_start3A_190] : memref<10240x64xf32, #tpu.memory_space<vmem_shared>> -> memref<32x64xf32, #tpu.memory_space<vmem_shared>>
      tpu.enqueue_dma source(%dma_start3A_191 : memref<32x64xf32, #tpu.memory_space<vmem_shared>>) target(%arg10 : memref<32x64xf32, #tpu.memory_space<vmem>>) target_semaphore(%run_scoped3A_187 : memref<!tpu.dma_semaphore, #tpu.memory_space<semaphore_mem>>)
      %dma_wait3A_192 = arith.constant 0 : i32
      %dma_wait3A_193 = tpu.memref_slice %arg11[%add3A_114, %dma_wait3A_192] : memref<10240x64xf32, #tpu.memory_space<vmem_shared>> -> memref<32x64xf32, #tpu.memory_space<vmem_shared>>
      %dma_wait3A_194 = arith.constant 0 : i32
      %dma_wait3A_195 = tpu.memref_slice %arg11[%add3A_114, %dma_wait3A_194] : memref<10240x64xf32, #tpu.memory_space<vmem_shared>> -> memref<32x64xf32, #tpu.memory_space<vmem_shared>>
      tpu.wait_dma2 semaphore(%run_scoped3A_187 : memref<!tpu.dma_semaphore, #tpu.memory_space<semaphore_mem>>) src(%dma_wait3A_195 : memref<32x64xf32, #tpu.memory_space<vmem_shared>>) dst(%arg10 : memref<32x64xf32, #tpu.memory_space<vmem>>)
      tpu.yield
    }) : () -> ()
    "tpu.region"() ({
      %run_scoped3A_187 = tpu.sem_alloc : memref<!tpu.dma_semaphore, #tpu.memory_space<semaphore_mem>>
      %dma_start3A_188 = arith.constant 0 : i32
      %dma_start3A_189 = tpu.memref_slice %arg5[%arg0, %add3A_114, %dma_start3A_188] : memref<2x10240x64xf32, #tpu.memory_space<hbm>> -> memref<1x32x64xf32, #tpu.memory_space<hbm>>
      %dma_start3A_190 = tpu.memref_squeeze %dma_start3A_189 : memref<1x32x64xf32, #tpu.memory_space<hbm>> -> memref<32x64xf32, #tpu.memory_space<hbm>>
      %dma_start3A_191 = arith.constant 0 : i32
      %dma_start3A_192 = tpu.memref_slice %arg5[%arg0, %add3A_114, %dma_start3A_191] : memref<2x10240x64xf32, #tpu.memory_space<hbm>> -> memref<1x32x64xf32, #tpu.memory_space<hbm>>
      %dma_start3A_193 = tpu.memref_squeeze %dma_start3A_192 : memref<1x32x64xf32, #tpu.memory_space<hbm>> -> memref<32x64xf32, #tpu.memory_space<hbm>>
      tpu.enqueue_dma source(%arg10 : memref<32x64xf32, #tpu.memory_space<vmem>>) target(%dma_start3A_193 : memref<32x64xf32, #tpu.memory_space<hbm>>) target_semaphore(%run_scoped3A_187 : memref<!tpu.dma_semaphore, #tpu.memory_space<semaphore_mem>>)
      %dma_wait3A_194 = arith.constant 0 : i32
      %dma_wait3A_195 = tpu.memref_slice %arg5[%arg0, %add3A_114, %dma_wait3A_194] : memref<2x10240x64xf32, #tpu.memory_space<hbm>> -> memref<1x32x64xf32, #tpu.memory_space<hbm>>
      %dma_wait3A_196 = tpu.memref_squeeze %dma_wait3A_195 : memref<1x32x64xf32, #tpu.memory_space<hbm>> -> memref<32x64xf32, #tpu.memory_space<hbm>>
      %dma_wait3A_197 = arith.constant 0 : i32
      %dma_wait3A_198 = tpu.memref_slice %arg5[%arg0, %add3A_114, %dma_wait3A_197] : memref<2x10240x64xf32, #tpu.memory_space<hbm>> -> memref<1x32x64xf32, #tpu.memory_space<hbm>>
      %dma_wait3A_199 = tpu.memref_squeeze %dma_wait3A_198 : memref<1x32x64xf32, #tpu.memory_space<hbm>> -> memref<32x64xf32, #tpu.memory_space<hbm>>
      tpu.wait_dma2 semaphore(%run_scoped3A_187 : memref<!tpu.dma_semaphore, #tpu.memory_space<semaphore_mem>>) src(%arg10 : memref<32x64xf32, #tpu.memory_space<vmem>>) dst(%dma_wait3A_199 : memref<32x64xf32, #tpu.memory_space<hbm>>)
      tpu.yield
    }) : () -> ()
    %mul3A_115 = arith.constant 640 : i32
    %mul3A_116 = arith.muli %arg1, %mul3A_115 : i32
    %add3A_117 = arith.constant 64 : i32
    %add3A_118 = arith.addi %mul3A_116, %add3A_117 : i32
    "tpu.region"() ({
      %run_scoped3A_187 = tpu.sem_alloc : memref<!tpu.dma_semaphore, #tpu.memory_space<semaphore_mem>>
      %dma_start3A_188 = arith.constant 0 : i32
      %dma_start3A_189 = tpu.memref_slice %arg11[%add3A_118, %dma_start3A_188] : memref<10240x64xf32, #tpu.memory_space<vmem_shared>> -> memref<32x64xf32, #tpu.memory_space<vmem_shared>>
      %dma_start3A_190 = arith.constant 0 : i32
      %dma_start3A_191 = tpu.memref_slice %arg11[%add3A_118, %dma_start3A_190] : memref<10240x64xf32, #tpu.memory_space<vmem_shared>> -> memref<32x64xf32, #tpu.memory_space<vmem_shared>>
      tpu.enqueue_dma source(%dma_start3A_191 : memref<32x64xf32, #tpu.memory_space<vmem_shared>>) target(%arg10 : memref<32x64xf32, #tpu.memory_space<vmem>>) target_semaphore(%run_scoped3A_187 : memref<!tpu.dma_semaphore, #tpu.memory_space<semaphore_mem>>)
      %dma_wait3A_192 = arith.constant 0 : i32
      %dma_wait3A_193 = tpu.memref_slice %arg11[%add3A_118, %dma_wait3A_192] : memref<10240x64xf32, #tpu.memory_space<vmem_shared>> -> memref<32x64xf32, #tpu.memory_space<vmem_shared>>
      %dma_wait3A_194 = arith.constant 0 : i32
      %dma_wait3A_195 = tpu.memref_slice %arg11[%add3A_118, %dma_wait3A_194] : memref<10240x64xf32, #tpu.memory_space<vmem_shared>> -> memref<32x64xf32, #tpu.memory_space<vmem_shared>>
      tpu.wait_dma2 semaphore(%run_scoped3A_187 : memref<!tpu.dma_semaphore, #tpu.memory_space<semaphore_mem>>) src(%dma_wait3A_195 : memref<32x64xf32, #tpu.memory_space<vmem_shared>>) dst(%arg10 : memref<32x64xf32, #tpu.memory_space<vmem>>)
      tpu.yield
    }) : () -> ()
    "tpu.region"() ({
      %run_scoped3A_187 = tpu.sem_alloc : memref<!tpu.dma_semaphore, #tpu.memory_space<semaphore_mem>>
      %dma_start3A_188 = arith.constant 0 : i32
      %dma_start3A_189 = tpu.memref_slice %arg5[%arg0, %add3A_118, %dma_start3A_188] : memref<2x10240x64xf32, #tpu.memory_space<hbm>> -> memref<1x32x64xf32, #tpu.memory_space<hbm>>
      %dma_start3A_190 = tpu.memref_squeeze %dma_start3A_189 : memref<1x32x64xf32, #tpu.memory_space<hbm>> -> memref<32x64xf32, #tpu.memory_space<hbm>>
      %dma_start3A_191 = arith.constant 0 : i32
      %dma_start3A_192 = tpu.memref_slice %arg5[%arg0, %add3A_118, %dma_start3A_191] : memref<2x10240x64xf32, #tpu.memory_space<hbm>> -> memref<1x32x64xf32, #tpu.memory_space<hbm>>
      %dma_start3A_193 = tpu.memref_squeeze %dma_start3A_192 : memref<1x32x64xf32, #tpu.memory_space<hbm>> -> memref<32x64xf32, #tpu.memory_space<hbm>>
      tpu.enqueue_dma source(%arg10 : memref<32x64xf32, #tpu.memory_space<vmem>>) target(%dma_start3A_193 : memref<32x64xf32, #tpu.memory_space<hbm>>) target_semaphore(%run_scoped3A_187 : memref<!tpu.dma_semaphore, #tpu.memory_space<semaphore_mem>>)
      %dma_wait3A_194 = arith.constant 0 : i32
      %dma_wait3A_195 = tpu.memref_slice %arg5[%arg0, %add3A_118, %dma_wait3A_194] : memref<2x10240x64xf32, #tpu.memory_space<hbm>> -> memref<1x32x64xf32, #tpu.memory_space<hbm>>
      %dma_wait3A_196 = tpu.memref_squeeze %dma_wait3A_195 : memref<1x32x64xf32, #tpu.memory_space<hbm>> -> memref<32x64xf32, #tpu.memory_space<hbm>>
      %dma_wait3A_197 = arith.constant 0 : i32
      %dma_wait3A_198 = tpu.memref_slice %arg5[%arg0, %add3A_118, %dma_wait3A_197] : memref<2x10240x64xf32, #tpu.memory_space<hbm>> -> memref<1x32x64xf32, #tpu.memory_space<hbm>>
      %dma_wait3A_199 = tpu.memref_squeeze %dma_wait3A_198 : memref<1x32x64xf32, #tpu.memory_space<hbm>> -> memref<32x64xf32, #tpu.memory_space<hbm>>
      tpu.wait_dma2 semaphore(%run_scoped3A_187 : memref<!tpu.dma_semaphore, #tpu.memory_space<semaphore_mem>>) src(%arg10 : memref<32x64xf32, #tpu.memory_space<vmem>>) dst(%dma_wait3A_199 : memref<32x64xf32, #tpu.memory_space<hbm>>)
      tpu.yield
    }) : () -> ()
    %mul3A_119 = arith.constant 640 : i32
    %mul3A_120 = arith.muli %arg1, %mul3A_119 : i32
    %add3A_121 = arith.constant 96 : i32
    %add3A_122 = arith.addi %mul3A_120, %add3A_121 : i32
    "tpu.region"() ({
      %run_scoped3A_187 = tpu.sem_alloc : memref<!tpu.dma_semaphore, #tpu.memory_space<semaphore_mem>>
      %dma_start3A_188 = arith.constant 0 : i32
      %dma_start3A_189 = tpu.memref_slice %arg11[%add3A_122, %dma_start3A_188] : memref<10240x64xf32, #tpu.memory_space<vmem_shared>> -> memref<32x64xf32, #tpu.memory_space<vmem_shared>>
      %dma_start3A_190 = arith.constant 0 : i32
      %dma_start3A_191 = tpu.memref_slice %arg11[%add3A_122, %dma_start3A_190] : memref<10240x64xf32, #tpu.memory_space<vmem_shared>> -> memref<32x64xf32, #tpu.memory_space<vmem_shared>>
      tpu.enqueue_dma source(%dma_start3A_191 : memref<32x64xf32, #tpu.memory_space<vmem_shared>>) target(%arg10 : memref<32x64xf32, #tpu.memory_space<vmem>>) target_semaphore(%run_scoped3A_187 : memref<!tpu.dma_semaphore, #tpu.memory_space<semaphore_mem>>)
      %dma_wait3A_192 = arith.constant 0 : i32
      %dma_wait3A_193 = tpu.memref_slice %arg11[%add3A_122, %dma_wait3A_192] : memref<10240x64xf32, #tpu.memory_space<vmem_shared>> -> memref<32x64xf32, #tpu.memory_space<vmem_shared>>
      %dma_wait3A_194 = arith.constant 0 : i32
      %dma_wait3A_195 = tpu.memref_slice %arg11[%add3A_122, %dma_wait3A_194] : memref<10240x64xf32, #tpu.memory_space<vmem_shared>> -> memref<32x64xf32, #tpu.memory_space<vmem_shared>>
      tpu.wait_dma2 semaphore(%run_scoped3A_187 : memref<!tpu.dma_semaphore, #tpu.memory_space<semaphore_mem>>) src(%dma_wait3A_195 : memref<32x64xf32, #tpu.memory_space<vmem_shared>>) dst(%arg10 : memref<32x64xf32, #tpu.memory_space<vmem>>)
      tpu.yield
    }) : () -> ()
    "tpu.region"() ({
      %run_scoped3A_187 = tpu.sem_alloc : memref<!tpu.dma_semaphore, #tpu.memory_space<semaphore_mem>>
      %dma_start3A_188 = arith.constant 0 : i32
      %dma_start3A_189 = tpu.memref_slice %arg5[%arg0, %add3A_122, %dma_start3A_188] : memref<2x10240x64xf32, #tpu.memory_space<hbm>> -> memref<1x32x64xf32, #tpu.memory_space<hbm>>
      %dma_start3A_190 = tpu.memref_squeeze %dma_start3A_189 : memref<1x32x64xf32, #tpu.memory_space<hbm>> -> memref<32x64xf32, #tpu.memory_space<hbm>>
      %dma_start3A_191 = arith.constant 0 : i32
      %dma_start3A_192 = tpu.memref_slice %arg5[%arg0, %add3A_122, %dma_start3A_191] : memref<2x10240x64xf32, #tpu.memory_space<hbm>> -> memref<1x32x64xf32, #tpu.memory_space<hbm>>
      %dma_start3A_193 = tpu.memref_squeeze %dma_start3A_192 : memref<1x32x64xf32, #tpu.memory_space<hbm>> -> memref<32x64xf32, #tpu.memory_space<hbm>>
      tpu.enqueue_dma source(%arg10 : memref<32x64xf32, #tpu.memory_space<vmem>>) target(%dma_start3A_193 : memref<32x64xf32, #tpu.memory_space<hbm>>) target_semaphore(%run_scoped3A_187 : memref<!tpu.dma_semaphore, #tpu.memory_space<semaphore_mem>>)
      %dma_wait3A_194 = arith.constant 0 : i32
      %dma_wait3A_195 = tpu.memref_slice %arg5[%arg0, %add3A_122, %dma_wait3A_194] : memref<2x10240x64xf32, #tpu.memory_space<hbm>> -> memref<1x32x64xf32, #tpu.memory_space<hbm>>
      %dma_wait3A_196 = tpu.memref_squeeze %dma_wait3A_195 : memref<1x32x64xf32, #tpu.memory_space<hbm>> -> memref<32x64xf32, #tpu.memory_space<hbm>>
      %dma_wait3A_197 = arith.constant 0 : i32
      %dma_wait3A_198 = tpu.memref_slice %arg5[%arg0, %add3A_122, %dma_wait3A_197] : memref<2x10240x64xf32, #tpu.memory_space<hbm>> -> memref<1x32x64xf32, #tpu.memory_space<hbm>>
      %dma_wait3A_199 = tpu.memref_squeeze %dma_wait3A_198 : memref<1x32x64xf32, #tpu.memory_space<hbm>> -> memref<32x64xf32, #tpu.memory_space<hbm>>
      tpu.wait_dma2 semaphore(%run_scoped3A_187 : memref<!tpu.dma_semaphore, #tpu.memory_space<semaphore_mem>>) src(%arg10 : memref<32x64xf32, #tpu.memory_space<vmem>>) dst(%dma_wait3A_199 : memref<32x64xf32, #tpu.memory_space<hbm>>)
      tpu.yield
    }) : () -> ()
    %mul3A_123 = arith.constant 640 : i32
    %mul3A_124 = arith.muli %arg1, %mul3A_123 : i32
    %add3A_125 = arith.constant 128 : i32
    %add3A_126 = arith.addi %mul3A_124, %add3A_125 : i32
    "tpu.region"() ({
      %run_scoped3A_187 = tpu.sem_alloc : memref<!tpu.dma_semaphore, #tpu.memory_space<semaphore_mem>>
      %dma_start3A_188 = arith.constant 0 : i32
      %dma_start3A_189 = tpu.memref_slice %arg11[%add3A_126, %dma_start3A_188] : memref<10240x64xf32, #tpu.memory_space<vmem_shared>> -> memref<32x64xf32, #tpu.memory_space<vmem_shared>>
      %dma_start3A_190 = arith.constant 0 : i32
      %dma_start3A_191 = tpu.memref_slice %arg11[%add3A_126, %dma_start3A_190] : memref<10240x64xf32, #tpu.memory_space<vmem_shared>> -> memref<32x64xf32, #tpu.memory_space<vmem_shared>>
      tpu.enqueue_dma source(%dma_start3A_191 : memref<32x64xf32, #tpu.memory_space<vmem_shared>>) target(%arg10 : memref<32x64xf32, #tpu.memory_space<vmem>>) target_semaphore(%run_scoped3A_187 : memref<!tpu.dma_semaphore, #tpu.memory_space<semaphore_mem>>)
      %dma_wait3A_192 = arith.constant 0 : i32
      %dma_wait3A_193 = tpu.memref_slice %arg11[%add3A_126, %dma_wait3A_192] : memref<10240x64xf32, #tpu.memory_space<vmem_shared>> -> memref<32x64xf32, #tpu.memory_space<vmem_shared>>
      %dma_wait3A_194 = arith.constant 0 : i32
      %dma_wait3A_195 = tpu.memref_slice %arg11[%add3A_126, %dma_wait3A_194] : memref<10240x64xf32, #tpu.memory_space<vmem_shared>> -> memref<32x64xf32, #tpu.memory_space<vmem_shared>>
      tpu.wait_dma2 semaphore(%run_scoped3A_187 : memref<!tpu.dma_semaphore, #tpu.memory_space<semaphore_mem>>) src(%dma_wait3A_195 : memref<32x64xf32, #tpu.memory_space<vmem_shared>>) dst(%arg10 : memref<32x64xf32, #tpu.memory_space<vmem>>)
      tpu.yield
    }) : () -> ()
    "tpu.region"() ({
      %run_scoped3A_187 = tpu.sem_alloc : memref<!tpu.dma_semaphore, #tpu.memory_space<semaphore_mem>>
      %dma_start3A_188 = arith.constant 0 : i32
      %dma_start3A_189 = tpu.memref_slice %arg5[%arg0, %add3A_126, %dma_start3A_188] : memref<2x10240x64xf32, #tpu.memory_space<hbm>> -> memref<1x32x64xf32, #tpu.memory_space<hbm>>
      %dma_start3A_190 = tpu.memref_squeeze %dma_start3A_189 : memref<1x32x64xf32, #tpu.memory_space<hbm>> -> memref<32x64xf32, #tpu.memory_space<hbm>>
      %dma_start3A_191 = arith.constant 0 : i32
      %dma_start3A_192 = tpu.memref_slice %arg5[%arg0, %add3A_126, %dma_start3A_191] : memref<2x10240x64xf32, #tpu.memory_space<hbm>> -> memref<1x32x64xf32, #tpu.memory_space<hbm>>
      %dma_start3A_193 = tpu.memref_squeeze %dma_start3A_192 : memref<1x32x64xf32, #tpu.memory_space<hbm>> -> memref<32x64xf32, #tpu.memory_space<hbm>>
      tpu.enqueue_dma source(%arg10 : memref<32x64xf32, #tpu.memory_space<vmem>>) target(%dma_start3A_193 : memref<32x64xf32, #tpu.memory_space<hbm>>) target_semaphore(%run_scoped3A_187 : memref<!tpu.dma_semaphore, #tpu.memory_space<semaphore_mem>>)
      %dma_wait3A_194 = arith.constant 0 : i32
      %dma_wait3A_195 = tpu.memref_slice %arg5[%arg0, %add3A_126, %dma_wait3A_194] : memref<2x10240x64xf32, #tpu.memory_space<hbm>> -> memref<1x32x64xf32, #tpu.memory_space<hbm>>
      %dma_wait3A_196 = tpu.memref_squeeze %dma_wait3A_195 : memref<1x32x64xf32, #tpu.memory_space<hbm>> -> memref<32x64xf32, #tpu.memory_space<hbm>>
      %dma_wait3A_197 = arith.constant 0 : i32
      %dma_wait3A_198 = tpu.memref_slice %arg5[%arg0, %add3A_126, %dma_wait3A_197] : memref<2x10240x64xf32, #tpu.memory_space<hbm>> -> memref<1x32x64xf32, #tpu.memory_space<hbm>>
      %dma_wait3A_199 = tpu.memref_squeeze %dma_wait3A_198 : memref<1x32x64xf32, #tpu.memory_space<hbm>> -> memref<32x64xf32, #tpu.memory_space<hbm>>
      tpu.wait_dma2 semaphore(%run_scoped3A_187 : memref<!tpu.dma_semaphore, #tpu.memory_space<semaphore_mem>>) src(%arg10 : memref<32x64xf32, #tpu.memory_space<vmem>>) dst(%dma_wait3A_199 : memref<32x64xf32, #tpu.memory_space<hbm>>)
      tpu.yield
    }) : () -> ()
    %mul3A_127 = arith.constant 640 : i32
    %mul3A_128 = arith.muli %arg1, %mul3A_127 : i32
    %add3A_129 = arith.constant 160 : i32
    %add3A_130 = arith.addi %mul3A_128, %add3A_129 : i32
    "tpu.region"() ({
      %run_scoped3A_187 = tpu.sem_alloc : memref<!tpu.dma_semaphore, #tpu.memory_space<semaphore_mem>>
      %dma_start3A_188 = arith.constant 0 : i32
      %dma_start3A_189 = tpu.memref_slice %arg11[%add3A_130, %dma_start3A_188] : memref<10240x64xf32, #tpu.memory_space<vmem_shared>> -> memref<32x64xf32, #tpu.memory_space<vmem_shared>>
      %dma_start3A_190 = arith.constant 0 : i32
      %dma_start3A_191 = tpu.memref_slice %arg11[%add3A_130, %dma_start3A_190] : memref<10240x64xf32, #tpu.memory_space<vmem_shared>> -> memref<32x64xf32, #tpu.memory_space<vmem_shared>>
      tpu.enqueue_dma source(%dma_start3A_191 : memref<32x64xf32, #tpu.memory_space<vmem_shared>>) target(%arg10 : memref<32x64xf32, #tpu.memory_space<vmem>>) target_semaphore(%run_scoped3A_187 : memref<!tpu.dma_semaphore, #tpu.memory_space<semaphore_mem>>)
      %dma_wait3A_192 = arith.constant 0 : i32
      %dma_wait3A_193 = tpu.memref_slice %arg11[%add3A_130, %dma_wait3A_192] : memref<10240x64xf32, #tpu.memory_space<vmem_shared>> -> memref<32x64xf32, #tpu.memory_space<vmem_shared>>
      %dma_wait3A_194 = arith.constant 0 : i32
      %dma_wait3A_195 = tpu.memref_slice %arg11[%add3A_130, %dma_wait3A_194] : memref<10240x64xf32, #tpu.memory_space<vmem_shared>> -> memref<32x64xf32, #tpu.memory_space<vmem_shared>>
      tpu.wait_dma2 semaphore(%run_scoped3A_187 : memref<!tpu.dma_semaphore, #tpu.memory_space<semaphore_mem>>) src(%dma_wait3A_195 : memref<32x64xf32, #tpu.memory_space<vmem_shared>>) dst(%arg10 : memref<32x64xf32, #tpu.memory_space<vmem>>)
      tpu.yield
    }) : () -> ()
    "tpu.region"() ({
      %run_scoped3A_187 = tpu.sem_alloc : memref<!tpu.dma_semaphore, #tpu.memory_space<semaphore_mem>>
      %dma_start3A_188 = arith.constant 0 : i32
      %dma_start3A_189 = tpu.memref_slice %arg5[%arg0, %add3A_130, %dma_start3A_188] : memref<2x10240x64xf32, #tpu.memory_space<hbm>> -> memref<1x32x64xf32, #tpu.memory_space<hbm>>
      %dma_start3A_190 = tpu.memref_squeeze %dma_start3A_189 : memref<1x32x64xf32, #tpu.memory_space<hbm>> -> memref<32x64xf32, #tpu.memory_space<hbm>>
      %dma_start3A_191 = arith.constant 0 : i32
      %dma_start3A_192 = tpu.memref_slice %arg5[%arg0, %add3A_130, %dma_start3A_191] : memref<2x10240x64xf32, #tpu.memory_space<hbm>> -> memref<1x32x64xf32, #tpu.memory_space<hbm>>
      %dma_start3A_193 = tpu.memref_squeeze %dma_start3A_192 : memref<1x32x64xf32, #tpu.memory_space<hbm>> -> memref<32x64xf32, #tpu.memory_space<hbm>>
      tpu.enqueue_dma source(%arg10 : memref<32x64xf32, #tpu.memory_space<vmem>>) target(%dma_start3A_193 : memref<32x64xf32, #tpu.memory_space<hbm>>) target_semaphore(%run_scoped3A_187 : memref<!tpu.dma_semaphore, #tpu.memory_space<semaphore_mem>>)
      %dma_wait3A_194 = arith.constant 0 : i32
      %dma_wait3A_195 = tpu.memref_slice %arg5[%arg0, %add3A_130, %dma_wait3A_194] : memref<2x10240x64xf32, #tpu.memory_space<hbm>> -> memref<1x32x64xf32, #tpu.memory_space<hbm>>
      %dma_wait3A_196 = tpu.memref_squeeze %dma_wait3A_195 : memref<1x32x64xf32, #tpu.memory_space<hbm>> -> memref<32x64xf32, #tpu.memory_space<hbm>>
      %dma_wait3A_197 = arith.constant 0 : i32
      %dma_wait3A_198 = tpu.memref_slice %arg5[%arg0, %add3A_130, %dma_wait3A_197] : memref<2x10240x64xf32, #tpu.memory_space<hbm>> -> memref<1x32x64xf32, #tpu.memory_space<hbm>>
      %dma_wait3A_199 = tpu.memref_squeeze %dma_wait3A_198 : memref<1x32x64xf32, #tpu.memory_space<hbm>> -> memref<32x64xf32, #tpu.memory_space<hbm>>
      tpu.wait_dma2 semaphore(%run_scoped3A_187 : memref<!tpu.dma_semaphore, #tpu.memory_space<semaphore_mem>>) src(%arg10 : memref<32x64xf32, #tpu.memory_space<vmem>>) dst(%dma_wait3A_199 : memref<32x64xf32, #tpu.memory_space<hbm>>)
      tpu.yield
    }) : () -> ()
    %mul3A_131 = arith.constant 640 : i32
    %mul3A_132 = arith.muli %arg1, %mul3A_131 : i32
    %add3A_133 = arith.constant 192 : i32
    %add3A_134 = arith.addi %mul3A_132, %add3A_133 : i32
    "tpu.region"() ({
      %run_scoped3A_187 = tpu.sem_alloc : memref<!tpu.dma_semaphore, #tpu.memory_space<semaphore_mem>>
      %dma_start3A_188 = arith.constant 0 : i32
      %dma_start3A_189 = tpu.memref_slice %arg11[%add3A_134, %dma_start3A_188] : memref<10240x64xf32, #tpu.memory_space<vmem_shared>> -> memref<32x64xf32, #tpu.memory_space<vmem_shared>>
      %dma_start3A_190 = arith.constant 0 : i32
      %dma_start3A_191 = tpu.memref_slice %arg11[%add3A_134, %dma_start3A_190] : memref<10240x64xf32, #tpu.memory_space<vmem_shared>> -> memref<32x64xf32, #tpu.memory_space<vmem_shared>>
      tpu.enqueue_dma source(%dma_start3A_191 : memref<32x64xf32, #tpu.memory_space<vmem_shared>>) target(%arg10 : memref<32x64xf32, #tpu.memory_space<vmem>>) target_semaphore(%run_scoped3A_187 : memref<!tpu.dma_semaphore, #tpu.memory_space<semaphore_mem>>)
      %dma_wait3A_192 = arith.constant 0 : i32
      %dma_wait3A_193 = tpu.memref_slice %arg11[%add3A_134, %dma_wait3A_192] : memref<10240x64xf32, #tpu.memory_space<vmem_shared>> -> memref<32x64xf32, #tpu.memory_space<vmem_shared>>
      %dma_wait3A_194 = arith.constant 0 : i32
      %dma_wait3A_195 = tpu.memref_slice %arg11[%add3A_134, %dma_wait3A_194] : memref<10240x64xf32, #tpu.memory_space<vmem_shared>> -> memref<32x64xf32, #tpu.memory_space<vmem_shared>>
      tpu.wait_dma2 semaphore(%run_scoped3A_187 : memref<!tpu.dma_semaphore, #tpu.memory_space<semaphore_mem>>) src(%dma_wait3A_195 : memref<32x64xf32, #tpu.memory_space<vmem_shared>>) dst(%arg10 : memref<32x64xf32, #tpu.memory_space<vmem>>)
      tpu.yield
    }) : () -> ()
    "tpu.region"() ({
      %run_scoped3A_187 = tpu.sem_alloc : memref<!tpu.dma_semaphore, #tpu.memory_space<semaphore_mem>>
      %dma_start3A_188 = arith.constant 0 : i32
      %dma_start3A_189 = tpu.memref_slice %arg5[%arg0, %add3A_134, %dma_start3A_188] : memref<2x10240x64xf32, #tpu.memory_space<hbm>> -> memref<1x32x64xf32, #tpu.memory_space<hbm>>
      %dma_start3A_190 = tpu.memref_squeeze %dma_start3A_189 : memref<1x32x64xf32, #tpu.memory_space<hbm>> -> memref<32x64xf32, #tpu.memory_space<hbm>>
      %dma_start3A_191 = arith.constant 0 : i32
      %dma_start3A_192 = tpu.memref_slice %arg5[%arg0, %add3A_134, %dma_start3A_191] : memref<2x10240x64xf32, #tpu.memory_space<hbm>> -> memref<1x32x64xf32, #tpu.memory_space<hbm>>
      %dma_start3A_193 = tpu.memref_squeeze %dma_start3A_192 : memref<1x32x64xf32, #tpu.memory_space<hbm>> -> memref<32x64xf32, #tpu.memory_space<hbm>>
      tpu.enqueue_dma source(%arg10 : memref<32x64xf32, #tpu.memory_space<vmem>>) target(%dma_start3A_193 : memref<32x64xf32, #tpu.memory_space<hbm>>) target_semaphore(%run_scoped3A_187 : memref<!tpu.dma_semaphore, #tpu.memory_space<semaphore_mem>>)
      %dma_wait3A_194 = arith.constant 0 : i32
      %dma_wait3A_195 = tpu.memref_slice %arg5[%arg0, %add3A_134, %dma_wait3A_194] : memref<2x10240x64xf32, #tpu.memory_space<hbm>> -> memref<1x32x64xf32, #tpu.memory_space<hbm>>
      %dma_wait3A_196 = tpu.memref_squeeze %dma_wait3A_195 : memref<1x32x64xf32, #tpu.memory_space<hbm>> -> memref<32x64xf32, #tpu.memory_space<hbm>>
      %dma_wait3A_197 = arith.constant 0 : i32
      %dma_wait3A_198 = tpu.memref_slice %arg5[%arg0, %add3A_134, %dma_wait3A_197] : memref<2x10240x64xf32, #tpu.memory_space<hbm>> -> memref<1x32x64xf32, #tpu.memory_space<hbm>>
      %dma_wait3A_199 = tpu.memref_squeeze %dma_wait3A_198 : memref<1x32x64xf32, #tpu.memory_space<hbm>> -> memref<32x64xf32, #tpu.memory_space<hbm>>
      tpu.wait_dma2 semaphore(%run_scoped3A_187 : memref<!tpu.dma_semaphore, #tpu.memory_space<semaphore_mem>>) src(%arg10 : memref<32x64xf32, #tpu.memory_space<vmem>>) dst(%dma_wait3A_199 : memref<32x64xf32, #tpu.memory_space<hbm>>)
      tpu.yield
    }) : () -> ()
    %mul3A_135 = arith.constant 640 : i32
    %mul3A_136 = arith.muli %arg1, %mul3A_135 : i32
    %add3A_137 = arith.constant 224 : i32
    %add3A_138 = arith.addi %mul3A_136, %add3A_137 : i32
    "tpu.region"() ({
      %run_scoped3A_187 = tpu.sem_alloc : memref<!tpu.dma_semaphore, #tpu.memory_space<semaphore_mem>>
      %dma_start3A_188 = arith.constant 0 : i32
      %dma_start3A_189 = tpu.memref_slice %arg11[%add3A_138, %dma_start3A_188] : memref<10240x64xf32, #tpu.memory_space<vmem_shared>> -> memref<32x64xf32, #tpu.memory_space<vmem_shared>>
      %dma_start3A_190 = arith.constant 0 : i32
      %dma_start3A_191 = tpu.memref_slice %arg11[%add3A_138, %dma_start3A_190] : memref<10240x64xf32, #tpu.memory_space<vmem_shared>> -> memref<32x64xf32, #tpu.memory_space<vmem_shared>>
      tpu.enqueue_dma source(%dma_start3A_191 : memref<32x64xf32, #tpu.memory_space<vmem_shared>>) target(%arg10 : memref<32x64xf32, #tpu.memory_space<vmem>>) target_semaphore(%run_scoped3A_187 : memref<!tpu.dma_semaphore, #tpu.memory_space<semaphore_mem>>)
      %dma_wait3A_192 = arith.constant 0 : i32
      %dma_wait3A_193 = tpu.memref_slice %arg11[%add3A_138, %dma_wait3A_192] : memref<10240x64xf32, #tpu.memory_space<vmem_shared>> -> memref<32x64xf32, #tpu.memory_space<vmem_shared>>
      %dma_wait3A_194 = arith.constant 0 : i32
      %dma_wait3A_195 = tpu.memref_slice %arg11[%add3A_138, %dma_wait3A_194] : memref<10240x64xf32, #tpu.memory_space<vmem_shared>> -> memref<32x64xf32, #tpu.memory_space<vmem_shared>>
      tpu.wait_dma2 semaphore(%run_scoped3A_187 : memref<!tpu.dma_semaphore, #tpu.memory_space<semaphore_mem>>) src(%dma_wait3A_195 : memref<32x64xf32, #tpu.memory_space<vmem_shared>>) dst(%arg10 : memref<32x64xf32, #tpu.memory_space<vmem>>)
      tpu.yield
    }) : () -> ()
    "tpu.region"() ({
      %run_scoped3A_187 = tpu.sem_alloc : memref<!tpu.dma_semaphore, #tpu.memory_space<semaphore_mem>>
      %dma_start3A_188 = arith.constant 0 : i32
      %dma_start3A_189 = tpu.memref_slice %arg5[%arg0, %add3A_138, %dma_start3A_188] : memref<2x10240x64xf32, #tpu.memory_space<hbm>> -> memref<1x32x64xf32, #tpu.memory_space<hbm>>
      %dma_start3A_190 = tpu.memref_squeeze %dma_start3A_189 : memref<1x32x64xf32, #tpu.memory_space<hbm>> -> memref<32x64xf32, #tpu.memory_space<hbm>>
      %dma_start3A_191 = arith.constant 0 : i32
      %dma_start3A_192 = tpu.memref_slice %arg5[%arg0, %add3A_138, %dma_start3A_191] : memref<2x10240x64xf32, #tpu.memory_space<hbm>> -> memref<1x32x64xf32, #tpu.memory_space<hbm>>
      %dma_start3A_193 = tpu.memref_squeeze %dma_start3A_192 : memref<1x32x64xf32, #tpu.memory_space<hbm>> -> memref<32x64xf32, #tpu.memory_space<hbm>>
      tpu.enqueue_dma source(%arg10 : memref<32x64xf32, #tpu.memory_space<vmem>>) target(%dma_start3A_193 : memref<32x64xf32, #tpu.memory_space<hbm>>) target_semaphore(%run_scoped3A_187 : memref<!tpu.dma_semaphore, #tpu.memory_space<semaphore_mem>>)
      %dma_wait3A_194 = arith.constant 0 : i32
      %dma_wait3A_195 = tpu.memref_slice %arg5[%arg0, %add3A_138, %dma_wait3A_194] : memref<2x10240x64xf32, #tpu.memory_space<hbm>> -> memref<1x32x64xf32, #tpu.memory_space<hbm>>
      %dma_wait3A_196 = tpu.memref_squeeze %dma_wait3A_195 : memref<1x32x64xf32, #tpu.memory_space<hbm>> -> memref<32x64xf32, #tpu.memory_space<hbm>>
      %dma_wait3A_197 = arith.constant 0 : i32
      %dma_wait3A_198 = tpu.memref_slice %arg5[%arg0, %add3A_138, %dma_wait3A_197] : memref<2x10240x64xf32, #tpu.memory_space<hbm>> -> memref<1x32x64xf32, #tpu.memory_space<hbm>>
      %dma_wait3A_199 = tpu.memref_squeeze %dma_wait3A_198 : memref<1x32x64xf32, #tpu.memory_space<hbm>> -> memref<32x64xf32, #tpu.memory_space<hbm>>
      tpu.wait_dma2 semaphore(%run_scoped3A_187 : memref<!tpu.dma_semaphore, #tpu.memory_space<semaphore_mem>>) src(%arg10 : memref<32x64xf32, #tpu.memory_space<vmem>>) dst(%dma_wait3A_199 : memref<32x64xf32, #tpu.memory_space<hbm>>)
      tpu.yield
    }) : () -> ()
    %mul3A_139 = arith.constant 640 : i32
    %mul3A_140 = arith.muli %arg1, %mul3A_139 : i32
    %add3A_141 = arith.constant 256 : i32
    %add3A_142 = arith.addi %mul3A_140, %add3A_141 : i32
    "tpu.region"() ({
      %run_scoped3A_187 = tpu.sem_alloc : memref<!tpu.dma_semaphore, #tpu.memory_space<semaphore_mem>>
      %dma_start3A_188 = arith.constant 0 : i32
      %dma_start3A_189 = tpu.memref_slice %arg11[%add3A_142, %dma_start3A_188] : memref<10240x64xf32, #tpu.memory_space<vmem_shared>> -> memref<32x64xf32, #tpu.memory_space<vmem_shared>>
      %dma_start3A_190 = arith.constant 0 : i32
      %dma_start3A_191 = tpu.memref_slice %arg11[%add3A_142, %dma_start3A_190] : memref<10240x64xf32, #tpu.memory_space<vmem_shared>> -> memref<32x64xf32, #tpu.memory_space<vmem_shared>>
      tpu.enqueue_dma source(%dma_start3A_191 : memref<32x64xf32, #tpu.memory_space<vmem_shared>>) target(%arg10 : memref<32x64xf32, #tpu.memory_space<vmem>>) target_semaphore(%run_scoped3A_187 : memref<!tpu.dma_semaphore, #tpu.memory_space<semaphore_mem>>)
      %dma_wait3A_192 = arith.constant 0 : i32
      %dma_wait3A_193 = tpu.memref_slice %arg11[%add3A_142, %dma_wait3A_192] : memref<10240x64xf32, #tpu.memory_space<vmem_shared>> -> memref<32x64xf32, #tpu.memory_space<vmem_shared>>
      %dma_wait3A_194 = arith.constant 0 : i32
      %dma_wait3A_195 = tpu.memref_slice %arg11[%add3A_142, %dma_wait3A_194] : memref<10240x64xf32, #tpu.memory_space<vmem_shared>> -> memref<32x64xf32, #tpu.memory_space<vmem_shared>>
      tpu.wait_dma2 semaphore(%run_scoped3A_187 : memref<!tpu.dma_semaphore, #tpu.memory_space<semaphore_mem>>) src(%dma_wait3A_195 : memref<32x64xf32, #tpu.memory_space<vmem_shared>>) dst(%arg10 : memref<32x64xf32, #tpu.memory_space<vmem>>)
      tpu.yield
    }) : () -> ()
    "tpu.region"() ({
      %run_scoped3A_187 = tpu.sem_alloc : memref<!tpu.dma_semaphore, #tpu.memory_space<semaphore_mem>>
      %dma_start3A_188 = arith.constant 0 : i32
      %dma_start3A_189 = tpu.memref_slice %arg5[%arg0, %add3A_142, %dma_start3A_188] : memref<2x10240x64xf32, #tpu.memory_space<hbm>> -> memref<1x32x64xf32, #tpu.memory_space<hbm>>
      %dma_start3A_190 = tpu.memref_squeeze %dma_start3A_189 : memref<1x32x64xf32, #tpu.memory_space<hbm>> -> memref<32x64xf32, #tpu.memory_space<hbm>>
      %dma_start3A_191 = arith.constant 0 : i32
      %dma_start3A_192 = tpu.memref_slice %arg5[%arg0, %add3A_142, %dma_start3A_191] : memref<2x10240x64xf32, #tpu.memory_space<hbm>> -> memref<1x32x64xf32, #tpu.memory_space<hbm>>
      %dma_start3A_193 = tpu.memref_squeeze %dma_start3A_192 : memref<1x32x64xf32, #tpu.memory_space<hbm>> -> memref<32x64xf32, #tpu.memory_space<hbm>>
      tpu.enqueue_dma source(%arg10 : memref<32x64xf32, #tpu.memory_space<vmem>>) target(%dma_start3A_193 : memref<32x64xf32, #tpu.memory_space<hbm>>) target_semaphore(%run_scoped3A_187 : memref<!tpu.dma_semaphore, #tpu.memory_space<semaphore_mem>>)
      %dma_wait3A_194 = arith.constant 0 : i32
      %dma_wait3A_195 = tpu.memref_slice %arg5[%arg0, %add3A_142, %dma_wait3A_194] : memref<2x10240x64xf32, #tpu.memory_space<hbm>> -> memref<1x32x64xf32, #tpu.memory_space<hbm>>
      %dma_wait3A_196 = tpu.memref_squeeze %dma_wait3A_195 : memref<1x32x64xf32, #tpu.memory_space<hbm>> -> memref<32x64xf32, #tpu.memory_space<hbm>>
      %dma_wait3A_197 = arith.constant 0 : i32
      %dma_wait3A_198 = tpu.memref_slice %arg5[%arg0, %add3A_142, %dma_wait3A_197] : memref<2x10240x64xf32, #tpu.memory_space<hbm>> -> memref<1x32x64xf32, #tpu.memory_space<hbm>>
      %dma_wait3A_199 = tpu.memref_squeeze %dma_wait3A_198 : memref<1x32x64xf32, #tpu.memory_space<hbm>> -> memref<32x64xf32, #tpu.memory_space<hbm>>
      tpu.wait_dma2 semaphore(%run_scoped3A_187 : memref<!tpu.dma_semaphore, #tpu.memory_space<semaphore_mem>>) src(%arg10 : memref<32x64xf32, #tpu.memory_space<vmem>>) dst(%dma_wait3A_199 : memref<32x64xf32, #tpu.memory_space<hbm>>)
      tpu.yield
    }) : () -> ()
    %mul3A_143 = arith.constant 640 : i32
    %mul3A_144 = arith.muli %arg1, %mul3A_143 : i32
    %add3A_145 = arith.constant 288 : i32
    %add3A_146 = arith.addi %mul3A_144, %add3A_145 : i32
    "tpu.region"() ({
      %run_scoped3A_187 = tpu.sem_alloc : memref<!tpu.dma_semaphore, #tpu.memory_space<semaphore_mem>>
      %dma_start3A_188 = arith.constant 0 : i32
      %dma_start3A_189 = tpu.memref_slice %arg11[%add3A_146, %dma_start3A_188] : memref<10240x64xf32, #tpu.memory_space<vmem_shared>> -> memref<32x64xf32, #tpu.memory_space<vmem_shared>>
      %dma_start3A_190 = arith.constant 0 : i32
      %dma_start3A_191 = tpu.memref_slice %arg11[%add3A_146, %dma_start3A_190] : memref<10240x64xf32, #tpu.memory_space<vmem_shared>> -> memref<32x64xf32, #tpu.memory_space<vmem_shared>>
      tpu.enqueue_dma source(%dma_start3A_191 : memref<32x64xf32, #tpu.memory_space<vmem_shared>>) target(%arg10 : memref<32x64xf32, #tpu.memory_space<vmem>>) target_semaphore(%run_scoped3A_187 : memref<!tpu.dma_semaphore, #tpu.memory_space<semaphore_mem>>)
      %dma_wait3A_192 = arith.constant 0 : i32
      %dma_wait3A_193 = tpu.memref_slice %arg11[%add3A_146, %dma_wait3A_192] : memref<10240x64xf32, #tpu.memory_space<vmem_shared>> -> memref<32x64xf32, #tpu.memory_space<vmem_shared>>
      %dma_wait3A_194 = arith.constant 0 : i32
      %dma_wait3A_195 = tpu.memref_slice %arg11[%add3A_146, %dma_wait3A_194] : memref<10240x64xf32, #tpu.memory_space<vmem_shared>> -> memref<32x64xf32, #tpu.memory_space<vmem_shared>>
      tpu.wait_dma2 semaphore(%run_scoped3A_187 : memref<!tpu.dma_semaphore, #tpu.memory_space<semaphore_mem>>) src(%dma_wait3A_195 : memref<32x64xf32, #tpu.memory_space<vmem_shared>>) dst(%arg10 : memref<32x64xf32, #tpu.memory_space<vmem>>)
      tpu.yield
    }) : () -> ()
    "tpu.region"() ({
      %run_scoped3A_187 = tpu.sem_alloc : memref<!tpu.dma_semaphore, #tpu.memory_space<semaphore_mem>>
      %dma_start3A_188 = arith.constant 0 : i32
      %dma_start3A_189 = tpu.memref_slice %arg5[%arg0, %add3A_146, %dma_start3A_188] : memref<2x10240x64xf32, #tpu.memory_space<hbm>> -> memref<1x32x64xf32, #tpu.memory_space<hbm>>
      %dma_start3A_190 = tpu.memref_squeeze %dma_start3A_189 : memref<1x32x64xf32, #tpu.memory_space<hbm>> -> memref<32x64xf32, #tpu.memory_space<hbm>>
      %dma_start3A_191 = arith.constant 0 : i32
      %dma_start3A_192 = tpu.memref_slice %arg5[%arg0, %add3A_146, %dma_start3A_191] : memref<2x10240x64xf32, #tpu.memory_space<hbm>> -> memref<1x32x64xf32, #tpu.memory_space<hbm>>
      %dma_start3A_193 = tpu.memref_squeeze %dma_start3A_192 : memref<1x32x64xf32, #tpu.memory_space<hbm>> -> memref<32x64xf32, #tpu.memory_space<hbm>>
      tpu.enqueue_dma source(%arg10 : memref<32x64xf32, #tpu.memory_space<vmem>>) target(%dma_start3A_193 : memref<32x64xf32, #tpu.memory_space<hbm>>) target_semaphore(%run_scoped3A_187 : memref<!tpu.dma_semaphore, #tpu.memory_space<semaphore_mem>>)
      %dma_wait3A_194 = arith.constant 0 : i32
      %dma_wait3A_195 = tpu.memref_slice %arg5[%arg0, %add3A_146, %dma_wait3A_194] : memref<2x10240x64xf32, #tpu.memory_space<hbm>> -> memref<1x32x64xf32, #tpu.memory_space<hbm>>
      %dma_wait3A_196 = tpu.memref_squeeze %dma_wait3A_195 : memref<1x32x64xf32, #tpu.memory_space<hbm>> -> memref<32x64xf32, #tpu.memory_space<hbm>>
      %dma_wait3A_197 = arith.constant 0 : i32
      %dma_wait3A_198 = tpu.memref_slice %arg5[%arg0, %add3A_146, %dma_wait3A_197] : memref<2x10240x64xf32, #tpu.memory_space<hbm>> -> memref<1x32x64xf32, #tpu.memory_space<hbm>>
      %dma_wait3A_199 = tpu.memref_squeeze %dma_wait3A_198 : memref<1x32x64xf32, #tpu.memory_space<hbm>> -> memref<32x64xf32, #tpu.memory_space<hbm>>
      tpu.wait_dma2 semaphore(%run_scoped3A_187 : memref<!tpu.dma_semaphore, #tpu.memory_space<semaphore_mem>>) src(%arg10 : memref<32x64xf32, #tpu.memory_space<vmem>>) dst(%dma_wait3A_199 : memref<32x64xf32, #tpu.memory_space<hbm>>)
      tpu.yield
    }) : () -> ()
    %mul3A_147 = arith.constant 640 : i32
    %mul3A_148 = arith.muli %arg1, %mul3A_147 : i32
    %add3A_149 = arith.constant 320 : i32
    %add3A_150 = arith.addi %mul3A_148, %add3A_149 : i32
    "tpu.region"() ({
      %run_scoped3A_187 = tpu.sem_alloc : memref<!tpu.dma_semaphore, #tpu.memory_space<semaphore_mem>>
      %dma_start3A_188 = arith.constant 0 : i32
      %dma_start3A_189 = tpu.memref_slice %arg11[%add3A_150, %dma_start3A_188] : memref<10240x64xf32, #tpu.memory_space<vmem_shared>> -> memref<32x64xf32, #tpu.memory_space<vmem_shared>>
      %dma_start3A_190 = arith.constant 0 : i32
      %dma_start3A_191 = tpu.memref_slice %arg11[%add3A_150, %dma_start3A_190] : memref<10240x64xf32, #tpu.memory_space<vmem_shared>> -> memref<32x64xf32, #tpu.memory_space<vmem_shared>>
      tpu.enqueue_dma source(%dma_start3A_191 : memref<32x64xf32, #tpu.memory_space<vmem_shared>>) target(%arg10 : memref<32x64xf32, #tpu.memory_space<vmem>>) target_semaphore(%run_scoped3A_187 : memref<!tpu.dma_semaphore, #tpu.memory_space<semaphore_mem>>)
      %dma_wait3A_192 = arith.constant 0 : i32
      %dma_wait3A_193 = tpu.memref_slice %arg11[%add3A_150, %dma_wait3A_192] : memref<10240x64xf32, #tpu.memory_space<vmem_shared>> -> memref<32x64xf32, #tpu.memory_space<vmem_shared>>
      %dma_wait3A_194 = arith.constant 0 : i32
      %dma_wait3A_195 = tpu.memref_slice %arg11[%add3A_150, %dma_wait3A_194] : memref<10240x64xf32, #tpu.memory_space<vmem_shared>> -> memref<32x64xf32, #tpu.memory_space<vmem_shared>>
      tpu.wait_dma2 semaphore(%run_scoped3A_187 : memref<!tpu.dma_semaphore, #tpu.memory_space<semaphore_mem>>) src(%dma_wait3A_195 : memref<32x64xf32, #tpu.memory_space<vmem_shared>>) dst(%arg10 : memref<32x64xf32, #tpu.memory_space<vmem>>)
      tpu.yield
    }) : () -> ()
    "tpu.region"() ({
      %run_scoped3A_187 = tpu.sem_alloc : memref<!tpu.dma_semaphore, #tpu.memory_space<semaphore_mem>>
      %dma_start3A_188 = arith.constant 0 : i32
      %dma_start3A_189 = tpu.memref_slice %arg5[%arg0, %add3A_150, %dma_start3A_188] : memref<2x10240x64xf32, #tpu.memory_space<hbm>> -> memref<1x32x64xf32, #tpu.memory_space<hbm>>
      %dma_start3A_190 = tpu.memref_squeeze %dma_start3A_189 : memref<1x32x64xf32, #tpu.memory_space<hbm>> -> memref<32x64xf32, #tpu.memory_space<hbm>>
      %dma_start3A_191 = arith.constant 0 : i32
      %dma_start3A_192 = tpu.memref_slice %arg5[%arg0, %add3A_150, %dma_start3A_191] : memref<2x10240x64xf32, #tpu.memory_space<hbm>> -> memref<1x32x64xf32, #tpu.memory_space<hbm>>
      %dma_start3A_193 = tpu.memref_squeeze %dma_start3A_192 : memref<1x32x64xf32, #tpu.memory_space<hbm>> -> memref<32x64xf32, #tpu.memory_space<hbm>>
      tpu.enqueue_dma source(%arg10 : memref<32x64xf32, #tpu.memory_space<vmem>>) target(%dma_start3A_193 : memref<32x64xf32, #tpu.memory_space<hbm>>) target_semaphore(%run_scoped3A_187 : memref<!tpu.dma_semaphore, #tpu.memory_space<semaphore_mem>>)
      %dma_wait3A_194 = arith.constant 0 : i32
      %dma_wait3A_195 = tpu.memref_slice %arg5[%arg0, %add3A_150, %dma_wait3A_194] : memref<2x10240x64xf32, #tpu.memory_space<hbm>> -> memref<1x32x64xf32, #tpu.memory_space<hbm>>
      %dma_wait3A_196 = tpu.memref_squeeze %dma_wait3A_195 : memref<1x32x64xf32, #tpu.memory_space<hbm>> -> memref<32x64xf32, #tpu.memory_space<hbm>>
      %dma_wait3A_197 = arith.constant 0 : i32
      %dma_wait3A_198 = tpu.memref_slice %arg5[%arg0, %add3A_150, %dma_wait3A_197] : memref<2x10240x64xf32, #tpu.memory_space<hbm>> -> memref<1x32x64xf32, #tpu.memory_space<hbm>>
      %dma_wait3A_199 = tpu.memref_squeeze %dma_wait3A_198 : memref<1x32x64xf32, #tpu.memory_space<hbm>> -> memref<32x64xf32, #tpu.memory_space<hbm>>
      tpu.wait_dma2 semaphore(%run_scoped3A_187 : memref<!tpu.dma_semaphore, #tpu.memory_space<semaphore_mem>>) src(%arg10 : memref<32x64xf32, #tpu.memory_space<vmem>>) dst(%dma_wait3A_199 : memref<32x64xf32, #tpu.memory_space<hbm>>)
      tpu.yield
    }) : () -> ()
    %mul3A_151 = arith.constant 640 : i32
    %mul3A_152 = arith.muli %arg1, %mul3A_151 : i32
    %add3A_153 = arith.constant 352 : i32
    %add3A_154 = arith.addi %mul3A_152, %add3A_153 : i32
    "tpu.region"() ({
      %run_scoped3A_187 = tpu.sem_alloc : memref<!tpu.dma_semaphore, #tpu.memory_space<semaphore_mem>>
      %dma_start3A_188 = arith.constant 0 : i32
      %dma_start3A_189 = tpu.memref_slice %arg11[%add3A_154, %dma_start3A_188] : memref<10240x64xf32, #tpu.memory_space<vmem_shared>> -> memref<32x64xf32, #tpu.memory_space<vmem_shared>>
      %dma_start3A_190 = arith.constant 0 : i32
      %dma_start3A_191 = tpu.memref_slice %arg11[%add3A_154, %dma_start3A_190] : memref<10240x64xf32, #tpu.memory_space<vmem_shared>> -> memref<32x64xf32, #tpu.memory_space<vmem_shared>>
      tpu.enqueue_dma source(%dma_start3A_191 : memref<32x64xf32, #tpu.memory_space<vmem_shared>>) target(%arg10 : memref<32x64xf32, #tpu.memory_space<vmem>>) target_semaphore(%run_scoped3A_187 : memref<!tpu.dma_semaphore, #tpu.memory_space<semaphore_mem>>)
      %dma_wait3A_192 = arith.constant 0 : i32
      %dma_wait3A_193 = tpu.memref_slice %arg11[%add3A_154, %dma_wait3A_192] : memref<10240x64xf32, #tpu.memory_space<vmem_shared>> -> memref<32x64xf32, #tpu.memory_space<vmem_shared>>
      %dma_wait3A_194 = arith.constant 0 : i32
      %dma_wait3A_195 = tpu.memref_slice %arg11[%add3A_154, %dma_wait3A_194] : memref<10240x64xf32, #tpu.memory_space<vmem_shared>> -> memref<32x64xf32, #tpu.memory_space<vmem_shared>>
      tpu.wait_dma2 semaphore(%run_scoped3A_187 : memref<!tpu.dma_semaphore, #tpu.memory_space<semaphore_mem>>) src(%dma_wait3A_195 : memref<32x64xf32, #tpu.memory_space<vmem_shared>>) dst(%arg10 : memref<32x64xf32, #tpu.memory_space<vmem>>)
      tpu.yield
    }) : () -> ()
    "tpu.region"() ({
      %run_scoped3A_187 = tpu.sem_alloc : memref<!tpu.dma_semaphore, #tpu.memory_space<semaphore_mem>>
      %dma_start3A_188 = arith.constant 0 : i32
      %dma_start3A_189 = tpu.memref_slice %arg5[%arg0, %add3A_154, %dma_start3A_188] : memref<2x10240x64xf32, #tpu.memory_space<hbm>> -> memref<1x32x64xf32, #tpu.memory_space<hbm>>
      %dma_start3A_190 = tpu.memref_squeeze %dma_start3A_189 : memref<1x32x64xf32, #tpu.memory_space<hbm>> -> memref<32x64xf32, #tpu.memory_space<hbm>>
      %dma_start3A_191 = arith.constant 0 : i32
      %dma_start3A_192 = tpu.memref_slice %arg5[%arg0, %add3A_154, %dma_start3A_191] : memref<2x10240x64xf32, #tpu.memory_space<hbm>> -> memref<1x32x64xf32, #tpu.memory_space<hbm>>
      %dma_start3A_193 = tpu.memref_squeeze %dma_start3A_192 : memref<1x32x64xf32, #tpu.memory_space<hbm>> -> memref<32x64xf32, #tpu.memory_space<hbm>>
      tpu.enqueue_dma source(%arg10 : memref<32x64xf32, #tpu.memory_space<vmem>>) target(%dma_start3A_193 : memref<32x64xf32, #tpu.memory_space<hbm>>) target_semaphore(%run_scoped3A_187 : memref<!tpu.dma_semaphore, #tpu.memory_space<semaphore_mem>>)
      %dma_wait3A_194 = arith.constant 0 : i32
      %dma_wait3A_195 = tpu.memref_slice %arg5[%arg0, %add3A_154, %dma_wait3A_194] : memref<2x10240x64xf32, #tpu.memory_space<hbm>> -> memref<1x32x64xf32, #tpu.memory_space<hbm>>
      %dma_wait3A_196 = tpu.memref_squeeze %dma_wait3A_195 : memref<1x32x64xf32, #tpu.memory_space<hbm>> -> memref<32x64xf32, #tpu.memory_space<hbm>>
      %dma_wait3A_197 = arith.constant 0 : i32
      %dma_wait3A_198 = tpu.memref_slice %arg5[%arg0, %add3A_154, %dma_wait3A_197] : memref<2x10240x64xf32, #tpu.memory_space<hbm>> -> memref<1x32x64xf32, #tpu.memory_space<hbm>>
      %dma_wait3A_199 = tpu.memref_squeeze %dma_wait3A_198 : memref<1x32x64xf32, #tpu.memory_space<hbm>> -> memref<32x64xf32, #tpu.memory_space<hbm>>
      tpu.wait_dma2 semaphore(%run_scoped3A_187 : memref<!tpu.dma_semaphore, #tpu.memory_space<semaphore_mem>>) src(%arg10 : memref<32x64xf32, #tpu.memory_space<vmem>>) dst(%dma_wait3A_199 : memref<32x64xf32, #tpu.memory_space<hbm>>)
      tpu.yield
    }) : () -> ()
    %mul3A_155 = arith.constant 640 : i32
    %mul3A_156 = arith.muli %arg1, %mul3A_155 : i32
    %add3A_157 = arith.constant 384 : i32
    %add3A_158 = arith.addi %mul3A_156, %add3A_157 : i32
    "tpu.region"() ({
      %run_scoped3A_187 = tpu.sem_alloc : memref<!tpu.dma_semaphore, #tpu.memory_space<semaphore_mem>>
      %dma_start3A_188 = arith.constant 0 : i32
      %dma_start3A_189 = tpu.memref_slice %arg11[%add3A_158, %dma_start3A_188] : memref<10240x64xf32, #tpu.memory_space<vmem_shared>> -> memref<32x64xf32, #tpu.memory_space<vmem_shared>>
      %dma_start3A_190 = arith.constant 0 : i32
      %dma_start3A_191 = tpu.memref_slice %arg11[%add3A_158, %dma_start3A_190] : memref<10240x64xf32, #tpu.memory_space<vmem_shared>> -> memref<32x64xf32, #tpu.memory_space<vmem_shared>>
      tpu.enqueue_dma source(%dma_start3A_191 : memref<32x64xf32, #tpu.memory_space<vmem_shared>>) target(%arg10 : memref<32x64xf32, #tpu.memory_space<vmem>>) target_semaphore(%run_scoped3A_187 : memref<!tpu.dma_semaphore, #tpu.memory_space<semaphore_mem>>)
      %dma_wait3A_192 = arith.constant 0 : i32
      %dma_wait3A_193 = tpu.memref_slice %arg11[%add3A_158, %dma_wait3A_192] : memref<10240x64xf32, #tpu.memory_space<vmem_shared>> -> memref<32x64xf32, #tpu.memory_space<vmem_shared>>
      %dma_wait3A_194 = arith.constant 0 : i32
      %dma_wait3A_195 = tpu.memref_slice %arg11[%add3A_158, %dma_wait3A_194] : memref<10240x64xf32, #tpu.memory_space<vmem_shared>> -> memref<32x64xf32, #tpu.memory_space<vmem_shared>>
      tpu.wait_dma2 semaphore(%run_scoped3A_187 : memref<!tpu.dma_semaphore, #tpu.memory_space<semaphore_mem>>) src(%dma_wait3A_195 : memref<32x64xf32, #tpu.memory_space<vmem_shared>>) dst(%arg10 : memref<32x64xf32, #tpu.memory_space<vmem>>)
      tpu.yield
    }) : () -> ()
    "tpu.region"() ({
      %run_scoped3A_187 = tpu.sem_alloc : memref<!tpu.dma_semaphore, #tpu.memory_space<semaphore_mem>>
      %dma_start3A_188 = arith.constant 0 : i32
      %dma_start3A_189 = tpu.memref_slice %arg5[%arg0, %add3A_158, %dma_start3A_188] : memref<2x10240x64xf32, #tpu.memory_space<hbm>> -> memref<1x32x64xf32, #tpu.memory_space<hbm>>
      %dma_start3A_190 = tpu.memref_squeeze %dma_start3A_189 : memref<1x32x64xf32, #tpu.memory_space<hbm>> -> memref<32x64xf32, #tpu.memory_space<hbm>>
      %dma_start3A_191 = arith.constant 0 : i32
      %dma_start3A_192 = tpu.memref_slice %arg5[%arg0, %add3A_158, %dma_start3A_191] : memref<2x10240x64xf32, #tpu.memory_space<hbm>> -> memref<1x32x64xf32, #tpu.memory_space<hbm>>
      %dma_start3A_193 = tpu.memref_squeeze %dma_start3A_192 : memref<1x32x64xf32, #tpu.memory_space<hbm>> -> memref<32x64xf32, #tpu.memory_space<hbm>>
      tpu.enqueue_dma source(%arg10 : memref<32x64xf32, #tpu.memory_space<vmem>>) target(%dma_start3A_193 : memref<32x64xf32, #tpu.memory_space<hbm>>) target_semaphore(%run_scoped3A_187 : memref<!tpu.dma_semaphore, #tpu.memory_space<semaphore_mem>>)
      %dma_wait3A_194 = arith.constant 0 : i32
      %dma_wait3A_195 = tpu.memref_slice %arg5[%arg0, %add3A_158, %dma_wait3A_194] : memref<2x10240x64xf32, #tpu.memory_space<hbm>> -> memref<1x32x64xf32, #tpu.memory_space<hbm>>
      %dma_wait3A_196 = tpu.memref_squeeze %dma_wait3A_195 : memref<1x32x64xf32, #tpu.memory_space<hbm>> -> memref<32x64xf32, #tpu.memory_space<hbm>>
      %dma_wait3A_197 = arith.constant 0 : i32
      %dma_wait3A_198 = tpu.memref_slice %arg5[%arg0, %add3A_158, %dma_wait3A_197] : memref<2x10240x64xf32, #tpu.memory_space<hbm>> -> memref<1x32x64xf32, #tpu.memory_space<hbm>>
      %dma_wait3A_199 = tpu.memref_squeeze %dma_wait3A_198 : memref<1x32x64xf32, #tpu.memory_space<hbm>> -> memref<32x64xf32, #tpu.memory_space<hbm>>
      tpu.wait_dma2 semaphore(%run_scoped3A_187 : memref<!tpu.dma_semaphore, #tpu.memory_space<semaphore_mem>>) src(%arg10 : memref<32x64xf32, #tpu.memory_space<vmem>>) dst(%dma_wait3A_199 : memref<32x64xf32, #tpu.memory_space<hbm>>)
      tpu.yield
    }) : () -> ()
    %mul3A_159 = arith.constant 640 : i32
    %mul3A_160 = arith.muli %arg1, %mul3A_159 : i32
    %add3A_161 = arith.constant 416 : i32
    %add3A_162 = arith.addi %mul3A_160, %add3A_161 : i32
    "tpu.region"() ({
      %run_scoped3A_187 = tpu.sem_alloc : memref<!tpu.dma_semaphore, #tpu.memory_space<semaphore_mem>>
      %dma_start3A_188 = arith.constant 0 : i32
      %dma_start3A_189 = tpu.memref_slice %arg11[%add3A_162, %dma_start3A_188] : memref<10240x64xf32, #tpu.memory_space<vmem_shared>> -> memref<32x64xf32, #tpu.memory_space<vmem_shared>>
      %dma_start3A_190 = arith.constant 0 : i32
      %dma_start3A_191 = tpu.memref_slice %arg11[%add3A_162, %dma_start3A_190] : memref<10240x64xf32, #tpu.memory_space<vmem_shared>> -> memref<32x64xf32, #tpu.memory_space<vmem_shared>>
      tpu.enqueue_dma source(%dma_start3A_191 : memref<32x64xf32, #tpu.memory_space<vmem_shared>>) target(%arg10 : memref<32x64xf32, #tpu.memory_space<vmem>>) target_semaphore(%run_scoped3A_187 : memref<!tpu.dma_semaphore, #tpu.memory_space<semaphore_mem>>)
      %dma_wait3A_192 = arith.constant 0 : i32
      %dma_wait3A_193 = tpu.memref_slice %arg11[%add3A_162, %dma_wait3A_192] : memref<10240x64xf32, #tpu.memory_space<vmem_shared>> -> memref<32x64xf32, #tpu.memory_space<vmem_shared>>
      %dma_wait3A_194 = arith.constant 0 : i32
      %dma_wait3A_195 = tpu.memref_slice %arg11[%add3A_162, %dma_wait3A_194] : memref<10240x64xf32, #tpu.memory_space<vmem_shared>> -> memref<32x64xf32, #tpu.memory_space<vmem_shared>>
      tpu.wait_dma2 semaphore(%run_scoped3A_187 : memref<!tpu.dma_semaphore, #tpu.memory_space<semaphore_mem>>) src(%dma_wait3A_195 : memref<32x64xf32, #tpu.memory_space<vmem_shared>>) dst(%arg10 : memref<32x64xf32, #tpu.memory_space<vmem>>)
      tpu.yield
    }) : () -> ()
    "tpu.region"() ({
      %run_scoped3A_187 = tpu.sem_alloc : memref<!tpu.dma_semaphore, #tpu.memory_space<semaphore_mem>>
      %dma_start3A_188 = arith.constant 0 : i32
      %dma_start3A_189 = tpu.memref_slice %arg5[%arg0, %add3A_162, %dma_start3A_188] : memref<2x10240x64xf32, #tpu.memory_space<hbm>> -> memref<1x32x64xf32, #tpu.memory_space<hbm>>
      %dma_start3A_190 = tpu.memref_squeeze %dma_start3A_189 : memref<1x32x64xf32, #tpu.memory_space<hbm>> -> memref<32x64xf32, #tpu.memory_space<hbm>>
      %dma_start3A_191 = arith.constant 0 : i32
      %dma_start3A_192 = tpu.memref_slice %arg5[%arg0, %add3A_162, %dma_start3A_191] : memref<2x10240x64xf32, #tpu.memory_space<hbm>> -> memref<1x32x64xf32, #tpu.memory_space<hbm>>
      %dma_start3A_193 = tpu.memref_squeeze %dma_start3A_192 : memref<1x32x64xf32, #tpu.memory_space<hbm>> -> memref<32x64xf32, #tpu.memory_space<hbm>>
      tpu.enqueue_dma source(%arg10 : memref<32x64xf32, #tpu.memory_space<vmem>>) target(%dma_start3A_193 : memref<32x64xf32, #tpu.memory_space<hbm>>) target_semaphore(%run_scoped3A_187 : memref<!tpu.dma_semaphore, #tpu.memory_space<semaphore_mem>>)
      %dma_wait3A_194 = arith.constant 0 : i32
      %dma_wait3A_195 = tpu.memref_slice %arg5[%arg0, %add3A_162, %dma_wait3A_194] : memref<2x10240x64xf32, #tpu.memory_space<hbm>> -> memref<1x32x64xf32, #tpu.memory_space<hbm>>
      %dma_wait3A_196 = tpu.memref_squeeze %dma_wait3A_195 : memref<1x32x64xf32, #tpu.memory_space<hbm>> -> memref<32x64xf32, #tpu.memory_space<hbm>>
      %dma_wait3A_197 = arith.constant 0 : i32
      %dma_wait3A_198 = tpu.memref_slice %arg5[%arg0, %add3A_162, %dma_wait3A_197] : memref<2x10240x64xf32, #tpu.memory_space<hbm>> -> memref<1x32x64xf32, #tpu.memory_space<hbm>>
      %dma_wait3A_199 = tpu.memref_squeeze %dma_wait3A_198 : memref<1x32x64xf32, #tpu.memory_space<hbm>> -> memref<32x64xf32, #tpu.memory_space<hbm>>
      tpu.wait_dma2 semaphore(%run_scoped3A_187 : memref<!tpu.dma_semaphore, #tpu.memory_space<semaphore_mem>>) src(%arg10 : memref<32x64xf32, #tpu.memory_space<vmem>>) dst(%dma_wait3A_199 : memref<32x64xf32, #tpu.memory_space<hbm>>)
      tpu.yield
    }) : () -> ()
    %mul3A_163 = arith.constant 640 : i32
    %mul3A_164 = arith.muli %arg1, %mul3A_163 : i32
    %add3A_165 = arith.constant 448 : i32
    %add3A_166 = arith.addi %mul3A_164, %add3A_165 : i32
    "tpu.region"() ({
      %run_scoped3A_187 = tpu.sem_alloc : memref<!tpu.dma_semaphore, #tpu.memory_space<semaphore_mem>>
      %dma_start3A_188 = arith.constant 0 : i32
      %dma_start3A_189 = tpu.memref_slice %arg11[%add3A_166, %dma_start3A_188] : memref<10240x64xf32, #tpu.memory_space<vmem_shared>> -> memref<32x64xf32, #tpu.memory_space<vmem_shared>>
      %dma_start3A_190 = arith.constant 0 : i32
      %dma_start3A_191 = tpu.memref_slice %arg11[%add3A_166, %dma_start3A_190] : memref<10240x64xf32, #tpu.memory_space<vmem_shared>> -> memref<32x64xf32, #tpu.memory_space<vmem_shared>>
      tpu.enqueue_dma source(%dma_start3A_191 : memref<32x64xf32, #tpu.memory_space<vmem_shared>>) target(%arg10 : memref<32x64xf32, #tpu.memory_space<vmem>>) target_semaphore(%run_scoped3A_187 : memref<!tpu.dma_semaphore, #tpu.memory_space<semaphore_mem>>)
      %dma_wait3A_192 = arith.constant 0 : i32
      %dma_wait3A_193 = tpu.memref_slice %arg11[%add3A_166, %dma_wait3A_192] : memref<10240x64xf32, #tpu.memory_space<vmem_shared>> -> memref<32x64xf32, #tpu.memory_space<vmem_shared>>
      %dma_wait3A_194 = arith.constant 0 : i32
      %dma_wait3A_195 = tpu.memref_slice %arg11[%add3A_166, %dma_wait3A_194] : memref<10240x64xf32, #tpu.memory_space<vmem_shared>> -> memref<32x64xf32, #tpu.memory_space<vmem_shared>>
      tpu.wait_dma2 semaphore(%run_scoped3A_187 : memref<!tpu.dma_semaphore, #tpu.memory_space<semaphore_mem>>) src(%dma_wait3A_195 : memref<32x64xf32, #tpu.memory_space<vmem_shared>>) dst(%arg10 : memref<32x64xf32, #tpu.memory_space<vmem>>)
      tpu.yield
    }) : () -> ()
    "tpu.region"() ({
      %run_scoped3A_187 = tpu.sem_alloc : memref<!tpu.dma_semaphore, #tpu.memory_space<semaphore_mem>>
      %dma_start3A_188 = arith.constant 0 : i32
      %dma_start3A_189 = tpu.memref_slice %arg5[%arg0, %add3A_166, %dma_start3A_188] : memref<2x10240x64xf32, #tpu.memory_space<hbm>> -> memref<1x32x64xf32, #tpu.memory_space<hbm>>
      %dma_start3A_190 = tpu.memref_squeeze %dma_start3A_189 : memref<1x32x64xf32, #tpu.memory_space<hbm>> -> memref<32x64xf32, #tpu.memory_space<hbm>>
      %dma_start3A_191 = arith.constant 0 : i32
      %dma_start3A_192 = tpu.memref_slice %arg5[%arg0, %add3A_166, %dma_start3A_191] : memref<2x10240x64xf32, #tpu.memory_space<hbm>> -> memref<1x32x64xf32, #tpu.memory_space<hbm>>
      %dma_start3A_193 = tpu.memref_squeeze %dma_start3A_192 : memref<1x32x64xf32, #tpu.memory_space<hbm>> -> memref<32x64xf32, #tpu.memory_space<hbm>>
      tpu.enqueue_dma source(%arg10 : memref<32x64xf32, #tpu.memory_space<vmem>>) target(%dma_start3A_193 : memref<32x64xf32, #tpu.memory_space<hbm>>) target_semaphore(%run_scoped3A_187 : memref<!tpu.dma_semaphore, #tpu.memory_space<semaphore_mem>>)
      %dma_wait3A_194 = arith.constant 0 : i32
      %dma_wait3A_195 = tpu.memref_slice %arg5[%arg0, %add3A_166, %dma_wait3A_194] : memref<2x10240x64xf32, #tpu.memory_space<hbm>> -> memref<1x32x64xf32, #tpu.memory_space<hbm>>
      %dma_wait3A_196 = tpu.memref_squeeze %dma_wait3A_195 : memref<1x32x64xf32, #tpu.memory_space<hbm>> -> memref<32x64xf32, #tpu.memory_space<hbm>>
      %dma_wait3A_197 = arith.constant 0 : i32
      %dma_wait3A_198 = tpu.memref_slice %arg5[%arg0, %add3A_166, %dma_wait3A_197] : memref<2x10240x64xf32, #tpu.memory_space<hbm>> -> memref<1x32x64xf32, #tpu.memory_space<hbm>>
      %dma_wait3A_199 = tpu.memref_squeeze %dma_wait3A_198 : memref<1x32x64xf32, #tpu.memory_space<hbm>> -> memref<32x64xf32, #tpu.memory_space<hbm>>
      tpu.wait_dma2 semaphore(%run_scoped3A_187 : memref<!tpu.dma_semaphore, #tpu.memory_space<semaphore_mem>>) src(%arg10 : memref<32x64xf32, #tpu.memory_space<vmem>>) dst(%dma_wait3A_199 : memref<32x64xf32, #tpu.memory_space<hbm>>)
      tpu.yield
    }) : () -> ()
    %mul3A_167 = arith.constant 640 : i32
    %mul3A_168 = arith.muli %arg1, %mul3A_167 : i32
    %add3A_169 = arith.constant 480 : i32
    %add3A_170 = arith.addi %mul3A_168, %add3A_169 : i32
    "tpu.region"() ({
      %run_scoped3A_187 = tpu.sem_alloc : memref<!tpu.dma_semaphore, #tpu.memory_space<semaphore_mem>>
      %dma_start3A_188 = arith.constant 0 : i32
      %dma_start3A_189 = tpu.memref_slice %arg11[%add3A_170, %dma_start3A_188] : memref<10240x64xf32, #tpu.memory_space<vmem_shared>> -> memref<32x64xf32, #tpu.memory_space<vmem_shared>>
      %dma_start3A_190 = arith.constant 0 : i32
      %dma_start3A_191 = tpu.memref_slice %arg11[%add3A_170, %dma_start3A_190] : memref<10240x64xf32, #tpu.memory_space<vmem_shared>> -> memref<32x64xf32, #tpu.memory_space<vmem_shared>>
      tpu.enqueue_dma source(%dma_start3A_191 : memref<32x64xf32, #tpu.memory_space<vmem_shared>>) target(%arg10 : memref<32x64xf32, #tpu.memory_space<vmem>>) target_semaphore(%run_scoped3A_187 : memref<!tpu.dma_semaphore, #tpu.memory_space<semaphore_mem>>)
      %dma_wait3A_192 = arith.constant 0 : i32
      %dma_wait3A_193 = tpu.memref_slice %arg11[%add3A_170, %dma_wait3A_192] : memref<10240x64xf32, #tpu.memory_space<vmem_shared>> -> memref<32x64xf32, #tpu.memory_space<vmem_shared>>
      %dma_wait3A_194 = arith.constant 0 : i32
      %dma_wait3A_195 = tpu.memref_slice %arg11[%add3A_170, %dma_wait3A_194] : memref<10240x64xf32, #tpu.memory_space<vmem_shared>> -> memref<32x64xf32, #tpu.memory_space<vmem_shared>>
      tpu.wait_dma2 semaphore(%run_scoped3A_187 : memref<!tpu.dma_semaphore, #tpu.memory_space<semaphore_mem>>) src(%dma_wait3A_195 : memref<32x64xf32, #tpu.memory_space<vmem_shared>>) dst(%arg10 : memref<32x64xf32, #tpu.memory_space<vmem>>)
      tpu.yield
    }) : () -> ()
    "tpu.region"() ({
      %run_scoped3A_187 = tpu.sem_alloc : memref<!tpu.dma_semaphore, #tpu.memory_space<semaphore_mem>>
      %dma_start3A_188 = arith.constant 0 : i32
      %dma_start3A_189 = tpu.memref_slice %arg5[%arg0, %add3A_170, %dma_start3A_188] : memref<2x10240x64xf32, #tpu.memory_space<hbm>> -> memref<1x32x64xf32, #tpu.memory_space<hbm>>
      %dma_start3A_190 = tpu.memref_squeeze %dma_start3A_189 : memref<1x32x64xf32, #tpu.memory_space<hbm>> -> memref<32x64xf32, #tpu.memory_space<hbm>>
      %dma_start3A_191 = arith.constant 0 : i32
      %dma_start3A_192 = tpu.memref_slice %arg5[%arg0, %add3A_170, %dma_start3A_191] : memref<2x10240x64xf32, #tpu.memory_space<hbm>> -> memref<1x32x64xf32, #tpu.memory_space<hbm>>
      %dma_start3A_193 = tpu.memref_squeeze %dma_start3A_192 : memref<1x32x64xf32, #tpu.memory_space<hbm>> -> memref<32x64xf32, #tpu.memory_space<hbm>>
      tpu.enqueue_dma source(%arg10 : memref<32x64xf32, #tpu.memory_space<vmem>>) target(%dma_start3A_193 : memref<32x64xf32, #tpu.memory_space<hbm>>) target_semaphore(%run_scoped3A_187 : memref<!tpu.dma_semaphore, #tpu.memory_space<semaphore_mem>>)
      %dma_wait3A_194 = arith.constant 0 : i32
      %dma_wait3A_195 = tpu.memref_slice %arg5[%arg0, %add3A_170, %dma_wait3A_194] : memref<2x10240x64xf32, #tpu.memory_space<hbm>> -> memref<1x32x64xf32, #tpu.memory_space<hbm>>
      %dma_wait3A_196 = tpu.memref_squeeze %dma_wait3A_195 : memref<1x32x64xf32, #tpu.memory_space<hbm>> -> memref<32x64xf32, #tpu.memory_space<hbm>>
      %dma_wait3A_197 = arith.constant 0 : i32
      %dma_wait3A_198 = tpu.memref_slice %arg5[%arg0, %add3A_170, %dma_wait3A_197] : memref<2x10240x64xf32, #tpu.memory_space<hbm>> -> memref<1x32x64xf32, #tpu.memory_space<hbm>>
      %dma_wait3A_199 = tpu.memref_squeeze %dma_wait3A_198 : memref<1x32x64xf32, #tpu.memory_space<hbm>> -> memref<32x64xf32, #tpu.memory_space<hbm>>
      tpu.wait_dma2 semaphore(%run_scoped3A_187 : memref<!tpu.dma_semaphore, #tpu.memory_space<semaphore_mem>>) src(%arg10 : memref<32x64xf32, #tpu.memory_space<vmem>>) dst(%dma_wait3A_199 : memref<32x64xf32, #tpu.memory_space<hbm>>)
      tpu.yield
    }) : () -> ()
    %mul3A_171 = arith.constant 640 : i32
    %mul3A_172 = arith.muli %arg1, %mul3A_171 : i32
    %add3A_173 = arith.constant 512 : i32
    %add3A_174 = arith.addi %mul3A_172, %add3A_173 : i32
    "tpu.region"() ({
      %run_scoped3A_187 = tpu.sem_alloc : memref<!tpu.dma_semaphore, #tpu.memory_space<semaphore_mem>>
      %dma_start3A_188 = arith.constant 0 : i32
      %dma_start3A_189 = tpu.memref_slice %arg11[%add3A_174, %dma_start3A_188] : memref<10240x64xf32, #tpu.memory_space<vmem_shared>> -> memref<32x64xf32, #tpu.memory_space<vmem_shared>>
      %dma_start3A_190 = arith.constant 0 : i32
      %dma_start3A_191 = tpu.memref_slice %arg11[%add3A_174, %dma_start3A_190] : memref<10240x64xf32, #tpu.memory_space<vmem_shared>> -> memref<32x64xf32, #tpu.memory_space<vmem_shared>>
      tpu.enqueue_dma source(%dma_start3A_191 : memref<32x64xf32, #tpu.memory_space<vmem_shared>>) target(%arg10 : memref<32x64xf32, #tpu.memory_space<vmem>>) target_semaphore(%run_scoped3A_187 : memref<!tpu.dma_semaphore, #tpu.memory_space<semaphore_mem>>)
      %dma_wait3A_192 = arith.constant 0 : i32
      %dma_wait3A_193 = tpu.memref_slice %arg11[%add3A_174, %dma_wait3A_192] : memref<10240x64xf32, #tpu.memory_space<vmem_shared>> -> memref<32x64xf32, #tpu.memory_space<vmem_shared>>
      %dma_wait3A_194 = arith.constant 0 : i32
      %dma_wait3A_195 = tpu.memref_slice %arg11[%add3A_174, %dma_wait3A_194] : memref<10240x64xf32, #tpu.memory_space<vmem_shared>> -> memref<32x64xf32, #tpu.memory_space<vmem_shared>>
      tpu.wait_dma2 semaphore(%run_scoped3A_187 : memref<!tpu.dma_semaphore, #tpu.memory_space<semaphore_mem>>) src(%dma_wait3A_195 : memref<32x64xf32, #tpu.memory_space<vmem_shared>>) dst(%arg10 : memref<32x64xf32, #tpu.memory_space<vmem>>)
      tpu.yield
    }) : () -> ()
    "tpu.region"() ({
      %run_scoped3A_187 = tpu.sem_alloc : memref<!tpu.dma_semaphore, #tpu.memory_space<semaphore_mem>>
      %dma_start3A_188 = arith.constant 0 : i32
      %dma_start3A_189 = tpu.memref_slice %arg5[%arg0, %add3A_174, %dma_start3A_188] : memref<2x10240x64xf32, #tpu.memory_space<hbm>> -> memref<1x32x64xf32, #tpu.memory_space<hbm>>
      %dma_start3A_190 = tpu.memref_squeeze %dma_start3A_189 : memref<1x32x64xf32, #tpu.memory_space<hbm>> -> memref<32x64xf32, #tpu.memory_space<hbm>>
      %dma_start3A_191 = arith.constant 0 : i32
      %dma_start3A_192 = tpu.memref_slice %arg5[%arg0, %add3A_174, %dma_start3A_191] : memref<2x10240x64xf32, #tpu.memory_space<hbm>> -> memref<1x32x64xf32, #tpu.memory_space<hbm>>
      %dma_start3A_193 = tpu.memref_squeeze %dma_start3A_192 : memref<1x32x64xf32, #tpu.memory_space<hbm>> -> memref<32x64xf32, #tpu.memory_space<hbm>>
      tpu.enqueue_dma source(%arg10 : memref<32x64xf32, #tpu.memory_space<vmem>>) target(%dma_start3A_193 : memref<32x64xf32, #tpu.memory_space<hbm>>) target_semaphore(%run_scoped3A_187 : memref<!tpu.dma_semaphore, #tpu.memory_space<semaphore_mem>>)
      %dma_wait3A_194 = arith.constant 0 : i32
      %dma_wait3A_195 = tpu.memref_slice %arg5[%arg0, %add3A_174, %dma_wait3A_194] : memref<2x10240x64xf32, #tpu.memory_space<hbm>> -> memref<1x32x64xf32, #tpu.memory_space<hbm>>
      %dma_wait3A_196 = tpu.memref_squeeze %dma_wait3A_195 : memref<1x32x64xf32, #tpu.memory_space<hbm>> -> memref<32x64xf32, #tpu.memory_space<hbm>>
      %dma_wait3A_197 = arith.constant 0 : i32
      %dma_wait3A_198 = tpu.memref_slice %arg5[%arg0, %add3A_174, %dma_wait3A_197] : memref<2x10240x64xf32, #tpu.memory_space<hbm>> -> memref<1x32x64xf32, #tpu.memory_space<hbm>>
      %dma_wait3A_199 = tpu.memref_squeeze %dma_wait3A_198 : memref<1x32x64xf32, #tpu.memory_space<hbm>> -> memref<32x64xf32, #tpu.memory_space<hbm>>
      tpu.wait_dma2 semaphore(%run_scoped3A_187 : memref<!tpu.dma_semaphore, #tpu.memory_space<semaphore_mem>>) src(%arg10 : memref<32x64xf32, #tpu.memory_space<vmem>>) dst(%dma_wait3A_199 : memref<32x64xf32, #tpu.memory_space<hbm>>)
      tpu.yield
    }) : () -> ()
    %mul3A_175 = arith.constant 640 : i32
    %mul3A_176 = arith.muli %arg1, %mul3A_175 : i32
    %add3A_177 = arith.constant 544 : i32
    %add3A_178 = arith.addi %mul3A_176, %add3A_177 : i32
    "tpu.region"() ({
      %run_scoped3A_187 = tpu.sem_alloc : memref<!tpu.dma_semaphore, #tpu.memory_space<semaphore_mem>>
      %dma_start3A_188 = arith.constant 0 : i32
      %dma_start3A_189 = tpu.memref_slice %arg11[%add3A_178, %dma_start3A_188] : memref<10240x64xf32, #tpu.memory_space<vmem_shared>> -> memref<32x64xf32, #tpu.memory_space<vmem_shared>>
      %dma_start3A_190 = arith.constant 0 : i32
      %dma_start3A_191 = tpu.memref_slice %arg11[%add3A_178, %dma_start3A_190] : memref<10240x64xf32, #tpu.memory_space<vmem_shared>> -> memref<32x64xf32, #tpu.memory_space<vmem_shared>>
      tpu.enqueue_dma source(%dma_start3A_191 : memref<32x64xf32, #tpu.memory_space<vmem_shared>>) target(%arg10 : memref<32x64xf32, #tpu.memory_space<vmem>>) target_semaphore(%run_scoped3A_187 : memref<!tpu.dma_semaphore, #tpu.memory_space<semaphore_mem>>)
      %dma_wait3A_192 = arith.constant 0 : i32
      %dma_wait3A_193 = tpu.memref_slice %arg11[%add3A_178, %dma_wait3A_192] : memref<10240x64xf32, #tpu.memory_space<vmem_shared>> -> memref<32x64xf32, #tpu.memory_space<vmem_shared>>
      %dma_wait3A_194 = arith.constant 0 : i32
      %dma_wait3A_195 = tpu.memref_slice %arg11[%add3A_178, %dma_wait3A_194] : memref<10240x64xf32, #tpu.memory_space<vmem_shared>> -> memref<32x64xf32, #tpu.memory_space<vmem_shared>>
      tpu.wait_dma2 semaphore(%run_scoped3A_187 : memref<!tpu.dma_semaphore, #tpu.memory_space<semaphore_mem>>) src(%dma_wait3A_195 : memref<32x64xf32, #tpu.memory_space<vmem_shared>>) dst(%arg10 : memref<32x64xf32, #tpu.memory_space<vmem>>)
      tpu.yield
    }) : () -> ()
    "tpu.region"() ({
      %run_scoped3A_187 = tpu.sem_alloc : memref<!tpu.dma_semaphore, #tpu.memory_space<semaphore_mem>>
      %dma_start3A_188 = arith.constant 0 : i32
      %dma_start3A_189 = tpu.memref_slice %arg5[%arg0, %add3A_178, %dma_start3A_188] : memref<2x10240x64xf32, #tpu.memory_space<hbm>> -> memref<1x32x64xf32, #tpu.memory_space<hbm>>
      %dma_start3A_190 = tpu.memref_squeeze %dma_start3A_189 : memref<1x32x64xf32, #tpu.memory_space<hbm>> -> memref<32x64xf32, #tpu.memory_space<hbm>>
      %dma_start3A_191 = arith.constant 0 : i32
      %dma_start3A_192 = tpu.memref_slice %arg5[%arg0, %add3A_178, %dma_start3A_191] : memref<2x10240x64xf32, #tpu.memory_space<hbm>> -> memref<1x32x64xf32, #tpu.memory_space<hbm>>
      %dma_start3A_193 = tpu.memref_squeeze %dma_start3A_192 : memref<1x32x64xf32, #tpu.memory_space<hbm>> -> memref<32x64xf32, #tpu.memory_space<hbm>>
      tpu.enqueue_dma source(%arg10 : memref<32x64xf32, #tpu.memory_space<vmem>>) target(%dma_start3A_193 : memref<32x64xf32, #tpu.memory_space<hbm>>) target_semaphore(%run_scoped3A_187 : memref<!tpu.dma_semaphore, #tpu.memory_space<semaphore_mem>>)
      %dma_wait3A_194 = arith.constant 0 : i32
      %dma_wait3A_195 = tpu.memref_slice %arg5[%arg0, %add3A_178, %dma_wait3A_194] : memref<2x10240x64xf32, #tpu.memory_space<hbm>> -> memref<1x32x64xf32, #tpu.memory_space<hbm>>
      %dma_wait3A_196 = tpu.memref_squeeze %dma_wait3A_195 : memref<1x32x64xf32, #tpu.memory_space<hbm>> -> memref<32x64xf32, #tpu.memory_space<hbm>>
      %dma_wait3A_197 = arith.constant 0 : i32
      %dma_wait3A_198 = tpu.memref_slice %arg5[%arg0, %add3A_178, %dma_wait3A_197] : memref<2x10240x64xf32, #tpu.memory_space<hbm>> -> memref<1x32x64xf32, #tpu.memory_space<hbm>>
      %dma_wait3A_199 = tpu.memref_squeeze %dma_wait3A_198 : memref<1x32x64xf32, #tpu.memory_space<hbm>> -> memref<32x64xf32, #tpu.memory_space<hbm>>
      tpu.wait_dma2 semaphore(%run_scoped3A_187 : memref<!tpu.dma_semaphore, #tpu.memory_space<semaphore_mem>>) src(%arg10 : memref<32x64xf32, #tpu.memory_space<vmem>>) dst(%dma_wait3A_199 : memref<32x64xf32, #tpu.memory_space<hbm>>)
      tpu.yield
    }) : () -> ()
    %mul3A_179 = arith.constant 640 : i32
    %mul3A_180 = arith.muli %arg1, %mul3A_179 : i32
    %add3A_181 = arith.constant 576 : i32
    %add3A_182 = arith.addi %mul3A_180, %add3A_181 : i32
    "tpu.region"() ({
      %run_scoped3A_187 = tpu.sem_alloc : memref<!tpu.dma_semaphore, #tpu.memory_space<semaphore_mem>>
      %dma_start3A_188 = arith.constant 0 : i32
      %dma_start3A_189 = tpu.memref_slice %arg11[%add3A_182, %dma_start3A_188] : memref<10240x64xf32, #tpu.memory_space<vmem_shared>> -> memref<32x64xf32, #tpu.memory_space<vmem_shared>>
      %dma_start3A_190 = arith.constant 0 : i32
      %dma_start3A_191 = tpu.memref_slice %arg11[%add3A_182, %dma_start3A_190] : memref<10240x64xf32, #tpu.memory_space<vmem_shared>> -> memref<32x64xf32, #tpu.memory_space<vmem_shared>>
      tpu.enqueue_dma source(%dma_start3A_191 : memref<32x64xf32, #tpu.memory_space<vmem_shared>>) target(%arg10 : memref<32x64xf32, #tpu.memory_space<vmem>>) target_semaphore(%run_scoped3A_187 : memref<!tpu.dma_semaphore, #tpu.memory_space<semaphore_mem>>)
      %dma_wait3A_192 = arith.constant 0 : i32
      %dma_wait3A_193 = tpu.memref_slice %arg11[%add3A_182, %dma_wait3A_192] : memref<10240x64xf32, #tpu.memory_space<vmem_shared>> -> memref<32x64xf32, #tpu.memory_space<vmem_shared>>
      %dma_wait3A_194 = arith.constant 0 : i32
      %dma_wait3A_195 = tpu.memref_slice %arg11[%add3A_182, %dma_wait3A_194] : memref<10240x64xf32, #tpu.memory_space<vmem_shared>> -> memref<32x64xf32, #tpu.memory_space<vmem_shared>>
      tpu.wait_dma2 semaphore(%run_scoped3A_187 : memref<!tpu.dma_semaphore, #tpu.memory_space<semaphore_mem>>) src(%dma_wait3A_195 : memref<32x64xf32, #tpu.memory_space<vmem_shared>>) dst(%arg10 : memref<32x64xf32, #tpu.memory_space<vmem>>)
      tpu.yield
    }) : () -> ()
    "tpu.region"() ({
      %run_scoped3A_187 = tpu.sem_alloc : memref<!tpu.dma_semaphore, #tpu.memory_space<semaphore_mem>>
      %dma_start3A_188 = arith.constant 0 : i32
      %dma_start3A_189 = tpu.memref_slice %arg5[%arg0, %add3A_182, %dma_start3A_188] : memref<2x10240x64xf32, #tpu.memory_space<hbm>> -> memref<1x32x64xf32, #tpu.memory_space<hbm>>
      %dma_start3A_190 = tpu.memref_squeeze %dma_start3A_189 : memref<1x32x64xf32, #tpu.memory_space<hbm>> -> memref<32x64xf32, #tpu.memory_space<hbm>>
      %dma_start3A_191 = arith.constant 0 : i32
      %dma_start3A_192 = tpu.memref_slice %arg5[%arg0, %add3A_182, %dma_start3A_191] : memref<2x10240x64xf32, #tpu.memory_space<hbm>> -> memref<1x32x64xf32, #tpu.memory_space<hbm>>
      %dma_start3A_193 = tpu.memref_squeeze %dma_start3A_192 : memref<1x32x64xf32, #tpu.memory_space<hbm>> -> memref<32x64xf32, #tpu.memory_space<hbm>>
      tpu.enqueue_dma source(%arg10 : memref<32x64xf32, #tpu.memory_space<vmem>>) target(%dma_start3A_193 : memref<32x64xf32, #tpu.memory_space<hbm>>) target_semaphore(%run_scoped3A_187 : memref<!tpu.dma_semaphore, #tpu.memory_space<semaphore_mem>>)
      %dma_wait3A_194 = arith.constant 0 : i32
      %dma_wait3A_195 = tpu.memref_slice %arg5[%arg0, %add3A_182, %dma_wait3A_194] : memref<2x10240x64xf32, #tpu.memory_space<hbm>> -> memref<1x32x64xf32, #tpu.memory_space<hbm>>
      %dma_wait3A_196 = tpu.memref_squeeze %dma_wait3A_195 : memref<1x32x64xf32, #tpu.memory_space<hbm>> -> memref<32x64xf32, #tpu.memory_space<hbm>>
      %dma_wait3A_197 = arith.constant 0 : i32
      %dma_wait3A_198 = tpu.memref_slice %arg5[%arg0, %add3A_182, %dma_wait3A_197] : memref<2x10240x64xf32, #tpu.memory_space<hbm>> -> memref<1x32x64xf32, #tpu.memory_space<hbm>>
      %dma_wait3A_199 = tpu.memref_squeeze %dma_wait3A_198 : memref<1x32x64xf32, #tpu.memory_space<hbm>> -> memref<32x64xf32, #tpu.memory_space<hbm>>
      tpu.wait_dma2 semaphore(%run_scoped3A_187 : memref<!tpu.dma_semaphore, #tpu.memory_space<semaphore_mem>>) src(%arg10 : memref<32x64xf32, #tpu.memory_space<vmem>>) dst(%dma_wait3A_199 : memref<32x64xf32, #tpu.memory_space<hbm>>)
      tpu.yield
    }) : () -> ()
    %mul3A_183 = arith.constant 640 : i32
    %mul3A_184 = arith.muli %arg1, %mul3A_183 : i32
    %add3A_185 = arith.constant 608 : i32
    %add3A_186 = arith.addi %mul3A_184, %add3A_185 : i32
    "tpu.region"() ({
      %run_scoped3A_187 = tpu.sem_alloc : memref<!tpu.dma_semaphore, #tpu.memory_space<semaphore_mem>>
      %dma_start3A_188 = arith.constant 0 : i32
      %dma_start3A_189 = tpu.memref_slice %arg11[%add3A_186, %dma_start3A_188] : memref<10240x64xf32, #tpu.memory_space<vmem_shared>> -> memref<32x64xf32, #tpu.memory_space<vmem_shared>>
      %dma_start3A_190 = arith.constant 0 : i32
      %dma_start3A_191 = tpu.memref_slice %arg11[%add3A_186, %dma_start3A_190] : memref<10240x64xf32, #tpu.memory_space<vmem_shared>> -> memref<32x64xf32, #tpu.memory_space<vmem_shared>>
      tpu.enqueue_dma source(%dma_start3A_191 : memref<32x64xf32, #tpu.memory_space<vmem_shared>>) target(%arg10 : memref<32x64xf32, #tpu.memory_space<vmem>>) target_semaphore(%run_scoped3A_187 : memref<!tpu.dma_semaphore, #tpu.memory_space<semaphore_mem>>)
      %dma_wait3A_192 = arith.constant 0 : i32
      %dma_wait3A_193 = tpu.memref_slice %arg11[%add3A_186, %dma_wait3A_192] : memref<10240x64xf32, #tpu.memory_space<vmem_shared>> -> memref<32x64xf32, #tpu.memory_space<vmem_shared>>
      %dma_wait3A_194 = arith.constant 0 : i32
      %dma_wait3A_195 = tpu.memref_slice %arg11[%add3A_186, %dma_wait3A_194] : memref<10240x64xf32, #tpu.memory_space<vmem_shared>> -> memref<32x64xf32, #tpu.memory_space<vmem_shared>>
      tpu.wait_dma2 semaphore(%run_scoped3A_187 : memref<!tpu.dma_semaphore, #tpu.memory_space<semaphore_mem>>) src(%dma_wait3A_195 : memref<32x64xf32, #tpu.memory_space<vmem_shared>>) dst(%arg10 : memref<32x64xf32, #tpu.memory_space<vmem>>)
      tpu.yield
    }) : () -> ()
    "tpu.region"() ({
      %run_scoped3A_187 = tpu.sem_alloc : memref<!tpu.dma_semaphore, #tpu.memory_space<semaphore_mem>>
      %dma_start3A_188 = arith.constant 0 : i32
      %dma_start3A_189 = tpu.memref_slice %arg5[%arg0, %add3A_186, %dma_start3A_188] : memref<2x10240x64xf32, #tpu.memory_space<hbm>> -> memref<1x32x64xf32, #tpu.memory_space<hbm>>
      %dma_start3A_190 = tpu.memref_squeeze %dma_start3A_189 : memref<1x32x64xf32, #tpu.memory_space<hbm>> -> memref<32x64xf32, #tpu.memory_space<hbm>>
      %dma_start3A_191 = arith.constant 0 : i32
      %dma_start3A_192 = tpu.memref_slice %arg5[%arg0, %add3A_186, %dma_start3A_191] : memref<2x10240x64xf32, #tpu.memory_space<hbm>> -> memref<1x32x64xf32, #tpu.memory_space<hbm>>
      %dma_start3A_193 = tpu.memref_squeeze %dma_start3A_192 : memref<1x32x64xf32, #tpu.memory_space<hbm>> -> memref<32x64xf32, #tpu.memory_space<hbm>>
      tpu.enqueue_dma source(%arg10 : memref<32x64xf32, #tpu.memory_space<vmem>>) target(%dma_start3A_193 : memref<32x64xf32, #tpu.memory_space<hbm>>) target_semaphore(%run_scoped3A_187 : memref<!tpu.dma_semaphore, #tpu.memory_space<semaphore_mem>>)
      %dma_wait3A_194 = arith.constant 0 : i32
      %dma_wait3A_195 = tpu.memref_slice %arg5[%arg0, %add3A_186, %dma_wait3A_194] : memref<2x10240x64xf32, #tpu.memory_space<hbm>> -> memref<1x32x64xf32, #tpu.memory_space<hbm>>
      %dma_wait3A_196 = tpu.memref_squeeze %dma_wait3A_195 : memref<1x32x64xf32, #tpu.memory_space<hbm>> -> memref<32x64xf32, #tpu.memory_space<hbm>>
      %dma_wait3A_197 = arith.constant 0 : i32
      %dma_wait3A_198 = tpu.memref_slice %arg5[%arg0, %add3A_186, %dma_wait3A_197] : memref<2x10240x64xf32, #tpu.memory_space<hbm>> -> memref<1x32x64xf32, #tpu.memory_space<hbm>>
      %dma_wait3A_199 = tpu.memref_squeeze %dma_wait3A_198 : memref<1x32x64xf32, #tpu.memory_space<hbm>> -> memref<32x64xf32, #tpu.memory_space<hbm>>
      tpu.wait_dma2 semaphore(%run_scoped3A_187 : memref<!tpu.dma_semaphore, #tpu.memory_space<semaphore_mem>>) src(%arg10 : memref<32x64xf32, #tpu.memory_space<vmem>>) dst(%dma_wait3A_199 : memref<32x64xf32, #tpu.memory_space<hbm>>)
      tpu.yield
    }) : () -> ()
    return
  }
}

#map = affine_map<(d0, d1) -> (0, 0)>
#map1 = affine_map<(d0, d1) -> (0, 0, 0)>
module attributes {stable_mosaic.version = 14 : i64} {
  func.func @agg(%arg0: i32, %arg1: i32, %arg2: memref<10000x128xf32, #tpu.memory_space<hbm>>, %arg3: memref<32x125x80xi32, #tpu.memory_space<hbm>>, %arg4: memref<32x125x80xi32, #tpu.memory_space<hbm>>, %arg5: memref<2x10240x128xf32, #tpu.memory_space<hbm>>, %arg6: memref<125x80xi32, #tpu.memory_space<vmem>>, %arg7: memref<125x80xi32, #tpu.memory_space<vmem>>, %arg8: memref<80x128xf32, #tpu.memory_space<vmem>>, %arg9: memref<80x128xf32, #tpu.memory_space<vmem>>, %arg10: memref<32x128xf32, #tpu.memory_space<vmem>>, %arg11: memref<10240x128xf32, #tpu.memory_space<vmem_shared>>, %arg12: memref<!tpu.dma_semaphore, #tpu.memory_space<semaphore_mem>>, %arg13: memref<!tpu.dma_semaphore, #tpu.memory_space<semaphore_mem>>) attributes {dimension_semantics = [#tpu.dimension_semantics<core_parallel>, #tpu.dimension_semantics<subcore_parallel>], iteration_bounds = array<i64: 2, 16>, scalar_prefetch = 0 : i64, scratch_operands = 8 : i64, tpu.core_type = #tpu.core_type<sc_vector_subcore>, window_params = [{transform_indices = #map}, {transform_indices = #map1}, {transform_indices = #map1}, {transform_indices = #map1}]} {
    %mul3A = arith.constant 16 : i32
    %mul3A_0 = arith.muli %arg0, %mul3A : i32
    %add3A = arith.addi %mul3A_0, %arg1 : i32
    %scan3A = arith.constant 0 : i32
    %scan3A_1 = arith.constant 0 : i32
    %scan3A_2 = arith.constant 256 : i32
    %scan3A_3 = arith.addi %scan3A_1, %scan3A_2 : i32
    %scan3A_4 = arith.constant 1 : i32
    %scan3A_5 = scf.for %scan3A_187 = %scan3A_1 to %scan3A_3 step %scan3A_4 iter_args(%scan3A_188 = %scan3A) -> (i32)  : i32 {
      %broadcast_in_dim3A = arith.constant 0.000000e+00 : f32
      %broadcast_in_dim3A_189 = vector.broadcast %broadcast_in_dim3A : f32 to vector<16xf32>
      %jit3A = arith.constant 8 : i32
      %div3A = arith.divsi %scan3A_187, %jit3A : i32
      %sign3A = arith.constant 0 : i32
      %sign3A_190 = arith.cmpi sgt, %scan3A_187, %sign3A : i32
      %sign3A_191 = arith.extui %sign3A_190 : i1 to i32
      %sign3A_192 = arith.constant 0 : i32
      %sign3A_193 = arith.cmpi slt, %scan3A_187, %sign3A_192 : i32
      %sign3A_194 = arith.extui %sign3A_193 : i1 to i32
      %sign3A_195 = arith.subi %sign3A_191, %sign3A_194 : i32
      %sign3A_196 = arith.constant 0 : i32
      %sign3A_197 = arith.cmpi sgt, %jit3A, %sign3A_196 : i32
      %sign3A_198 = arith.extui %sign3A_197 : i1 to i32
      %sign3A_199 = arith.constant 0 : i32
      %sign3A_200 = arith.cmpi slt, %jit3A, %sign3A_199 : i32
      %sign3A_201 = arith.extui %sign3A_200 : i1 to i32
      %sign3A_202 = arith.subi %sign3A_198, %sign3A_201 : i32
      %ne3A = arith.cmpi ne, %sign3A_195, %sign3A_202 : i32
      %rem3A = arith.remsi %scan3A_187, %jit3A : i32
      %ne3A_203 = arith.constant 0 : i32
      %ne3A_204 = arith.cmpi ne, %rem3A, %ne3A_203 : i32
      %and3A = arith.andi %ne3A, %ne3A_204 : i1
      %sub3A = arith.constant 1 : i32
      %sub3A_205 = arith.subi %div3A, %sub3A : i32
      %select_n3A = arith.select %and3A, %sub3A_205, %div3A : i32
      %jit3A_206 = arith.constant 8 : i32
      %eq3A = arith.constant 0 : i32
      %eq3A_207 = arith.cmpi eq, %jit3A_206, %eq3A : i32
      %jit3A_208 = arith.constant 1 : i32
      %select_n3A_209 = arith.select %eq3A_207, %jit3A_208, %jit3A_206 : i32
      %rem3A_210 = arith.remsi %scan3A_187, %select_n3A_209 : i32
      %ne3A_211 = arith.constant 0 : i32
      %ne3A_212 = arith.cmpi ne, %rem3A_210, %ne3A_211 : i32
      %lt3A = arith.constant 0 : i32
      %lt3A_213 = arith.cmpi slt, %rem3A_210, %lt3A : i32
      %lt3A_214 = arith.constant 0 : i32
      %lt3A_215 = arith.cmpi slt, %select_n3A_209, %lt3A_214 : i32
      %ne3A_216 = arith.xori %lt3A_213, %lt3A_215 : i1
      %and3A_217 = arith.andi %ne3A_216, %ne3A_212 : i1
      %add3A_218 = arith.addi %rem3A_210, %select_n3A_209 : i32
      %select_n3A_219 = arith.select %and3A_217, %add3A_218, %rem3A_210 : i32
      %mul3A_220 = arith.constant 16 : i32
      %mul3A_221 = arith.muli %select_n3A_219, %mul3A_220 : i32
      %swap3A = arith.index_cast %select_n3A : i32 to index
      %swap3A_222 = arith.index_cast %mul3A_221 : i32 to index
      %swap3A_223 = tpu.vector_load %arg10[%swap3A, %swap3A_222] {strides = array<i32>} : memref<32x128xf32, #tpu.memory_space<vmem>>, vector<1x16xf32>,
      %swap3A_224 = vector.shape_cast %swap3A_223 : vector<1x16xf32> to vector<16xf32>
      %swap3A_225 = vector.shape_cast %broadcast_in_dim3A_189 : vector<16xf32> to vector<1x16xf32>
      tpu.vector_store %arg10[%swap3A, %swap3A_222], %swap3A_225 {strides = array<i32>} : memref<32x128xf32, #tpu.memory_space<vmem>>, vector<1x16xf32>,
      %scan3A_226 = arith.constant 0 : i32
      scf.yield %scan3A_226 : i32
    }
    %scan3A_6 = arith.constant 256 : i32
    "tpu.region"() ({
      %run_scoped3A_187 = tpu.sem_alloc : memref<!tpu.dma_semaphore, #tpu.memory_space<semaphore_mem>>
      %dma_start3A_188 = arith.constant 0 : i32
      %dma_start3A_189 = arith.constant 0 : i32
      %dma_start3A_190 = tpu.memref_slice %arg3[%add3A, %dma_start3A_188, %dma_start3A_189] : memref<32x125x80xi32, #tpu.memory_space<hbm>> -> memref<1x125x80xi32, #tpu.memory_space<hbm>>
      %dma_start3A_191 = tpu.memref_squeeze %dma_start3A_190 : memref<1x125x80xi32, #tpu.memory_space<hbm>> -> memref<125x80xi32, #tpu.memory_space<hbm>>
      %dma_start3A_192 = arith.constant 0 : i32
      %dma_start3A_193 = arith.constant 0 : i32
      %dma_start3A_194 = tpu.memref_slice %arg3[%add3A, %dma_start3A_192, %dma_start3A_193] : memref<32x125x80xi32, #tpu.memory_space<hbm>> -> memref<1x125x80xi32, #tpu.memory_space<hbm>>
      %dma_start3A_195 = tpu.memref_squeeze %dma_start3A_194 : memref<1x125x80xi32, #tpu.memory_space<hbm>> -> memref<125x80xi32, #tpu.memory_space<hbm>>
      tpu.enqueue_dma source(%dma_start3A_195 : memref<125x80xi32, #tpu.memory_space<hbm>>) target(%arg6 : memref<125x80xi32, #tpu.memory_space<vmem>>) target_semaphore(%run_scoped3A_187 : memref<!tpu.dma_semaphore, #tpu.memory_space<semaphore_mem>>)
      %dma_wait3A_196 = arith.constant 0 : i32
      %dma_wait3A_197 = arith.constant 0 : i32
      %dma_wait3A_198 = tpu.memref_slice %arg3[%add3A, %dma_wait3A_196, %dma_wait3A_197] : memref<32x125x80xi32, #tpu.memory_space<hbm>> -> memref<1x125x80xi32, #tpu.memory_space<hbm>>
      %dma_wait3A_199 = tpu.memref_squeeze %dma_wait3A_198 : memref<1x125x80xi32, #tpu.memory_space<hbm>> -> memref<125x80xi32, #tpu.memory_space<hbm>>
      %dma_wait3A_200 = arith.constant 0 : i32
      %dma_wait3A_201 = arith.constant 0 : i32
      %dma_wait3A_202 = tpu.memref_slice %arg3[%add3A, %dma_wait3A_200, %dma_wait3A_201] : memref<32x125x80xi32, #tpu.memory_space<hbm>> -> memref<1x125x80xi32, #tpu.memory_space<hbm>>
      %dma_wait3A_203 = tpu.memref_squeeze %dma_wait3A_202 : memref<1x125x80xi32, #tpu.memory_space<hbm>> -> memref<125x80xi32, #tpu.memory_space<hbm>>
      tpu.wait_dma2 semaphore(%run_scoped3A_187 : memref<!tpu.dma_semaphore, #tpu.memory_space<semaphore_mem>>) src(%dma_wait3A_203 : memref<125x80xi32, #tpu.memory_space<hbm>>) dst(%arg6 : memref<125x80xi32, #tpu.memory_space<vmem>>)
      tpu.yield
    }) : () -> ()
    "tpu.region"() ({
      %run_scoped3A_187 = tpu.sem_alloc : memref<!tpu.dma_semaphore, #tpu.memory_space<semaphore_mem>>
      %dma_start3A_188 = arith.constant 0 : i32
      %dma_start3A_189 = arith.constant 0 : i32
      %dma_start3A_190 = tpu.memref_slice %arg4[%add3A, %dma_start3A_188, %dma_start3A_189] : memref<32x125x80xi32, #tpu.memory_space<hbm>> -> memref<1x125x80xi32, #tpu.memory_space<hbm>>
      %dma_start3A_191 = tpu.memref_squeeze %dma_start3A_190 : memref<1x125x80xi32, #tpu.memory_space<hbm>> -> memref<125x80xi32, #tpu.memory_space<hbm>>
      %dma_start3A_192 = arith.constant 0 : i32
      %dma_start3A_193 = arith.constant 0 : i32
      %dma_start3A_194 = tpu.memref_slice %arg4[%add3A, %dma_start3A_192, %dma_start3A_193] : memref<32x125x80xi32, #tpu.memory_space<hbm>> -> memref<1x125x80xi32, #tpu.memory_space<hbm>>
      %dma_start3A_195 = tpu.memref_squeeze %dma_start3A_194 : memref<1x125x80xi32, #tpu.memory_space<hbm>> -> memref<125x80xi32, #tpu.memory_space<hbm>>
      tpu.enqueue_dma source(%dma_start3A_195 : memref<125x80xi32, #tpu.memory_space<hbm>>) target(%arg7 : memref<125x80xi32, #tpu.memory_space<vmem>>) target_semaphore(%run_scoped3A_187 : memref<!tpu.dma_semaphore, #tpu.memory_space<semaphore_mem>>)
      %dma_wait3A_196 = arith.constant 0 : i32
      %dma_wait3A_197 = arith.constant 0 : i32
      %dma_wait3A_198 = tpu.memref_slice %arg4[%add3A, %dma_wait3A_196, %dma_wait3A_197] : memref<32x125x80xi32, #tpu.memory_space<hbm>> -> memref<1x125x80xi32, #tpu.memory_space<hbm>>
      %dma_wait3A_199 = tpu.memref_squeeze %dma_wait3A_198 : memref<1x125x80xi32, #tpu.memory_space<hbm>> -> memref<125x80xi32, #tpu.memory_space<hbm>>
      %dma_wait3A_200 = arith.constant 0 : i32
      %dma_wait3A_201 = arith.constant 0 : i32
      %dma_wait3A_202 = tpu.memref_slice %arg4[%add3A, %dma_wait3A_200, %dma_wait3A_201] : memref<32x125x80xi32, #tpu.memory_space<hbm>> -> memref<1x125x80xi32, #tpu.memory_space<hbm>>
      %dma_wait3A_203 = tpu.memref_squeeze %dma_wait3A_202 : memref<1x125x80xi32, #tpu.memory_space<hbm>> -> memref<125x80xi32, #tpu.memory_space<hbm>>
      tpu.wait_dma2 semaphore(%run_scoped3A_187 : memref<!tpu.dma_semaphore, #tpu.memory_space<semaphore_mem>>) src(%dma_wait3A_203 : memref<125x80xi32, #tpu.memory_space<hbm>>) dst(%arg7 : memref<125x80xi32, #tpu.memory_space<vmem>>)
      tpu.yield
    }) : () -> ()
    %mul3A_7 = arith.constant 640 : i32
    %mul3A_8 = arith.muli %arg1, %mul3A_7 : i32
    %add3A_9 = arith.constant 0 : i32
    %add3A_10 = arith.addi %mul3A_8, %add3A_9 : i32
    "tpu.region"() ({
      %run_scoped3A_187 = tpu.sem_alloc : memref<!tpu.dma_semaphore, #tpu.memory_space<semaphore_mem>>
      %dma_start3A_188 = arith.constant 0 : i32
      %dma_start3A_189 = tpu.memref_slice %arg11[%add3A_10, %dma_start3A_188] : memref<10240x128xf32, #tpu.memory_space<vmem_shared>> -> memref<32x128xf32, #tpu.memory_space<vmem_shared>>
      %dma_start3A_190 = arith.constant 0 : i32
      %dma_start3A_191 = tpu.memref_slice %arg11[%add3A_10, %dma_start3A_190] : memref<10240x128xf32, #tpu.memory_space<vmem_shared>> -> memref<32x128xf32, #tpu.memory_space<vmem_shared>>
      tpu.enqueue_dma source(%arg10 : memref<32x128xf32, #tpu.memory_space<vmem>>) target(%dma_start3A_191 : memref<32x128xf32, #tpu.memory_space<vmem_shared>>) target_semaphore(%run_scoped3A_187 : memref<!tpu.dma_semaphore, #tpu.memory_space<semaphore_mem>>)
      %dma_wait3A_192 = arith.constant 0 : i32
      %dma_wait3A_193 = tpu.memref_slice %arg11[%add3A_10, %dma_wait3A_192] : memref<10240x128xf32, #tpu.memory_space<vmem_shared>> -> memref<32x128xf32, #tpu.memory_space<vmem_shared>>
      %dma_wait3A_194 = arith.constant 0 : i32
      %dma_wait3A_195 = tpu.memref_slice %arg11[%add3A_10, %dma_wait3A_194] : memref<10240x128xf32, #tpu.memory_space<vmem_shared>> -> memref<32x128xf32, #tpu.memory_space<vmem_shared>>
      tpu.wait_dma2 semaphore(%run_scoped3A_187 : memref<!tpu.dma_semaphore, #tpu.memory_space<semaphore_mem>>) src(%arg10 : memref<32x128xf32, #tpu.memory_space<vmem>>) dst(%dma_wait3A_195 : memref<32x128xf32, #tpu.memory_space<vmem_shared>>)
      tpu.yield
    }) : () -> ()
    %mul3A_11 = arith.constant 640 : i32
    %mul3A_12 = arith.muli %arg1, %mul3A_11 : i32
    %add3A_13 = arith.constant 32 : i32
    %add3A_14 = arith.addi %mul3A_12, %add3A_13 : i32
    "tpu.region"() ({
      %run_scoped3A_187 = tpu.sem_alloc : memref<!tpu.dma_semaphore, #tpu.memory_space<semaphore_mem>>
      %dma_start3A_188 = arith.constant 0 : i32
      %dma_start3A_189 = tpu.memref_slice %arg11[%add3A_14, %dma_start3A_188] : memref<10240x128xf32, #tpu.memory_space<vmem_shared>> -> memref<32x128xf32, #tpu.memory_space<vmem_shared>>
      %dma_start3A_190 = arith.constant 0 : i32
      %dma_start3A_191 = tpu.memref_slice %arg11[%add3A_14, %dma_start3A_190] : memref<10240x128xf32, #tpu.memory_space<vmem_shared>> -> memref<32x128xf32, #tpu.memory_space<vmem_shared>>
      tpu.enqueue_dma source(%arg10 : memref<32x128xf32, #tpu.memory_space<vmem>>) target(%dma_start3A_191 : memref<32x128xf32, #tpu.memory_space<vmem_shared>>) target_semaphore(%run_scoped3A_187 : memref<!tpu.dma_semaphore, #tpu.memory_space<semaphore_mem>>)
      %dma_wait3A_192 = arith.constant 0 : i32
      %dma_wait3A_193 = tpu.memref_slice %arg11[%add3A_14, %dma_wait3A_192] : memref<10240x128xf32, #tpu.memory_space<vmem_shared>> -> memref<32x128xf32, #tpu.memory_space<vmem_shared>>
      %dma_wait3A_194 = arith.constant 0 : i32
      %dma_wait3A_195 = tpu.memref_slice %arg11[%add3A_14, %dma_wait3A_194] : memref<10240x128xf32, #tpu.memory_space<vmem_shared>> -> memref<32x128xf32, #tpu.memory_space<vmem_shared>>
      tpu.wait_dma2 semaphore(%run_scoped3A_187 : memref<!tpu.dma_semaphore, #tpu.memory_space<semaphore_mem>>) src(%arg10 : memref<32x128xf32, #tpu.memory_space<vmem>>) dst(%dma_wait3A_195 : memref<32x128xf32, #tpu.memory_space<vmem_shared>>)
      tpu.yield
    }) : () -> ()
    %mul3A_15 = arith.constant 640 : i32
    %mul3A_16 = arith.muli %arg1, %mul3A_15 : i32
    %add3A_17 = arith.constant 64 : i32
    %add3A_18 = arith.addi %mul3A_16, %add3A_17 : i32
    "tpu.region"() ({
      %run_scoped3A_187 = tpu.sem_alloc : memref<!tpu.dma_semaphore, #tpu.memory_space<semaphore_mem>>
      %dma_start3A_188 = arith.constant 0 : i32
      %dma_start3A_189 = tpu.memref_slice %arg11[%add3A_18, %dma_start3A_188] : memref<10240x128xf32, #tpu.memory_space<vmem_shared>> -> memref<32x128xf32, #tpu.memory_space<vmem_shared>>
      %dma_start3A_190 = arith.constant 0 : i32
      %dma_start3A_191 = tpu.memref_slice %arg11[%add3A_18, %dma_start3A_190] : memref<10240x128xf32, #tpu.memory_space<vmem_shared>> -> memref<32x128xf32, #tpu.memory_space<vmem_shared>>
      tpu.enqueue_dma source(%arg10 : memref<32x128xf32, #tpu.memory_space<vmem>>) target(%dma_start3A_191 : memref<32x128xf32, #tpu.memory_space<vmem_shared>>) target_semaphore(%run_scoped3A_187 : memref<!tpu.dma_semaphore, #tpu.memory_space<semaphore_mem>>)
      %dma_wait3A_192 = arith.constant 0 : i32
      %dma_wait3A_193 = tpu.memref_slice %arg11[%add3A_18, %dma_wait3A_192] : memref<10240x128xf32, #tpu.memory_space<vmem_shared>> -> memref<32x128xf32, #tpu.memory_space<vmem_shared>>
      %dma_wait3A_194 = arith.constant 0 : i32
      %dma_wait3A_195 = tpu.memref_slice %arg11[%add3A_18, %dma_wait3A_194] : memref<10240x128xf32, #tpu.memory_space<vmem_shared>> -> memref<32x128xf32, #tpu.memory_space<vmem_shared>>
      tpu.wait_dma2 semaphore(%run_scoped3A_187 : memref<!tpu.dma_semaphore, #tpu.memory_space<semaphore_mem>>) src(%arg10 : memref<32x128xf32, #tpu.memory_space<vmem>>) dst(%dma_wait3A_195 : memref<32x128xf32, #tpu.memory_space<vmem_shared>>)
      tpu.yield
    }) : () -> ()
    %mul3A_19 = arith.constant 640 : i32
    %mul3A_20 = arith.muli %arg1, %mul3A_19 : i32
    %add3A_21 = arith.constant 96 : i32
    %add3A_22 = arith.addi %mul3A_20, %add3A_21 : i32
    "tpu.region"() ({
      %run_scoped3A_187 = tpu.sem_alloc : memref<!tpu.dma_semaphore, #tpu.memory_space<semaphore_mem>>
      %dma_start3A_188 = arith.constant 0 : i32
      %dma_start3A_189 = tpu.memref_slice %arg11[%add3A_22, %dma_start3A_188] : memref<10240x128xf32, #tpu.memory_space<vmem_shared>> -> memref<32x128xf32, #tpu.memory_space<vmem_shared>>
      %dma_start3A_190 = arith.constant 0 : i32
      %dma_start3A_191 = tpu.memref_slice %arg11[%add3A_22, %dma_start3A_190] : memref<10240x128xf32, #tpu.memory_space<vmem_shared>> -> memref<32x128xf32, #tpu.memory_space<vmem_shared>>
      tpu.enqueue_dma source(%arg10 : memref<32x128xf32, #tpu.memory_space<vmem>>) target(%dma_start3A_191 : memref<32x128xf32, #tpu.memory_space<vmem_shared>>) target_semaphore(%run_scoped3A_187 : memref<!tpu.dma_semaphore, #tpu.memory_space<semaphore_mem>>)
      %dma_wait3A_192 = arith.constant 0 : i32
      %dma_wait3A_193 = tpu.memref_slice %arg11[%add3A_22, %dma_wait3A_192] : memref<10240x128xf32, #tpu.memory_space<vmem_shared>> -> memref<32x128xf32, #tpu.memory_space<vmem_shared>>
      %dma_wait3A_194 = arith.constant 0 : i32
      %dma_wait3A_195 = tpu.memref_slice %arg11[%add3A_22, %dma_wait3A_194] : memref<10240x128xf32, #tpu.memory_space<vmem_shared>> -> memref<32x128xf32, #tpu.memory_space<vmem_shared>>
      tpu.wait_dma2 semaphore(%run_scoped3A_187 : memref<!tpu.dma_semaphore, #tpu.memory_space<semaphore_mem>>) src(%arg10 : memref<32x128xf32, #tpu.memory_space<vmem>>) dst(%dma_wait3A_195 : memref<32x128xf32, #tpu.memory_space<vmem_shared>>)
      tpu.yield
    }) : () -> ()
    %mul3A_23 = arith.constant 640 : i32
    %mul3A_24 = arith.muli %arg1, %mul3A_23 : i32
    %add3A_25 = arith.constant 128 : i32
    %add3A_26 = arith.addi %mul3A_24, %add3A_25 : i32
    "tpu.region"() ({
      %run_scoped3A_187 = tpu.sem_alloc : memref<!tpu.dma_semaphore, #tpu.memory_space<semaphore_mem>>
      %dma_start3A_188 = arith.constant 0 : i32
      %dma_start3A_189 = tpu.memref_slice %arg11[%add3A_26, %dma_start3A_188] : memref<10240x128xf32, #tpu.memory_space<vmem_shared>> -> memref<32x128xf32, #tpu.memory_space<vmem_shared>>
      %dma_start3A_190 = arith.constant 0 : i32
      %dma_start3A_191 = tpu.memref_slice %arg11[%add3A_26, %dma_start3A_190] : memref<10240x128xf32, #tpu.memory_space<vmem_shared>> -> memref<32x128xf32, #tpu.memory_space<vmem_shared>>
      tpu.enqueue_dma source(%arg10 : memref<32x128xf32, #tpu.memory_space<vmem>>) target(%dma_start3A_191 : memref<32x128xf32, #tpu.memory_space<vmem_shared>>) target_semaphore(%run_scoped3A_187 : memref<!tpu.dma_semaphore, #tpu.memory_space<semaphore_mem>>)
      %dma_wait3A_192 = arith.constant 0 : i32
      %dma_wait3A_193 = tpu.memref_slice %arg11[%add3A_26, %dma_wait3A_192] : memref<10240x128xf32, #tpu.memory_space<vmem_shared>> -> memref<32x128xf32, #tpu.memory_space<vmem_shared>>
      %dma_wait3A_194 = arith.constant 0 : i32
      %dma_wait3A_195 = tpu.memref_slice %arg11[%add3A_26, %dma_wait3A_194] : memref<10240x128xf32, #tpu.memory_space<vmem_shared>> -> memref<32x128xf32, #tpu.memory_space<vmem_shared>>
      tpu.wait_dma2 semaphore(%run_scoped3A_187 : memref<!tpu.dma_semaphore, #tpu.memory_space<semaphore_mem>>) src(%arg10 : memref<32x128xf32, #tpu.memory_space<vmem>>) dst(%dma_wait3A_195 : memref<32x128xf32, #tpu.memory_space<vmem_shared>>)
      tpu.yield
    }) : () -> ()
    %mul3A_27 = arith.constant 640 : i32
    %mul3A_28 = arith.muli %arg1, %mul3A_27 : i32
    %add3A_29 = arith.constant 160 : i32
    %add3A_30 = arith.addi %mul3A_28, %add3A_29 : i32
    "tpu.region"() ({
      %run_scoped3A_187 = tpu.sem_alloc : memref<!tpu.dma_semaphore, #tpu.memory_space<semaphore_mem>>
      %dma_start3A_188 = arith.constant 0 : i32
      %dma_start3A_189 = tpu.memref_slice %arg11[%add3A_30, %dma_start3A_188] : memref<10240x128xf32, #tpu.memory_space<vmem_shared>> -> memref<32x128xf32, #tpu.memory_space<vmem_shared>>
      %dma_start3A_190 = arith.constant 0 : i32
      %dma_start3A_191 = tpu.memref_slice %arg11[%add3A_30, %dma_start3A_190] : memref<10240x128xf32, #tpu.memory_space<vmem_shared>> -> memref<32x128xf32, #tpu.memory_space<vmem_shared>>
      tpu.enqueue_dma source(%arg10 : memref<32x128xf32, #tpu.memory_space<vmem>>) target(%dma_start3A_191 : memref<32x128xf32, #tpu.memory_space<vmem_shared>>) target_semaphore(%run_scoped3A_187 : memref<!tpu.dma_semaphore, #tpu.memory_space<semaphore_mem>>)
      %dma_wait3A_192 = arith.constant 0 : i32
      %dma_wait3A_193 = tpu.memref_slice %arg11[%add3A_30, %dma_wait3A_192] : memref<10240x128xf32, #tpu.memory_space<vmem_shared>> -> memref<32x128xf32, #tpu.memory_space<vmem_shared>>
      %dma_wait3A_194 = arith.constant 0 : i32
      %dma_wait3A_195 = tpu.memref_slice %arg11[%add3A_30, %dma_wait3A_194] : memref<10240x128xf32, #tpu.memory_space<vmem_shared>> -> memref<32x128xf32, #tpu.memory_space<vmem_shared>>
      tpu.wait_dma2 semaphore(%run_scoped3A_187 : memref<!tpu.dma_semaphore, #tpu.memory_space<semaphore_mem>>) src(%arg10 : memref<32x128xf32, #tpu.memory_space<vmem>>) dst(%dma_wait3A_195 : memref<32x128xf32, #tpu.memory_space<vmem_shared>>)
      tpu.yield
    }) : () -> ()
    %mul3A_31 = arith.constant 640 : i32
    %mul3A_32 = arith.muli %arg1, %mul3A_31 : i32
    %add3A_33 = arith.constant 192 : i32
    %add3A_34 = arith.addi %mul3A_32, %add3A_33 : i32
    "tpu.region"() ({
      %run_scoped3A_187 = tpu.sem_alloc : memref<!tpu.dma_semaphore, #tpu.memory_space<semaphore_mem>>
      %dma_start3A_188 = arith.constant 0 : i32
      %dma_start3A_189 = tpu.memref_slice %arg11[%add3A_34, %dma_start3A_188] : memref<10240x128xf32, #tpu.memory_space<vmem_shared>> -> memref<32x128xf32, #tpu.memory_space<vmem_shared>>
      %dma_start3A_190 = arith.constant 0 : i32
      %dma_start3A_191 = tpu.memref_slice %arg11[%add3A_34, %dma_start3A_190] : memref<10240x128xf32, #tpu.memory_space<vmem_shared>> -> memref<32x128xf32, #tpu.memory_space<vmem_shared>>
      tpu.enqueue_dma source(%arg10 : memref<32x128xf32, #tpu.memory_space<vmem>>) target(%dma_start3A_191 : memref<32x128xf32, #tpu.memory_space<vmem_shared>>) target_semaphore(%run_scoped3A_187 : memref<!tpu.dma_semaphore, #tpu.memory_space<semaphore_mem>>)
      %dma_wait3A_192 = arith.constant 0 : i32
      %dma_wait3A_193 = tpu.memref_slice %arg11[%add3A_34, %dma_wait3A_192] : memref<10240x128xf32, #tpu.memory_space<vmem_shared>> -> memref<32x128xf32, #tpu.memory_space<vmem_shared>>
      %dma_wait3A_194 = arith.constant 0 : i32
      %dma_wait3A_195 = tpu.memref_slice %arg11[%add3A_34, %dma_wait3A_194] : memref<10240x128xf32, #tpu.memory_space<vmem_shared>> -> memref<32x128xf32, #tpu.memory_space<vmem_shared>>
      tpu.wait_dma2 semaphore(%run_scoped3A_187 : memref<!tpu.dma_semaphore, #tpu.memory_space<semaphore_mem>>) src(%arg10 : memref<32x128xf32, #tpu.memory_space<vmem>>) dst(%dma_wait3A_195 : memref<32x128xf32, #tpu.memory_space<vmem_shared>>)
      tpu.yield
    }) : () -> ()
    %mul3A_35 = arith.constant 640 : i32
    %mul3A_36 = arith.muli %arg1, %mul3A_35 : i32
    %add3A_37 = arith.constant 224 : i32
    %add3A_38 = arith.addi %mul3A_36, %add3A_37 : i32
    "tpu.region"() ({
      %run_scoped3A_187 = tpu.sem_alloc : memref<!tpu.dma_semaphore, #tpu.memory_space<semaphore_mem>>
      %dma_start3A_188 = arith.constant 0 : i32
      %dma_start3A_189 = tpu.memref_slice %arg11[%add3A_38, %dma_start3A_188] : memref<10240x128xf32, #tpu.memory_space<vmem_shared>> -> memref<32x128xf32, #tpu.memory_space<vmem_shared>>
      %dma_start3A_190 = arith.constant 0 : i32
      %dma_start3A_191 = tpu.memref_slice %arg11[%add3A_38, %dma_start3A_190] : memref<10240x128xf32, #tpu.memory_space<vmem_shared>> -> memref<32x128xf32, #tpu.memory_space<vmem_shared>>
      tpu.enqueue_dma source(%arg10 : memref<32x128xf32, #tpu.memory_space<vmem>>) target(%dma_start3A_191 : memref<32x128xf32, #tpu.memory_space<vmem_shared>>) target_semaphore(%run_scoped3A_187 : memref<!tpu.dma_semaphore, #tpu.memory_space<semaphore_mem>>)
      %dma_wait3A_192 = arith.constant 0 : i32
      %dma_wait3A_193 = tpu.memref_slice %arg11[%add3A_38, %dma_wait3A_192] : memref<10240x128xf32, #tpu.memory_space<vmem_shared>> -> memref<32x128xf32, #tpu.memory_space<vmem_shared>>
      %dma_wait3A_194 = arith.constant 0 : i32
      %dma_wait3A_195 = tpu.memref_slice %arg11[%add3A_38, %dma_wait3A_194] : memref<10240x128xf32, #tpu.memory_space<vmem_shared>> -> memref<32x128xf32, #tpu.memory_space<vmem_shared>>
      tpu.wait_dma2 semaphore(%run_scoped3A_187 : memref<!tpu.dma_semaphore, #tpu.memory_space<semaphore_mem>>) src(%arg10 : memref<32x128xf32, #tpu.memory_space<vmem>>) dst(%dma_wait3A_195 : memref<32x128xf32, #tpu.memory_space<vmem_shared>>)
      tpu.yield
    }) : () -> ()
    %mul3A_39 = arith.constant 640 : i32
    %mul3A_40 = arith.muli %arg1, %mul3A_39 : i32
    %add3A_41 = arith.constant 256 : i32
    %add3A_42 = arith.addi %mul3A_40, %add3A_41 : i32
    "tpu.region"() ({
      %run_scoped3A_187 = tpu.sem_alloc : memref<!tpu.dma_semaphore, #tpu.memory_space<semaphore_mem>>
      %dma_start3A_188 = arith.constant 0 : i32
      %dma_start3A_189 = tpu.memref_slice %arg11[%add3A_42, %dma_start3A_188] : memref<10240x128xf32, #tpu.memory_space<vmem_shared>> -> memref<32x128xf32, #tpu.memory_space<vmem_shared>>
      %dma_start3A_190 = arith.constant 0 : i32
      %dma_start3A_191 = tpu.memref_slice %arg11[%add3A_42, %dma_start3A_190] : memref<10240x128xf32, #tpu.memory_space<vmem_shared>> -> memref<32x128xf32, #tpu.memory_space<vmem_shared>>
      tpu.enqueue_dma source(%arg10 : memref<32x128xf32, #tpu.memory_space<vmem>>) target(%dma_start3A_191 : memref<32x128xf32, #tpu.memory_space<vmem_shared>>) target_semaphore(%run_scoped3A_187 : memref<!tpu.dma_semaphore, #tpu.memory_space<semaphore_mem>>)
      %dma_wait3A_192 = arith.constant 0 : i32
      %dma_wait3A_193 = tpu.memref_slice %arg11[%add3A_42, %dma_wait3A_192] : memref<10240x128xf32, #tpu.memory_space<vmem_shared>> -> memref<32x128xf32, #tpu.memory_space<vmem_shared>>
      %dma_wait3A_194 = arith.constant 0 : i32
      %dma_wait3A_195 = tpu.memref_slice %arg11[%add3A_42, %dma_wait3A_194] : memref<10240x128xf32, #tpu.memory_space<vmem_shared>> -> memref<32x128xf32, #tpu.memory_space<vmem_shared>>
      tpu.wait_dma2 semaphore(%run_scoped3A_187 : memref<!tpu.dma_semaphore, #tpu.memory_space<semaphore_mem>>) src(%arg10 : memref<32x128xf32, #tpu.memory_space<vmem>>) dst(%dma_wait3A_195 : memref<32x128xf32, #tpu.memory_space<vmem_shared>>)
      tpu.yield
    }) : () -> ()
    %mul3A_43 = arith.constant 640 : i32
    %mul3A_44 = arith.muli %arg1, %mul3A_43 : i32
    %add3A_45 = arith.constant 288 : i32
    %add3A_46 = arith.addi %mul3A_44, %add3A_45 : i32
    "tpu.region"() ({
      %run_scoped3A_187 = tpu.sem_alloc : memref<!tpu.dma_semaphore, #tpu.memory_space<semaphore_mem>>
      %dma_start3A_188 = arith.constant 0 : i32
      %dma_start3A_189 = tpu.memref_slice %arg11[%add3A_46, %dma_start3A_188] : memref<10240x128xf32, #tpu.memory_space<vmem_shared>> -> memref<32x128xf32, #tpu.memory_space<vmem_shared>>
      %dma_start3A_190 = arith.constant 0 : i32
      %dma_start3A_191 = tpu.memref_slice %arg11[%add3A_46, %dma_start3A_190] : memref<10240x128xf32, #tpu.memory_space<vmem_shared>> -> memref<32x128xf32, #tpu.memory_space<vmem_shared>>
      tpu.enqueue_dma source(%arg10 : memref<32x128xf32, #tpu.memory_space<vmem>>) target(%dma_start3A_191 : memref<32x128xf32, #tpu.memory_space<vmem_shared>>) target_semaphore(%run_scoped3A_187 : memref<!tpu.dma_semaphore, #tpu.memory_space<semaphore_mem>>)
      %dma_wait3A_192 = arith.constant 0 : i32
      %dma_wait3A_193 = tpu.memref_slice %arg11[%add3A_46, %dma_wait3A_192] : memref<10240x128xf32, #tpu.memory_space<vmem_shared>> -> memref<32x128xf32, #tpu.memory_space<vmem_shared>>
      %dma_wait3A_194 = arith.constant 0 : i32
      %dma_wait3A_195 = tpu.memref_slice %arg11[%add3A_46, %dma_wait3A_194] : memref<10240x128xf32, #tpu.memory_space<vmem_shared>> -> memref<32x128xf32, #tpu.memory_space<vmem_shared>>
      tpu.wait_dma2 semaphore(%run_scoped3A_187 : memref<!tpu.dma_semaphore, #tpu.memory_space<semaphore_mem>>) src(%arg10 : memref<32x128xf32, #tpu.memory_space<vmem>>) dst(%dma_wait3A_195 : memref<32x128xf32, #tpu.memory_space<vmem_shared>>)
      tpu.yield
    }) : () -> ()
    %mul3A_47 = arith.constant 640 : i32
    %mul3A_48 = arith.muli %arg1, %mul3A_47 : i32
    %add3A_49 = arith.constant 320 : i32
    %add3A_50 = arith.addi %mul3A_48, %add3A_49 : i32
    "tpu.region"() ({
      %run_scoped3A_187 = tpu.sem_alloc : memref<!tpu.dma_semaphore, #tpu.memory_space<semaphore_mem>>
      %dma_start3A_188 = arith.constant 0 : i32
      %dma_start3A_189 = tpu.memref_slice %arg11[%add3A_50, %dma_start3A_188] : memref<10240x128xf32, #tpu.memory_space<vmem_shared>> -> memref<32x128xf32, #tpu.memory_space<vmem_shared>>
      %dma_start3A_190 = arith.constant 0 : i32
      %dma_start3A_191 = tpu.memref_slice %arg11[%add3A_50, %dma_start3A_190] : memref<10240x128xf32, #tpu.memory_space<vmem_shared>> -> memref<32x128xf32, #tpu.memory_space<vmem_shared>>
      tpu.enqueue_dma source(%arg10 : memref<32x128xf32, #tpu.memory_space<vmem>>) target(%dma_start3A_191 : memref<32x128xf32, #tpu.memory_space<vmem_shared>>) target_semaphore(%run_scoped3A_187 : memref<!tpu.dma_semaphore, #tpu.memory_space<semaphore_mem>>)
      %dma_wait3A_192 = arith.constant 0 : i32
      %dma_wait3A_193 = tpu.memref_slice %arg11[%add3A_50, %dma_wait3A_192] : memref<10240x128xf32, #tpu.memory_space<vmem_shared>> -> memref<32x128xf32, #tpu.memory_space<vmem_shared>>
      %dma_wait3A_194 = arith.constant 0 : i32
      %dma_wait3A_195 = tpu.memref_slice %arg11[%add3A_50, %dma_wait3A_194] : memref<10240x128xf32, #tpu.memory_space<vmem_shared>> -> memref<32x128xf32, #tpu.memory_space<vmem_shared>>
      tpu.wait_dma2 semaphore(%run_scoped3A_187 : memref<!tpu.dma_semaphore, #tpu.memory_space<semaphore_mem>>) src(%arg10 : memref<32x128xf32, #tpu.memory_space<vmem>>) dst(%dma_wait3A_195 : memref<32x128xf32, #tpu.memory_space<vmem_shared>>)
      tpu.yield
    }) : () -> ()
    %mul3A_51 = arith.constant 640 : i32
    %mul3A_52 = arith.muli %arg1, %mul3A_51 : i32
    %add3A_53 = arith.constant 352 : i32
    %add3A_54 = arith.addi %mul3A_52, %add3A_53 : i32
    "tpu.region"() ({
      %run_scoped3A_187 = tpu.sem_alloc : memref<!tpu.dma_semaphore, #tpu.memory_space<semaphore_mem>>
      %dma_start3A_188 = arith.constant 0 : i32
      %dma_start3A_189 = tpu.memref_slice %arg11[%add3A_54, %dma_start3A_188] : memref<10240x128xf32, #tpu.memory_space<vmem_shared>> -> memref<32x128xf32, #tpu.memory_space<vmem_shared>>
      %dma_start3A_190 = arith.constant 0 : i32
      %dma_start3A_191 = tpu.memref_slice %arg11[%add3A_54, %dma_start3A_190] : memref<10240x128xf32, #tpu.memory_space<vmem_shared>> -> memref<32x128xf32, #tpu.memory_space<vmem_shared>>
      tpu.enqueue_dma source(%arg10 : memref<32x128xf32, #tpu.memory_space<vmem>>) target(%dma_start3A_191 : memref<32x128xf32, #tpu.memory_space<vmem_shared>>) target_semaphore(%run_scoped3A_187 : memref<!tpu.dma_semaphore, #tpu.memory_space<semaphore_mem>>)
      %dma_wait3A_192 = arith.constant 0 : i32
      %dma_wait3A_193 = tpu.memref_slice %arg11[%add3A_54, %dma_wait3A_192] : memref<10240x128xf32, #tpu.memory_space<vmem_shared>> -> memref<32x128xf32, #tpu.memory_space<vmem_shared>>
      %dma_wait3A_194 = arith.constant 0 : i32
      %dma_wait3A_195 = tpu.memref_slice %arg11[%add3A_54, %dma_wait3A_194] : memref<10240x128xf32, #tpu.memory_space<vmem_shared>> -> memref<32x128xf32, #tpu.memory_space<vmem_shared>>
      tpu.wait_dma2 semaphore(%run_scoped3A_187 : memref<!tpu.dma_semaphore, #tpu.memory_space<semaphore_mem>>) src(%arg10 : memref<32x128xf32, #tpu.memory_space<vmem>>) dst(%dma_wait3A_195 : memref<32x128xf32, #tpu.memory_space<vmem_shared>>)
      tpu.yield
    }) : () -> ()
    %mul3A_55 = arith.constant 640 : i32
    %mul3A_56 = arith.muli %arg1, %mul3A_55 : i32
    %add3A_57 = arith.constant 384 : i32
    %add3A_58 = arith.addi %mul3A_56, %add3A_57 : i32
    "tpu.region"() ({
      %run_scoped3A_187 = tpu.sem_alloc : memref<!tpu.dma_semaphore, #tpu.memory_space<semaphore_mem>>
      %dma_start3A_188 = arith.constant 0 : i32
      %dma_start3A_189 = tpu.memref_slice %arg11[%add3A_58, %dma_start3A_188] : memref<10240x128xf32, #tpu.memory_space<vmem_shared>> -> memref<32x128xf32, #tpu.memory_space<vmem_shared>>
      %dma_start3A_190 = arith.constant 0 : i32
      %dma_start3A_191 = tpu.memref_slice %arg11[%add3A_58, %dma_start3A_190] : memref<10240x128xf32, #tpu.memory_space<vmem_shared>> -> memref<32x128xf32, #tpu.memory_space<vmem_shared>>
      tpu.enqueue_dma source(%arg10 : memref<32x128xf32, #tpu.memory_space<vmem>>) target(%dma_start3A_191 : memref<32x128xf32, #tpu.memory_space<vmem_shared>>) target_semaphore(%run_scoped3A_187 : memref<!tpu.dma_semaphore, #tpu.memory_space<semaphore_mem>>)
      %dma_wait3A_192 = arith.constant 0 : i32
      %dma_wait3A_193 = tpu.memref_slice %arg11[%add3A_58, %dma_wait3A_192] : memref<10240x128xf32, #tpu.memory_space<vmem_shared>> -> memref<32x128xf32, #tpu.memory_space<vmem_shared>>
      %dma_wait3A_194 = arith.constant 0 : i32
      %dma_wait3A_195 = tpu.memref_slice %arg11[%add3A_58, %dma_wait3A_194] : memref<10240x128xf32, #tpu.memory_space<vmem_shared>> -> memref<32x128xf32, #tpu.memory_space<vmem_shared>>
      tpu.wait_dma2 semaphore(%run_scoped3A_187 : memref<!tpu.dma_semaphore, #tpu.memory_space<semaphore_mem>>) src(%arg10 : memref<32x128xf32, #tpu.memory_space<vmem>>) dst(%dma_wait3A_195 : memref<32x128xf32, #tpu.memory_space<vmem_shared>>)
      tpu.yield
    }) : () -> ()
    %mul3A_59 = arith.constant 640 : i32
    %mul3A_60 = arith.muli %arg1, %mul3A_59 : i32
    %add3A_61 = arith.constant 416 : i32
    %add3A_62 = arith.addi %mul3A_60, %add3A_61 : i32
    "tpu.region"() ({
      %run_scoped3A_187 = tpu.sem_alloc : memref<!tpu.dma_semaphore, #tpu.memory_space<semaphore_mem>>
      %dma_start3A_188 = arith.constant 0 : i32
      %dma_start3A_189 = tpu.memref_slice %arg11[%add3A_62, %dma_start3A_188] : memref<10240x128xf32, #tpu.memory_space<vmem_shared>> -> memref<32x128xf32, #tpu.memory_space<vmem_shared>>
      %dma_start3A_190 = arith.constant 0 : i32
      %dma_start3A_191 = tpu.memref_slice %arg11[%add3A_62, %dma_start3A_190] : memref<10240x128xf32, #tpu.memory_space<vmem_shared>> -> memref<32x128xf32, #tpu.memory_space<vmem_shared>>
      tpu.enqueue_dma source(%arg10 : memref<32x128xf32, #tpu.memory_space<vmem>>) target(%dma_start3A_191 : memref<32x128xf32, #tpu.memory_space<vmem_shared>>) target_semaphore(%run_scoped3A_187 : memref<!tpu.dma_semaphore, #tpu.memory_space<semaphore_mem>>)
      %dma_wait3A_192 = arith.constant 0 : i32
      %dma_wait3A_193 = tpu.memref_slice %arg11[%add3A_62, %dma_wait3A_192] : memref<10240x128xf32, #tpu.memory_space<vmem_shared>> -> memref<32x128xf32, #tpu.memory_space<vmem_shared>>
      %dma_wait3A_194 = arith.constant 0 : i32
      %dma_wait3A_195 = tpu.memref_slice %arg11[%add3A_62, %dma_wait3A_194] : memref<10240x128xf32, #tpu.memory_space<vmem_shared>> -> memref<32x128xf32, #tpu.memory_space<vmem_shared>>
      tpu.wait_dma2 semaphore(%run_scoped3A_187 : memref<!tpu.dma_semaphore, #tpu.memory_space<semaphore_mem>>) src(%arg10 : memref<32x128xf32, #tpu.memory_space<vmem>>) dst(%dma_wait3A_195 : memref<32x128xf32, #tpu.memory_space<vmem_shared>>)
      tpu.yield
    }) : () -> ()
    %mul3A_63 = arith.constant 640 : i32
    %mul3A_64 = arith.muli %arg1, %mul3A_63 : i32
    %add3A_65 = arith.constant 448 : i32
    %add3A_66 = arith.addi %mul3A_64, %add3A_65 : i32
    "tpu.region"() ({
      %run_scoped3A_187 = tpu.sem_alloc : memref<!tpu.dma_semaphore, #tpu.memory_space<semaphore_mem>>
      %dma_start3A_188 = arith.constant 0 : i32
      %dma_start3A_189 = tpu.memref_slice %arg11[%add3A_66, %dma_start3A_188] : memref<10240x128xf32, #tpu.memory_space<vmem_shared>> -> memref<32x128xf32, #tpu.memory_space<vmem_shared>>
      %dma_start3A_190 = arith.constant 0 : i32
      %dma_start3A_191 = tpu.memref_slice %arg11[%add3A_66, %dma_start3A_190] : memref<10240x128xf32, #tpu.memory_space<vmem_shared>> -> memref<32x128xf32, #tpu.memory_space<vmem_shared>>
      tpu.enqueue_dma source(%arg10 : memref<32x128xf32, #tpu.memory_space<vmem>>) target(%dma_start3A_191 : memref<32x128xf32, #tpu.memory_space<vmem_shared>>) target_semaphore(%run_scoped3A_187 : memref<!tpu.dma_semaphore, #tpu.memory_space<semaphore_mem>>)
      %dma_wait3A_192 = arith.constant 0 : i32
      %dma_wait3A_193 = tpu.memref_slice %arg11[%add3A_66, %dma_wait3A_192] : memref<10240x128xf32, #tpu.memory_space<vmem_shared>> -> memref<32x128xf32, #tpu.memory_space<vmem_shared>>
      %dma_wait3A_194 = arith.constant 0 : i32
      %dma_wait3A_195 = tpu.memref_slice %arg11[%add3A_66, %dma_wait3A_194] : memref<10240x128xf32, #tpu.memory_space<vmem_shared>> -> memref<32x128xf32, #tpu.memory_space<vmem_shared>>
      tpu.wait_dma2 semaphore(%run_scoped3A_187 : memref<!tpu.dma_semaphore, #tpu.memory_space<semaphore_mem>>) src(%arg10 : memref<32x128xf32, #tpu.memory_space<vmem>>) dst(%dma_wait3A_195 : memref<32x128xf32, #tpu.memory_space<vmem_shared>>)
      tpu.yield
    }) : () -> ()
    %mul3A_67 = arith.constant 640 : i32
    %mul3A_68 = arith.muli %arg1, %mul3A_67 : i32
    %add3A_69 = arith.constant 480 : i32
    %add3A_70 = arith.addi %mul3A_68, %add3A_69 : i32
    "tpu.region"() ({
      %run_scoped3A_187 = tpu.sem_alloc : memref<!tpu.dma_semaphore, #tpu.memory_space<semaphore_mem>>
      %dma_start3A_188 = arith.constant 0 : i32
      %dma_start3A_189 = tpu.memref_slice %arg11[%add3A_70, %dma_start3A_188] : memref<10240x128xf32, #tpu.memory_space<vmem_shared>> -> memref<32x128xf32, #tpu.memory_space<vmem_shared>>
      %dma_start3A_190 = arith.constant 0 : i32
      %dma_start3A_191 = tpu.memref_slice %arg11[%add3A_70, %dma_start3A_190] : memref<10240x128xf32, #tpu.memory_space<vmem_shared>> -> memref<32x128xf32, #tpu.memory_space<vmem_shared>>
      tpu.enqueue_dma source(%arg10 : memref<32x128xf32, #tpu.memory_space<vmem>>) target(%dma_start3A_191 : memref<32x128xf32, #tpu.memory_space<vmem_shared>>) target_semaphore(%run_scoped3A_187 : memref<!tpu.dma_semaphore, #tpu.memory_space<semaphore_mem>>)
      %dma_wait3A_192 = arith.constant 0 : i32
      %dma_wait3A_193 = tpu.memref_slice %arg11[%add3A_70, %dma_wait3A_192] : memref<10240x128xf32, #tpu.memory_space<vmem_shared>> -> memref<32x128xf32, #tpu.memory_space<vmem_shared>>
      %dma_wait3A_194 = arith.constant 0 : i32
      %dma_wait3A_195 = tpu.memref_slice %arg11[%add3A_70, %dma_wait3A_194] : memref<10240x128xf32, #tpu.memory_space<vmem_shared>> -> memref<32x128xf32, #tpu.memory_space<vmem_shared>>
      tpu.wait_dma2 semaphore(%run_scoped3A_187 : memref<!tpu.dma_semaphore, #tpu.memory_space<semaphore_mem>>) src(%arg10 : memref<32x128xf32, #tpu.memory_space<vmem>>) dst(%dma_wait3A_195 : memref<32x128xf32, #tpu.memory_space<vmem_shared>>)
      tpu.yield
    }) : () -> ()
    %mul3A_71 = arith.constant 640 : i32
    %mul3A_72 = arith.muli %arg1, %mul3A_71 : i32
    %add3A_73 = arith.constant 512 : i32
    %add3A_74 = arith.addi %mul3A_72, %add3A_73 : i32
    "tpu.region"() ({
      %run_scoped3A_187 = tpu.sem_alloc : memref<!tpu.dma_semaphore, #tpu.memory_space<semaphore_mem>>
      %dma_start3A_188 = arith.constant 0 : i32
      %dma_start3A_189 = tpu.memref_slice %arg11[%add3A_74, %dma_start3A_188] : memref<10240x128xf32, #tpu.memory_space<vmem_shared>> -> memref<32x128xf32, #tpu.memory_space<vmem_shared>>
      %dma_start3A_190 = arith.constant 0 : i32
      %dma_start3A_191 = tpu.memref_slice %arg11[%add3A_74, %dma_start3A_190] : memref<10240x128xf32, #tpu.memory_space<vmem_shared>> -> memref<32x128xf32, #tpu.memory_space<vmem_shared>>
      tpu.enqueue_dma source(%arg10 : memref<32x128xf32, #tpu.memory_space<vmem>>) target(%dma_start3A_191 : memref<32x128xf32, #tpu.memory_space<vmem_shared>>) target_semaphore(%run_scoped3A_187 : memref<!tpu.dma_semaphore, #tpu.memory_space<semaphore_mem>>)
      %dma_wait3A_192 = arith.constant 0 : i32
      %dma_wait3A_193 = tpu.memref_slice %arg11[%add3A_74, %dma_wait3A_192] : memref<10240x128xf32, #tpu.memory_space<vmem_shared>> -> memref<32x128xf32, #tpu.memory_space<vmem_shared>>
      %dma_wait3A_194 = arith.constant 0 : i32
      %dma_wait3A_195 = tpu.memref_slice %arg11[%add3A_74, %dma_wait3A_194] : memref<10240x128xf32, #tpu.memory_space<vmem_shared>> -> memref<32x128xf32, #tpu.memory_space<vmem_shared>>
      tpu.wait_dma2 semaphore(%run_scoped3A_187 : memref<!tpu.dma_semaphore, #tpu.memory_space<semaphore_mem>>) src(%arg10 : memref<32x128xf32, #tpu.memory_space<vmem>>) dst(%dma_wait3A_195 : memref<32x128xf32, #tpu.memory_space<vmem_shared>>)
      tpu.yield
    }) : () -> ()
    %mul3A_75 = arith.constant 640 : i32
    %mul3A_76 = arith.muli %arg1, %mul3A_75 : i32
    %add3A_77 = arith.constant 544 : i32
    %add3A_78 = arith.addi %mul3A_76, %add3A_77 : i32
    "tpu.region"() ({
      %run_scoped3A_187 = tpu.sem_alloc : memref<!tpu.dma_semaphore, #tpu.memory_space<semaphore_mem>>
      %dma_start3A_188 = arith.constant 0 : i32
      %dma_start3A_189 = tpu.memref_slice %arg11[%add3A_78, %dma_start3A_188] : memref<10240x128xf32, #tpu.memory_space<vmem_shared>> -> memref<32x128xf32, #tpu.memory_space<vmem_shared>>
      %dma_start3A_190 = arith.constant 0 : i32
      %dma_start3A_191 = tpu.memref_slice %arg11[%add3A_78, %dma_start3A_190] : memref<10240x128xf32, #tpu.memory_space<vmem_shared>> -> memref<32x128xf32, #tpu.memory_space<vmem_shared>>
      tpu.enqueue_dma source(%arg10 : memref<32x128xf32, #tpu.memory_space<vmem>>) target(%dma_start3A_191 : memref<32x128xf32, #tpu.memory_space<vmem_shared>>) target_semaphore(%run_scoped3A_187 : memref<!tpu.dma_semaphore, #tpu.memory_space<semaphore_mem>>)
      %dma_wait3A_192 = arith.constant 0 : i32
      %dma_wait3A_193 = tpu.memref_slice %arg11[%add3A_78, %dma_wait3A_192] : memref<10240x128xf32, #tpu.memory_space<vmem_shared>> -> memref<32x128xf32, #tpu.memory_space<vmem_shared>>
      %dma_wait3A_194 = arith.constant 0 : i32
      %dma_wait3A_195 = tpu.memref_slice %arg11[%add3A_78, %dma_wait3A_194] : memref<10240x128xf32, #tpu.memory_space<vmem_shared>> -> memref<32x128xf32, #tpu.memory_space<vmem_shared>>
      tpu.wait_dma2 semaphore(%run_scoped3A_187 : memref<!tpu.dma_semaphore, #tpu.memory_space<semaphore_mem>>) src(%arg10 : memref<32x128xf32, #tpu.memory_space<vmem>>) dst(%dma_wait3A_195 : memref<32x128xf32, #tpu.memory_space<vmem_shared>>)
      tpu.yield
    }) : () -> ()
    %mul3A_79 = arith.constant 640 : i32
    %mul3A_80 = arith.muli %arg1, %mul3A_79 : i32
    %add3A_81 = arith.constant 576 : i32
    %add3A_82 = arith.addi %mul3A_80, %add3A_81 : i32
    "tpu.region"() ({
      %run_scoped3A_187 = tpu.sem_alloc : memref<!tpu.dma_semaphore, #tpu.memory_space<semaphore_mem>>
      %dma_start3A_188 = arith.constant 0 : i32
      %dma_start3A_189 = tpu.memref_slice %arg11[%add3A_82, %dma_start3A_188] : memref<10240x128xf32, #tpu.memory_space<vmem_shared>> -> memref<32x128xf32, #tpu.memory_space<vmem_shared>>
      %dma_start3A_190 = arith.constant 0 : i32
      %dma_start3A_191 = tpu.memref_slice %arg11[%add3A_82, %dma_start3A_190] : memref<10240x128xf32, #tpu.memory_space<vmem_shared>> -> memref<32x128xf32, #tpu.memory_space<vmem_shared>>
      tpu.enqueue_dma source(%arg10 : memref<32x128xf32, #tpu.memory_space<vmem>>) target(%dma_start3A_191 : memref<32x128xf32, #tpu.memory_space<vmem_shared>>) target_semaphore(%run_scoped3A_187 : memref<!tpu.dma_semaphore, #tpu.memory_space<semaphore_mem>>)
      %dma_wait3A_192 = arith.constant 0 : i32
      %dma_wait3A_193 = tpu.memref_slice %arg11[%add3A_82, %dma_wait3A_192] : memref<10240x128xf32, #tpu.memory_space<vmem_shared>> -> memref<32x128xf32, #tpu.memory_space<vmem_shared>>
      %dma_wait3A_194 = arith.constant 0 : i32
      %dma_wait3A_195 = tpu.memref_slice %arg11[%add3A_82, %dma_wait3A_194] : memref<10240x128xf32, #tpu.memory_space<vmem_shared>> -> memref<32x128xf32, #tpu.memory_space<vmem_shared>>
      tpu.wait_dma2 semaphore(%run_scoped3A_187 : memref<!tpu.dma_semaphore, #tpu.memory_space<semaphore_mem>>) src(%arg10 : memref<32x128xf32, #tpu.memory_space<vmem>>) dst(%dma_wait3A_195 : memref<32x128xf32, #tpu.memory_space<vmem_shared>>)
      tpu.yield
    }) : () -> ()
    %mul3A_83 = arith.constant 640 : i32
    %mul3A_84 = arith.muli %arg1, %mul3A_83 : i32
    %add3A_85 = arith.constant 608 : i32
    %add3A_86 = arith.addi %mul3A_84, %add3A_85 : i32
    "tpu.region"() ({
      %run_scoped3A_187 = tpu.sem_alloc : memref<!tpu.dma_semaphore, #tpu.memory_space<semaphore_mem>>
      %dma_start3A_188 = arith.constant 0 : i32
      %dma_start3A_189 = tpu.memref_slice %arg11[%add3A_86, %dma_start3A_188] : memref<10240x128xf32, #tpu.memory_space<vmem_shared>> -> memref<32x128xf32, #tpu.memory_space<vmem_shared>>
      %dma_start3A_190 = arith.constant 0 : i32
      %dma_start3A_191 = tpu.memref_slice %arg11[%add3A_86, %dma_start3A_190] : memref<10240x128xf32, #tpu.memory_space<vmem_shared>> -> memref<32x128xf32, #tpu.memory_space<vmem_shared>>
      tpu.enqueue_dma source(%arg10 : memref<32x128xf32, #tpu.memory_space<vmem>>) target(%dma_start3A_191 : memref<32x128xf32, #tpu.memory_space<vmem_shared>>) target_semaphore(%run_scoped3A_187 : memref<!tpu.dma_semaphore, #tpu.memory_space<semaphore_mem>>)
      %dma_wait3A_192 = arith.constant 0 : i32
      %dma_wait3A_193 = tpu.memref_slice %arg11[%add3A_86, %dma_wait3A_192] : memref<10240x128xf32, #tpu.memory_space<vmem_shared>> -> memref<32x128xf32, #tpu.memory_space<vmem_shared>>
      %dma_wait3A_194 = arith.constant 0 : i32
      %dma_wait3A_195 = tpu.memref_slice %arg11[%add3A_86, %dma_wait3A_194] : memref<10240x128xf32, #tpu.memory_space<vmem_shared>> -> memref<32x128xf32, #tpu.memory_space<vmem_shared>>
      tpu.wait_dma2 semaphore(%run_scoped3A_187 : memref<!tpu.dma_semaphore, #tpu.memory_space<semaphore_mem>>) src(%arg10 : memref<32x128xf32, #tpu.memory_space<vmem>>) dst(%dma_wait3A_195 : memref<32x128xf32, #tpu.memory_space<vmem_shared>>)
      tpu.yield
    }) : () -> ()
    %barrier3A = arith.constant 0 : index
    tpu.barrier barrier_id(%barrier3A)
    %dma_start3A = arith.constant 0 : i32
    %dma_start3A_87 = arith.constant 0 : i32
    %dma_start3A_88 = tpu.memref_slice %arg6[%dma_start3A, %dma_start3A_87] : memref<125x80xi32, #tpu.memory_space<vmem>> -> memref<1x80xi32, #tpu.memory_space<vmem>>
    %dma_start3A_89 = tpu.memref_squeeze %dma_start3A_88 : memref<1x80xi32, #tpu.memory_space<vmem>> -> memref<80xi32, #tpu.memory_space<vmem>>
    %dma_start3A_90 = arith.constant 0 : i32
    %dma_start3A_91 = arith.constant 0 : i32
    %dma_start3A_92 = tpu.memref_slice %arg2[%dma_start3A_90, %dma_start3A_91] : memref<10000x128xf32, #tpu.memory_space<hbm>> -> memref<10000x128xf32, #tpu.memory_space<hbm>>
    tpu.enqueue_indirect_dma source(%dma_start3A_92 : memref<10000x128xf32, #tpu.memory_space<hbm>>) target(%arg8 : memref<80x128xf32, #tpu.memory_space<vmem>>) offsets(%dma_start3A_89 : memref<80xi32, #tpu.memory_space<vmem>>) semaphore(%arg12 : memref<!tpu.dma_semaphore, #tpu.memory_space<semaphore_mem>>)
    %scan3A_93 = arith.constant 0 : i32
    %scan3A_94 = arith.constant 0 : i32
    %scan3A_95 = arith.constant 62 : i32
    %scan3A_96 = arith.addi %scan3A_94, %scan3A_95 : i32
    %scan3A_97 = arith.constant 1 : i32
    %scan3A_98 = scf.for %scan3A_187 = %scan3A_94 to %scan3A_96 step %scan3A_97 iter_args(%scan3A_188 = %scan3A_93) -> (i32)  : i32 {
      %mul3A_189 = arith.constant 2 : i32
      %mul3A_190 = arith.muli %mul3A_189, %scan3A_187 : i32
      %add3A_191 = arith.constant 1 : i32
      %add3A_192 = arith.addi %mul3A_190, %add3A_191 : i32
      %dma_start3A_193 = arith.constant 0 : i32
      %dma_start3A_194 = tpu.memref_slice %arg6[%add3A_192, %dma_start3A_193] : memref<125x80xi32, #tpu.memory_space<vmem>> -> memref<1x80xi32, #tpu.memory_space<vmem>>
      %dma_start3A_195 = tpu.memref_squeeze %dma_start3A_194 : memref<1x80xi32, #tpu.memory_space<vmem>> -> memref<80xi32, #tpu.memory_space<vmem>>
      %dma_start3A_196 = arith.constant 0 : i32
      %dma_start3A_197 = arith.constant 0 : i32
      %dma_start3A_198 = tpu.memref_slice %arg2[%dma_start3A_196, %dma_start3A_197] : memref<10000x128xf32, #tpu.memory_space<hbm>> -> memref<10000x128xf32, #tpu.memory_space<hbm>>
      tpu.enqueue_indirect_dma source(%dma_start3A_198 : memref<10000x128xf32, #tpu.memory_space<hbm>>) target(%arg9 : memref<80x128xf32, #tpu.memory_space<vmem>>) offsets(%dma_start3A_195 : memref<80xi32, #tpu.memory_space<vmem>>) semaphore(%arg13 : memref<!tpu.dma_semaphore, #tpu.memory_space<semaphore_mem>>)
      %dma_wait3A_199 = arith.constant 0 : i32
      %dma_wait3A_200 = tpu.memref_slice %arg6[%mul3A_190, %dma_wait3A_199] : memref<125x80xi32, #tpu.memory_space<vmem>> -> memref<1x80xi32, #tpu.memory_space<vmem>>
      %dma_wait3A_201 = tpu.memref_squeeze %dma_wait3A_200 : memref<1x80xi32, #tpu.memory_space<vmem>> -> memref<80xi32, #tpu.memory_space<vmem>>
      %dma_wait3A_202 = arith.constant 0 : i32
      %dma_wait3A_203 = arith.constant 0 : i32
      %dma_wait3A_204 = tpu.memref_slice %arg2[%dma_wait3A_202, %dma_wait3A_203] : memref<10000x128xf32, #tpu.memory_space<hbm>> -> memref<10000x128xf32, #tpu.memory_space<hbm>>
      tpu.wait_indirect_dma semaphore(%arg12 : memref<!tpu.dma_semaphore, #tpu.memory_space<semaphore_mem>>) src(%dma_wait3A_204 : memref<10000x128xf32, #tpu.memory_space<hbm>>) dst(%arg8 : memref<80x128xf32, #tpu.memory_space<vmem>>)
      "tpu.region"() ({
        %run_scoped3A_224 = tpu.sem_alloc : memref<!tpu.dma_semaphore, #tpu.memory_space<semaphore_mem>>
        %dma_start3A_225 = arith.constant 0 : i32
        %dma_start3A_226 = tpu.memref_slice %arg7[%mul3A_190, %dma_start3A_225] : memref<125x80xi32, #tpu.memory_space<vmem>> -> memref<1x80xi32, #tpu.memory_space<vmem>>
        %dma_start3A_227 = tpu.memref_squeeze %dma_start3A_226 : memref<1x80xi32, #tpu.memory_space<vmem>> -> memref<80xi32, #tpu.memory_space<vmem>>
        %dma_start3A_228 = arith.constant 0 : i32
        %dma_start3A_229 = arith.constant 0 : i32
        %dma_start3A_230 = tpu.memref_slice %arg11[%dma_start3A_228, %dma_start3A_229] : memref<10240x128xf32, #tpu.memory_space<vmem_shared>> -> memref<10240x128xf32, #tpu.memory_space<vmem_shared>>
        tpu.enqueue_indirect_dma source(%arg8 : memref<80x128xf32, #tpu.memory_space<vmem>>) target(%dma_start3A_230 : memref<10240x128xf32, #tpu.memory_space<vmem_shared>>) offsets(%dma_start3A_227 : memref<80xi32, #tpu.memory_space<vmem>>) semaphore(%run_scoped3A_224 : memref<!tpu.dma_semaphore, #tpu.memory_space<semaphore_mem>>) {add = true}
        %dma_wait3A_231 = arith.constant 0 : i32
        %dma_wait3A_232 = tpu.memref_slice %arg7[%mul3A_190, %dma_wait3A_231] : memref<125x80xi32, #tpu.memory_space<vmem>> -> memref<1x80xi32, #tpu.memory_space<vmem>>
        %dma_wait3A_233 = tpu.memref_squeeze %dma_wait3A_232 : memref<1x80xi32, #tpu.memory_space<vmem>> -> memref<80xi32, #tpu.memory_space<vmem>>
        %dma_wait3A_234 = arith.constant 0 : i32
        %dma_wait3A_235 = arith.constant 0 : i32
        %dma_wait3A_236 = tpu.memref_slice %arg11[%dma_wait3A_234, %dma_wait3A_235] : memref<10240x128xf32, #tpu.memory_space<vmem_shared>> -> memref<10240x128xf32, #tpu.memory_space<vmem_shared>>
        tpu.wait_indirect_dma semaphore(%run_scoped3A_224 : memref<!tpu.dma_semaphore, #tpu.memory_space<semaphore_mem>>) src(%arg8 : memref<80x128xf32, #tpu.memory_space<vmem>>) dst(%dma_wait3A_236 : memref<10240x128xf32, #tpu.memory_space<vmem_shared>>)
        tpu.yield
      }) : () -> ()
      %add3A_205 = arith.constant 2 : i32
      %add3A_206 = arith.addi %mul3A_190, %add3A_205 : i32
      %dma_start3A_207 = arith.constant 0 : i32
      %dma_start3A_208 = tpu.memref_slice %arg6[%add3A_206, %dma_start3A_207] : memref<125x80xi32, #tpu.memory_space<vmem>> -> memref<1x80xi32, #tpu.memory_space<vmem>>
      %dma_start3A_209 = tpu.memref_squeeze %dma_start3A_208 : memref<1x80xi32, #tpu.memory_space<vmem>> -> memref<80xi32, #tpu.memory_space<vmem>>
      %dma_start3A_210 = arith.constant 0 : i32
      %dma_start3A_211 = arith.constant 0 : i32
      %dma_start3A_212 = tpu.memref_slice %arg2[%dma_start3A_210, %dma_start3A_211] : memref<10000x128xf32, #tpu.memory_space<hbm>> -> memref<10000x128xf32, #tpu.memory_space<hbm>>
      tpu.enqueue_indirect_dma source(%dma_start3A_212 : memref<10000x128xf32, #tpu.memory_space<hbm>>) target(%arg8 : memref<80x128xf32, #tpu.memory_space<vmem>>) offsets(%dma_start3A_209 : memref<80xi32, #tpu.memory_space<vmem>>) semaphore(%arg12 : memref<!tpu.dma_semaphore, #tpu.memory_space<semaphore_mem>>)
      %add3A_213 = arith.constant 1 : i32
      %add3A_214 = arith.addi %mul3A_190, %add3A_213 : i32
      %dma_wait3A_215 = arith.constant 0 : i32
      %dma_wait3A_216 = tpu.memref_slice %arg6[%add3A_214, %dma_wait3A_215] : memref<125x80xi32, #tpu.memory_space<vmem>> -> memref<1x80xi32, #tpu.memory_space<vmem>>
      %dma_wait3A_217 = tpu.memref_squeeze %dma_wait3A_216 : memref<1x80xi32, #tpu.memory_space<vmem>> -> memref<80xi32, #tpu.memory_space<vmem>>
      %dma_wait3A_218 = arith.constant 0 : i32
      %dma_wait3A_219 = arith.constant 0 : i32
      %dma_wait3A_220 = tpu.memref_slice %arg2[%dma_wait3A_218, %dma_wait3A_219] : memref<10000x128xf32, #tpu.memory_space<hbm>> -> memref<10000x128xf32, #tpu.memory_space<hbm>>
      tpu.wait_indirect_dma semaphore(%arg13 : memref<!tpu.dma_semaphore, #tpu.memory_space<semaphore_mem>>) src(%dma_wait3A_220 : memref<10000x128xf32, #tpu.memory_space<hbm>>) dst(%arg9 : memref<80x128xf32, #tpu.memory_space<vmem>>)
      %add3A_221 = arith.constant 1 : i32
      %add3A_222 = arith.addi %mul3A_190, %add3A_221 : i32
      "tpu.region"() ({
        %run_scoped3A_224 = tpu.sem_alloc : memref<!tpu.dma_semaphore, #tpu.memory_space<semaphore_mem>>
        %dma_start3A_225 = arith.constant 0 : i32
        %dma_start3A_226 = tpu.memref_slice %arg7[%add3A_222, %dma_start3A_225] : memref<125x80xi32, #tpu.memory_space<vmem>> -> memref<1x80xi32, #tpu.memory_space<vmem>>
        %dma_start3A_227 = tpu.memref_squeeze %dma_start3A_226 : memref<1x80xi32, #tpu.memory_space<vmem>> -> memref<80xi32, #tpu.memory_space<vmem>>
        %dma_start3A_228 = arith.constant 0 : i32
        %dma_start3A_229 = arith.constant 0 : i32
        %dma_start3A_230 = tpu.memref_slice %arg11[%dma_start3A_228, %dma_start3A_229] : memref<10240x128xf32, #tpu.memory_space<vmem_shared>> -> memref<10240x128xf32, #tpu.memory_space<vmem_shared>>
        tpu.enqueue_indirect_dma source(%arg9 : memref<80x128xf32, #tpu.memory_space<vmem>>) target(%dma_start3A_230 : memref<10240x128xf32, #tpu.memory_space<vmem_shared>>) offsets(%dma_start3A_227 : memref<80xi32, #tpu.memory_space<vmem>>) semaphore(%run_scoped3A_224 : memref<!tpu.dma_semaphore, #tpu.memory_space<semaphore_mem>>) {add = true}
        %dma_wait3A_231 = arith.constant 0 : i32
        %dma_wait3A_232 = tpu.memref_slice %arg7[%add3A_222, %dma_wait3A_231] : memref<125x80xi32, #tpu.memory_space<vmem>> -> memref<1x80xi32, #tpu.memory_space<vmem>>
        %dma_wait3A_233 = tpu.memref_squeeze %dma_wait3A_232 : memref<1x80xi32, #tpu.memory_space<vmem>> -> memref<80xi32, #tpu.memory_space<vmem>>
        %dma_wait3A_234 = arith.constant 0 : i32
        %dma_wait3A_235 = arith.constant 0 : i32
        %dma_wait3A_236 = tpu.memref_slice %arg11[%dma_wait3A_234, %dma_wait3A_235] : memref<10240x128xf32, #tpu.memory_space<vmem_shared>> -> memref<10240x128xf32, #tpu.memory_space<vmem_shared>>
        tpu.wait_indirect_dma semaphore(%run_scoped3A_224 : memref<!tpu.dma_semaphore, #tpu.memory_space<semaphore_mem>>) src(%arg9 : memref<80x128xf32, #tpu.memory_space<vmem>>) dst(%dma_wait3A_236 : memref<10240x128xf32, #tpu.memory_space<vmem_shared>>)
        tpu.yield
      }) : () -> ()
      %scan3A_223 = arith.constant 0 : i32
      scf.yield %scan3A_223 : i32
    }
    %scan3A_99 = arith.constant 62 : i32
    %dma_wait3A = arith.constant 124 : i32
    %dma_wait3A_100 = arith.constant 0 : i32
    %dma_wait3A_101 = tpu.memref_slice %arg6[%dma_wait3A, %dma_wait3A_100] : memref<125x80xi32, #tpu.memory_space<vmem>> -> memref<1x80xi32, #tpu.memory_space<vmem>>
    %dma_wait3A_102 = tpu.memref_squeeze %dma_wait3A_101 : memref<1x80xi32, #tpu.memory_space<vmem>> -> memref<80xi32, #tpu.memory_space<vmem>>
    %dma_wait3A_103 = arith.constant 0 : i32
    %dma_wait3A_104 = arith.constant 0 : i32
    %dma_wait3A_105 = tpu.memref_slice %arg2[%dma_wait3A_103, %dma_wait3A_104] : memref<10000x128xf32, #tpu.memory_space<hbm>> -> memref<10000x128xf32, #tpu.memory_space<hbm>>
    tpu.wait_indirect_dma semaphore(%arg12 : memref<!tpu.dma_semaphore, #tpu.memory_space<semaphore_mem>>) src(%dma_wait3A_105 : memref<10000x128xf32, #tpu.memory_space<hbm>>) dst(%arg8 : memref<80x128xf32, #tpu.memory_space<vmem>>)
    %run_scoped3A = arith.constant 124 : i32
    "tpu.region"() ({
      %run_scoped3A_187 = tpu.sem_alloc : memref<!tpu.dma_semaphore, #tpu.memory_space<semaphore_mem>>
      %dma_start3A_188 = arith.constant 0 : i32
      %dma_start3A_189 = tpu.memref_slice %arg7[%run_scoped3A, %dma_start3A_188] : memref<125x80xi32, #tpu.memory_space<vmem>> -> memref<1x80xi32, #tpu.memory_space<vmem>>
      %dma_start3A_190 = tpu.memref_squeeze %dma_start3A_189 : memref<1x80xi32, #tpu.memory_space<vmem>> -> memref<80xi32, #tpu.memory_space<vmem>>
      %dma_start3A_191 = arith.constant 0 : i32
      %dma_start3A_192 = arith.constant 0 : i32
      %dma_start3A_193 = tpu.memref_slice %arg11[%dma_start3A_191, %dma_start3A_192] : memref<10240x128xf32, #tpu.memory_space<vmem_shared>> -> memref<10240x128xf32, #tpu.memory_space<vmem_shared>>
      tpu.enqueue_indirect_dma source(%arg8 : memref<80x128xf32, #tpu.memory_space<vmem>>) target(%dma_start3A_193 : memref<10240x128xf32, #tpu.memory_space<vmem_shared>>) offsets(%dma_start3A_190 : memref<80xi32, #tpu.memory_space<vmem>>) semaphore(%run_scoped3A_187 : memref<!tpu.dma_semaphore, #tpu.memory_space<semaphore_mem>>) {add = true}
      %dma_wait3A_194 = arith.constant 0 : i32
      %dma_wait3A_195 = tpu.memref_slice %arg7[%run_scoped3A, %dma_wait3A_194] : memref<125x80xi32, #tpu.memory_space<vmem>> -> memref<1x80xi32, #tpu.memory_space<vmem>>
      %dma_wait3A_196 = tpu.memref_squeeze %dma_wait3A_195 : memref<1x80xi32, #tpu.memory_space<vmem>> -> memref<80xi32, #tpu.memory_space<vmem>>
      %dma_wait3A_197 = arith.constant 0 : i32
      %dma_wait3A_198 = arith.constant 0 : i32
      %dma_wait3A_199 = tpu.memref_slice %arg11[%dma_wait3A_197, %dma_wait3A_198] : memref<10240x128xf32, #tpu.memory_space<vmem_shared>> -> memref<10240x128xf32, #tpu.memory_space<vmem_shared>>
      tpu.wait_indirect_dma semaphore(%run_scoped3A_187 : memref<!tpu.dma_semaphore, #tpu.memory_space<semaphore_mem>>) src(%arg8 : memref<80x128xf32, #tpu.memory_space<vmem>>) dst(%dma_wait3A_199 : memref<10240x128xf32, #tpu.memory_space<vmem_shared>>)
      tpu.yield
    }) : () -> ()
    %barrier3A_106 = arith.constant 0 : index
    tpu.barrier barrier_id(%barrier3A_106)
    %mul3A_107 = arith.constant 640 : i32
    %mul3A_108 = arith.muli %arg1, %mul3A_107 : i32
    %add3A_109 = arith.constant 0 : i32
    %add3A_110 = arith.addi %mul3A_108, %add3A_109 : i32
    "tpu.region"() ({
      %run_scoped3A_187 = tpu.sem_alloc : memref<!tpu.dma_semaphore, #tpu.memory_space<semaphore_mem>>
      %dma_start3A_188 = arith.constant 0 : i32
      %dma_start3A_189 = tpu.memref_slice %arg11[%add3A_110, %dma_start3A_188] : memref<10240x128xf32, #tpu.memory_space<vmem_shared>> -> memref<32x128xf32, #tpu.memory_space<vmem_shared>>
      %dma_start3A_190 = arith.constant 0 : i32
      %dma_start3A_191 = tpu.memref_slice %arg11[%add3A_110, %dma_start3A_190] : memref<10240x128xf32, #tpu.memory_space<vmem_shared>> -> memref<32x128xf32, #tpu.memory_space<vmem_shared>>
      tpu.enqueue_dma source(%dma_start3A_191 : memref<32x128xf32, #tpu.memory_space<vmem_shared>>) target(%arg10 : memref<32x128xf32, #tpu.memory_space<vmem>>) target_semaphore(%run_scoped3A_187 : memref<!tpu.dma_semaphore, #tpu.memory_space<semaphore_mem>>)
      %dma_wait3A_192 = arith.constant 0 : i32
      %dma_wait3A_193 = tpu.memref_slice %arg11[%add3A_110, %dma_wait3A_192] : memref<10240x128xf32, #tpu.memory_space<vmem_shared>> -> memref<32x128xf32, #tpu.memory_space<vmem_shared>>
      %dma_wait3A_194 = arith.constant 0 : i32
      %dma_wait3A_195 = tpu.memref_slice %arg11[%add3A_110, %dma_wait3A_194] : memref<10240x128xf32, #tpu.memory_space<vmem_shared>> -> memref<32x128xf32, #tpu.memory_space<vmem_shared>>
      tpu.wait_dma2 semaphore(%run_scoped3A_187 : memref<!tpu.dma_semaphore, #tpu.memory_space<semaphore_mem>>) src(%dma_wait3A_195 : memref<32x128xf32, #tpu.memory_space<vmem_shared>>) dst(%arg10 : memref<32x128xf32, #tpu.memory_space<vmem>>)
      tpu.yield
    }) : () -> ()
    "tpu.region"() ({
      %run_scoped3A_187 = tpu.sem_alloc : memref<!tpu.dma_semaphore, #tpu.memory_space<semaphore_mem>>
      %dma_start3A_188 = arith.constant 0 : i32
      %dma_start3A_189 = tpu.memref_slice %arg5[%arg0, %add3A_110, %dma_start3A_188] : memref<2x10240x128xf32, #tpu.memory_space<hbm>> -> memref<1x32x128xf32, #tpu.memory_space<hbm>>
      %dma_start3A_190 = tpu.memref_squeeze %dma_start3A_189 : memref<1x32x128xf32, #tpu.memory_space<hbm>> -> memref<32x128xf32, #tpu.memory_space<hbm>>
      %dma_start3A_191 = arith.constant 0 : i32
      %dma_start3A_192 = tpu.memref_slice %arg5[%arg0, %add3A_110, %dma_start3A_191] : memref<2x10240x128xf32, #tpu.memory_space<hbm>> -> memref<1x32x128xf32, #tpu.memory_space<hbm>>
      %dma_start3A_193 = tpu.memref_squeeze %dma_start3A_192 : memref<1x32x128xf32, #tpu.memory_space<hbm>> -> memref<32x128xf32, #tpu.memory_space<hbm>>
      tpu.enqueue_dma source(%arg10 : memref<32x128xf32, #tpu.memory_space<vmem>>) target(%dma_start3A_193 : memref<32x128xf32, #tpu.memory_space<hbm>>) target_semaphore(%run_scoped3A_187 : memref<!tpu.dma_semaphore, #tpu.memory_space<semaphore_mem>>)
      %dma_wait3A_194 = arith.constant 0 : i32
      %dma_wait3A_195 = tpu.memref_slice %arg5[%arg0, %add3A_110, %dma_wait3A_194] : memref<2x10240x128xf32, #tpu.memory_space<hbm>> -> memref<1x32x128xf32, #tpu.memory_space<hbm>>
      %dma_wait3A_196 = tpu.memref_squeeze %dma_wait3A_195 : memref<1x32x128xf32, #tpu.memory_space<hbm>> -> memref<32x128xf32, #tpu.memory_space<hbm>>
      %dma_wait3A_197 = arith.constant 0 : i32
      %dma_wait3A_198 = tpu.memref_slice %arg5[%arg0, %add3A_110, %dma_wait3A_197] : memref<2x10240x128xf32, #tpu.memory_space<hbm>> -> memref<1x32x128xf32, #tpu.memory_space<hbm>>
      %dma_wait3A_199 = tpu.memref_squeeze %dma_wait3A_198 : memref<1x32x128xf32, #tpu.memory_space<hbm>> -> memref<32x128xf32, #tpu.memory_space<hbm>>
      tpu.wait_dma2 semaphore(%run_scoped3A_187 : memref<!tpu.dma_semaphore, #tpu.memory_space<semaphore_mem>>) src(%arg10 : memref<32x128xf32, #tpu.memory_space<vmem>>) dst(%dma_wait3A_199 : memref<32x128xf32, #tpu.memory_space<hbm>>)
      tpu.yield
    }) : () -> ()
    %mul3A_111 = arith.constant 640 : i32
    %mul3A_112 = arith.muli %arg1, %mul3A_111 : i32
    %add3A_113 = arith.constant 32 : i32
    %add3A_114 = arith.addi %mul3A_112, %add3A_113 : i32
    "tpu.region"() ({
      %run_scoped3A_187 = tpu.sem_alloc : memref<!tpu.dma_semaphore, #tpu.memory_space<semaphore_mem>>
      %dma_start3A_188 = arith.constant 0 : i32
      %dma_start3A_189 = tpu.memref_slice %arg11[%add3A_114, %dma_start3A_188] : memref<10240x128xf32, #tpu.memory_space<vmem_shared>> -> memref<32x128xf32, #tpu.memory_space<vmem_shared>>
      %dma_start3A_190 = arith.constant 0 : i32
      %dma_start3A_191 = tpu.memref_slice %arg11[%add3A_114, %dma_start3A_190] : memref<10240x128xf32, #tpu.memory_space<vmem_shared>> -> memref<32x128xf32, #tpu.memory_space<vmem_shared>>
      tpu.enqueue_dma source(%dma_start3A_191 : memref<32x128xf32, #tpu.memory_space<vmem_shared>>) target(%arg10 : memref<32x128xf32, #tpu.memory_space<vmem>>) target_semaphore(%run_scoped3A_187 : memref<!tpu.dma_semaphore, #tpu.memory_space<semaphore_mem>>)
      %dma_wait3A_192 = arith.constant 0 : i32
      %dma_wait3A_193 = tpu.memref_slice %arg11[%add3A_114, %dma_wait3A_192] : memref<10240x128xf32, #tpu.memory_space<vmem_shared>> -> memref<32x128xf32, #tpu.memory_space<vmem_shared>>
      %dma_wait3A_194 = arith.constant 0 : i32
      %dma_wait3A_195 = tpu.memref_slice %arg11[%add3A_114, %dma_wait3A_194] : memref<10240x128xf32, #tpu.memory_space<vmem_shared>> -> memref<32x128xf32, #tpu.memory_space<vmem_shared>>
      tpu.wait_dma2 semaphore(%run_scoped3A_187 : memref<!tpu.dma_semaphore, #tpu.memory_space<semaphore_mem>>) src(%dma_wait3A_195 : memref<32x128xf32, #tpu.memory_space<vmem_shared>>) dst(%arg10 : memref<32x128xf32, #tpu.memory_space<vmem>>)
      tpu.yield
    }) : () -> ()
    "tpu.region"() ({
      %run_scoped3A_187 = tpu.sem_alloc : memref<!tpu.dma_semaphore, #tpu.memory_space<semaphore_mem>>
      %dma_start3A_188 = arith.constant 0 : i32
      %dma_start3A_189 = tpu.memref_slice %arg5[%arg0, %add3A_114, %dma_start3A_188] : memref<2x10240x128xf32, #tpu.memory_space<hbm>> -> memref<1x32x128xf32, #tpu.memory_space<hbm>>
      %dma_start3A_190 = tpu.memref_squeeze %dma_start3A_189 : memref<1x32x128xf32, #tpu.memory_space<hbm>> -> memref<32x128xf32, #tpu.memory_space<hbm>>
      %dma_start3A_191 = arith.constant 0 : i32
      %dma_start3A_192 = tpu.memref_slice %arg5[%arg0, %add3A_114, %dma_start3A_191] : memref<2x10240x128xf32, #tpu.memory_space<hbm>> -> memref<1x32x128xf32, #tpu.memory_space<hbm>>
      %dma_start3A_193 = tpu.memref_squeeze %dma_start3A_192 : memref<1x32x128xf32, #tpu.memory_space<hbm>> -> memref<32x128xf32, #tpu.memory_space<hbm>>
      tpu.enqueue_dma source(%arg10 : memref<32x128xf32, #tpu.memory_space<vmem>>) target(%dma_start3A_193 : memref<32x128xf32, #tpu.memory_space<hbm>>) target_semaphore(%run_scoped3A_187 : memref<!tpu.dma_semaphore, #tpu.memory_space<semaphore_mem>>)
      %dma_wait3A_194 = arith.constant 0 : i32
      %dma_wait3A_195 = tpu.memref_slice %arg5[%arg0, %add3A_114, %dma_wait3A_194] : memref<2x10240x128xf32, #tpu.memory_space<hbm>> -> memref<1x32x128xf32, #tpu.memory_space<hbm>>
      %dma_wait3A_196 = tpu.memref_squeeze %dma_wait3A_195 : memref<1x32x128xf32, #tpu.memory_space<hbm>> -> memref<32x128xf32, #tpu.memory_space<hbm>>
      %dma_wait3A_197 = arith.constant 0 : i32
      %dma_wait3A_198 = tpu.memref_slice %arg5[%arg0, %add3A_114, %dma_wait3A_197] : memref<2x10240x128xf32, #tpu.memory_space<hbm>> -> memref<1x32x128xf32, #tpu.memory_space<hbm>>
      %dma_wait3A_199 = tpu.memref_squeeze %dma_wait3A_198 : memref<1x32x128xf32, #tpu.memory_space<hbm>> -> memref<32x128xf32, #tpu.memory_space<hbm>>
      tpu.wait_dma2 semaphore(%run_scoped3A_187 : memref<!tpu.dma_semaphore, #tpu.memory_space<semaphore_mem>>) src(%arg10 : memref<32x128xf32, #tpu.memory_space<vmem>>) dst(%dma_wait3A_199 : memref<32x128xf32, #tpu.memory_space<hbm>>)
      tpu.yield
    }) : () -> ()
    %mul3A_115 = arith.constant 640 : i32
    %mul3A_116 = arith.muli %arg1, %mul3A_115 : i32
    %add3A_117 = arith.constant 64 : i32
    %add3A_118 = arith.addi %mul3A_116, %add3A_117 : i32
    "tpu.region"() ({
      %run_scoped3A_187 = tpu.sem_alloc : memref<!tpu.dma_semaphore, #tpu.memory_space<semaphore_mem>>
      %dma_start3A_188 = arith.constant 0 : i32
      %dma_start3A_189 = tpu.memref_slice %arg11[%add3A_118, %dma_start3A_188] : memref<10240x128xf32, #tpu.memory_space<vmem_shared>> -> memref<32x128xf32, #tpu.memory_space<vmem_shared>>
      %dma_start3A_190 = arith.constant 0 : i32
      %dma_start3A_191 = tpu.memref_slice %arg11[%add3A_118, %dma_start3A_190] : memref<10240x128xf32, #tpu.memory_space<vmem_shared>> -> memref<32x128xf32, #tpu.memory_space<vmem_shared>>
      tpu.enqueue_dma source(%dma_start3A_191 : memref<32x128xf32, #tpu.memory_space<vmem_shared>>) target(%arg10 : memref<32x128xf32, #tpu.memory_space<vmem>>) target_semaphore(%run_scoped3A_187 : memref<!tpu.dma_semaphore, #tpu.memory_space<semaphore_mem>>)
      %dma_wait3A_192 = arith.constant 0 : i32
      %dma_wait3A_193 = tpu.memref_slice %arg11[%add3A_118, %dma_wait3A_192] : memref<10240x128xf32, #tpu.memory_space<vmem_shared>> -> memref<32x128xf32, #tpu.memory_space<vmem_shared>>
      %dma_wait3A_194 = arith.constant 0 : i32
      %dma_wait3A_195 = tpu.memref_slice %arg11[%add3A_118, %dma_wait3A_194] : memref<10240x128xf32, #tpu.memory_space<vmem_shared>> -> memref<32x128xf32, #tpu.memory_space<vmem_shared>>
      tpu.wait_dma2 semaphore(%run_scoped3A_187 : memref<!tpu.dma_semaphore, #tpu.memory_space<semaphore_mem>>) src(%dma_wait3A_195 : memref<32x128xf32, #tpu.memory_space<vmem_shared>>) dst(%arg10 : memref<32x128xf32, #tpu.memory_space<vmem>>)
      tpu.yield
    }) : () -> ()
    "tpu.region"() ({
      %run_scoped3A_187 = tpu.sem_alloc : memref<!tpu.dma_semaphore, #tpu.memory_space<semaphore_mem>>
      %dma_start3A_188 = arith.constant 0 : i32
      %dma_start3A_189 = tpu.memref_slice %arg5[%arg0, %add3A_118, %dma_start3A_188] : memref<2x10240x128xf32, #tpu.memory_space<hbm>> -> memref<1x32x128xf32, #tpu.memory_space<hbm>>
      %dma_start3A_190 = tpu.memref_squeeze %dma_start3A_189 : memref<1x32x128xf32, #tpu.memory_space<hbm>> -> memref<32x128xf32, #tpu.memory_space<hbm>>
      %dma_start3A_191 = arith.constant 0 : i32
      %dma_start3A_192 = tpu.memref_slice %arg5[%arg0, %add3A_118, %dma_start3A_191] : memref<2x10240x128xf32, #tpu.memory_space<hbm>> -> memref<1x32x128xf32, #tpu.memory_space<hbm>>
      %dma_start3A_193 = tpu.memref_squeeze %dma_start3A_192 : memref<1x32x128xf32, #tpu.memory_space<hbm>> -> memref<32x128xf32, #tpu.memory_space<hbm>>
      tpu.enqueue_dma source(%arg10 : memref<32x128xf32, #tpu.memory_space<vmem>>) target(%dma_start3A_193 : memref<32x128xf32, #tpu.memory_space<hbm>>) target_semaphore(%run_scoped3A_187 : memref<!tpu.dma_semaphore, #tpu.memory_space<semaphore_mem>>)
      %dma_wait3A_194 = arith.constant 0 : i32
      %dma_wait3A_195 = tpu.memref_slice %arg5[%arg0, %add3A_118, %dma_wait3A_194] : memref<2x10240x128xf32, #tpu.memory_space<hbm>> -> memref<1x32x128xf32, #tpu.memory_space<hbm>>
      %dma_wait3A_196 = tpu.memref_squeeze %dma_wait3A_195 : memref<1x32x128xf32, #tpu.memory_space<hbm>> -> memref<32x128xf32, #tpu.memory_space<hbm>>
      %dma_wait3A_197 = arith.constant 0 : i32
      %dma_wait3A_198 = tpu.memref_slice %arg5[%arg0, %add3A_118, %dma_wait3A_197] : memref<2x10240x128xf32, #tpu.memory_space<hbm>> -> memref<1x32x128xf32, #tpu.memory_space<hbm>>
      %dma_wait3A_199 = tpu.memref_squeeze %dma_wait3A_198 : memref<1x32x128xf32, #tpu.memory_space<hbm>> -> memref<32x128xf32, #tpu.memory_space<hbm>>
      tpu.wait_dma2 semaphore(%run_scoped3A_187 : memref<!tpu.dma_semaphore, #tpu.memory_space<semaphore_mem>>) src(%arg10 : memref<32x128xf32, #tpu.memory_space<vmem>>) dst(%dma_wait3A_199 : memref<32x128xf32, #tpu.memory_space<hbm>>)
      tpu.yield
    }) : () -> ()
    %mul3A_119 = arith.constant 640 : i32
    %mul3A_120 = arith.muli %arg1, %mul3A_119 : i32
    %add3A_121 = arith.constant 96 : i32
    %add3A_122 = arith.addi %mul3A_120, %add3A_121 : i32
    "tpu.region"() ({
      %run_scoped3A_187 = tpu.sem_alloc : memref<!tpu.dma_semaphore, #tpu.memory_space<semaphore_mem>>
      %dma_start3A_188 = arith.constant 0 : i32
      %dma_start3A_189 = tpu.memref_slice %arg11[%add3A_122, %dma_start3A_188] : memref<10240x128xf32, #tpu.memory_space<vmem_shared>> -> memref<32x128xf32, #tpu.memory_space<vmem_shared>>
      %dma_start3A_190 = arith.constant 0 : i32
      %dma_start3A_191 = tpu.memref_slice %arg11[%add3A_122, %dma_start3A_190] : memref<10240x128xf32, #tpu.memory_space<vmem_shared>> -> memref<32x128xf32, #tpu.memory_space<vmem_shared>>
      tpu.enqueue_dma source(%dma_start3A_191 : memref<32x128xf32, #tpu.memory_space<vmem_shared>>) target(%arg10 : memref<32x128xf32, #tpu.memory_space<vmem>>) target_semaphore(%run_scoped3A_187 : memref<!tpu.dma_semaphore, #tpu.memory_space<semaphore_mem>>)
      %dma_wait3A_192 = arith.constant 0 : i32
      %dma_wait3A_193 = tpu.memref_slice %arg11[%add3A_122, %dma_wait3A_192] : memref<10240x128xf32, #tpu.memory_space<vmem_shared>> -> memref<32x128xf32, #tpu.memory_space<vmem_shared>>
      %dma_wait3A_194 = arith.constant 0 : i32
      %dma_wait3A_195 = tpu.memref_slice %arg11[%add3A_122, %dma_wait3A_194] : memref<10240x128xf32, #tpu.memory_space<vmem_shared>> -> memref<32x128xf32, #tpu.memory_space<vmem_shared>>
      tpu.wait_dma2 semaphore(%run_scoped3A_187 : memref<!tpu.dma_semaphore, #tpu.memory_space<semaphore_mem>>) src(%dma_wait3A_195 : memref<32x128xf32, #tpu.memory_space<vmem_shared>>) dst(%arg10 : memref<32x128xf32, #tpu.memory_space<vmem>>)
      tpu.yield
    }) : () -> ()
    "tpu.region"() ({
      %run_scoped3A_187 = tpu.sem_alloc : memref<!tpu.dma_semaphore, #tpu.memory_space<semaphore_mem>>
      %dma_start3A_188 = arith.constant 0 : i32
      %dma_start3A_189 = tpu.memref_slice %arg5[%arg0, %add3A_122, %dma_start3A_188] : memref<2x10240x128xf32, #tpu.memory_space<hbm>> -> memref<1x32x128xf32, #tpu.memory_space<hbm>>
      %dma_start3A_190 = tpu.memref_squeeze %dma_start3A_189 : memref<1x32x128xf32, #tpu.memory_space<hbm>> -> memref<32x128xf32, #tpu.memory_space<hbm>>
      %dma_start3A_191 = arith.constant 0 : i32
      %dma_start3A_192 = tpu.memref_slice %arg5[%arg0, %add3A_122, %dma_start3A_191] : memref<2x10240x128xf32, #tpu.memory_space<hbm>> -> memref<1x32x128xf32, #tpu.memory_space<hbm>>
      %dma_start3A_193 = tpu.memref_squeeze %dma_start3A_192 : memref<1x32x128xf32, #tpu.memory_space<hbm>> -> memref<32x128xf32, #tpu.memory_space<hbm>>
      tpu.enqueue_dma source(%arg10 : memref<32x128xf32, #tpu.memory_space<vmem>>) target(%dma_start3A_193 : memref<32x128xf32, #tpu.memory_space<hbm>>) target_semaphore(%run_scoped3A_187 : memref<!tpu.dma_semaphore, #tpu.memory_space<semaphore_mem>>)
      %dma_wait3A_194 = arith.constant 0 : i32
      %dma_wait3A_195 = tpu.memref_slice %arg5[%arg0, %add3A_122, %dma_wait3A_194] : memref<2x10240x128xf32, #tpu.memory_space<hbm>> -> memref<1x32x128xf32, #tpu.memory_space<hbm>>
      %dma_wait3A_196 = tpu.memref_squeeze %dma_wait3A_195 : memref<1x32x128xf32, #tpu.memory_space<hbm>> -> memref<32x128xf32, #tpu.memory_space<hbm>>
      %dma_wait3A_197 = arith.constant 0 : i32
      %dma_wait3A_198 = tpu.memref_slice %arg5[%arg0, %add3A_122, %dma_wait3A_197] : memref<2x10240x128xf32, #tpu.memory_space<hbm>> -> memref<1x32x128xf32, #tpu.memory_space<hbm>>
      %dma_wait3A_199 = tpu.memref_squeeze %dma_wait3A_198 : memref<1x32x128xf32, #tpu.memory_space<hbm>> -> memref<32x128xf32, #tpu.memory_space<hbm>>
      tpu.wait_dma2 semaphore(%run_scoped3A_187 : memref<!tpu.dma_semaphore, #tpu.memory_space<semaphore_mem>>) src(%arg10 : memref<32x128xf32, #tpu.memory_space<vmem>>) dst(%dma_wait3A_199 : memref<32x128xf32, #tpu.memory_space<hbm>>)
      tpu.yield
    }) : () -> ()
    %mul3A_123 = arith.constant 640 : i32
    %mul3A_124 = arith.muli %arg1, %mul3A_123 : i32
    %add3A_125 = arith.constant 128 : i32
    %add3A_126 = arith.addi %mul3A_124, %add3A_125 : i32
    "tpu.region"() ({
      %run_scoped3A_187 = tpu.sem_alloc : memref<!tpu.dma_semaphore, #tpu.memory_space<semaphore_mem>>
      %dma_start3A_188 = arith.constant 0 : i32
      %dma_start3A_189 = tpu.memref_slice %arg11[%add3A_126, %dma_start3A_188] : memref<10240x128xf32, #tpu.memory_space<vmem_shared>> -> memref<32x128xf32, #tpu.memory_space<vmem_shared>>
      %dma_start3A_190 = arith.constant 0 : i32
      %dma_start3A_191 = tpu.memref_slice %arg11[%add3A_126, %dma_start3A_190] : memref<10240x128xf32, #tpu.memory_space<vmem_shared>> -> memref<32x128xf32, #tpu.memory_space<vmem_shared>>
      tpu.enqueue_dma source(%dma_start3A_191 : memref<32x128xf32, #tpu.memory_space<vmem_shared>>) target(%arg10 : memref<32x128xf32, #tpu.memory_space<vmem>>) target_semaphore(%run_scoped3A_187 : memref<!tpu.dma_semaphore, #tpu.memory_space<semaphore_mem>>)
      %dma_wait3A_192 = arith.constant 0 : i32
      %dma_wait3A_193 = tpu.memref_slice %arg11[%add3A_126, %dma_wait3A_192] : memref<10240x128xf32, #tpu.memory_space<vmem_shared>> -> memref<32x128xf32, #tpu.memory_space<vmem_shared>>
      %dma_wait3A_194 = arith.constant 0 : i32
      %dma_wait3A_195 = tpu.memref_slice %arg11[%add3A_126, %dma_wait3A_194] : memref<10240x128xf32, #tpu.memory_space<vmem_shared>> -> memref<32x128xf32, #tpu.memory_space<vmem_shared>>
      tpu.wait_dma2 semaphore(%run_scoped3A_187 : memref<!tpu.dma_semaphore, #tpu.memory_space<semaphore_mem>>) src(%dma_wait3A_195 : memref<32x128xf32, #tpu.memory_space<vmem_shared>>) dst(%arg10 : memref<32x128xf32, #tpu.memory_space<vmem>>)
      tpu.yield
    }) : () -> ()
    "tpu.region"() ({
      %run_scoped3A_187 = tpu.sem_alloc : memref<!tpu.dma_semaphore, #tpu.memory_space<semaphore_mem>>
      %dma_start3A_188 = arith.constant 0 : i32
      %dma_start3A_189 = tpu.memref_slice %arg5[%arg0, %add3A_126, %dma_start3A_188] : memref<2x10240x128xf32, #tpu.memory_space<hbm>> -> memref<1x32x128xf32, #tpu.memory_space<hbm>>
      %dma_start3A_190 = tpu.memref_squeeze %dma_start3A_189 : memref<1x32x128xf32, #tpu.memory_space<hbm>> -> memref<32x128xf32, #tpu.memory_space<hbm>>
      %dma_start3A_191 = arith.constant 0 : i32
      %dma_start3A_192 = tpu.memref_slice %arg5[%arg0, %add3A_126, %dma_start3A_191] : memref<2x10240x128xf32, #tpu.memory_space<hbm>> -> memref<1x32x128xf32, #tpu.memory_space<hbm>>
      %dma_start3A_193 = tpu.memref_squeeze %dma_start3A_192 : memref<1x32x128xf32, #tpu.memory_space<hbm>> -> memref<32x128xf32, #tpu.memory_space<hbm>>
      tpu.enqueue_dma source(%arg10 : memref<32x128xf32, #tpu.memory_space<vmem>>) target(%dma_start3A_193 : memref<32x128xf32, #tpu.memory_space<hbm>>) target_semaphore(%run_scoped3A_187 : memref<!tpu.dma_semaphore, #tpu.memory_space<semaphore_mem>>)
      %dma_wait3A_194 = arith.constant 0 : i32
      %dma_wait3A_195 = tpu.memref_slice %arg5[%arg0, %add3A_126, %dma_wait3A_194] : memref<2x10240x128xf32, #tpu.memory_space<hbm>> -> memref<1x32x128xf32, #tpu.memory_space<hbm>>
      %dma_wait3A_196 = tpu.memref_squeeze %dma_wait3A_195 : memref<1x32x128xf32, #tpu.memory_space<hbm>> -> memref<32x128xf32, #tpu.memory_space<hbm>>
      %dma_wait3A_197 = arith.constant 0 : i32
      %dma_wait3A_198 = tpu.memref_slice %arg5[%arg0, %add3A_126, %dma_wait3A_197] : memref<2x10240x128xf32, #tpu.memory_space<hbm>> -> memref<1x32x128xf32, #tpu.memory_space<hbm>>
      %dma_wait3A_199 = tpu.memref_squeeze %dma_wait3A_198 : memref<1x32x128xf32, #tpu.memory_space<hbm>> -> memref<32x128xf32, #tpu.memory_space<hbm>>
      tpu.wait_dma2 semaphore(%run_scoped3A_187 : memref<!tpu.dma_semaphore, #tpu.memory_space<semaphore_mem>>) src(%arg10 : memref<32x128xf32, #tpu.memory_space<vmem>>) dst(%dma_wait3A_199 : memref<32x128xf32, #tpu.memory_space<hbm>>)
      tpu.yield
    }) : () -> ()
    %mul3A_127 = arith.constant 640 : i32
    %mul3A_128 = arith.muli %arg1, %mul3A_127 : i32
    %add3A_129 = arith.constant 160 : i32
    %add3A_130 = arith.addi %mul3A_128, %add3A_129 : i32
    "tpu.region"() ({
      %run_scoped3A_187 = tpu.sem_alloc : memref<!tpu.dma_semaphore, #tpu.memory_space<semaphore_mem>>
      %dma_start3A_188 = arith.constant 0 : i32
      %dma_start3A_189 = tpu.memref_slice %arg11[%add3A_130, %dma_start3A_188] : memref<10240x128xf32, #tpu.memory_space<vmem_shared>> -> memref<32x128xf32, #tpu.memory_space<vmem_shared>>
      %dma_start3A_190 = arith.constant 0 : i32
      %dma_start3A_191 = tpu.memref_slice %arg11[%add3A_130, %dma_start3A_190] : memref<10240x128xf32, #tpu.memory_space<vmem_shared>> -> memref<32x128xf32, #tpu.memory_space<vmem_shared>>
      tpu.enqueue_dma source(%dma_start3A_191 : memref<32x128xf32, #tpu.memory_space<vmem_shared>>) target(%arg10 : memref<32x128xf32, #tpu.memory_space<vmem>>) target_semaphore(%run_scoped3A_187 : memref<!tpu.dma_semaphore, #tpu.memory_space<semaphore_mem>>)
      %dma_wait3A_192 = arith.constant 0 : i32
      %dma_wait3A_193 = tpu.memref_slice %arg11[%add3A_130, %dma_wait3A_192] : memref<10240x128xf32, #tpu.memory_space<vmem_shared>> -> memref<32x128xf32, #tpu.memory_space<vmem_shared>>
      %dma_wait3A_194 = arith.constant 0 : i32
      %dma_wait3A_195 = tpu.memref_slice %arg11[%add3A_130, %dma_wait3A_194] : memref<10240x128xf32, #tpu.memory_space<vmem_shared>> -> memref<32x128xf32, #tpu.memory_space<vmem_shared>>
      tpu.wait_dma2 semaphore(%run_scoped3A_187 : memref<!tpu.dma_semaphore, #tpu.memory_space<semaphore_mem>>) src(%dma_wait3A_195 : memref<32x128xf32, #tpu.memory_space<vmem_shared>>) dst(%arg10 : memref<32x128xf32, #tpu.memory_space<vmem>>)
      tpu.yield
    }) : () -> ()
    "tpu.region"() ({
      %run_scoped3A_187 = tpu.sem_alloc : memref<!tpu.dma_semaphore, #tpu.memory_space<semaphore_mem>>
      %dma_start3A_188 = arith.constant 0 : i32
      %dma_start3A_189 = tpu.memref_slice %arg5[%arg0, %add3A_130, %dma_start3A_188] : memref<2x10240x128xf32, #tpu.memory_space<hbm>> -> memref<1x32x128xf32, #tpu.memory_space<hbm>>
      %dma_start3A_190 = tpu.memref_squeeze %dma_start3A_189 : memref<1x32x128xf32, #tpu.memory_space<hbm>> -> memref<32x128xf32, #tpu.memory_space<hbm>>
      %dma_start3A_191 = arith.constant 0 : i32
      %dma_start3A_192 = tpu.memref_slice %arg5[%arg0, %add3A_130, %dma_start3A_191] : memref<2x10240x128xf32, #tpu.memory_space<hbm>> -> memref<1x32x128xf32, #tpu.memory_space<hbm>>
      %dma_start3A_193 = tpu.memref_squeeze %dma_start3A_192 : memref<1x32x128xf32, #tpu.memory_space<hbm>> -> memref<32x128xf32, #tpu.memory_space<hbm>>
      tpu.enqueue_dma source(%arg10 : memref<32x128xf32, #tpu.memory_space<vmem>>) target(%dma_start3A_193 : memref<32x128xf32, #tpu.memory_space<hbm>>) target_semaphore(%run_scoped3A_187 : memref<!tpu.dma_semaphore, #tpu.memory_space<semaphore_mem>>)
      %dma_wait3A_194 = arith.constant 0 : i32
      %dma_wait3A_195 = tpu.memref_slice %arg5[%arg0, %add3A_130, %dma_wait3A_194] : memref<2x10240x128xf32, #tpu.memory_space<hbm>> -> memref<1x32x128xf32, #tpu.memory_space<hbm>>
      %dma_wait3A_196 = tpu.memref_squeeze %dma_wait3A_195 : memref<1x32x128xf32, #tpu.memory_space<hbm>> -> memref<32x128xf32, #tpu.memory_space<hbm>>
      %dma_wait3A_197 = arith.constant 0 : i32
      %dma_wait3A_198 = tpu.memref_slice %arg5[%arg0, %add3A_130, %dma_wait3A_197] : memref<2x10240x128xf32, #tpu.memory_space<hbm>> -> memref<1x32x128xf32, #tpu.memory_space<hbm>>
      %dma_wait3A_199 = tpu.memref_squeeze %dma_wait3A_198 : memref<1x32x128xf32, #tpu.memory_space<hbm>> -> memref<32x128xf32, #tpu.memory_space<hbm>>
      tpu.wait_dma2 semaphore(%run_scoped3A_187 : memref<!tpu.dma_semaphore, #tpu.memory_space<semaphore_mem>>) src(%arg10 : memref<32x128xf32, #tpu.memory_space<vmem>>) dst(%dma_wait3A_199 : memref<32x128xf32, #tpu.memory_space<hbm>>)
      tpu.yield
    }) : () -> ()
    %mul3A_131 = arith.constant 640 : i32
    %mul3A_132 = arith.muli %arg1, %mul3A_131 : i32
    %add3A_133 = arith.constant 192 : i32
    %add3A_134 = arith.addi %mul3A_132, %add3A_133 : i32
    "tpu.region"() ({
      %run_scoped3A_187 = tpu.sem_alloc : memref<!tpu.dma_semaphore, #tpu.memory_space<semaphore_mem>>
      %dma_start3A_188 = arith.constant 0 : i32
      %dma_start3A_189 = tpu.memref_slice %arg11[%add3A_134, %dma_start3A_188] : memref<10240x128xf32, #tpu.memory_space<vmem_shared>> -> memref<32x128xf32, #tpu.memory_space<vmem_shared>>
      %dma_start3A_190 = arith.constant 0 : i32
      %dma_start3A_191 = tpu.memref_slice %arg11[%add3A_134, %dma_start3A_190] : memref<10240x128xf32, #tpu.memory_space<vmem_shared>> -> memref<32x128xf32, #tpu.memory_space<vmem_shared>>
      tpu.enqueue_dma source(%dma_start3A_191 : memref<32x128xf32, #tpu.memory_space<vmem_shared>>) target(%arg10 : memref<32x128xf32, #tpu.memory_space<vmem>>) target_semaphore(%run_scoped3A_187 : memref<!tpu.dma_semaphore, #tpu.memory_space<semaphore_mem>>)
      %dma_wait3A_192 = arith.constant 0 : i32
      %dma_wait3A_193 = tpu.memref_slice %arg11[%add3A_134, %dma_wait3A_192] : memref<10240x128xf32, #tpu.memory_space<vmem_shared>> -> memref<32x128xf32, #tpu.memory_space<vmem_shared>>
      %dma_wait3A_194 = arith.constant 0 : i32
      %dma_wait3A_195 = tpu.memref_slice %arg11[%add3A_134, %dma_wait3A_194] : memref<10240x128xf32, #tpu.memory_space<vmem_shared>> -> memref<32x128xf32, #tpu.memory_space<vmem_shared>>
      tpu.wait_dma2 semaphore(%run_scoped3A_187 : memref<!tpu.dma_semaphore, #tpu.memory_space<semaphore_mem>>) src(%dma_wait3A_195 : memref<32x128xf32, #tpu.memory_space<vmem_shared>>) dst(%arg10 : memref<32x128xf32, #tpu.memory_space<vmem>>)
      tpu.yield
    }) : () -> ()
    "tpu.region"() ({
      %run_scoped3A_187 = tpu.sem_alloc : memref<!tpu.dma_semaphore, #tpu.memory_space<semaphore_mem>>
      %dma_start3A_188 = arith.constant 0 : i32
      %dma_start3A_189 = tpu.memref_slice %arg5[%arg0, %add3A_134, %dma_start3A_188] : memref<2x10240x128xf32, #tpu.memory_space<hbm>> -> memref<1x32x128xf32, #tpu.memory_space<hbm>>
      %dma_start3A_190 = tpu.memref_squeeze %dma_start3A_189 : memref<1x32x128xf32, #tpu.memory_space<hbm>> -> memref<32x128xf32, #tpu.memory_space<hbm>>
      %dma_start3A_191 = arith.constant 0 : i32
      %dma_start3A_192 = tpu.memref_slice %arg5[%arg0, %add3A_134, %dma_start3A_191] : memref<2x10240x128xf32, #tpu.memory_space<hbm>> -> memref<1x32x128xf32, #tpu.memory_space<hbm>>
      %dma_start3A_193 = tpu.memref_squeeze %dma_start3A_192 : memref<1x32x128xf32, #tpu.memory_space<hbm>> -> memref<32x128xf32, #tpu.memory_space<hbm>>
      tpu.enqueue_dma source(%arg10 : memref<32x128xf32, #tpu.memory_space<vmem>>) target(%dma_start3A_193 : memref<32x128xf32, #tpu.memory_space<hbm>>) target_semaphore(%run_scoped3A_187 : memref<!tpu.dma_semaphore, #tpu.memory_space<semaphore_mem>>)
      %dma_wait3A_194 = arith.constant 0 : i32
      %dma_wait3A_195 = tpu.memref_slice %arg5[%arg0, %add3A_134, %dma_wait3A_194] : memref<2x10240x128xf32, #tpu.memory_space<hbm>> -> memref<1x32x128xf32, #tpu.memory_space<hbm>>
      %dma_wait3A_196 = tpu.memref_squeeze %dma_wait3A_195 : memref<1x32x128xf32, #tpu.memory_space<hbm>> -> memref<32x128xf32, #tpu.memory_space<hbm>>
      %dma_wait3A_197 = arith.constant 0 : i32
      %dma_wait3A_198 = tpu.memref_slice %arg5[%arg0, %add3A_134, %dma_wait3A_197] : memref<2x10240x128xf32, #tpu.memory_space<hbm>> -> memref<1x32x128xf32, #tpu.memory_space<hbm>>
      %dma_wait3A_199 = tpu.memref_squeeze %dma_wait3A_198 : memref<1x32x128xf32, #tpu.memory_space<hbm>> -> memref<32x128xf32, #tpu.memory_space<hbm>>
      tpu.wait_dma2 semaphore(%run_scoped3A_187 : memref<!tpu.dma_semaphore, #tpu.memory_space<semaphore_mem>>) src(%arg10 : memref<32x128xf32, #tpu.memory_space<vmem>>) dst(%dma_wait3A_199 : memref<32x128xf32, #tpu.memory_space<hbm>>)
      tpu.yield
    }) : () -> ()
    %mul3A_135 = arith.constant 640 : i32
    %mul3A_136 = arith.muli %arg1, %mul3A_135 : i32
    %add3A_137 = arith.constant 224 : i32
    %add3A_138 = arith.addi %mul3A_136, %add3A_137 : i32
    "tpu.region"() ({
      %run_scoped3A_187 = tpu.sem_alloc : memref<!tpu.dma_semaphore, #tpu.memory_space<semaphore_mem>>
      %dma_start3A_188 = arith.constant 0 : i32
      %dma_start3A_189 = tpu.memref_slice %arg11[%add3A_138, %dma_start3A_188] : memref<10240x128xf32, #tpu.memory_space<vmem_shared>> -> memref<32x128xf32, #tpu.memory_space<vmem_shared>>
      %dma_start3A_190 = arith.constant 0 : i32
      %dma_start3A_191 = tpu.memref_slice %arg11[%add3A_138, %dma_start3A_190] : memref<10240x128xf32, #tpu.memory_space<vmem_shared>> -> memref<32x128xf32, #tpu.memory_space<vmem_shared>>
      tpu.enqueue_dma source(%dma_start3A_191 : memref<32x128xf32, #tpu.memory_space<vmem_shared>>) target(%arg10 : memref<32x128xf32, #tpu.memory_space<vmem>>) target_semaphore(%run_scoped3A_187 : memref<!tpu.dma_semaphore, #tpu.memory_space<semaphore_mem>>)
      %dma_wait3A_192 = arith.constant 0 : i32
      %dma_wait3A_193 = tpu.memref_slice %arg11[%add3A_138, %dma_wait3A_192] : memref<10240x128xf32, #tpu.memory_space<vmem_shared>> -> memref<32x128xf32, #tpu.memory_space<vmem_shared>>
      %dma_wait3A_194 = arith.constant 0 : i32
      %dma_wait3A_195 = tpu.memref_slice %arg11[%add3A_138, %dma_wait3A_194] : memref<10240x128xf32, #tpu.memory_space<vmem_shared>> -> memref<32x128xf32, #tpu.memory_space<vmem_shared>>
      tpu.wait_dma2 semaphore(%run_scoped3A_187 : memref<!tpu.dma_semaphore, #tpu.memory_space<semaphore_mem>>) src(%dma_wait3A_195 : memref<32x128xf32, #tpu.memory_space<vmem_shared>>) dst(%arg10 : memref<32x128xf32, #tpu.memory_space<vmem>>)
      tpu.yield
    }) : () -> ()
    "tpu.region"() ({
      %run_scoped3A_187 = tpu.sem_alloc : memref<!tpu.dma_semaphore, #tpu.memory_space<semaphore_mem>>
      %dma_start3A_188 = arith.constant 0 : i32
      %dma_start3A_189 = tpu.memref_slice %arg5[%arg0, %add3A_138, %dma_start3A_188] : memref<2x10240x128xf32, #tpu.memory_space<hbm>> -> memref<1x32x128xf32, #tpu.memory_space<hbm>>
      %dma_start3A_190 = tpu.memref_squeeze %dma_start3A_189 : memref<1x32x128xf32, #tpu.memory_space<hbm>> -> memref<32x128xf32, #tpu.memory_space<hbm>>
      %dma_start3A_191 = arith.constant 0 : i32
      %dma_start3A_192 = tpu.memref_slice %arg5[%arg0, %add3A_138, %dma_start3A_191] : memref<2x10240x128xf32, #tpu.memory_space<hbm>> -> memref<1x32x128xf32, #tpu.memory_space<hbm>>
      %dma_start3A_193 = tpu.memref_squeeze %dma_start3A_192 : memref<1x32x128xf32, #tpu.memory_space<hbm>> -> memref<32x128xf32, #tpu.memory_space<hbm>>
      tpu.enqueue_dma source(%arg10 : memref<32x128xf32, #tpu.memory_space<vmem>>) target(%dma_start3A_193 : memref<32x128xf32, #tpu.memory_space<hbm>>) target_semaphore(%run_scoped3A_187 : memref<!tpu.dma_semaphore, #tpu.memory_space<semaphore_mem>>)
      %dma_wait3A_194 = arith.constant 0 : i32
      %dma_wait3A_195 = tpu.memref_slice %arg5[%arg0, %add3A_138, %dma_wait3A_194] : memref<2x10240x128xf32, #tpu.memory_space<hbm>> -> memref<1x32x128xf32, #tpu.memory_space<hbm>>
      %dma_wait3A_196 = tpu.memref_squeeze %dma_wait3A_195 : memref<1x32x128xf32, #tpu.memory_space<hbm>> -> memref<32x128xf32, #tpu.memory_space<hbm>>
      %dma_wait3A_197 = arith.constant 0 : i32
      %dma_wait3A_198 = tpu.memref_slice %arg5[%arg0, %add3A_138, %dma_wait3A_197] : memref<2x10240x128xf32, #tpu.memory_space<hbm>> -> memref<1x32x128xf32, #tpu.memory_space<hbm>>
      %dma_wait3A_199 = tpu.memref_squeeze %dma_wait3A_198 : memref<1x32x128xf32, #tpu.memory_space<hbm>> -> memref<32x128xf32, #tpu.memory_space<hbm>>
      tpu.wait_dma2 semaphore(%run_scoped3A_187 : memref<!tpu.dma_semaphore, #tpu.memory_space<semaphore_mem>>) src(%arg10 : memref<32x128xf32, #tpu.memory_space<vmem>>) dst(%dma_wait3A_199 : memref<32x128xf32, #tpu.memory_space<hbm>>)
      tpu.yield
    }) : () -> ()
    %mul3A_139 = arith.constant 640 : i32
    %mul3A_140 = arith.muli %arg1, %mul3A_139 : i32
    %add3A_141 = arith.constant 256 : i32
    %add3A_142 = arith.addi %mul3A_140, %add3A_141 : i32
    "tpu.region"() ({
      %run_scoped3A_187 = tpu.sem_alloc : memref<!tpu.dma_semaphore, #tpu.memory_space<semaphore_mem>>
      %dma_start3A_188 = arith.constant 0 : i32
      %dma_start3A_189 = tpu.memref_slice %arg11[%add3A_142, %dma_start3A_188] : memref<10240x128xf32, #tpu.memory_space<vmem_shared>> -> memref<32x128xf32, #tpu.memory_space<vmem_shared>>
      %dma_start3A_190 = arith.constant 0 : i32
      %dma_start3A_191 = tpu.memref_slice %arg11[%add3A_142, %dma_start3A_190] : memref<10240x128xf32, #tpu.memory_space<vmem_shared>> -> memref<32x128xf32, #tpu.memory_space<vmem_shared>>
      tpu.enqueue_dma source(%dma_start3A_191 : memref<32x128xf32, #tpu.memory_space<vmem_shared>>) target(%arg10 : memref<32x128xf32, #tpu.memory_space<vmem>>) target_semaphore(%run_scoped3A_187 : memref<!tpu.dma_semaphore, #tpu.memory_space<semaphore_mem>>)
      %dma_wait3A_192 = arith.constant 0 : i32
      %dma_wait3A_193 = tpu.memref_slice %arg11[%add3A_142, %dma_wait3A_192] : memref<10240x128xf32, #tpu.memory_space<vmem_shared>> -> memref<32x128xf32, #tpu.memory_space<vmem_shared>>
      %dma_wait3A_194 = arith.constant 0 : i32
      %dma_wait3A_195 = tpu.memref_slice %arg11[%add3A_142, %dma_wait3A_194] : memref<10240x128xf32, #tpu.memory_space<vmem_shared>> -> memref<32x128xf32, #tpu.memory_space<vmem_shared>>
      tpu.wait_dma2 semaphore(%run_scoped3A_187 : memref<!tpu.dma_semaphore, #tpu.memory_space<semaphore_mem>>) src(%dma_wait3A_195 : memref<32x128xf32, #tpu.memory_space<vmem_shared>>) dst(%arg10 : memref<32x128xf32, #tpu.memory_space<vmem>>)
      tpu.yield
    }) : () -> ()
    "tpu.region"() ({
      %run_scoped3A_187 = tpu.sem_alloc : memref<!tpu.dma_semaphore, #tpu.memory_space<semaphore_mem>>
      %dma_start3A_188 = arith.constant 0 : i32
      %dma_start3A_189 = tpu.memref_slice %arg5[%arg0, %add3A_142, %dma_start3A_188] : memref<2x10240x128xf32, #tpu.memory_space<hbm>> -> memref<1x32x128xf32, #tpu.memory_space<hbm>>
      %dma_start3A_190 = tpu.memref_squeeze %dma_start3A_189 : memref<1x32x128xf32, #tpu.memory_space<hbm>> -> memref<32x128xf32, #tpu.memory_space<hbm>>
      %dma_start3A_191 = arith.constant 0 : i32
      %dma_start3A_192 = tpu.memref_slice %arg5[%arg0, %add3A_142, %dma_start3A_191] : memref<2x10240x128xf32, #tpu.memory_space<hbm>> -> memref<1x32x128xf32, #tpu.memory_space<hbm>>
      %dma_start3A_193 = tpu.memref_squeeze %dma_start3A_192 : memref<1x32x128xf32, #tpu.memory_space<hbm>> -> memref<32x128xf32, #tpu.memory_space<hbm>>
      tpu.enqueue_dma source(%arg10 : memref<32x128xf32, #tpu.memory_space<vmem>>) target(%dma_start3A_193 : memref<32x128xf32, #tpu.memory_space<hbm>>) target_semaphore(%run_scoped3A_187 : memref<!tpu.dma_semaphore, #tpu.memory_space<semaphore_mem>>)
      %dma_wait3A_194 = arith.constant 0 : i32
      %dma_wait3A_195 = tpu.memref_slice %arg5[%arg0, %add3A_142, %dma_wait3A_194] : memref<2x10240x128xf32, #tpu.memory_space<hbm>> -> memref<1x32x128xf32, #tpu.memory_space<hbm>>
      %dma_wait3A_196 = tpu.memref_squeeze %dma_wait3A_195 : memref<1x32x128xf32, #tpu.memory_space<hbm>> -> memref<32x128xf32, #tpu.memory_space<hbm>>
      %dma_wait3A_197 = arith.constant 0 : i32
      %dma_wait3A_198 = tpu.memref_slice %arg5[%arg0, %add3A_142, %dma_wait3A_197] : memref<2x10240x128xf32, #tpu.memory_space<hbm>> -> memref<1x32x128xf32, #tpu.memory_space<hbm>>
      %dma_wait3A_199 = tpu.memref_squeeze %dma_wait3A_198 : memref<1x32x128xf32, #tpu.memory_space<hbm>> -> memref<32x128xf32, #tpu.memory_space<hbm>>
      tpu.wait_dma2 semaphore(%run_scoped3A_187 : memref<!tpu.dma_semaphore, #tpu.memory_space<semaphore_mem>>) src(%arg10 : memref<32x128xf32, #tpu.memory_space<vmem>>) dst(%dma_wait3A_199 : memref<32x128xf32, #tpu.memory_space<hbm>>)
      tpu.yield
    }) : () -> ()
    %mul3A_143 = arith.constant 640 : i32
    %mul3A_144 = arith.muli %arg1, %mul3A_143 : i32
    %add3A_145 = arith.constant 288 : i32
    %add3A_146 = arith.addi %mul3A_144, %add3A_145 : i32
    "tpu.region"() ({
      %run_scoped3A_187 = tpu.sem_alloc : memref<!tpu.dma_semaphore, #tpu.memory_space<semaphore_mem>>
      %dma_start3A_188 = arith.constant 0 : i32
      %dma_start3A_189 = tpu.memref_slice %arg11[%add3A_146, %dma_start3A_188] : memref<10240x128xf32, #tpu.memory_space<vmem_shared>> -> memref<32x128xf32, #tpu.memory_space<vmem_shared>>
      %dma_start3A_190 = arith.constant 0 : i32
      %dma_start3A_191 = tpu.memref_slice %arg11[%add3A_146, %dma_start3A_190] : memref<10240x128xf32, #tpu.memory_space<vmem_shared>> -> memref<32x128xf32, #tpu.memory_space<vmem_shared>>
      tpu.enqueue_dma source(%dma_start3A_191 : memref<32x128xf32, #tpu.memory_space<vmem_shared>>) target(%arg10 : memref<32x128xf32, #tpu.memory_space<vmem>>) target_semaphore(%run_scoped3A_187 : memref<!tpu.dma_semaphore, #tpu.memory_space<semaphore_mem>>)
      %dma_wait3A_192 = arith.constant 0 : i32
      %dma_wait3A_193 = tpu.memref_slice %arg11[%add3A_146, %dma_wait3A_192] : memref<10240x128xf32, #tpu.memory_space<vmem_shared>> -> memref<32x128xf32, #tpu.memory_space<vmem_shared>>
      %dma_wait3A_194 = arith.constant 0 : i32
      %dma_wait3A_195 = tpu.memref_slice %arg11[%add3A_146, %dma_wait3A_194] : memref<10240x128xf32, #tpu.memory_space<vmem_shared>> -> memref<32x128xf32, #tpu.memory_space<vmem_shared>>
      tpu.wait_dma2 semaphore(%run_scoped3A_187 : memref<!tpu.dma_semaphore, #tpu.memory_space<semaphore_mem>>) src(%dma_wait3A_195 : memref<32x128xf32, #tpu.memory_space<vmem_shared>>) dst(%arg10 : memref<32x128xf32, #tpu.memory_space<vmem>>)
      tpu.yield
    }) : () -> ()
    "tpu.region"() ({
      %run_scoped3A_187 = tpu.sem_alloc : memref<!tpu.dma_semaphore, #tpu.memory_space<semaphore_mem>>
      %dma_start3A_188 = arith.constant 0 : i32
      %dma_start3A_189 = tpu.memref_slice %arg5[%arg0, %add3A_146, %dma_start3A_188] : memref<2x10240x128xf32, #tpu.memory_space<hbm>> -> memref<1x32x128xf32, #tpu.memory_space<hbm>>
      %dma_start3A_190 = tpu.memref_squeeze %dma_start3A_189 : memref<1x32x128xf32, #tpu.memory_space<hbm>> -> memref<32x128xf32, #tpu.memory_space<hbm>>
      %dma_start3A_191 = arith.constant 0 : i32
      %dma_start3A_192 = tpu.memref_slice %arg5[%arg0, %add3A_146, %dma_start3A_191] : memref<2x10240x128xf32, #tpu.memory_space<hbm>> -> memref<1x32x128xf32, #tpu.memory_space<hbm>>
      %dma_start3A_193 = tpu.memref_squeeze %dma_start3A_192 : memref<1x32x128xf32, #tpu.memory_space<hbm>> -> memref<32x128xf32, #tpu.memory_space<hbm>>
      tpu.enqueue_dma source(%arg10 : memref<32x128xf32, #tpu.memory_space<vmem>>) target(%dma_start3A_193 : memref<32x128xf32, #tpu.memory_space<hbm>>) target_semaphore(%run_scoped3A_187 : memref<!tpu.dma_semaphore, #tpu.memory_space<semaphore_mem>>)
      %dma_wait3A_194 = arith.constant 0 : i32
      %dma_wait3A_195 = tpu.memref_slice %arg5[%arg0, %add3A_146, %dma_wait3A_194] : memref<2x10240x128xf32, #tpu.memory_space<hbm>> -> memref<1x32x128xf32, #tpu.memory_space<hbm>>
      %dma_wait3A_196 = tpu.memref_squeeze %dma_wait3A_195 : memref<1x32x128xf32, #tpu.memory_space<hbm>> -> memref<32x128xf32, #tpu.memory_space<hbm>>
      %dma_wait3A_197 = arith.constant 0 : i32
      %dma_wait3A_198 = tpu.memref_slice %arg5[%arg0, %add3A_146, %dma_wait3A_197] : memref<2x10240x128xf32, #tpu.memory_space<hbm>> -> memref<1x32x128xf32, #tpu.memory_space<hbm>>
      %dma_wait3A_199 = tpu.memref_squeeze %dma_wait3A_198 : memref<1x32x128xf32, #tpu.memory_space<hbm>> -> memref<32x128xf32, #tpu.memory_space<hbm>>
      tpu.wait_dma2 semaphore(%run_scoped3A_187 : memref<!tpu.dma_semaphore, #tpu.memory_space<semaphore_mem>>) src(%arg10 : memref<32x128xf32, #tpu.memory_space<vmem>>) dst(%dma_wait3A_199 : memref<32x128xf32, #tpu.memory_space<hbm>>)
      tpu.yield
    }) : () -> ()
    %mul3A_147 = arith.constant 640 : i32
    %mul3A_148 = arith.muli %arg1, %mul3A_147 : i32
    %add3A_149 = arith.constant 320 : i32
    %add3A_150 = arith.addi %mul3A_148, %add3A_149 : i32
    "tpu.region"() ({
      %run_scoped3A_187 = tpu.sem_alloc : memref<!tpu.dma_semaphore, #tpu.memory_space<semaphore_mem>>
      %dma_start3A_188 = arith.constant 0 : i32
      %dma_start3A_189 = tpu.memref_slice %arg11[%add3A_150, %dma_start3A_188] : memref<10240x128xf32, #tpu.memory_space<vmem_shared>> -> memref<32x128xf32, #tpu.memory_space<vmem_shared>>
      %dma_start3A_190 = arith.constant 0 : i32
      %dma_start3A_191 = tpu.memref_slice %arg11[%add3A_150, %dma_start3A_190] : memref<10240x128xf32, #tpu.memory_space<vmem_shared>> -> memref<32x128xf32, #tpu.memory_space<vmem_shared>>
      tpu.enqueue_dma source(%dma_start3A_191 : memref<32x128xf32, #tpu.memory_space<vmem_shared>>) target(%arg10 : memref<32x128xf32, #tpu.memory_space<vmem>>) target_semaphore(%run_scoped3A_187 : memref<!tpu.dma_semaphore, #tpu.memory_space<semaphore_mem>>)
      %dma_wait3A_192 = arith.constant 0 : i32
      %dma_wait3A_193 = tpu.memref_slice %arg11[%add3A_150, %dma_wait3A_192] : memref<10240x128xf32, #tpu.memory_space<vmem_shared>> -> memref<32x128xf32, #tpu.memory_space<vmem_shared>>
      %dma_wait3A_194 = arith.constant 0 : i32
      %dma_wait3A_195 = tpu.memref_slice %arg11[%add3A_150, %dma_wait3A_194] : memref<10240x128xf32, #tpu.memory_space<vmem_shared>> -> memref<32x128xf32, #tpu.memory_space<vmem_shared>>
      tpu.wait_dma2 semaphore(%run_scoped3A_187 : memref<!tpu.dma_semaphore, #tpu.memory_space<semaphore_mem>>) src(%dma_wait3A_195 : memref<32x128xf32, #tpu.memory_space<vmem_shared>>) dst(%arg10 : memref<32x128xf32, #tpu.memory_space<vmem>>)
      tpu.yield
    }) : () -> ()
    "tpu.region"() ({
      %run_scoped3A_187 = tpu.sem_alloc : memref<!tpu.dma_semaphore, #tpu.memory_space<semaphore_mem>>
      %dma_start3A_188 = arith.constant 0 : i32
      %dma_start3A_189 = tpu.memref_slice %arg5[%arg0, %add3A_150, %dma_start3A_188] : memref<2x10240x128xf32, #tpu.memory_space<hbm>> -> memref<1x32x128xf32, #tpu.memory_space<hbm>>
      %dma_start3A_190 = tpu.memref_squeeze %dma_start3A_189 : memref<1x32x128xf32, #tpu.memory_space<hbm>> -> memref<32x128xf32, #tpu.memory_space<hbm>>
      %dma_start3A_191 = arith.constant 0 : i32
      %dma_start3A_192 = tpu.memref_slice %arg5[%arg0, %add3A_150, %dma_start3A_191] : memref<2x10240x128xf32, #tpu.memory_space<hbm>> -> memref<1x32x128xf32, #tpu.memory_space<hbm>>
      %dma_start3A_193 = tpu.memref_squeeze %dma_start3A_192 : memref<1x32x128xf32, #tpu.memory_space<hbm>> -> memref<32x128xf32, #tpu.memory_space<hbm>>
      tpu.enqueue_dma source(%arg10 : memref<32x128xf32, #tpu.memory_space<vmem>>) target(%dma_start3A_193 : memref<32x128xf32, #tpu.memory_space<hbm>>) target_semaphore(%run_scoped3A_187 : memref<!tpu.dma_semaphore, #tpu.memory_space<semaphore_mem>>)
      %dma_wait3A_194 = arith.constant 0 : i32
      %dma_wait3A_195 = tpu.memref_slice %arg5[%arg0, %add3A_150, %dma_wait3A_194] : memref<2x10240x128xf32, #tpu.memory_space<hbm>> -> memref<1x32x128xf32, #tpu.memory_space<hbm>>
      %dma_wait3A_196 = tpu.memref_squeeze %dma_wait3A_195 : memref<1x32x128xf32, #tpu.memory_space<hbm>> -> memref<32x128xf32, #tpu.memory_space<hbm>>
      %dma_wait3A_197 = arith.constant 0 : i32
      %dma_wait3A_198 = tpu.memref_slice %arg5[%arg0, %add3A_150, %dma_wait3A_197] : memref<2x10240x128xf32, #tpu.memory_space<hbm>> -> memref<1x32x128xf32, #tpu.memory_space<hbm>>
      %dma_wait3A_199 = tpu.memref_squeeze %dma_wait3A_198 : memref<1x32x128xf32, #tpu.memory_space<hbm>> -> memref<32x128xf32, #tpu.memory_space<hbm>>
      tpu.wait_dma2 semaphore(%run_scoped3A_187 : memref<!tpu.dma_semaphore, #tpu.memory_space<semaphore_mem>>) src(%arg10 : memref<32x128xf32, #tpu.memory_space<vmem>>) dst(%dma_wait3A_199 : memref<32x128xf32, #tpu.memory_space<hbm>>)
      tpu.yield
    }) : () -> ()
    %mul3A_151 = arith.constant 640 : i32
    %mul3A_152 = arith.muli %arg1, %mul3A_151 : i32
    %add3A_153 = arith.constant 352 : i32
    %add3A_154 = arith.addi %mul3A_152, %add3A_153 : i32
    "tpu.region"() ({
      %run_scoped3A_187 = tpu.sem_alloc : memref<!tpu.dma_semaphore, #tpu.memory_space<semaphore_mem>>
      %dma_start3A_188 = arith.constant 0 : i32
      %dma_start3A_189 = tpu.memref_slice %arg11[%add3A_154, %dma_start3A_188] : memref<10240x128xf32, #tpu.memory_space<vmem_shared>> -> memref<32x128xf32, #tpu.memory_space<vmem_shared>>
      %dma_start3A_190 = arith.constant 0 : i32
      %dma_start3A_191 = tpu.memref_slice %arg11[%add3A_154, %dma_start3A_190] : memref<10240x128xf32, #tpu.memory_space<vmem_shared>> -> memref<32x128xf32, #tpu.memory_space<vmem_shared>>
      tpu.enqueue_dma source(%dma_start3A_191 : memref<32x128xf32, #tpu.memory_space<vmem_shared>>) target(%arg10 : memref<32x128xf32, #tpu.memory_space<vmem>>) target_semaphore(%run_scoped3A_187 : memref<!tpu.dma_semaphore, #tpu.memory_space<semaphore_mem>>)
      %dma_wait3A_192 = arith.constant 0 : i32
      %dma_wait3A_193 = tpu.memref_slice %arg11[%add3A_154, %dma_wait3A_192] : memref<10240x128xf32, #tpu.memory_space<vmem_shared>> -> memref<32x128xf32, #tpu.memory_space<vmem_shared>>
      %dma_wait3A_194 = arith.constant 0 : i32
      %dma_wait3A_195 = tpu.memref_slice %arg11[%add3A_154, %dma_wait3A_194] : memref<10240x128xf32, #tpu.memory_space<vmem_shared>> -> memref<32x128xf32, #tpu.memory_space<vmem_shared>>
      tpu.wait_dma2 semaphore(%run_scoped3A_187 : memref<!tpu.dma_semaphore, #tpu.memory_space<semaphore_mem>>) src(%dma_wait3A_195 : memref<32x128xf32, #tpu.memory_space<vmem_shared>>) dst(%arg10 : memref<32x128xf32, #tpu.memory_space<vmem>>)
      tpu.yield
    }) : () -> ()
    "tpu.region"() ({
      %run_scoped3A_187 = tpu.sem_alloc : memref<!tpu.dma_semaphore, #tpu.memory_space<semaphore_mem>>
      %dma_start3A_188 = arith.constant 0 : i32
      %dma_start3A_189 = tpu.memref_slice %arg5[%arg0, %add3A_154, %dma_start3A_188] : memref<2x10240x128xf32, #tpu.memory_space<hbm>> -> memref<1x32x128xf32, #tpu.memory_space<hbm>>
      %dma_start3A_190 = tpu.memref_squeeze %dma_start3A_189 : memref<1x32x128xf32, #tpu.memory_space<hbm>> -> memref<32x128xf32, #tpu.memory_space<hbm>>
      %dma_start3A_191 = arith.constant 0 : i32
      %dma_start3A_192 = tpu.memref_slice %arg5[%arg0, %add3A_154, %dma_start3A_191] : memref<2x10240x128xf32, #tpu.memory_space<hbm>> -> memref<1x32x128xf32, #tpu.memory_space<hbm>>
      %dma_start3A_193 = tpu.memref_squeeze %dma_start3A_192 : memref<1x32x128xf32, #tpu.memory_space<hbm>> -> memref<32x128xf32, #tpu.memory_space<hbm>>
      tpu.enqueue_dma source(%arg10 : memref<32x128xf32, #tpu.memory_space<vmem>>) target(%dma_start3A_193 : memref<32x128xf32, #tpu.memory_space<hbm>>) target_semaphore(%run_scoped3A_187 : memref<!tpu.dma_semaphore, #tpu.memory_space<semaphore_mem>>)
      %dma_wait3A_194 = arith.constant 0 : i32
      %dma_wait3A_195 = tpu.memref_slice %arg5[%arg0, %add3A_154, %dma_wait3A_194] : memref<2x10240x128xf32, #tpu.memory_space<hbm>> -> memref<1x32x128xf32, #tpu.memory_space<hbm>>
      %dma_wait3A_196 = tpu.memref_squeeze %dma_wait3A_195 : memref<1x32x128xf32, #tpu.memory_space<hbm>> -> memref<32x128xf32, #tpu.memory_space<hbm>>
      %dma_wait3A_197 = arith.constant 0 : i32
      %dma_wait3A_198 = tpu.memref_slice %arg5[%arg0, %add3A_154, %dma_wait3A_197] : memref<2x10240x128xf32, #tpu.memory_space<hbm>> -> memref<1x32x128xf32, #tpu.memory_space<hbm>>
      %dma_wait3A_199 = tpu.memref_squeeze %dma_wait3A_198 : memref<1x32x128xf32, #tpu.memory_space<hbm>> -> memref<32x128xf32, #tpu.memory_space<hbm>>
      tpu.wait_dma2 semaphore(%run_scoped3A_187 : memref<!tpu.dma_semaphore, #tpu.memory_space<semaphore_mem>>) src(%arg10 : memref<32x128xf32, #tpu.memory_space<vmem>>) dst(%dma_wait3A_199 : memref<32x128xf32, #tpu.memory_space<hbm>>)
      tpu.yield
    }) : () -> ()
    %mul3A_155 = arith.constant 640 : i32
    %mul3A_156 = arith.muli %arg1, %mul3A_155 : i32
    %add3A_157 = arith.constant 384 : i32
    %add3A_158 = arith.addi %mul3A_156, %add3A_157 : i32
    "tpu.region"() ({
      %run_scoped3A_187 = tpu.sem_alloc : memref<!tpu.dma_semaphore, #tpu.memory_space<semaphore_mem>>
      %dma_start3A_188 = arith.constant 0 : i32
      %dma_start3A_189 = tpu.memref_slice %arg11[%add3A_158, %dma_start3A_188] : memref<10240x128xf32, #tpu.memory_space<vmem_shared>> -> memref<32x128xf32, #tpu.memory_space<vmem_shared>>
      %dma_start3A_190 = arith.constant 0 : i32
      %dma_start3A_191 = tpu.memref_slice %arg11[%add3A_158, %dma_start3A_190] : memref<10240x128xf32, #tpu.memory_space<vmem_shared>> -> memref<32x128xf32, #tpu.memory_space<vmem_shared>>
      tpu.enqueue_dma source(%dma_start3A_191 : memref<32x128xf32, #tpu.memory_space<vmem_shared>>) target(%arg10 : memref<32x128xf32, #tpu.memory_space<vmem>>) target_semaphore(%run_scoped3A_187 : memref<!tpu.dma_semaphore, #tpu.memory_space<semaphore_mem>>)
      %dma_wait3A_192 = arith.constant 0 : i32
      %dma_wait3A_193 = tpu.memref_slice %arg11[%add3A_158, %dma_wait3A_192] : memref<10240x128xf32, #tpu.memory_space<vmem_shared>> -> memref<32x128xf32, #tpu.memory_space<vmem_shared>>
      %dma_wait3A_194 = arith.constant 0 : i32
      %dma_wait3A_195 = tpu.memref_slice %arg11[%add3A_158, %dma_wait3A_194] : memref<10240x128xf32, #tpu.memory_space<vmem_shared>> -> memref<32x128xf32, #tpu.memory_space<vmem_shared>>
      tpu.wait_dma2 semaphore(%run_scoped3A_187 : memref<!tpu.dma_semaphore, #tpu.memory_space<semaphore_mem>>) src(%dma_wait3A_195 : memref<32x128xf32, #tpu.memory_space<vmem_shared>>) dst(%arg10 : memref<32x128xf32, #tpu.memory_space<vmem>>)
      tpu.yield
    }) : () -> ()
    "tpu.region"() ({
      %run_scoped3A_187 = tpu.sem_alloc : memref<!tpu.dma_semaphore, #tpu.memory_space<semaphore_mem>>
      %dma_start3A_188 = arith.constant 0 : i32
      %dma_start3A_189 = tpu.memref_slice %arg5[%arg0, %add3A_158, %dma_start3A_188] : memref<2x10240x128xf32, #tpu.memory_space<hbm>> -> memref<1x32x128xf32, #tpu.memory_space<hbm>>
      %dma_start3A_190 = tpu.memref_squeeze %dma_start3A_189 : memref<1x32x128xf32, #tpu.memory_space<hbm>> -> memref<32x128xf32, #tpu.memory_space<hbm>>
      %dma_start3A_191 = arith.constant 0 : i32
      %dma_start3A_192 = tpu.memref_slice %arg5[%arg0, %add3A_158, %dma_start3A_191] : memref<2x10240x128xf32, #tpu.memory_space<hbm>> -> memref<1x32x128xf32, #tpu.memory_space<hbm>>
      %dma_start3A_193 = tpu.memref_squeeze %dma_start3A_192 : memref<1x32x128xf32, #tpu.memory_space<hbm>> -> memref<32x128xf32, #tpu.memory_space<hbm>>
      tpu.enqueue_dma source(%arg10 : memref<32x128xf32, #tpu.memory_space<vmem>>) target(%dma_start3A_193 : memref<32x128xf32, #tpu.memory_space<hbm>>) target_semaphore(%run_scoped3A_187 : memref<!tpu.dma_semaphore, #tpu.memory_space<semaphore_mem>>)
      %dma_wait3A_194 = arith.constant 0 : i32
      %dma_wait3A_195 = tpu.memref_slice %arg5[%arg0, %add3A_158, %dma_wait3A_194] : memref<2x10240x128xf32, #tpu.memory_space<hbm>> -> memref<1x32x128xf32, #tpu.memory_space<hbm>>
      %dma_wait3A_196 = tpu.memref_squeeze %dma_wait3A_195 : memref<1x32x128xf32, #tpu.memory_space<hbm>> -> memref<32x128xf32, #tpu.memory_space<hbm>>
      %dma_wait3A_197 = arith.constant 0 : i32
      %dma_wait3A_198 = tpu.memref_slice %arg5[%arg0, %add3A_158, %dma_wait3A_197] : memref<2x10240x128xf32, #tpu.memory_space<hbm>> -> memref<1x32x128xf32, #tpu.memory_space<hbm>>
      %dma_wait3A_199 = tpu.memref_squeeze %dma_wait3A_198 : memref<1x32x128xf32, #tpu.memory_space<hbm>> -> memref<32x128xf32, #tpu.memory_space<hbm>>
      tpu.wait_dma2 semaphore(%run_scoped3A_187 : memref<!tpu.dma_semaphore, #tpu.memory_space<semaphore_mem>>) src(%arg10 : memref<32x128xf32, #tpu.memory_space<vmem>>) dst(%dma_wait3A_199 : memref<32x128xf32, #tpu.memory_space<hbm>>)
      tpu.yield
    }) : () -> ()
    %mul3A_159 = arith.constant 640 : i32
    %mul3A_160 = arith.muli %arg1, %mul3A_159 : i32
    %add3A_161 = arith.constant 416 : i32
    %add3A_162 = arith.addi %mul3A_160, %add3A_161 : i32
    "tpu.region"() ({
      %run_scoped3A_187 = tpu.sem_alloc : memref<!tpu.dma_semaphore, #tpu.memory_space<semaphore_mem>>
      %dma_start3A_188 = arith.constant 0 : i32
      %dma_start3A_189 = tpu.memref_slice %arg11[%add3A_162, %dma_start3A_188] : memref<10240x128xf32, #tpu.memory_space<vmem_shared>> -> memref<32x128xf32, #tpu.memory_space<vmem_shared>>
      %dma_start3A_190 = arith.constant 0 : i32
      %dma_start3A_191 = tpu.memref_slice %arg11[%add3A_162, %dma_start3A_190] : memref<10240x128xf32, #tpu.memory_space<vmem_shared>> -> memref<32x128xf32, #tpu.memory_space<vmem_shared>>
      tpu.enqueue_dma source(%dma_start3A_191 : memref<32x128xf32, #tpu.memory_space<vmem_shared>>) target(%arg10 : memref<32x128xf32, #tpu.memory_space<vmem>>) target_semaphore(%run_scoped3A_187 : memref<!tpu.dma_semaphore, #tpu.memory_space<semaphore_mem>>)
      %dma_wait3A_192 = arith.constant 0 : i32
      %dma_wait3A_193 = tpu.memref_slice %arg11[%add3A_162, %dma_wait3A_192] : memref<10240x128xf32, #tpu.memory_space<vmem_shared>> -> memref<32x128xf32, #tpu.memory_space<vmem_shared>>
      %dma_wait3A_194 = arith.constant 0 : i32
      %dma_wait3A_195 = tpu.memref_slice %arg11[%add3A_162, %dma_wait3A_194] : memref<10240x128xf32, #tpu.memory_space<vmem_shared>> -> memref<32x128xf32, #tpu.memory_space<vmem_shared>>
      tpu.wait_dma2 semaphore(%run_scoped3A_187 : memref<!tpu.dma_semaphore, #tpu.memory_space<semaphore_mem>>) src(%dma_wait3A_195 : memref<32x128xf32, #tpu.memory_space<vmem_shared>>) dst(%arg10 : memref<32x128xf32, #tpu.memory_space<vmem>>)
      tpu.yield
    }) : () -> ()
    "tpu.region"() ({
      %run_scoped3A_187 = tpu.sem_alloc : memref<!tpu.dma_semaphore, #tpu.memory_space<semaphore_mem>>
      %dma_start3A_188 = arith.constant 0 : i32
      %dma_start3A_189 = tpu.memref_slice %arg5[%arg0, %add3A_162, %dma_start3A_188] : memref<2x10240x128xf32, #tpu.memory_space<hbm>> -> memref<1x32x128xf32, #tpu.memory_space<hbm>>
      %dma_start3A_190 = tpu.memref_squeeze %dma_start3A_189 : memref<1x32x128xf32, #tpu.memory_space<hbm>> -> memref<32x128xf32, #tpu.memory_space<hbm>>
      %dma_start3A_191 = arith.constant 0 : i32
      %dma_start3A_192 = tpu.memref_slice %arg5[%arg0, %add3A_162, %dma_start3A_191] : memref<2x10240x128xf32, #tpu.memory_space<hbm>> -> memref<1x32x128xf32, #tpu.memory_space<hbm>>
      %dma_start3A_193 = tpu.memref_squeeze %dma_start3A_192 : memref<1x32x128xf32, #tpu.memory_space<hbm>> -> memref<32x128xf32, #tpu.memory_space<hbm>>
      tpu.enqueue_dma source(%arg10 : memref<32x128xf32, #tpu.memory_space<vmem>>) target(%dma_start3A_193 : memref<32x128xf32, #tpu.memory_space<hbm>>) target_semaphore(%run_scoped3A_187 : memref<!tpu.dma_semaphore, #tpu.memory_space<semaphore_mem>>)
      %dma_wait3A_194 = arith.constant 0 : i32
      %dma_wait3A_195 = tpu.memref_slice %arg5[%arg0, %add3A_162, %dma_wait3A_194] : memref<2x10240x128xf32, #tpu.memory_space<hbm>> -> memref<1x32x128xf32, #tpu.memory_space<hbm>>
      %dma_wait3A_196 = tpu.memref_squeeze %dma_wait3A_195 : memref<1x32x128xf32, #tpu.memory_space<hbm>> -> memref<32x128xf32, #tpu.memory_space<hbm>>
      %dma_wait3A_197 = arith.constant 0 : i32
      %dma_wait3A_198 = tpu.memref_slice %arg5[%arg0, %add3A_162, %dma_wait3A_197] : memref<2x10240x128xf32, #tpu.memory_space<hbm>> -> memref<1x32x128xf32, #tpu.memory_space<hbm>>
      %dma_wait3A_199 = tpu.memref_squeeze %dma_wait3A_198 : memref<1x32x128xf32, #tpu.memory_space<hbm>> -> memref<32x128xf32, #tpu.memory_space<hbm>>
      tpu.wait_dma2 semaphore(%run_scoped3A_187 : memref<!tpu.dma_semaphore, #tpu.memory_space<semaphore_mem>>) src(%arg10 : memref<32x128xf32, #tpu.memory_space<vmem>>) dst(%dma_wait3A_199 : memref<32x128xf32, #tpu.memory_space<hbm>>)
      tpu.yield
    }) : () -> ()
    %mul3A_163 = arith.constant 640 : i32
    %mul3A_164 = arith.muli %arg1, %mul3A_163 : i32
    %add3A_165 = arith.constant 448 : i32
    %add3A_166 = arith.addi %mul3A_164, %add3A_165 : i32
    "tpu.region"() ({
      %run_scoped3A_187 = tpu.sem_alloc : memref<!tpu.dma_semaphore, #tpu.memory_space<semaphore_mem>>
      %dma_start3A_188 = arith.constant 0 : i32
      %dma_start3A_189 = tpu.memref_slice %arg11[%add3A_166, %dma_start3A_188] : memref<10240x128xf32, #tpu.memory_space<vmem_shared>> -> memref<32x128xf32, #tpu.memory_space<vmem_shared>>
      %dma_start3A_190 = arith.constant 0 : i32
      %dma_start3A_191 = tpu.memref_slice %arg11[%add3A_166, %dma_start3A_190] : memref<10240x128xf32, #tpu.memory_space<vmem_shared>> -> memref<32x128xf32, #tpu.memory_space<vmem_shared>>
      tpu.enqueue_dma source(%dma_start3A_191 : memref<32x128xf32, #tpu.memory_space<vmem_shared>>) target(%arg10 : memref<32x128xf32, #tpu.memory_space<vmem>>) target_semaphore(%run_scoped3A_187 : memref<!tpu.dma_semaphore, #tpu.memory_space<semaphore_mem>>)
      %dma_wait3A_192 = arith.constant 0 : i32
      %dma_wait3A_193 = tpu.memref_slice %arg11[%add3A_166, %dma_wait3A_192] : memref<10240x128xf32, #tpu.memory_space<vmem_shared>> -> memref<32x128xf32, #tpu.memory_space<vmem_shared>>
      %dma_wait3A_194 = arith.constant 0 : i32
      %dma_wait3A_195 = tpu.memref_slice %arg11[%add3A_166, %dma_wait3A_194] : memref<10240x128xf32, #tpu.memory_space<vmem_shared>> -> memref<32x128xf32, #tpu.memory_space<vmem_shared>>
      tpu.wait_dma2 semaphore(%run_scoped3A_187 : memref<!tpu.dma_semaphore, #tpu.memory_space<semaphore_mem>>) src(%dma_wait3A_195 : memref<32x128xf32, #tpu.memory_space<vmem_shared>>) dst(%arg10 : memref<32x128xf32, #tpu.memory_space<vmem>>)
      tpu.yield
    }) : () -> ()
    "tpu.region"() ({
      %run_scoped3A_187 = tpu.sem_alloc : memref<!tpu.dma_semaphore, #tpu.memory_space<semaphore_mem>>
      %dma_start3A_188 = arith.constant 0 : i32
      %dma_start3A_189 = tpu.memref_slice %arg5[%arg0, %add3A_166, %dma_start3A_188] : memref<2x10240x128xf32, #tpu.memory_space<hbm>> -> memref<1x32x128xf32, #tpu.memory_space<hbm>>
      %dma_start3A_190 = tpu.memref_squeeze %dma_start3A_189 : memref<1x32x128xf32, #tpu.memory_space<hbm>> -> memref<32x128xf32, #tpu.memory_space<hbm>>
      %dma_start3A_191 = arith.constant 0 : i32
      %dma_start3A_192 = tpu.memref_slice %arg5[%arg0, %add3A_166, %dma_start3A_191] : memref<2x10240x128xf32, #tpu.memory_space<hbm>> -> memref<1x32x128xf32, #tpu.memory_space<hbm>>
      %dma_start3A_193 = tpu.memref_squeeze %dma_start3A_192 : memref<1x32x128xf32, #tpu.memory_space<hbm>> -> memref<32x128xf32, #tpu.memory_space<hbm>>
      tpu.enqueue_dma source(%arg10 : memref<32x128xf32, #tpu.memory_space<vmem>>) target(%dma_start3A_193 : memref<32x128xf32, #tpu.memory_space<hbm>>) target_semaphore(%run_scoped3A_187 : memref<!tpu.dma_semaphore, #tpu.memory_space<semaphore_mem>>)
      %dma_wait3A_194 = arith.constant 0 : i32
      %dma_wait3A_195 = tpu.memref_slice %arg5[%arg0, %add3A_166, %dma_wait3A_194] : memref<2x10240x128xf32, #tpu.memory_space<hbm>> -> memref<1x32x128xf32, #tpu.memory_space<hbm>>
      %dma_wait3A_196 = tpu.memref_squeeze %dma_wait3A_195 : memref<1x32x128xf32, #tpu.memory_space<hbm>> -> memref<32x128xf32, #tpu.memory_space<hbm>>
      %dma_wait3A_197 = arith.constant 0 : i32
      %dma_wait3A_198 = tpu.memref_slice %arg5[%arg0, %add3A_166, %dma_wait3A_197] : memref<2x10240x128xf32, #tpu.memory_space<hbm>> -> memref<1x32x128xf32, #tpu.memory_space<hbm>>
      %dma_wait3A_199 = tpu.memref_squeeze %dma_wait3A_198 : memref<1x32x128xf32, #tpu.memory_space<hbm>> -> memref<32x128xf32, #tpu.memory_space<hbm>>
      tpu.wait_dma2 semaphore(%run_scoped3A_187 : memref<!tpu.dma_semaphore, #tpu.memory_space<semaphore_mem>>) src(%arg10 : memref<32x128xf32, #tpu.memory_space<vmem>>) dst(%dma_wait3A_199 : memref<32x128xf32, #tpu.memory_space<hbm>>)
      tpu.yield
    }) : () -> ()
    %mul3A_167 = arith.constant 640 : i32
    %mul3A_168 = arith.muli %arg1, %mul3A_167 : i32
    %add3A_169 = arith.constant 480 : i32
    %add3A_170 = arith.addi %mul3A_168, %add3A_169 : i32
    "tpu.region"() ({
      %run_scoped3A_187 = tpu.sem_alloc : memref<!tpu.dma_semaphore, #tpu.memory_space<semaphore_mem>>
      %dma_start3A_188 = arith.constant 0 : i32
      %dma_start3A_189 = tpu.memref_slice %arg11[%add3A_170, %dma_start3A_188] : memref<10240x128xf32, #tpu.memory_space<vmem_shared>> -> memref<32x128xf32, #tpu.memory_space<vmem_shared>>
      %dma_start3A_190 = arith.constant 0 : i32
      %dma_start3A_191 = tpu.memref_slice %arg11[%add3A_170, %dma_start3A_190] : memref<10240x128xf32, #tpu.memory_space<vmem_shared>> -> memref<32x128xf32, #tpu.memory_space<vmem_shared>>
      tpu.enqueue_dma source(%dma_start3A_191 : memref<32x128xf32, #tpu.memory_space<vmem_shared>>) target(%arg10 : memref<32x128xf32, #tpu.memory_space<vmem>>) target_semaphore(%run_scoped3A_187 : memref<!tpu.dma_semaphore, #tpu.memory_space<semaphore_mem>>)
      %dma_wait3A_192 = arith.constant 0 : i32
      %dma_wait3A_193 = tpu.memref_slice %arg11[%add3A_170, %dma_wait3A_192] : memref<10240x128xf32, #tpu.memory_space<vmem_shared>> -> memref<32x128xf32, #tpu.memory_space<vmem_shared>>
      %dma_wait3A_194 = arith.constant 0 : i32
      %dma_wait3A_195 = tpu.memref_slice %arg11[%add3A_170, %dma_wait3A_194] : memref<10240x128xf32, #tpu.memory_space<vmem_shared>> -> memref<32x128xf32, #tpu.memory_space<vmem_shared>>
      tpu.wait_dma2 semaphore(%run_scoped3A_187 : memref<!tpu.dma_semaphore, #tpu.memory_space<semaphore_mem>>) src(%dma_wait3A_195 : memref<32x128xf32, #tpu.memory_space<vmem_shared>>) dst(%arg10 : memref<32x128xf32, #tpu.memory_space<vmem>>)
      tpu.yield
    }) : () -> ()
    "tpu.region"() ({
      %run_scoped3A_187 = tpu.sem_alloc : memref<!tpu.dma_semaphore, #tpu.memory_space<semaphore_mem>>
      %dma_start3A_188 = arith.constant 0 : i32
      %dma_start3A_189 = tpu.memref_slice %arg5[%arg0, %add3A_170, %dma_start3A_188] : memref<2x10240x128xf32, #tpu.memory_space<hbm>> -> memref<1x32x128xf32, #tpu.memory_space<hbm>>
      %dma_start3A_190 = tpu.memref_squeeze %dma_start3A_189 : memref<1x32x128xf32, #tpu.memory_space<hbm>> -> memref<32x128xf32, #tpu.memory_space<hbm>>
      %dma_start3A_191 = arith.constant 0 : i32
      %dma_start3A_192 = tpu.memref_slice %arg5[%arg0, %add3A_170, %dma_start3A_191] : memref<2x10240x128xf32, #tpu.memory_space<hbm>> -> memref<1x32x128xf32, #tpu.memory_space<hbm>>
      %dma_start3A_193 = tpu.memref_squeeze %dma_start3A_192 : memref<1x32x128xf32, #tpu.memory_space<hbm>> -> memref<32x128xf32, #tpu.memory_space<hbm>>
      tpu.enqueue_dma source(%arg10 : memref<32x128xf32, #tpu.memory_space<vmem>>) target(%dma_start3A_193 : memref<32x128xf32, #tpu.memory_space<hbm>>) target_semaphore(%run_scoped3A_187 : memref<!tpu.dma_semaphore, #tpu.memory_space<semaphore_mem>>)
      %dma_wait3A_194 = arith.constant 0 : i32
      %dma_wait3A_195 = tpu.memref_slice %arg5[%arg0, %add3A_170, %dma_wait3A_194] : memref<2x10240x128xf32, #tpu.memory_space<hbm>> -> memref<1x32x128xf32, #tpu.memory_space<hbm>>
      %dma_wait3A_196 = tpu.memref_squeeze %dma_wait3A_195 : memref<1x32x128xf32, #tpu.memory_space<hbm>> -> memref<32x128xf32, #tpu.memory_space<hbm>>
      %dma_wait3A_197 = arith.constant 0 : i32
      %dma_wait3A_198 = tpu.memref_slice %arg5[%arg0, %add3A_170, %dma_wait3A_197] : memref<2x10240x128xf32, #tpu.memory_space<hbm>> -> memref<1x32x128xf32, #tpu.memory_space<hbm>>
      %dma_wait3A_199 = tpu.memref_squeeze %dma_wait3A_198 : memref<1x32x128xf32, #tpu.memory_space<hbm>> -> memref<32x128xf32, #tpu.memory_space<hbm>>
      tpu.wait_dma2 semaphore(%run_scoped3A_187 : memref<!tpu.dma_semaphore, #tpu.memory_space<semaphore_mem>>) src(%arg10 : memref<32x128xf32, #tpu.memory_space<vmem>>) dst(%dma_wait3A_199 : memref<32x128xf32, #tpu.memory_space<hbm>>)
      tpu.yield
    }) : () -> ()
    %mul3A_171 = arith.constant 640 : i32
    %mul3A_172 = arith.muli %arg1, %mul3A_171 : i32
    %add3A_173 = arith.constant 512 : i32
    %add3A_174 = arith.addi %mul3A_172, %add3A_173 : i32
    "tpu.region"() ({
      %run_scoped3A_187 = tpu.sem_alloc : memref<!tpu.dma_semaphore, #tpu.memory_space<semaphore_mem>>
      %dma_start3A_188 = arith.constant 0 : i32
      %dma_start3A_189 = tpu.memref_slice %arg11[%add3A_174, %dma_start3A_188] : memref<10240x128xf32, #tpu.memory_space<vmem_shared>> -> memref<32x128xf32, #tpu.memory_space<vmem_shared>>
      %dma_start3A_190 = arith.constant 0 : i32
      %dma_start3A_191 = tpu.memref_slice %arg11[%add3A_174, %dma_start3A_190] : memref<10240x128xf32, #tpu.memory_space<vmem_shared>> -> memref<32x128xf32, #tpu.memory_space<vmem_shared>>
      tpu.enqueue_dma source(%dma_start3A_191 : memref<32x128xf32, #tpu.memory_space<vmem_shared>>) target(%arg10 : memref<32x128xf32, #tpu.memory_space<vmem>>) target_semaphore(%run_scoped3A_187 : memref<!tpu.dma_semaphore, #tpu.memory_space<semaphore_mem>>)
      %dma_wait3A_192 = arith.constant 0 : i32
      %dma_wait3A_193 = tpu.memref_slice %arg11[%add3A_174, %dma_wait3A_192] : memref<10240x128xf32, #tpu.memory_space<vmem_shared>> -> memref<32x128xf32, #tpu.memory_space<vmem_shared>>
      %dma_wait3A_194 = arith.constant 0 : i32
      %dma_wait3A_195 = tpu.memref_slice %arg11[%add3A_174, %dma_wait3A_194] : memref<10240x128xf32, #tpu.memory_space<vmem_shared>> -> memref<32x128xf32, #tpu.memory_space<vmem_shared>>
      tpu.wait_dma2 semaphore(%run_scoped3A_187 : memref<!tpu.dma_semaphore, #tpu.memory_space<semaphore_mem>>) src(%dma_wait3A_195 : memref<32x128xf32, #tpu.memory_space<vmem_shared>>) dst(%arg10 : memref<32x128xf32, #tpu.memory_space<vmem>>)
      tpu.yield
    }) : () -> ()
    "tpu.region"() ({
      %run_scoped3A_187 = tpu.sem_alloc : memref<!tpu.dma_semaphore, #tpu.memory_space<semaphore_mem>>
      %dma_start3A_188 = arith.constant 0 : i32
      %dma_start3A_189 = tpu.memref_slice %arg5[%arg0, %add3A_174, %dma_start3A_188] : memref<2x10240x128xf32, #tpu.memory_space<hbm>> -> memref<1x32x128xf32, #tpu.memory_space<hbm>>
      %dma_start3A_190 = tpu.memref_squeeze %dma_start3A_189 : memref<1x32x128xf32, #tpu.memory_space<hbm>> -> memref<32x128xf32, #tpu.memory_space<hbm>>
      %dma_start3A_191 = arith.constant 0 : i32
      %dma_start3A_192 = tpu.memref_slice %arg5[%arg0, %add3A_174, %dma_start3A_191] : memref<2x10240x128xf32, #tpu.memory_space<hbm>> -> memref<1x32x128xf32, #tpu.memory_space<hbm>>
      %dma_start3A_193 = tpu.memref_squeeze %dma_start3A_192 : memref<1x32x128xf32, #tpu.memory_space<hbm>> -> memref<32x128xf32, #tpu.memory_space<hbm>>
      tpu.enqueue_dma source(%arg10 : memref<32x128xf32, #tpu.memory_space<vmem>>) target(%dma_start3A_193 : memref<32x128xf32, #tpu.memory_space<hbm>>) target_semaphore(%run_scoped3A_187 : memref<!tpu.dma_semaphore, #tpu.memory_space<semaphore_mem>>)
      %dma_wait3A_194 = arith.constant 0 : i32
      %dma_wait3A_195 = tpu.memref_slice %arg5[%arg0, %add3A_174, %dma_wait3A_194] : memref<2x10240x128xf32, #tpu.memory_space<hbm>> -> memref<1x32x128xf32, #tpu.memory_space<hbm>>
      %dma_wait3A_196 = tpu.memref_squeeze %dma_wait3A_195 : memref<1x32x128xf32, #tpu.memory_space<hbm>> -> memref<32x128xf32, #tpu.memory_space<hbm>>
      %dma_wait3A_197 = arith.constant 0 : i32
      %dma_wait3A_198 = tpu.memref_slice %arg5[%arg0, %add3A_174, %dma_wait3A_197] : memref<2x10240x128xf32, #tpu.memory_space<hbm>> -> memref<1x32x128xf32, #tpu.memory_space<hbm>>
      %dma_wait3A_199 = tpu.memref_squeeze %dma_wait3A_198 : memref<1x32x128xf32, #tpu.memory_space<hbm>> -> memref<32x128xf32, #tpu.memory_space<hbm>>
      tpu.wait_dma2 semaphore(%run_scoped3A_187 : memref<!tpu.dma_semaphore, #tpu.memory_space<semaphore_mem>>) src(%arg10 : memref<32x128xf32, #tpu.memory_space<vmem>>) dst(%dma_wait3A_199 : memref<32x128xf32, #tpu.memory_space<hbm>>)
      tpu.yield
    }) : () -> ()
    %mul3A_175 = arith.constant 640 : i32
    %mul3A_176 = arith.muli %arg1, %mul3A_175 : i32
    %add3A_177 = arith.constant 544 : i32
    %add3A_178 = arith.addi %mul3A_176, %add3A_177 : i32
    "tpu.region"() ({
      %run_scoped3A_187 = tpu.sem_alloc : memref<!tpu.dma_semaphore, #tpu.memory_space<semaphore_mem>>
      %dma_start3A_188 = arith.constant 0 : i32
      %dma_start3A_189 = tpu.memref_slice %arg11[%add3A_178, %dma_start3A_188] : memref<10240x128xf32, #tpu.memory_space<vmem_shared>> -> memref<32x128xf32, #tpu.memory_space<vmem_shared>>
      %dma_start3A_190 = arith.constant 0 : i32
      %dma_start3A_191 = tpu.memref_slice %arg11[%add3A_178, %dma_start3A_190] : memref<10240x128xf32, #tpu.memory_space<vmem_shared>> -> memref<32x128xf32, #tpu.memory_space<vmem_shared>>
      tpu.enqueue_dma source(%dma_start3A_191 : memref<32x128xf32, #tpu.memory_space<vmem_shared>>) target(%arg10 : memref<32x128xf32, #tpu.memory_space<vmem>>) target_semaphore(%run_scoped3A_187 : memref<!tpu.dma_semaphore, #tpu.memory_space<semaphore_mem>>)
      %dma_wait3A_192 = arith.constant 0 : i32
      %dma_wait3A_193 = tpu.memref_slice %arg11[%add3A_178, %dma_wait3A_192] : memref<10240x128xf32, #tpu.memory_space<vmem_shared>> -> memref<32x128xf32, #tpu.memory_space<vmem_shared>>
      %dma_wait3A_194 = arith.constant 0 : i32
      %dma_wait3A_195 = tpu.memref_slice %arg11[%add3A_178, %dma_wait3A_194] : memref<10240x128xf32, #tpu.memory_space<vmem_shared>> -> memref<32x128xf32, #tpu.memory_space<vmem_shared>>
      tpu.wait_dma2 semaphore(%run_scoped3A_187 : memref<!tpu.dma_semaphore, #tpu.memory_space<semaphore_mem>>) src(%dma_wait3A_195 : memref<32x128xf32, #tpu.memory_space<vmem_shared>>) dst(%arg10 : memref<32x128xf32, #tpu.memory_space<vmem>>)
      tpu.yield
    }) : () -> ()
    "tpu.region"() ({
      %run_scoped3A_187 = tpu.sem_alloc : memref<!tpu.dma_semaphore, #tpu.memory_space<semaphore_mem>>
      %dma_start3A_188 = arith.constant 0 : i32
      %dma_start3A_189 = tpu.memref_slice %arg5[%arg0, %add3A_178, %dma_start3A_188] : memref<2x10240x128xf32, #tpu.memory_space<hbm>> -> memref<1x32x128xf32, #tpu.memory_space<hbm>>
      %dma_start3A_190 = tpu.memref_squeeze %dma_start3A_189 : memref<1x32x128xf32, #tpu.memory_space<hbm>> -> memref<32x128xf32, #tpu.memory_space<hbm>>
      %dma_start3A_191 = arith.constant 0 : i32
      %dma_start3A_192 = tpu.memref_slice %arg5[%arg0, %add3A_178, %dma_start3A_191] : memref<2x10240x128xf32, #tpu.memory_space<hbm>> -> memref<1x32x128xf32, #tpu.memory_space<hbm>>
      %dma_start3A_193 = tpu.memref_squeeze %dma_start3A_192 : memref<1x32x128xf32, #tpu.memory_space<hbm>> -> memref<32x128xf32, #tpu.memory_space<hbm>>
      tpu.enqueue_dma source(%arg10 : memref<32x128xf32, #tpu.memory_space<vmem>>) target(%dma_start3A_193 : memref<32x128xf32, #tpu.memory_space<hbm>>) target_semaphore(%run_scoped3A_187 : memref<!tpu.dma_semaphore, #tpu.memory_space<semaphore_mem>>)
      %dma_wait3A_194 = arith.constant 0 : i32
      %dma_wait3A_195 = tpu.memref_slice %arg5[%arg0, %add3A_178, %dma_wait3A_194] : memref<2x10240x128xf32, #tpu.memory_space<hbm>> -> memref<1x32x128xf32, #tpu.memory_space<hbm>>
      %dma_wait3A_196 = tpu.memref_squeeze %dma_wait3A_195 : memref<1x32x128xf32, #tpu.memory_space<hbm>> -> memref<32x128xf32, #tpu.memory_space<hbm>>
      %dma_wait3A_197 = arith.constant 0 : i32
      %dma_wait3A_198 = tpu.memref_slice %arg5[%arg0, %add3A_178, %dma_wait3A_197] : memref<2x10240x128xf32, #tpu.memory_space<hbm>> -> memref<1x32x128xf32, #tpu.memory_space<hbm>>
      %dma_wait3A_199 = tpu.memref_squeeze %dma_wait3A_198 : memref<1x32x128xf32, #tpu.memory_space<hbm>> -> memref<32x128xf32, #tpu.memory_space<hbm>>
      tpu.wait_dma2 semaphore(%run_scoped3A_187 : memref<!tpu.dma_semaphore, #tpu.memory_space<semaphore_mem>>) src(%arg10 : memref<32x128xf32, #tpu.memory_space<vmem>>) dst(%dma_wait3A_199 : memref<32x128xf32, #tpu.memory_space<hbm>>)
      tpu.yield
    }) : () -> ()
    %mul3A_179 = arith.constant 640 : i32
    %mul3A_180 = arith.muli %arg1, %mul3A_179 : i32
    %add3A_181 = arith.constant 576 : i32
    %add3A_182 = arith.addi %mul3A_180, %add3A_181 : i32
    "tpu.region"() ({
      %run_scoped3A_187 = tpu.sem_alloc : memref<!tpu.dma_semaphore, #tpu.memory_space<semaphore_mem>>
      %dma_start3A_188 = arith.constant 0 : i32
      %dma_start3A_189 = tpu.memref_slice %arg11[%add3A_182, %dma_start3A_188] : memref<10240x128xf32, #tpu.memory_space<vmem_shared>> -> memref<32x128xf32, #tpu.memory_space<vmem_shared>>
      %dma_start3A_190 = arith.constant 0 : i32
      %dma_start3A_191 = tpu.memref_slice %arg11[%add3A_182, %dma_start3A_190] : memref<10240x128xf32, #tpu.memory_space<vmem_shared>> -> memref<32x128xf32, #tpu.memory_space<vmem_shared>>
      tpu.enqueue_dma source(%dma_start3A_191 : memref<32x128xf32, #tpu.memory_space<vmem_shared>>) target(%arg10 : memref<32x128xf32, #tpu.memory_space<vmem>>) target_semaphore(%run_scoped3A_187 : memref<!tpu.dma_semaphore, #tpu.memory_space<semaphore_mem>>)
      %dma_wait3A_192 = arith.constant 0 : i32
      %dma_wait3A_193 = tpu.memref_slice %arg11[%add3A_182, %dma_wait3A_192] : memref<10240x128xf32, #tpu.memory_space<vmem_shared>> -> memref<32x128xf32, #tpu.memory_space<vmem_shared>>
      %dma_wait3A_194 = arith.constant 0 : i32
      %dma_wait3A_195 = tpu.memref_slice %arg11[%add3A_182, %dma_wait3A_194] : memref<10240x128xf32, #tpu.memory_space<vmem_shared>> -> memref<32x128xf32, #tpu.memory_space<vmem_shared>>
      tpu.wait_dma2 semaphore(%run_scoped3A_187 : memref<!tpu.dma_semaphore, #tpu.memory_space<semaphore_mem>>) src(%dma_wait3A_195 : memref<32x128xf32, #tpu.memory_space<vmem_shared>>) dst(%arg10 : memref<32x128xf32, #tpu.memory_space<vmem>>)
      tpu.yield
    }) : () -> ()
    "tpu.region"() ({
      %run_scoped3A_187 = tpu.sem_alloc : memref<!tpu.dma_semaphore, #tpu.memory_space<semaphore_mem>>
      %dma_start3A_188 = arith.constant 0 : i32
      %dma_start3A_189 = tpu.memref_slice %arg5[%arg0, %add3A_182, %dma_start3A_188] : memref<2x10240x128xf32, #tpu.memory_space<hbm>> -> memref<1x32x128xf32, #tpu.memory_space<hbm>>
      %dma_start3A_190 = tpu.memref_squeeze %dma_start3A_189 : memref<1x32x128xf32, #tpu.memory_space<hbm>> -> memref<32x128xf32, #tpu.memory_space<hbm>>
      %dma_start3A_191 = arith.constant 0 : i32
      %dma_start3A_192 = tpu.memref_slice %arg5[%arg0, %add3A_182, %dma_start3A_191] : memref<2x10240x128xf32, #tpu.memory_space<hbm>> -> memref<1x32x128xf32, #tpu.memory_space<hbm>>
      %dma_start3A_193 = tpu.memref_squeeze %dma_start3A_192 : memref<1x32x128xf32, #tpu.memory_space<hbm>> -> memref<32x128xf32, #tpu.memory_space<hbm>>
      tpu.enqueue_dma source(%arg10 : memref<32x128xf32, #tpu.memory_space<vmem>>) target(%dma_start3A_193 : memref<32x128xf32, #tpu.memory_space<hbm>>) target_semaphore(%run_scoped3A_187 : memref<!tpu.dma_semaphore, #tpu.memory_space<semaphore_mem>>)
      %dma_wait3A_194 = arith.constant 0 : i32
      %dma_wait3A_195 = tpu.memref_slice %arg5[%arg0, %add3A_182, %dma_wait3A_194] : memref<2x10240x128xf32, #tpu.memory_space<hbm>> -> memref<1x32x128xf32, #tpu.memory_space<hbm>>
      %dma_wait3A_196 = tpu.memref_squeeze %dma_wait3A_195 : memref<1x32x128xf32, #tpu.memory_space<hbm>> -> memref<32x128xf32, #tpu.memory_space<hbm>>
      %dma_wait3A_197 = arith.constant 0 : i32
      %dma_wait3A_198 = tpu.memref_slice %arg5[%arg0, %add3A_182, %dma_wait3A_197] : memref<2x10240x128xf32, #tpu.memory_space<hbm>> -> memref<1x32x128xf32, #tpu.memory_space<hbm>>
      %dma_wait3A_199 = tpu.memref_squeeze %dma_wait3A_198 : memref<1x32x128xf32, #tpu.memory_space<hbm>> -> memref<32x128xf32, #tpu.memory_space<hbm>>
      tpu.wait_dma2 semaphore(%run_scoped3A_187 : memref<!tpu.dma_semaphore, #tpu.memory_space<semaphore_mem>>) src(%arg10 : memref<32x128xf32, #tpu.memory_space<vmem>>) dst(%dma_wait3A_199 : memref<32x128xf32, #tpu.memory_space<hbm>>)
      tpu.yield
    }) : () -> ()
    %mul3A_183 = arith.constant 640 : i32
    %mul3A_184 = arith.muli %arg1, %mul3A_183 : i32
    %add3A_185 = arith.constant 608 : i32
    %add3A_186 = arith.addi %mul3A_184, %add3A_185 : i32
    "tpu.region"() ({
      %run_scoped3A_187 = tpu.sem_alloc : memref<!tpu.dma_semaphore, #tpu.memory_space<semaphore_mem>>
      %dma_start3A_188 = arith.constant 0 : i32
      %dma_start3A_189 = tpu.memref_slice %arg11[%add3A_186, %dma_start3A_188] : memref<10240x128xf32, #tpu.memory_space<vmem_shared>> -> memref<32x128xf32, #tpu.memory_space<vmem_shared>>
      %dma_start3A_190 = arith.constant 0 : i32
      %dma_start3A_191 = tpu.memref_slice %arg11[%add3A_186, %dma_start3A_190] : memref<10240x128xf32, #tpu.memory_space<vmem_shared>> -> memref<32x128xf32, #tpu.memory_space<vmem_shared>>
      tpu.enqueue_dma source(%dma_start3A_191 : memref<32x128xf32, #tpu.memory_space<vmem_shared>>) target(%arg10 : memref<32x128xf32, #tpu.memory_space<vmem>>) target_semaphore(%run_scoped3A_187 : memref<!tpu.dma_semaphore, #tpu.memory_space<semaphore_mem>>)
      %dma_wait3A_192 = arith.constant 0 : i32
      %dma_wait3A_193 = tpu.memref_slice %arg11[%add3A_186, %dma_wait3A_192] : memref<10240x128xf32, #tpu.memory_space<vmem_shared>> -> memref<32x128xf32, #tpu.memory_space<vmem_shared>>
      %dma_wait3A_194 = arith.constant 0 : i32
      %dma_wait3A_195 = tpu.memref_slice %arg11[%add3A_186, %dma_wait3A_194] : memref<10240x128xf32, #tpu.memory_space<vmem_shared>> -> memref<32x128xf32, #tpu.memory_space<vmem_shared>>
      tpu.wait_dma2 semaphore(%run_scoped3A_187 : memref<!tpu.dma_semaphore, #tpu.memory_space<semaphore_mem>>) src(%dma_wait3A_195 : memref<32x128xf32, #tpu.memory_space<vmem_shared>>) dst(%arg10 : memref<32x128xf32, #tpu.memory_space<vmem>>)
      tpu.yield
    }) : () -> ()
    "tpu.region"() ({
      %run_scoped3A_187 = tpu.sem_alloc : memref<!tpu.dma_semaphore, #tpu.memory_space<semaphore_mem>>
      %dma_start3A_188 = arith.constant 0 : i32
      %dma_start3A_189 = tpu.memref_slice %arg5[%arg0, %add3A_186, %dma_start3A_188] : memref<2x10240x128xf32, #tpu.memory_space<hbm>> -> memref<1x32x128xf32, #tpu.memory_space<hbm>>
      %dma_start3A_190 = tpu.memref_squeeze %dma_start3A_189 : memref<1x32x128xf32, #tpu.memory_space<hbm>> -> memref<32x128xf32, #tpu.memory_space<hbm>>
      %dma_start3A_191 = arith.constant 0 : i32
      %dma_start3A_192 = tpu.memref_slice %arg5[%arg0, %add3A_186, %dma_start3A_191] : memref<2x10240x128xf32, #tpu.memory_space<hbm>> -> memref<1x32x128xf32, #tpu.memory_space<hbm>>
      %dma_start3A_193 = tpu.memref_squeeze %dma_start3A_192 : memref<1x32x128xf32, #tpu.memory_space<hbm>> -> memref<32x128xf32, #tpu.memory_space<hbm>>
      tpu.enqueue_dma source(%arg10 : memref<32x128xf32, #tpu.memory_space<vmem>>) target(%dma_start3A_193 : memref<32x128xf32, #tpu.memory_space<hbm>>) target_semaphore(%run_scoped3A_187 : memref<!tpu.dma_semaphore, #tpu.memory_space<semaphore_mem>>)
      %dma_wait3A_194 = arith.constant 0 : i32
      %dma_wait3A_195 = tpu.memref_slice %arg5[%arg0, %add3A_186, %dma_wait3A_194] : memref<2x10240x128xf32, #tpu.memory_space<hbm>> -> memref<1x32x128xf32, #tpu.memory_space<hbm>>
      %dma_wait3A_196 = tpu.memref_squeeze %dma_wait3A_195 : memref<1x32x128xf32, #tpu.memory_space<hbm>> -> memref<32x128xf32, #tpu.memory_space<hbm>>
      %dma_wait3A_197 = arith.constant 0 : i32
      %dma_wait3A_198 = tpu.memref_slice %arg5[%arg0, %add3A_186, %dma_wait3A_197] : memref<2x10240x128xf32, #tpu.memory_space<hbm>> -> memref<1x32x128xf32, #tpu.memory_space<hbm>>
      %dma_wait3A_199 = tpu.memref_squeeze %dma_wait3A_198 : memref<1x32x128xf32, #tpu.memory_space<hbm>> -> memref<32x128xf32, #tpu.memory_space<hbm>>
      tpu.wait_dma2 semaphore(%run_scoped3A_187 : memref<!tpu.dma_semaphore, #tpu.memory_space<semaphore_mem>>) src(%arg10 : memref<32x128xf32, #tpu.memory_space<vmem>>) dst(%dma_wait3A_199 : memref<32x128xf32, #tpu.memory_space<hbm>>)
      tpu.yield
    }) : () -> ()
    return
  }
}

module attributes {stable_mosaic.version = 14 : i64} {
  func.func @_tc1_body(%arg0: memref<10000x128xf32, #tpu.memory_space<vmem>>, %arg1: memref<128x128xf32, #tpu.memory_space<vmem>>, %arg2: memref<10240x1xf32, #tpu.memory_space<vmem>>, %arg3: memref<10240x1xf32, #tpu.memory_space<vmem>>, %arg4: memref<10000x128xf32, #tpu.memory_space<vmem>>, %arg5: memref<10000x1xf32, #tpu.memory_space<vmem>>) attributes {dimension_semantics = [], scalar_prefetch = 0 : i64, scratch_operands = 0 : i64, tpu.core_type = #tpu.core_type<tc>} {
    %get3A = arith.constant 0 : index
    %get3A_0 = arith.constant 0 : index
    %get3A_1 = vector.load %arg2[%get3A, %get3A_0] : memref<10240x1xf32, #tpu.memory_space<vmem>>, vector<10000x1xf32>
    %get3A_2 = arith.constant 0 : index
    %get3A_3 = arith.constant 0 : index
    %get3A_4 = vector.load %arg3[%get3A_2, %get3A_3] : memref<10240x1xf32, #tpu.memory_space<vmem>>, vector<10000x1xf32>
    %add3A = arith.addf %get3A_1, %get3A_4 : vector<10000x1xf32>
    %add3A_5 = arith.constant 1.000000e+00 : f32
    %add3A_6 = vector.broadcast %add3A_5 : f32 to vector<10000x1xf32>
    %add3A_7 = arith.addf %add3A, %add3A_6 : vector<10000x1xf32>
    %rsqrt3A = math.rsqrt %add3A_7 : vector<10000x1xf32>
    %swap3A = arith.constant 0 : index
    %swap3A_8 = arith.constant 0 : index
    %swap3A_9 = vector.load %arg5[%swap3A, %swap3A_8] : memref<10000x1xf32, #tpu.memory_space<vmem>>, vector<10000x1xf32>
    tpu.vector_store %arg5[%swap3A, %swap3A_8], %rsqrt3A {strides = array<i32>} : memref<10000x1xf32, #tpu.memory_space<vmem>>, vector<10000x1xf32>,
    %get3A_10 = arith.constant 0 : index
    %get3A_11 = arith.constant 0 : index
    %get3A_12 = vector.load %arg0[%get3A_10, %get3A_11] : memref<10000x128xf32, #tpu.memory_space<vmem>>, vector<10000x128xf32>
    %get3A_13 = arith.constant 0 : index
    %get3A_14 = arith.constant 0 : index
    %get3A_15 = vector.load %arg1[%get3A_13, %get3A_14] : memref<128x128xf32, #tpu.memory_space<vmem>>, vector<128x128xf32>
    %dot_general3A = arith.constant dense<0.000000e+00> : vector<10000x128xf32>
    %dot_general3A_16 = tpu.matmul %get3A_12, %get3A_15, %dot_general3A {dimension_numbers = #tpu.dot_dimension_numbers<[1], [0], [0], [1], [0, 0, 1, 1], [], []>, precision = #tpu.contract_precision<fp32>, transpose_lhs_hint = false} : vector<10000x128xf32>, vector<128x128xf32>, vector<10000x128xf32> -> vector<10000x128xf32>
    %mul3A = vector.broadcast %rsqrt3A : vector<10000x1xf32> to vector<10000x128xf32>
    %mul3A_17 = arith.mulf %dot_general3A_16, %mul3A : vector<10000x128xf32>
    %swap3A_18 = arith.constant 0 : index
    %swap3A_19 = arith.constant 0 : index
    %swap3A_20 = vector.load %arg4[%swap3A_18, %swap3A_19] : memref<10000x128xf32, #tpu.memory_space<vmem>>, vector<10000x128xf32>
    tpu.vector_store %arg4[%swap3A_18, %swap3A_19], %mul3A_17 {strides = array<i32>} : memref<10000x128xf32, #tpu.memory_space<vmem>>, vector<10000x128xf32>,
    return
  }
}

module attributes {stable_mosaic.version = 14 : i64} {
  func.func @_tc2_body(%arg0: i32, %arg1: memref<1x2000x128xf32, #tpu.memory_space<vmem>>, %arg2: memref<1x2000x128xf32, #tpu.memory_space<vmem>>, %arg3: memref<2000x128xf32, #tpu.memory_space<vmem>>, %arg4: memref<2000x1xf32, #tpu.memory_space<vmem>>, %arg5: memref<1x128xf32, #tpu.memory_space<vmem>>, %arg6: memref<128x64xf32, #tpu.memory_space<vmem>>, %arg7: memref<2000x64xf32, #tpu.memory_space<vmem>>) attributes {dimension_semantics = [#tpu.dimension_semantics<arbitrary>], iteration_bounds = array<i64: 5>, scalar_prefetch = 0 : i64, scratch_operands = 0 : i64, tpu.core_type = #tpu.core_type<tc>, window_params = [{transform_indices = @transform_0, window_bounds = array<i64: 1, 2000, 128>}, {transform_indices = @transform_1, window_bounds = array<i64: 1, 2000, 128>}, {transform_indices = @transform_2, window_bounds = array<i64: 2000, 128>}, {transform_indices = @transform_3, window_bounds = array<i64: 2000, 1>}, {pipeline_mode = #tpu.pipeline_mode<synchronous>, transform_indices = @transform_4, window_bounds = array<i64: 1, 128>}, {pipeline_mode = #tpu.pipeline_mode<synchronous>, transform_indices = @transform_5, window_bounds = array<i64: 128, 64>}, {transform_indices = @transform_6, window_bounds = array<i64: 2000, 64>}]} {
    %get3A = arith.constant 0 : index
    %get3A_0 = arith.constant 0 : index
    %get3A_1 = vector.load %arg4[%get3A, %get3A_0] : memref<2000x1xf32, #tpu.memory_space<vmem>>, vector<2000x1xf32>
    %get3A_2 = arith.constant 0 : index
    %get3A_3 = arith.constant 0 : index
    %get3A_4 = arith.constant 0 : index
    %get3A_5 = vector.load %arg1[%get3A_2, %get3A_3, %get3A_4] : memref<1x2000x128xf32, #tpu.memory_space<vmem>>, vector<1x2000x128xf32>
    %get3A_6 = vector.shape_cast %get3A_5 : vector<1x2000x128xf32> to vector<2000x128xf32>
    %get3A_7 = arith.constant 0 : index
    %get3A_8 = arith.constant 0 : index
    %get3A_9 = arith.constant 0 : index
    %get3A_10 = vector.load %arg2[%get3A_7, %get3A_8, %get3A_9] : memref<1x2000x128xf32, #tpu.memory_space<vmem>>, vector<1x2000x128xf32>
    %get3A_11 = vector.shape_cast %get3A_10 : vector<1x2000x128xf32> to vector<2000x128xf32>
    %add3A = arith.addf %get3A_6, %get3A_11 : vector<2000x128xf32>
    %get3A_12 = arith.constant 0 : index
    %get3A_13 = arith.constant 0 : index
    %get3A_14 = vector.load %arg3[%get3A_12, %get3A_13] : memref<2000x128xf32, #tpu.memory_space<vmem>>, vector<2000x128xf32>
    %add3A_15 = arith.addf %add3A, %get3A_14 : vector<2000x128xf32>
    %mul3A = vector.broadcast %get3A_1 : vector<2000x1xf32> to vector<2000x128xf32>
    %mul3A_16 = arith.mulf %mul3A, %add3A_15 : vector<2000x128xf32>
    %get3A_17 = arith.constant 0 : index
    %get3A_18 = arith.constant 0 : index
    %get3A_19 = vector.load %arg5[%get3A_17, %get3A_18] : memref<1x128xf32, #tpu.memory_space<vmem>>, vector<1x128xf32>
    %add3A_20 = vector.broadcast %get3A_19 : vector<1x128xf32> to vector<2000x128xf32>
    %add3A_21 = arith.addf %mul3A_16, %add3A_20 : vector<2000x128xf32>
    %gt3A = arith.constant 0.000000e+00 : f32
    %gt3A_22 = vector.broadcast %gt3A : f32 to vector<2000x128xf32>
    %gt3A_23 = arith.cmpf ogt, %add3A_21, %gt3A_22 : vector<2000x128xf32>
    %exp3A = math.exp %add3A_21 : vector<2000x128xf32>
    %sub3A = arith.constant 1.000000e+00 : f32
    %sub3A_24 = vector.broadcast %sub3A : f32 to vector<2000x128xf32>
    %sub3A_25 = arith.subf %exp3A, %sub3A_24 : vector<2000x128xf32>
    %mul3A_26 = arith.constant 1.67326319 : f32
    %mul3A_27 = vector.broadcast %mul3A_26 : f32 to vector<2000x128xf32>
    %mul3A_28 = arith.mulf %mul3A_27, %sub3A_25 : vector<2000x128xf32>
    %select_n3A = arith.select %gt3A_23, %add3A_21, %mul3A_28 : vector<2000x128xi1>, vector<2000x128xf32>
    %mul3A_29 = arith.constant 1.05070102 : f32
    %mul3A_30 = vector.broadcast %mul3A_29 : f32 to vector<2000x128xf32>
    %mul3A_31 = arith.mulf %mul3A_30, %select_n3A : vector<2000x128xf32>
    %get3A_32 = arith.constant 0 : index
    %get3A_33 = arith.constant 0 : index
    %get3A_34 = vector.load %arg6[%get3A_32, %get3A_33] : memref<128x64xf32, #tpu.memory_space<vmem>>, vector<128x64xf32>
    %dot_general3A = arith.constant dense<0.000000e+00> : vector<2000x64xf32>
    %dot_general3A_35 = tpu.matmul %mul3A_31, %get3A_34, %dot_general3A {dimension_numbers = #tpu.dot_dimension_numbers<[1], [0], [0], [1], [0, 0, 1, 1], [], []>, precision = #tpu.contract_precision<fp32>, transpose_lhs_hint = false} : vector<2000x128xf32>, vector<128x64xf32>, vector<2000x64xf32> -> vector<2000x64xf32>
    %mul3A_36 = vector.broadcast %get3A_1 : vector<2000x1xf32> to vector<2000x64xf32>
    %mul3A_37 = arith.mulf %dot_general3A_35, %mul3A_36 : vector<2000x64xf32>
    %swap3A = arith.constant 0 : index
    %swap3A_38 = arith.constant 0 : index
    %swap3A_39 = vector.load %arg7[%swap3A, %swap3A_38] : memref<2000x64xf32, #tpu.memory_space<vmem>>, vector<2000x64xf32>
    tpu.vector_store %arg7[%swap3A, %swap3A_38], %mul3A_37 {strides = array<i32>} : memref<2000x64xf32, #tpu.memory_space<vmem>>, vector<2000x64xf32>,
    return
  }
  func.func @transform_0(%arg0: i32) -> (i32, i32, i32) {
    %c0_i32 = arith.constant 0 : i32
    %c0_i32_0 = arith.constant 0 : i32
    %c0_i32_1 = arith.constant 0 : i32
    return %c0_i32, %arg0, %c0_i32_0 : i32, i32, i32
  }
  func.func @transform_1(%arg0: i32) -> (i32, i32, i32) {
    %c1_i32 = arith.constant 1 : i32
    %c0_i32 = arith.constant 0 : i32
    %c0_i32_0 = arith.constant 0 : i32
    return %c1_i32, %arg0, %c0_i32 : i32, i32, i32
  }
  func.func @transform_2(%arg0: i32) -> (i32, i32) {
    %c0_i32 = arith.constant 0 : i32
    %c0_i32_0 = arith.constant 0 : i32
    return %arg0, %c0_i32 : i32, i32
  }
  func.func @transform_3(%arg0: i32) -> (i32, i32) {
    %c0_i32 = arith.constant 0 : i32
    %c0_i32_0 = arith.constant 0 : i32
    return %arg0, %c0_i32 : i32, i32
  }
  func.func @transform_4(%arg0: i32) -> (i32, i32) {
    %c0_i32 = arith.constant 0 : i32
    %c0_i32_0 = arith.constant 0 : i32
    %c0_i32_1 = arith.constant 0 : i32
    return %c0_i32, %c0_i32_0 : i32, i32
  }
  func.func @transform_5(%arg0: i32) -> (i32, i32) {
    %c0_i32 = arith.constant 0 : i32
    %c0_i32_0 = arith.constant 0 : i32
    %c0_i32_1 = arith.constant 0 : i32
    return %c0_i32, %c0_i32_0 : i32, i32
  }
  func.func @transform_6(%arg0: i32) -> (i32, i32) {
    %c0_i32 = arith.constant 0 : i32
    %c0_i32_0 = arith.constant 0 : i32
    return %arg0, %c0_i32 : i32, i32
  }
}

module attributes {stable_mosaic.version = 14 : i64} {
  func.func @_tc3_body(%arg0: i32, %arg1: memref<1x2000x64xf32, #tpu.memory_space<vmem>>, %arg2: memref<1x2000x64xf32, #tpu.memory_space<vmem>>, %arg3: memref<2000x64xf32, #tpu.memory_space<vmem>>, %arg4: memref<2000x1xf32, #tpu.memory_space<vmem>>, %arg5: memref<1x64xf32, #tpu.memory_space<vmem>>, %arg6: memref<2000x64xf32, #tpu.memory_space<vmem>>) attributes {dimension_semantics = [#tpu.dimension_semantics<arbitrary>], iteration_bounds = array<i64: 5>, scalar_prefetch = 0 : i64, scratch_operands = 0 : i64, tpu.core_type = #tpu.core_type<tc>, window_params = [{transform_indices = @transform_0, window_bounds = array<i64: 1, 2000, 64>}, {transform_indices = @transform_1, window_bounds = array<i64: 1, 2000, 64>}, {transform_indices = @transform_2, window_bounds = array<i64: 2000, 64>}, {transform_indices = @transform_3, window_bounds = array<i64: 2000, 1>}, {pipeline_mode = #tpu.pipeline_mode<synchronous>, transform_indices = @transform_4, window_bounds = array<i64: 1, 64>}, {transform_indices = @transform_5, window_bounds = array<i64: 2000, 64>}]} {
    %get3A = arith.constant 0 : index
    %get3A_0 = arith.constant 0 : index
    %get3A_1 = vector.load %arg4[%get3A, %get3A_0] : memref<2000x1xf32, #tpu.memory_space<vmem>>, vector<2000x1xf32>
    %get3A_2 = arith.constant 0 : index
    %get3A_3 = arith.constant 0 : index
    %get3A_4 = arith.constant 0 : index
    %get3A_5 = vector.load %arg1[%get3A_2, %get3A_3, %get3A_4] : memref<1x2000x64xf32, #tpu.memory_space<vmem>>, vector<1x2000x64xf32>
    %get3A_6 = vector.shape_cast %get3A_5 : vector<1x2000x64xf32> to vector<2000x64xf32>
    %get3A_7 = arith.constant 0 : index
    %get3A_8 = arith.constant 0 : index
    %get3A_9 = arith.constant 0 : index
    %get3A_10 = vector.load %arg2[%get3A_7, %get3A_8, %get3A_9] : memref<1x2000x64xf32, #tpu.memory_space<vmem>>, vector<1x2000x64xf32>
    %get3A_11 = vector.shape_cast %get3A_10 : vector<1x2000x64xf32> to vector<2000x64xf32>
    %add3A = arith.addf %get3A_6, %get3A_11 : vector<2000x64xf32>
    %get3A_12 = arith.constant 0 : index
    %get3A_13 = arith.constant 0 : index
    %get3A_14 = vector.load %arg3[%get3A_12, %get3A_13] : memref<2000x64xf32, #tpu.memory_space<vmem>>, vector<2000x64xf32>
    %add3A_15 = arith.addf %add3A, %get3A_14 : vector<2000x64xf32>
    %mul3A = vector.broadcast %get3A_1 : vector<2000x1xf32> to vector<2000x64xf32>
    %mul3A_16 = arith.mulf %mul3A, %add3A_15 : vector<2000x64xf32>
    %get3A_17 = arith.constant 0 : index
    %get3A_18 = arith.constant 0 : index
    %get3A_19 = vector.load %arg5[%get3A_17, %get3A_18] : memref<1x64xf32, #tpu.memory_space<vmem>>, vector<1x64xf32>
    %add3A_20 = vector.broadcast %get3A_19 : vector<1x64xf32> to vector<2000x64xf32>
    %add3A_21 = arith.addf %mul3A_16, %add3A_20 : vector<2000x64xf32>
    %reduce_max3A = arith.constant dense<0xFF800000> : vector<2000xf32>
    %reduce_max3A_22 = vector.multi_reduction <maximumf>, %add3A_21, %reduce_max3A [1] : vector<2000x64xf32> to vector<2000xf32>
    %broadcast_in_dim3A = vector.shape_cast %reduce_max3A_22 : vector<2000xf32> to vector<2000x1xf32>
    %sub3A = vector.broadcast %broadcast_in_dim3A : vector<2000x1xf32> to vector<2000x64xf32>
    %sub3A_23 = arith.subf %add3A_21, %sub3A : vector<2000x64xf32>
    %exp3A = math.exp %sub3A_23 : vector<2000x64xf32>
    %reduce_sum3A = arith.constant dense<0.000000e+00> : vector<2000xf32>
    %reduce_sum3A_24 = vector.multi_reduction <add>, %exp3A, %reduce_sum3A [1] : vector<2000x64xf32> to vector<2000xf32>
    %broadcast_in_dim3A_25 = vector.shape_cast %reduce_sum3A_24 : vector<2000xf32> to vector<2000x1xf32>
    %log3A = math.log %broadcast_in_dim3A_25 : vector<2000x1xf32>
    %add3A_26 = arith.addf %broadcast_in_dim3A, %log3A : vector<2000x1xf32>
    %sub3A_27 = vector.broadcast %add3A_26 : vector<2000x1xf32> to vector<2000x64xf32>
    %sub3A_28 = arith.subf %add3A_21, %sub3A_27 : vector<2000x64xf32>
    %swap3A = arith.constant 0 : index
    %swap3A_29 = arith.constant 0 : index
    %swap3A_30 = vector.load %arg6[%swap3A, %swap3A_29] : memref<2000x64xf32, #tpu.memory_space<vmem>>, vector<2000x64xf32>
    tpu.vector_store %arg6[%swap3A, %swap3A_29], %sub3A_28 {strides = array<i32>} : memref<2000x64xf32, #tpu.memory_space<vmem>>, vector<2000x64xf32>,
    return
  }
  func.func @transform_0(%arg0: i32) -> (i32, i32, i32) {
    %c0_i32 = arith.constant 0 : i32
    %c0_i32_0 = arith.constant 0 : i32
    %c0_i32_1 = arith.constant 0 : i32
    return %c0_i32, %arg0, %c0_i32_0 : i32, i32, i32
  }
  func.func @transform_1(%arg0: i32) -> (i32, i32, i32) {
    %c1_i32 = arith.constant 1 : i32
    %c0_i32 = arith.constant 0 : i32
    %c0_i32_0 = arith.constant 0 : i32
    return %c1_i32, %arg0, %c0_i32 : i32, i32, i32
  }
  func.func @transform_2(%arg0: i32) -> (i32, i32) {
    %c0_i32 = arith.constant 0 : i32
    %c0_i32_0 = arith.constant 0 : i32
    return %arg0, %c0_i32 : i32, i32
  }
  func.func @transform_3(%arg0: i32) -> (i32, i32) {
    %c0_i32 = arith.constant 0 : i32
    %c0_i32_0 = arith.constant 0 : i32
    return %arg0, %c0_i32 : i32, i32
  }
  func.func @transform_4(%arg0: i32) -> (i32, i32) {
    %c0_i32 = arith.constant 0 : i32
    %c0_i32_0 = arith.constant 0 : i32
    %c0_i32_1 = arith.constant 0 : i32
    return %c0_i32, %c0_i32_0 : i32, i32
  }
  func.func @transform_5(%arg0: i32) -> (i32, i32) {
    %c0_i32 = arith.constant 0 : i32
    %c0_i32_0 = arith.constant 0 : i32
    return %arg0, %c0_i32 : i32, i32
  }
}

</mosaic_0001>

<sc_bundles>
// kernel: kernel.11.cloned.1.call-start
scs
__scs_entry_jumppad:
0x0: {  	(pc) =	sbr.rel $0x88, $3  }
0x1: {  	(tag) =	ssettag $0x0;
	lr =	simm.s32 $0x1  }
0x2: {  	[smem:$0x3F9B] =	sst lr;
	_ =	strace $0xD0000000  }
0x3: {  	_ = 	snop  }
0x4: {  	_ = 	snop  }
0x5: {  	_ = 	snop  }
0x6: {  	_ = 	snop  }
0x7: {  	_ = 	snop  }
__scs_overlays_trampoline_lowered:
0x8: {  	[smem:$0x3FAA] =	sst s0  }
0x9: {  	[smem:$0x3FAB] =	sst s1  }
0xa: {  	[smem:$0x3FAC] =	sst s2  }
0xb: {  	[smem:$0x3FAD] =	sst s3  }
0xc: {  	[smem:$0x3FAE] =	sst s4  }
0xd: {  	[smem:$0x3FAF] =	sst s5  }
0xe: {  	[smem:$0x3FB0] =	sst s6  }
0xf: {  	[smem:$0x3FB1] =	sst s7  }
0x10: {  	[smem:$0x3FB2] =	sst s8  }
0x11: {  	[smem:$0x3FB3] =	sst s9;
	s0 =	simm.s32 @!p0 $0x0  }
0x12: {  	s1 =	sld [smem:$0x3F99];
	s0 =	simm.s32 @p0 $0x1  }
0x13: {  	[smem:$0x3FB4] =	sst s0;
	s0 =	simm.s32 @!p1 $0x0  }
0x14: {  	s2 =	sld [smem:$0x3F98];
	s0 =	simm.s32 @p1 $0x1  }
0x15: {  	[smem:$0x3FB5] =	sst s0;
	s0 =	simm.s32 @!p2 $0x0  }
0x16: {  	s3 =	sld [smem:$0x3FDB];
	s0 =	simm.s32 @p2 $0x1  }
0x17: {  	s4 =	simm.s32 $0x1BF5;
	[smem:$0x3FB7] =	sst s0  }
0x18: {  	s0 =	sld [smem:$0x3F9A];
	_ =	swait.ge [sflag:s4], $0x0  }
0x19: {  	s7 =	sld [smem:$0x3F9B]  }
0x1a: {  	s8 =	sadd.s32 $0xFFFFE003, lr  }
0x1b: {  	s9 =	sadd.s32 $0xFFFFFEF7, lr;
	s5 =	simm.s32 $0xFFFFFFFF;
	p2 =	slt.u32 s8, $0xFFFFF086  }
0x1c: {  	p1 =	slt.u32 s9, $0xF7A;
	s5 =	simm.s32 @!p2 $0x0  }
0x1d: {  	s5 =	simm.s32 @p1 $0x1;
	p0 =	seq.s32 s7, s2  }
0x1e: {  	s7 =	smul.u32 @!p0 $0xF7A, s2;
	p2 =	seq.s32 @!p0 s5, $0x0  }
0x1f: {  	s9 =	smul.u32 $0xF7A, s1;
	s8 =	simm.s32 @!p0 $0x1BF5;
	p2 =	por !p2, p0  }
0x20: {  	[sflag:s8] =	ssyncset.s32 @!p0 $0xFFFFF086;
	s6 =	sadd.s32 @!p0 s3, s7;
	s7 =	simm.s32 @!p0 $0x108  }
0x21: {  	s3 =	sadd.s32 s3, s9;
	s6 =	sadd.s32 @!p0 $0x88, s6;
	s7 =	simm.s32 @p2 $0x1082  }
0x22: {  	[simem:s7], [sflag:s8] =	dma.local @!p0 [hbm:s6], $0xF7A  }
0x23: {  	s9 =	sor.u32 $0xD0000000, s2;
	s6 =	simm.s32 $0x108;
	_ =	swait.ge @!p0 [sflag:s8], $0x0  }
0x24: {  	s3 =	sadd.s32 $0x88, s3;
	s6 =	simm.s32 @!p1 $0x1082;
	[sflag:s4] =	ssyncset.s32 $0xFFFFF086  }
0x25: {  	[simem:s6], [sflag:s4] =	dma.local [hbm:s3], $0xF7A  }
0x26: {  	[smem:$0x3F9B] =	sst s1;
	(tag) =	ssettag s2;
	_ =	strace s9  }
0x27: {  	s1 =	sld [smem:$0x3FAB]  }
0x28: {  	s2 =	sld [smem:$0x3FAC]  }
0x29: {  	s4 =	sld [smem:$0x3FAE]  }
0x2a: {  	p0 =	seq.s32 s5, $0x0;
	s5 =	sld [smem:$0x3FAF]  }
0x2b: {  	s6 =	sld [smem:$0x3FB0]  }
0x2c: {  	s7 =	sld [smem:$0x3FB1]  }
0x2d: {  	s3 =	simm.s32 $0x108;
	s8 =	sld [smem:$0x3FB2]  }
0x2e: {  	s3 =	simm.s32 @!p0 $0x1082;
	s9 =	sld [smem:$0x3FB3]  }
0x2f: {  	lr =	sadd.s32 s0, s3;
	s0 =	sld [smem:$0x3FAA]  }
0x30: {  	s3 =	sld [smem:$0x3FAD]  }
0x31: {  	[smem:$0x3FB6] =	sst s10  }
0x32: {  	s10 =	sld [smem:$0x3FB4];
	_ =	sdelay $0x3  }
0x33: {  	p0 =	seq.s32 s10, $0x1;
	s10 =	sld [smem:$0x3FB6];
	_ =	sdelay $0x3  }
0x34: {  	[smem:$0x3FB6] =	sst s10  }
0x35: {  	s10 =	sld [smem:$0x3FB5];
	_ =	sdelay $0x3  }
0x36: {  	p1 =	seq.s32 s10, $0x1;
	s10 =	sld [smem:$0x3FB6];
	_ =	sdelay $0x3  }
0x37: {  	[smem:$0x3FB6] =	sst s10  }
0x38: {  	s10 =	sld [smem:$0x3FB7]  }
0x39: {  	_ = 	snop;
	(pc) =	sbr.ind lr, $3  }
0x3a: {  	_ = 	snop  }
0x3b: {  	_ = 	snop  }
0x3c: {  	p2 =	seq.s32 s10, $0x1;
	s10 =	sld [smem:$0x3FB6]  }
0x3d: {  	_ =	shalt  }
0x3e: {  	_ =	shalt  }
0x3f: {  	_ =	shalt  }
0x40: {  	_ =	shalt  }
0x41: {  	_ =	shalt  }
0x42: {  	_ =	shalt  }
0x43: {  	_ =	shalt  }
0x44: {  	_ =	shalt  }
0x45: {  	_ =	shalt  }
0x46: {  	_ =	shalt  }
0x47: {  	_ =	shalt  }
0x48: {  	_ =	shalt  }
0x49: {  	_ =	shalt  }
0x4a: {  	_ =	shalt  }
0x4b: {  	_ =	shalt  }
0x4c: {  	_ =	shalt  }
0x4d: {  	_ =	shalt  }
0x4e: {  	_ =	shalt  }
0x4f: {  	_ =	shalt  }
0x50: {  	_ =	shalt  }
0x51: {  	_ =	shalt  }
0x52: {  	_ =	shalt  }
0x53: {  	_ =	shalt  }
0x54: {  	_ =	shalt  }
0x55: {  	_ =	shalt  }
0x56: {  	_ =	shalt  }
0x57: {  	_ =	shalt  }
0x58: {  	_ =	shalt  }
0x59: {  	_ =	shalt  }
0x5a: {  	_ =	shalt  }
0x5b: {  	_ =	shalt  }
0x5c: {  	_ =	shalt  }
0x5d: {  	_ =	shalt  }
0x5e: {  	_ =	shalt  }
0x5f: {  	_ =	shalt  }
0x60: {  	_ =	shalt  }
0x61: {  	_ =	shalt  }
0x62: {  	_ =	shalt  }
0x63: {  	_ =	shalt  }
0x64: {  	_ =	shalt  }
0x65: {  	_ =	shalt  }
0x66: {  	_ =	shalt  }
0x67: {  	_ =	shalt  }
0x68: {  	_ =	shalt  }
0x69: {  	_ =	shalt  }
0x6a: {  	_ =	shalt  }
0x6b: {  	_ =	shalt  }
0x6c: {  	_ =	shalt  }
0x6d: {  	_ =	shalt  }
0x6e: {  	_ =	shalt  }
0x6f: {  	_ =	shalt  }
0x70: {  	_ =	shalt  }
0x71: {  	_ =	shalt  }
0x72: {  	_ =	shalt  }
0x73: {  	_ =	shalt  }
0x74: {  	_ =	shalt  }
0x75: {  	_ =	shalt  }
0x76: {  	_ =	shalt  }
0x77: {  	_ =	shalt  }
0x78: {  	_ =	shalt  }
0x79: {  	_ =	shalt  }
0x7a: {  	_ =	shalt  }
0x7b: {  	_ =	shalt  }
0x7c: {  	_ =	shalt  }
0x7d: {  	_ =	shalt  }
0x7e: {  	_ =	shalt  }
0x7f: {  	_ =	shalt  }
0x80: {  	_ =	shalt  }
0x81: {  	_ =	shalt  }
0x82: {  	_ =	shalt  }
0x83: {  	_ =	shalt  }
0x84: {  	_ =	shalt  }
0x85: {  	_ =	shalt  }
0x86: {  	_ =	shalt  }
0x87: {  	_ =	shalt  }
.Lfunc_end0:
.L_simem_size_0:
called_computation.1_lowered:
.L_overlay_start_0:
0x88: {  	s2 =	sld [smem:$0x3FD9]  }
0x89: {  	s3 =	sld [smem:$0x3FFE];
	_ =	sdelay $0x1  }
0x8a: {  	s1 =	srdreg.scid  }
0x8b: {  	s0 =	sand.u32 $0x1, s1  }
0x8c: {  	s16 =	sshll.u32 s0, $0xA;
	s2 =	sadd.s32 s3, s2  }
0x8d: {  	s2 =	sadd.s32 s2, s16  }
0x8e: {  	[smem:$0x3FC2] =	sst s2  }
0x8f: {  	_ = 	snop  }
0x90: {  	(tm) =	ssettm $0x1  }
0x91: {  	s17 =	sld [smem:$0x3FFB];
	_ =	sdelay $0x3  }
0x92: {  	_ =	strace s17  }
0x93: {  	s2 =	sld [smem:$0x3FFC];
	_ =	sdelay $0x3  }
0x94: {  	_ =	strace s2  }
0x95: {  	s2 =	sld [smem:$0x3FFD];
	_ =	sdelay $0x3  }
0x96: {  	_ =	strace s2  }
0x97: {  	_ =	strace $0x8FFFFFFF  }
0x98: {  	s18 =	sld [smem:$0x3FDB];
	_ =	sdelay $0x1  }
0x99: {  	s19 =	simm.s32 $_scs_section_size  }
0x9a: {  	s4 =	simm.s32 $_size__tile_overlayer_lowered;
	s5 =	simm.s32 $_tile_overlayer_lowered  }
0x9b: {  	s22 =	simm.s32 $0x1BFF;
	s21 =	sshll.u32 s5, $0x1;
	s2 =	sadd.s32 s19, s18  }
0x9c: {  	s6 =	simm.s32 $0x0;
	s20 =	sshll.u32 s4, $0x1;
	s4 =	sadd.s32 s21, s2  }
0x9d: {  	[timem:s6], [sflag:s22] =	dma.local [hbm:s4], s20  }
0x9e: {  	_ =	swait.ge [sflag:s22], s20  }
0x9f: {  	s3 =	ssub.s32 $0x0, s20;
	[sflag:s22] =	ssyncset.done $0x0  }
0xa0: {  	[sflag:s22] =	ssyncadd.s32 s3;
	_ =	sdelay $0x1  }
0xa1: {  	s23 =	simm.s32 $0x1B8B  }
0xa2: {  	_ =	swait.ge [sflag:s23], $0x1  }
0xa3: {  	[sflag:s23] =	ssyncset.done $0x0  }
0xa4: {  	s25 =	simm.s32 $0x1B8E;
	s24 =	sld [smem:$0x3FFE];
	[sflag:s23] =	ssyncadd.s32 $0xFFFFFFFF  }
0xa5: {  	s26 =	simm.s32 $execute0_lowered;
	[smem:$0x3FD2] =	sst s25  }
0xa6: {  	s4 =	sshll.u32 s26, $0x1;
	_ =	strace $0x80000049;
	[dreg:$0x1] =	wrdreg $0xFFFFFFFF  }
0xa7: {  	s28 =	simm.s32 $_size_execute0_lowered;
	s2 =	sadd.s32 s2, s4;
	[dreg:$0x0] =	wrdreg $0x0  }
0xa8: {  	s4 =	sshll.u32 s28, $0x1;
	[dreg:$0x2] =	wrdreg s2  }
0xa9: {  	[dreg:$0x3] =	wrdreg s4  }
0xaa: {  	[dreg:$0x4] =	wrdreg $0xC0  }
0xab: {  	_ =	task [dreg:s6], $0x5FFFF  }
0xac: {  	[dreg:$0x1] =	wrdreg $0xFFFFFFFF  }
0xad: {  	[dreg:$0x0] =	wrdreg $0x60  }
0xae: {  	[dreg:$0x2] =	wrdreg s24  }
0xaf: {  	[dreg:$0x3] =	wrdreg $0xAE200  }
0xb0: {  	[dreg:$0x4] =	wrdreg $0x9  }
0xb1: {  	_ =	task.clear_ibuf [dreg:s6], $0x5FFFF;
	_ =	strace $0x90000049  }
0xb2: {  	s29 =	simm.s32 $0x9;
	_ =	strace $0x8000004B  }
0xb3: {  	_ =	swait.ge [sflag:s29], $0x1  }
0xb4: {  	[sflag:s29] =	ssyncadd.s32 $0xFFFFFFFF  }
0xb5: {  	_ =	strace $0x9000004B  }
0xb6: {  	_ =	sfence  }
0xb7: {  	s30 =	sld [smem:$0x0];
	_ =	sdelay $0x2  }
0xb8: {  	s31 =	sshll.u32 s1, $0xD;
	s1 =	sshrl.u32 s1, $0x2  }
0xb9: {  	s3 =	sand.u32 $0x4000, s31;
	s1 =	sadd.s32 s1, s30  }
0xba: {  	s0 =	sor.u32 s3, s0;
	s1 =	sshll.u32 s1, $0x11  }
0xbb: {  	s0 =	sor.u32 s1, s0  }
0xbc: {  	s0 =	sadd.s32 $0x8F2B, s0  }
0xbd: {  	[sflag:s0] =	ssyncadd.remote.s32 $0x1  }
0xbe: {  	_ =	sfence.sel $0xFFFF  }
0xbf: {  	[dreg:$0x0] =	wrdreg $0xFFFFFFFF;
	(pc) =	sbr.abs _section_cstart, $3  }
0xc0: {  	[dreg:$0x1] =	wrdreg $0xFFFFFFFF  }
0xc1: {  	_ =	task.clear_ibuf [dreg:s6], $0x2FFFF;
	_ =	strace $0x9FFFFFFF  }
0xc2: {  	(tm) =	ssettm $0x7FFFFFFF  }
0xc3: {  	_ =	shalt  }
tec
execute0_lowered:
.L_overlay_start_1:
0x0: {  	(tag) =	ssettag $0x1  }
0x1: {  	s1 =	srdreg.scid  }
0x2: {  	s0 =	rddreg [dreg:$0x0];
	s5 =	stileid.u32;
	s7 =	sand.u32 $0x1, s1  }
0x3: {  	s1 =	simm.s32 $0x0;
	s13 =	sadd.s32 $0x3CA00, s0;
	s2 =	sshll.u32 s7, $0x4  }
0x4: {  	s4 =	ssub.s32 $0x2, s7;
	s3 =	sor.u32 s5, s2;
	s2 =	smul.u32 $0x14000, s5  }
0x5: {  	[smem:$0x7FF] =	sst s1;
	s14 =	smul.u32 $0x140000, s7;
	s20 =	sshrl.u32 s4, $0x1  }
0x6: {  	s6 =	smul.u32 $0x4E2, s3;
	s16 =	ssub.s32 s4, s20;
	s3 =	sor.u32 $0x1000, s2  }
0x7: {  	s4 =	sor.u32 $0x2000, s2;
	s5 =	sor.u32 $0x3000, s2;
	s7 =	sadd.s32 $0x4000, s2  }
0x8: {  	s8 =	sadd.s32 $0x5000, s2;
	s9 =	sadd.s32 $0x6000, s2;
	s10 =	sadd.s32 $0x7000, s2  }
0x9: {  	s11 =	sadd.s32 $0x8000, s2;
	s15 =	sadd.s32 s2, s14;
	s12 =	sadd.s32 $0x9000, s2  }
0xa: {  	s16 =	smax.u32 s16, $0x1;
	s15 =	sshrl.u32 s15, $0x3;
	s17 =	sadd.s32 s14, s3  }
0xb: {  	s22 =	sadd.s32 s14, s4;
	s24 =	sadd.s32 s14, s5;
	s26 =	sadd.s32 s14, s7  }
0xc: {  	s29 =	sadd.s32 s14, s8;
	s31 =	sadd.s32 s14, s9;
	s19 =	sadd.s32 s14, s10  }
0xd: {  	s6 =	sadd.s32 s6, s0;
	s15 =	sadd.s32 s13, s15;
	s21 =	sshrl.u32 s17, $0x3  }
0xe: {  	s23 =	sshrl.u32 s22, $0x3;
	s25 =	sshrl.u32 s24, $0x3;
	s28 =	sshrl.u32 s26, $0x3  }
0xf: {  	s30 =	sshrl.u32 s29, $0x3;
	s18 =	sshrl.u32 s31, $0x3;
	s20 =	sshrl.u32 s19, $0x3  }
0x10: {  	s17 =	sadd.s32 $0xA000, s2;
	[dreg:$0x3] =	wrdreg s15;
	s15 =	sadd.s32 s13, s21  }
0x11: {  	s19 =	sadd.s32 $0xB000, s2;
	[dreg:$0x4] =	wrdreg s15;
	s15 =	sadd.s32 s13, s23  }
0x12: {  	s21 =	sadd.s32 s14, s11;
	[dreg:$0x5] =	wrdreg s15;
	s15 =	sadd.s32 s13, s25  }
0x13: {  	s22 =	sshrl.u32 s21, $0x3;
	[dreg:$0x6] =	wrdreg s15;
	s15 =	sadd.s32 s13, s28  }
0x14: {  	s23 =	sadd.s32 s14, s12;
	[dreg:$0x7] =	wrdreg s15;
	s15 =	sadd.s32 s13, s30  }
0x15: {  	s25 =	sadd.s32 s14, s19;
	[dreg:$0x8] =	wrdreg s15;
	s15 =	sadd.s32 s13, s18  }
0x16: {  	s18 =	sadd.s32 s14, s17;
	[dreg:$0x9] =	wrdreg s15;
	s15 =	sadd.s32 s13, s20  }
0x17: {  	s18 =	sshrl.u32 s18, $0x3;
	[dreg:$0xa] =	wrdreg s15;
	s15 =	sadd.s32 s13, s22  }
0x18: {  	s24 =	sadd.s32 s13, s18;
	s18 =	sadd.s32 $0xC000, s2;
	[dreg:$0xb] =	wrdreg s15  }
0x19: {  	s22 =	sadd.s32 $0xD000, s2;
	s15 =	sshrl.u32 s23, $0x3;
	[dreg:$0xd] =	wrdreg s24  }
0x1a: {  	s26 =	sadd.s32 s14, s18;
	s20 =	sadd.s32 s14, s22;
	s23 =	sadd.s32 $0xE000, s2  }
0x1b: {  	s15 =	sadd.s32 s13, s15;
	s20 =	sshrl.u32 s20, $0x3;
	s29 =	sadd.s32 s14, s23  }
0x1c: {  	[dreg:$0xc] =	wrdreg s15;
	s15 =	sshrl.u32 s25, $0x3;
	s28 =	sadd.s32 s13, s20  }
0x1d: {  	s25 =	sadd.s32 $0xF000, s2;
	s15 =	sadd.s32 s13, s15;
	[dreg:$0x10] =	wrdreg s28  }
0x1e: {  	s30 =	sadd.s32 s14, s25;
	[dreg:$0xe] =	wrdreg s15;
	s15 =	sshrl.u32 s26, $0x3  }
0x1f: {  	s28 =	sadd.s32 $0x11000, s2;
	s26 =	sadd.s32 $0x10000, s2;
	s15 =	sadd.s32 s13, s15  }
0x20: {  	s21 =	sadd.s32 s14, s28;
	s31 =	sadd.s32 s14, s26;
	[dreg:$0xf] =	wrdreg s15  }
0x21: {  	s15 =	sshrl.u32 s29, $0x3;
	s20 =	sshrl.u32 s31, $0x3;
	s29 =	sadd.s32 $0x12000, s2  }
0x22: {  	s31 =	sadd.s32 $0x1C00, s6;
	s6 =	sadd.s32 $0xBA00, s6;
	s15 =	sadd.s32 s13, s15  }
0x23: {  	s20 =	sadd.s32 s13, s20;
	[dreg:$0x11] =	wrdreg s15;
	s15 =	sshrl.u32 s30, $0x3  }
0x24: {  	[dreg:$0x13] =	wrdreg s20;
	s30 =	sadd.s32 $0x13000, s2;
	s15 =	sadd.s32 s13, s15  }
0x25: {  	s24 =	sadd.s32 s14, s29;
	s14 =	sadd.s32 s14, s30;
	[dreg:$0x12] =	wrdreg s15  }
0x26: {  	s15 =	sshrl.u32 s21, $0x3;
	s14 =	sshrl.u32 s14, $0x3;
	s21 =	rddreg [dreg:$0x1]  }
0x27: {  	s15 =	sadd.s32 s13, s15;
	s20 =	sadd.s32 s5, s21;
	s5 =	sadd.s32 s12, s21  }
0x28: {  	s12 =	sadd.s32 s26, s21;
	s26 =	simm.s32 $0x2;
	[dreg:$0x14] =	wrdreg s15  }
0x29: {  	s15 =	sshrl.u32 s24, $0x3;
	s24 =	sadd.s32 $0x15800, s0;
	s0 =	sadd.s32 s8, s21  }
0x2a: {  	s8 =	sadd.s32 s18, s21;
	s18 =	simm.s32 $0x9E20;
	s15 =	sadd.s32 s13, s15  }
0x2b: {  	s13 =	sadd.s32 s13, s14;
	s14 =	sadd.s32 s3, s21;
	[dreg:$0x15] =	wrdreg s15  }
0x2c: {  	s3 =	sadd.s32 s10, s21;
	s10 =	sadd.s32 s23, s21;
	[dreg:$0x16] =	wrdreg s13  }
0x2d: {  	s23 =	simm.s32 $0x7620;
	_ =	strace $0x8000004A;
	[dreg:$0x17] =	wrdreg s31  }
0x2e: {  	s13 =	sadd.s32 s2, s21;
	s15 =	sadd.s32 s4, s21;
	[dreg:$0x18] =	wrdreg s6  }
0x2f: {  	s2 =	sadd.s32 s9, s21;
	s4 =	sadd.s32 s11, s21;
	[dreg:$0x19] =	wrdreg s13  }
0x30: {  	s9 =	sadd.s32 s22, s21;
	s11 =	sadd.s32 s25, s21;
	[dreg:$0x1a] =	wrdreg s14  }
0x31: {  	s22 =	simm.s32 $0x4E20;
	s25 =	simm.s32 $0x1;
	[dreg:$0x1b] =	wrdreg s15  }
0x32: {  	[dreg:$0x1c] =	wrdreg s20;
	s31 =	sadd.s32 s7, s21;
	s6 =	sadd.s32 s17, s21  }
0x33: {  	s7 =	sadd.s32 s19, s21;
	s13 =	sadd.s32 s28, s21;
	s14 =	sadd.s32 s29, s21  }
0x34: {  	s15 =	sadd.s32 s30, s21;
	[dreg:$0x1e] =	wrdreg s16;
	s17 =	simm.s32 $0x3  }
0x35: {  	v0 =	vimm.f32 $0.0e+00;
	s19 =	simm.s32 $0x50;
	s16 =	simm.s32 $0x0;
	[dreg:$0x1d] =	wrdreg s31  }
.LBB2_1:
0x36: {  	s28 =	sand.u32 $0x3E00, s1  }
0x37: {  	s29 =	sand.u32 $0x70, s1;
	s30 =	sshrl.u32 s28, $0x2  }
0x38: {  	s28 =	simm.s32 $0x40;
	s30 =	sor.u32 s29, s30;
	s29 =	simm.s32 $0x0  }
.LBB2_2:
0x39: {  	p0 =	sne.s32 s28, $0x3FC0  }
0x3a: {  	[tilespmem:s30+$0x9E20] =	vst v0;
	s29 =	sadd.s32 $0x10, s29;
	s30 =	smov.u32 s28;
	s28 =	sadd.s32 $0x40, s28  }
.Ltmp0:
0x3b: {  	(pc) =	sbr.rel @p0 .LBB2_2-.Ltmp0, $4  }
0x3c: {  	_ = 	snop  }
0x3d: {  	s30 =	sand.u32 $0x3E00, s30  }
0x3e: {  	s31 =	sand.u32 $0x70, s29;
	s30 =	sshrl.u32 s30, $0x2  }
0x3f: {  	s30 =	sor.u32 s31, s30  }
0x40: {  	[tilespmem:s30+$0x9E20] =	vst v0;
	s28 =	simm.s32 $0x0;
	s20 =	rddreg [dreg:$0x17]  }
0x41: {  	[tilespmem:s28], [sflag:$0x3] =	stream.linear.gather [hbm4b:s20+s28], $0x2710, $0x38;
	[tilespmem:$0x1EE20] =	vst v63  }
0x42: {  	_ =	swait.ge [sflag:s17], $0x2710  }
0x43: {  	[sflag:s17] =	ssyncset.done $0x0  }
0x44: {  	s29 =	simm.s32 $0x2710;
	s30 =	rddreg [dreg:$0x18];
	[sflag:s17] =	ssyncadd.s32 $0xFFFFD8F0  }
0x45: {  	[tilespmem:s29], [sflag:$0x3] =	stream.linear.gather [hbm4b:s30+s28], $0x2710, $0x38;
	[tilespmem:$0x1EE20] =	vst v63  }
0x46: {  	_ =	swait.ge [sflag:s17], $0x2710  }
0x47: {  	[sflag:s17] =	ssyncset.done $0x0  }
0x48: {  	s31 =	rddreg [dreg:$0x19];
	[sflag:s17] =	ssyncadd.s32 $0xFFFFD8F0  }
0x49: {  	[spmem:s31] =	stream.linear.scatter [tilespmem:s18], [sflag:$0x3], $0x1000, $0x38;
	[tilespmem:$0x1EE20] =	vst v63  }
0x4a: {  	_ =	swait.ge [sflag:s17], $0x1000  }
0x4b: {  	[sflag:s17] =	ssyncset.done $0x0  }
0x4c: {  	s30 =	rddreg [dreg:$0x1a];
	[sflag:s17] =	ssyncadd.s32 $0xFFFFF000  }
0x4d: {  	[spmem:s30] =	stream.linear.scatter [tilespmem:s18], [sflag:$0x3], $0x1000, $0x38;
	[tilespmem:$0x1EE20] =	vst v63  }
0x4e: {  	_ =	swait.ge [sflag:s17], $0x1000  }
0x4f: {  	[sflag:s17] =	ssyncset.done $0x0  }
0x50: {  	s31 =	rddreg [dreg:$0x1b];
	[sflag:s17] =	ssyncadd.s32 $0xFFFFF000  }
0x51: {  	[spmem:s31] =	stream.linear.scatter [tilespmem:s18], [sflag:$0x3], $0x1000, $0x38;
	[tilespmem:$0x1EE20] =	vst v63  }
0x52: {  	_ =	swait.ge [sflag:s17], $0x1000  }
0x53: {  	[sflag:s17] =	ssyncset.done $0x0  }
0x54: {  	s30 =	rddreg [dreg:$0x1c];
	[sflag:s17] =	ssyncadd.s32 $0xFFFFF000  }
0x55: {  	[spmem:s30] =	stream.linear.scatter [tilespmem:s18], [sflag:$0x3], $0x1000, $0x38;
	[tilespmem:$0x1EE20] =	vst v63  }
0x56: {  	_ =	swait.ge [sflag:s17], $0x1000  }
0x57: {  	[sflag:s17] =	ssyncset.done $0x0  }
0x58: {  	s31 =	rddreg [dreg:$0x1d];
	[sflag:s17] =	ssyncadd.s32 $0xFFFFF000  }
0x59: {  	[spmem:s31] =	stream.linear.scatter [tilespmem:s18], [sflag:$0x3], $0x1000, $0x38;
	[tilespmem:$0x1EE20] =	vst v63  }
0x5a: {  	_ =	swait.ge [sflag:s17], $0x1000  }
0x5b: {  	[sflag:s17] =	ssyncset.done $0x0  }
0x5c: {  	[sflag:s17] =	ssyncadd.s32 $0xFFFFF000  }
0x5d: {  	[spmem:s0] =	stream.linear.scatter [tilespmem:s18], [sflag:$0x3], $0x1000, $0x38;
	[tilespmem:$0x1EE20] =	vst v63  }
0x5e: {  	_ =	swait.ge [sflag:s17], $0x1000  }
0x5f: {  	[sflag:s17] =	ssyncset.done $0x0  }
0x60: {  	[sflag:s17] =	ssyncadd.s32 $0xFFFFF000  }
0x61: {  	[spmem:s2] =	stream.linear.scatter [tilespmem:s18], [sflag:$0x3], $0x1000, $0x38;
	[tilespmem:$0x1EE20] =	vst v63  }
0x62: {  	_ =	swait.ge [sflag:s17], $0x1000  }
0x63: {  	[sflag:s17] =	ssyncset.done $0x0  }
0x64: {  	[sflag:s17] =	ssyncadd.s32 $0xFFFFF000  }
0x65: {  	[spmem:s3] =	stream.linear.scatter [tilespmem:s18], [sflag:$0x3], $0x1000, $0x38;
	[tilespmem:$0x1EE20] =	vst v63  }
0x66: {  	_ =	swait.ge [sflag:s17], $0x1000  }
0x67: {  	[sflag:s17] =	ssyncset.done $0x0  }
0x68: {  	[sflag:s17] =	ssyncadd.s32 $0xFFFFF000  }
0x69: {  	[spmem:s4] =	stream.linear.scatter [tilespmem:s18], [sflag:$0x3], $0x1000, $0x38;
	[tilespmem:$0x1EE20] =	vst v63  }
0x6a: {  	_ =	swait.ge [sflag:s17], $0x1000  }
0x6b: {  	[sflag:s17] =	ssyncset.done $0x0  }
0x6c: {  	[sflag:s17] =	ssyncadd.s32 $0xFFFFF000  }
0x6d: {  	[spmem:s5] =	stream.linear.scatter [tilespmem:s18], [sflag:$0x3], $0x1000, $0x38;
	[tilespmem:$0x1EE20] =	vst v63  }
0x6e: {  	_ =	swait.ge [sflag:s17], $0x1000  }
0x6f: {  	[sflag:s17] =	ssyncset.done $0x0  }
0x70: {  	[sflag:s17] =	ssyncadd.s32 $0xFFFFF000  }
0x71: {  	[spmem:s6] =	stream.linear.scatter [tilespmem:s18], [sflag:$0x3], $0x1000, $0x38;
	[tilespmem:$0x1EE20] =	vst v63  }
0x72: {  	_ =	swait.ge [sflag:s17], $0x1000  }
0x73: {  	[sflag:s17] =	ssyncset.done $0x0  }
0x74: {  	[sflag:s17] =	ssyncadd.s32 $0xFFFFF000  }
0x75: {  	[spmem:s7] =	stream.linear.scatter [tilespmem:s18], [sflag:$0x3], $0x1000, $0x38;
	[tilespmem:$0x1EE20] =	vst v63  }
0x76: {  	_ =	swait.ge [sflag:s17], $0x1000  }
0x77: {  	[sflag:s17] =	ssyncset.done $0x0  }
0x78: {  	[sflag:s17] =	ssyncadd.s32 $0xFFFFF000  }
0x79: {  	[spmem:s8] =	stream.linear.scatter [tilespmem:s18], [sflag:$0x3], $0x1000, $0x38;
	[tilespmem:$0x1EE20] =	vst v63  }
0x7a: {  	_ =	swait.ge [sflag:s17], $0x1000  }
0x7b: {  	[sflag:s17] =	ssyncset.done $0x0  }
0x7c: {  	[sflag:s17] =	ssyncadd.s32 $0xFFFFF000  }
0x7d: {  	[spmem:s9] =	stream.linear.scatter [tilespmem:s18], [sflag:$0x3], $0x1000, $0x38;
	[tilespmem:$0x1EE20] =	vst v63  }
0x7e: {  	_ =	swait.ge [sflag:s17], $0x1000  }
0x7f: {  	[sflag:s17] =	ssyncset.done $0x0  }
0x80: {  	[sflag:s17] =	ssyncadd.s32 $0xFFFFF000  }
0x81: {  	[spmem:s10] =	stream.linear.scatter [tilespmem:s18], [sflag:$0x3], $0x1000, $0x38;
	[tilespmem:$0x1EE20] =	vst v63  }
0x82: {  	_ =	swait.ge [sflag:s17], $0x1000  }
0x83: {  	[sflag:s17] =	ssyncset.done $0x0  }
0x84: {  	[sflag:s17] =	ssyncadd.s32 $0xFFFFF000  }
0x85: {  	[spmem:s11] =	stream.linear.scatter [tilespmem:s18], [sflag:$0x3], $0x1000, $0x38;
	[tilespmem:$0x1EE20] =	vst v63  }
0x86: {  	_ =	swait.ge [sflag:s17], $0x1000  }
0x87: {  	[sflag:s17] =	ssyncset.done $0x0  }
0x88: {  	[sflag:s17] =	ssyncadd.s32 $0xFFFFF000  }
0x89: {  	[spmem:s12] =	stream.linear.scatter [tilespmem:s18], [sflag:$0x3], $0x1000, $0x38;
	[tilespmem:$0x1EE20] =	vst v63  }
0x8a: {  	_ =	swait.ge [sflag:s17], $0x1000  }
0x8b: {  	[sflag:s17] =	ssyncset.done $0x0  }
0x8c: {  	[sflag:s17] =	ssyncadd.s32 $0xFFFFF000  }
0x8d: {  	[spmem:s13] =	stream.linear.scatter [tilespmem:s18], [sflag:$0x3], $0x1000, $0x38;
	[tilespmem:$0x1EE20] =	vst v63  }
0x8e: {  	_ =	swait.ge [sflag:s17], $0x1000  }
0x8f: {  	[sflag:s17] =	ssyncset.done $0x0  }
0x90: {  	[sflag:s17] =	ssyncadd.s32 $0xFFFFF000  }
0x91: {  	[spmem:s14] =	stream.linear.scatter [tilespmem:s18], [sflag:$0x3], $0x1000, $0x38;
	[tilespmem:$0x1EE20] =	vst v63  }
0x92: {  	_ =	swait.ge [sflag:s17], $0x1000  }
0x93: {  	[sflag:s17] =	ssyncset.done $0x0  }
0x94: {  	[sflag:s17] =	ssyncadd.s32 $0xFFFFF000  }
0x95: {  	[spmem:s15] =	stream.linear.scatter [tilespmem:s18], [sflag:$0x3], $0x1000, $0x38;
	[tilespmem:$0x1EE20] =	vst v63  }
0x96: {  	_ =	swait.ge [sflag:s17], $0x1000  }
0x97: {  	[sflag:s17] =	ssyncset.done $0x0  }
0x98: {  	[sflag:s17] =	ssyncadd.s32 $0xFFFFF000  }
0x99: {  	[bflag:$0x0] =	sbarrier.arrive $0xFFFF  }
0x9a: {  	[tilespmem:s22], [sflag:$0x1] =	stream.indirect.gather [hbm4b:s24+s19], $0x80, s28, s19, $0xb8;
	[tilespmem:$0x1EE20] =	vst v63  }
0x9b: {  	s28 =	simm.s32 $0x50  }
0x9c: {  	[tilespmem:s23], [sflag:$0x2] =	stream.indirect.gather [hbm4b:s24+s19], $0x80, s28, s19, $0xb8;
	[tilespmem:$0x1EE20] =	vst v63  }
0x9d: {  	_ =	swait.ge [sflag:s25], $0x2800  }
0x9e: {  	[sflag:s25] =	ssyncset.done $0x0  }
0x9f: {  	s28 =	simm.s32 $0x2710;
	[sflag:s25] =	ssyncadd.s32 $0xFFFFD800  }
0xa0: {  	[spmem:s21] =	stream.indirect.scatter.add.f32 [tilespmem:s22], [sflag:$0x3], $0x80, s28, s19, $0xb8;
	[tilespmem:$0x1EE20] =	vst v63  }
0xa1: {  	_ =	swait.ge [sflag:s17], $0x2800  }
0xa2: {  	[sflag:s17] =	ssyncset.done $0x0  }
0xa3: {  	s28 =	simm.s32 $0xA0;
	[sflag:s17] =	ssyncadd.s32 $0xFFFFD800  }
0xa4: {  	[tilespmem:s22], [sflag:$0x1] =	stream.indirect.gather [hbm4b:s24+s19], $0x80, s28, s19, $0xb8;
	[tilespmem:$0x1EE20] =	vst v63  }
0xa5: {  	_ =	swait.ge [sflag:s26], $0x2800  }
0xa6: {  	[sflag:s26] =	ssyncset.done $0x0  }
0xa7: {  	s28 =	simm.s32 $0x2760;
	[sflag:s26] =	ssyncadd.s32 $0xFFFFD800  }
0xa8: {  	[spmem:s21] =	stream.indirect.scatter.add.f32 [tilespmem:s23], [sflag:$0x3], $0x80, s28, s19, $0xb8;
	[tilespmem:$0x1EE20] =	vst v63  }
0xa9: {  	_ =	swait.ge [sflag:s17], $0x2800  }
0xaa: {  	s29 =	simm.s32 $0x500;
	s28 =	simm.s32 $0xA0;
	[sflag:s17] =	ssyncset.done $0x0  }
.LBB2_4:
0xab: {  	s30 =	sadd.s32 $0x50, s28  }
0xac: {  	[sflag:s17] =	ssyncadd.s32 $0xFFFFD800;
	s31 =	smov.u32 s29;
	s20 =	sadd.s32 $0x280, s29  }
0xad: {  	[tilespmem:s23], [sflag:$0x2] =	stream.indirect.gather [hbm4b:s24+s19], $0x80, s30, s19, $0xb8;
	[tilespmem:$0x1EE20] =	vst v63  }
0xae: {  	p0 =	sne.s32 s29, $0x9880;
	_ =	swait.ge [sflag:s25], $0x2800  }
0xaf: {  	[sflag:s25] =	ssyncset.done $0x0  }
0xb0: {  	s29 =	sadd.s32 $0x2710, s28;
	[sflag:s25] =	ssyncadd.s32 $0xFFFFD800  }
0xb1: {  	[spmem:s21] =	stream.indirect.scatter.add.f32 [tilespmem:s22], [sflag:$0x3], $0x80, s29, s19, $0xb8;
	[tilespmem:$0x1EE20] =	vst v63  }
0xb2: {  	_ =	swait.ge [sflag:s17], $0x2800  }
0xb3: {  	[sflag:s17] =	ssyncset.done $0x0  }
0xb4: {  	s29 =	sadd.s32 $0xA0, s28;
	[sflag:s17] =	ssyncadd.s32 $0xFFFFD800  }
0xb5: {  	[tilespmem:s22], [sflag:$0x1] =	stream.indirect.gather [hbm4b:s24+s19], $0x80, s29, s19, $0xb8;
	[tilespmem:$0x1EE20] =	vst v63  }
0xb6: {  	_ =	swait.ge [sflag:s26], $0x2800  }
.Ltmp1:
0xb7: {  	[sflag:s26] =	ssyncset.done $0x0;
	(pc) =	sbr.rel @p0 .LBB2_4-.Ltmp1, $4  }
0xb8: {  	s28 =	sadd.s32 $0x2760, s28;
	[sflag:s26] =	ssyncadd.s32 $0xFFFFD800  }
0xb9: {  	[spmem:s21] =	stream.indirect.scatter.add.f32 [tilespmem:s23], [sflag:$0x3], $0x80, s28, s19, $0xb8;
	[tilespmem:$0x1EE20] =	vst v63  }
0xba: {  	_ =	swait.ge [sflag:s17], $0x2800  }
0xbb: {  	s29 =	smov.u32 s20;
	s28 =	sshra.s32 s31, $0x2;
	[sflag:s17] =	ssyncset.done $0x0  }
0xbc: {  	s20 =	sadd.s32 $0x50, s28;
	[sflag:s17] =	ssyncadd.s32 $0xFFFFD800  }
0xbd: {  	[tilespmem:s23], [sflag:$0x2] =	stream.indirect.gather [hbm4b:s24+s19], $0x80, s20, s19, $0xb8;
	[tilespmem:$0x1EE20] =	vst v63  }
0xbe: {  	_ =	swait.ge [sflag:s25], $0x2800  }
0xbf: {  	[sflag:s25] =	ssyncset.done $0x0  }
0xc0: {  	s30 =	sadd.s32 $0x2710, s28;
	[sflag:s25] =	ssyncadd.s32 $0xFFFFD800  }
0xc1: {  	[spmem:s21] =	stream.indirect.scatter.add.f32 [tilespmem:s22], [sflag:$0x3], $0x80, s30, s19, $0xb8;
	[tilespmem:$0x1EE20] =	vst v63  }
0xc2: {  	_ =	swait.ge [sflag:s17], $0x2800  }
0xc3: {  	[sflag:s17] =	ssyncset.done $0x0  }
0xc4: {  	s31 =	sadd.s32 $0xA0, s28;
	[sflag:s17] =	ssyncadd.s32 $0xFFFFD800  }
0xc5: {  	[tilespmem:s22], [sflag:$0x1] =	stream.indirect.gather [hbm4b:s24+s19], $0x80, s31, s19, $0xb8;
	[tilespmem:$0x1EE20] =	vst v63  }
0xc6: {  	_ =	swait.ge [sflag:s26], $0x2800  }
0xc7: {  	[sflag:s26] =	ssyncset.done $0x0  }
0xc8: {  	s28 =	sadd.s32 $0x2760, s28;
	[sflag:s26] =	ssyncadd.s32 $0xFFFFD800  }
0xc9: {  	[spmem:s21] =	stream.indirect.scatter.add.f32 [tilespmem:s23], [sflag:$0x3], $0x80, s28, s19, $0xb8;
	[tilespmem:$0x1EE20] =	vst v63  }
0xca: {  	_ =	swait.ge [sflag:s17], $0x2800  }
0xcb: {  	[sflag:s17] =	ssyncset.done $0x0  }
0xcc: {  	[sflag:s17] =	ssyncadd.s32 $0xFFFFD800  }
0xcd: {  	_ =	swait.ge [sflag:s25], $0x2800  }
0xce: {  	[sflag:s25] =	ssyncset.done $0x0  }
0xcf: {  	s29 =	simm.s32 $0x4DD0;
	[sflag:s25] =	ssyncadd.s32 $0xFFFFD800  }
0xd0: {  	[spmem:s21] =	stream.indirect.scatter.add.f32 [tilespmem:s22], [sflag:$0x3], $0x80, s29, s19, $0xb8;
	[tilespmem:$0x1EE20] =	vst v63  }
0xd1: {  	_ =	swait.ge [sflag:s17], $0x2800  }
0xd2: {  	[sflag:s17] =	ssyncset.done $0x0  }
0xd3: {  	[sflag:s17] =	ssyncadd.s32 $0xFFFFD800  }
0xd4: {  	[bflag:$0x0] =	sbarrier.arrive $0xFFFF  }
0xd5: {  	s30 =	rddreg [dreg:$0x19]  }
0xd6: {  	[tilespmem:s18], [sflag:$0x3] =	stream.linear.gather [spmem:s30], $0x1000, $0x38;
	[tilespmem:$0x1EE20] =	vst v63  }
0xd7: {  	_ =	swait.ge [sflag:s17], $0x1000  }
0xd8: {  	[sflag:s17] =	ssyncset.done $0x0  }
0xd9: {  	s31 =	rddreg [dreg:$0x3];
	[sflag:s17] =	ssyncadd.s32 $0xFFFFF000  }
0xda: {  	[hbm4b:s31+s1] =	stream.linear.scatter [tilespmem:s18], [sflag:$0x3], $0x1000, $0x38;
	[tilespmem:$0x1EE20] =	vst v63  }
0xdb: {  	_ =	swait.ge [sflag:s17], $0x1000  }
0xdc: {  	[sflag:s17] =	ssyncset.done $0x0  }
0xdd: {  	s28 =	rddreg [dreg:$0x1a];
	[sflag:s17] =	ssyncadd.s32 $0xFFFFF000  }
0xde: {  	[tilespmem:s18], [sflag:$0x3] =	stream.linear.gather [spmem:s28], $0x1000, $0x38;
	[tilespmem:$0x1EE20] =	vst v63  }
0xdf: {  	_ =	swait.ge [sflag:s17], $0x1000  }
0xe0: {  	[sflag:s17] =	ssyncset.done $0x0  }
0xe1: {  	s29 =	rddreg [dreg:$0x4];
	[sflag:s17] =	ssyncadd.s32 $0xFFFFF000  }
0xe2: {  	[hbm4b:s29+s1] =	stream.linear.scatter [tilespmem:s18], [sflag:$0x3], $0x1000, $0x38;
	[tilespmem:$0x1EE20] =	vst v63  }
0xe3: {  	_ =	swait.ge [sflag:s17], $0x1000  }
0xe4: {  	[sflag:s17] =	ssyncset.done $0x0  }
0xe5: {  	s30 =	rddreg [dreg:$0x1b];
	[sflag:s17] =	ssyncadd.s32 $0xFFFFF000  }
0xe6: {  	[tilespmem:s18], [sflag:$0x3] =	stream.linear.gather [spmem:s30], $0x1000, $0x38;
	[tilespmem:$0x1EE20] =	vst v63  }
0xe7: {  	_ =	swait.ge [sflag:s17], $0x1000  }
0xe8: {  	[sflag:s17] =	ssyncset.done $0x0  }
0xe9: {  	s31 =	rddreg [dreg:$0x5];
	[sflag:s17] =	ssyncadd.s32 $0xFFFFF000  }
0xea: {  	[hbm4b:s31+s1] =	stream.linear.scatter [tilespmem:s18], [sflag:$0x3], $0x1000, $0x38;
	[tilespmem:$0x1EE20] =	vst v63  }
0xeb: {  	_ =	swait.ge [sflag:s17], $0x1000  }
0xec: {  	[sflag:s17] =	ssyncset.done $0x0  }
0xed: {  	s28 =	rddreg [dreg:$0x1c];
	[sflag:s17] =	ssyncadd.s32 $0xFFFFF000  }
0xee: {  	[tilespmem:s18], [sflag:$0x3] =	stream.linear.gather [spmem:s28], $0x1000, $0x38;
	[tilespmem:$0x1EE20] =	vst v63  }
0xef: {  	_ =	swait.ge [sflag:s17], $0x1000  }
0xf0: {  	[sflag:s17] =	ssyncset.done $0x0  }
0xf1: {  	s29 =	rddreg [dreg:$0x6];
	[sflag:s17] =	ssyncadd.s32 $0xFFFFF000  }
0xf2: {  	[hbm4b:s29+s1] =	stream.linear.scatter [tilespmem:s18], [sflag:$0x3], $0x1000, $0x38;
	[tilespmem:$0x1EE20] =	vst v63  }
0xf3: {  	_ =	swait.ge [sflag:s17], $0x1000  }
0xf4: {  	[sflag:s17] =	ssyncset.done $0x0  }
0xf5: {  	s30 =	rddreg [dreg:$0x1d];
	[sflag:s17] =	ssyncadd.s32 $0xFFFFF000  }
0xf6: {  	[tilespmem:s18], [sflag:$0x3] =	stream.linear.gather [spmem:s30], $0x1000, $0x38;
	[tilespmem:$0x1EE20] =	vst v63  }
0xf7: {  	_ =	swait.ge [sflag:s17], $0x1000  }
0xf8: {  	[sflag:s17] =	ssyncset.done $0x0  }
0xf9: {  	s31 =	rddreg [dreg:$0x7];
	[sflag:s17] =	ssyncadd.s32 $0xFFFFF000  }
0xfa: {  	[hbm4b:s31+s1] =	stream.linear.scatter [tilespmem:s18], [sflag:$0x3], $0x1000, $0x38;
	[tilespmem:$0x1EE20] =	vst v63  }
0xfb: {  	_ =	swait.ge [sflag:s17], $0x1000  }
0xfc: {  	[sflag:s17] =	ssyncset.done $0x0  }
0xfd: {  	[sflag:s17] =	ssyncadd.s32 $0xFFFFF000  }
0xfe: {  	[tilespmem:s18], [sflag:$0x3] =	stream.linear.gather [spmem:s0], $0x1000, $0x38;
	[tilespmem:$0x1EE20] =	vst v63  }
0xff: {  	_ =	swait.ge [sflag:s17], $0x1000  }
0x100: {  	[sflag:s17] =	ssyncset.done $0x0  }
0x101: {  	s28 =	rddreg [dreg:$0x8];
	[sflag:s17] =	ssyncadd.s32 $0xFFFFF000  }
0x102: {  	[hbm4b:s28+s1] =	stream.linear.scatter [tilespmem:s18], [sflag:$0x3], $0x1000, $0x38;
	[tilespmem:$0x1EE20] =	vst v63  }
0x103: {  	_ =	swait.ge [sflag:s17], $0x1000  }
0x104: {  	[sflag:s17] =	ssyncset.done $0x0  }
0x105: {  	[sflag:s17] =	ssyncadd.s32 $0xFFFFF000  }
0x106: {  	[tilespmem:s18], [sflag:$0x3] =	stream.linear.gather [spmem:s2], $0x1000, $0x38;
	[tilespmem:$0x1EE20] =	vst v63  }
0x107: {  	_ =	swait.ge [sflag:s17], $0x1000  }
0x108: {  	[sflag:s17] =	ssyncset.done $0x0  }
0x109: {  	s29 =	rddreg [dreg:$0x9];
	[sflag:s17] =	ssyncadd.s32 $0xFFFFF000  }
0x10a: {  	[hbm4b:s29+s1] =	stream.linear.scatter [tilespmem:s18], [sflag:$0x3], $0x1000, $0x38;
	[tilespmem:$0x1EE20] =	vst v63  }
0x10b: {  	_ =	swait.ge [sflag:s17], $0x1000  }
0x10c: {  	[sflag:s17] =	ssyncset.done $0x0  }
0x10d: {  	[sflag:s17] =	ssyncadd.s32 $0xFFFFF000  }
0x10e: {  	[tilespmem:s18], [sflag:$0x3] =	stream.linear.gather [spmem:s3], $0x1000, $0x38;
	[tilespmem:$0x1EE20] =	vst v63  }
0x10f: {  	_ =	swait.ge [sflag:s17], $0x1000  }
0x110: {  	[sflag:s17] =	ssyncset.done $0x0  }
0x111: {  	s30 =	rddreg [dreg:$0xa];
	[sflag:s17] =	ssyncadd.s32 $0xFFFFF000  }
0x112: {  	[hbm4b:s30+s1] =	stream.linear.scatter [tilespmem:s18], [sflag:$0x3], $0x1000, $0x38;
	[tilespmem:$0x1EE20] =	vst v63  }
0x113: {  	_ =	swait.ge [sflag:s17], $0x1000  }
0x114: {  	[sflag:s17] =	ssyncset.done $0x0  }
0x115: {  	[sflag:s17] =	ssyncadd.s32 $0xFFFFF000  }
0x116: {  	[tilespmem:s18], [sflag:$0x3] =	stream.linear.gather [spmem:s4], $0x1000, $0x38;
	[tilespmem:$0x1EE20] =	vst v63  }
0x117: {  	_ =	swait.ge [sflag:s17], $0x1000  }
0x118: {  	[sflag:s17] =	ssyncset.done $0x0  }
0x119: {  	s31 =	rddreg [dreg:$0xb];
	[sflag:s17] =	ssyncadd.s32 $0xFFFFF000  }
0x11a: {  	[hbm4b:s31+s1] =	stream.linear.scatter [tilespmem:s18], [sflag:$0x3], $0x1000, $0x38;
	[tilespmem:$0x1EE20] =	vst v63  }
0x11b: {  	_ =	swait.ge [sflag:s17], $0x1000  }
0x11c: {  	[sflag:s17] =	ssyncset.done $0x0  }
0x11d: {  	[sflag:s17] =	ssyncadd.s32 $0xFFFFF000  }
0x11e: {  	[tilespmem:s18], [sflag:$0x3] =	stream.linear.gather [spmem:s5], $0x1000, $0x38;
	[tilespmem:$0x1EE20] =	vst v63  }
0x11f: {  	_ =	swait.ge [sflag:s17], $0x1000  }
0x120: {  	[sflag:s17] =	ssyncset.done $0x0  }
0x121: {  	s28 =	rddreg [dreg:$0xc];
	[sflag:s17] =	ssyncadd.s32 $0xFFFFF000  }
0x122: {  	[hbm4b:s28+s1] =	stream.linear.scatter [tilespmem:s18], [sflag:$0x3], $0x1000, $0x38;
	[tilespmem:$0x1EE20] =	vst v63  }
0x123: {  	_ =	swait.ge [sflag:s17], $0x1000  }
0x124: {  	[sflag:s17] =	ssyncset.done $0x0  }
0x125: {  	[sflag:s17] =	ssyncadd.s32 $0xFFFFF000  }
0x126: {  	[tilespmem:s18], [sflag:$0x3] =	stream.linear.gather [spmem:s6], $0x1000, $0x38;
	[tilespmem:$0x1EE20] =	vst v63  }
0x127: {  	_ =	swait.ge [sflag:s17], $0x1000  }
0x128: {  	[sflag:s17] =	ssyncset.done $0x0  }
0x129: {  	s29 =	rddreg [dreg:$0xd];
	[sflag:s17] =	ssyncadd.s32 $0xFFFFF000  }
0x12a: {  	[hbm4b:s29+s1] =	stream.linear.scatter [tilespmem:s18], [sflag:$0x3], $0x1000, $0x38;
	[tilespmem:$0x1EE20] =	vst v63  }
0x12b: {  	_ =	swait.ge [sflag:s17], $0x1000  }
0x12c: {  	[sflag:s17] =	ssyncset.done $0x0  }
0x12d: {  	[sflag:s17] =	ssyncadd.s32 $0xFFFFF000  }
0x12e: {  	[tilespmem:s18], [sflag:$0x3] =	stream.linear.gather [spmem:s7], $0x1000, $0x38;
	[tilespmem:$0x1EE20] =	vst v63  }
0x12f: {  	_ =	swait.ge [sflag:s17], $0x1000  }
0x130: {  	[sflag:s17] =	ssyncset.done $0x0  }
0x131: {  	s30 =	rddreg [dreg:$0xe];
	[sflag:s17] =	ssyncadd.s32 $0xFFFFF000  }
0x132: {  	[hbm4b:s30+s1] =	stream.linear.scatter [tilespmem:s18], [sflag:$0x3], $0x1000, $0x38;
	[tilespmem:$0x1EE20] =	vst v63  }
0x133: {  	_ =	swait.ge [sflag:s17], $0x1000  }
0x134: {  	[sflag:s17] =	ssyncset.done $0x0  }
0x135: {  	[sflag:s17] =	ssyncadd.s32 $0xFFFFF000  }
0x136: {  	[tilespmem:s18], [sflag:$0x3] =	stream.linear.gather [spmem:s8], $0x1000, $0x38;
	[tilespmem:$0x1EE20] =	vst v63  }
0x137: {  	_ =	swait.ge [sflag:s17], $0x1000  }
0x138: {  	[sflag:s17] =	ssyncset.done $0x0  }
0x139: {  	s31 =	rddreg [dreg:$0xf];
	[sflag:s17] =	ssyncadd.s32 $0xFFFFF000  }
0x13a: {  	[hbm4b:s31+s1] =	stream.linear.scatter [tilespmem:s18], [sflag:$0x3], $0x1000, $0x38;
	[tilespmem:$0x1EE20] =	vst v63  }
0x13b: {  	_ =	swait.ge [sflag:s17], $0x1000  }
0x13c: {  	[sflag:s17] =	ssyncset.done $0x0  }
0x13d: {  	[sflag:s17] =	ssyncadd.s32 $0xFFFFF000  }
0x13e: {  	[tilespmem:s18], [sflag:$0x3] =	stream.linear.gather [spmem:s9], $0x1000, $0x38;
	[tilespmem:$0x1EE20] =	vst v63  }
0x13f: {  	_ =	swait.ge [sflag:s17], $0x1000  }
0x140: {  	[sflag:s17] =	ssyncset.done $0x0  }
0x141: {  	s28 =	rddreg [dreg:$0x10];
	[sflag:s17] =	ssyncadd.s32 $0xFFFFF000  }
0x142: {  	[hbm4b:s28+s1] =	stream.linear.scatter [tilespmem:s18], [sflag:$0x3], $0x1000, $0x38;
	[tilespmem:$0x1EE20] =	vst v63  }
0x143: {  	_ =	swait.ge [sflag:s17], $0x1000  }
0x144: {  	[sflag:s17] =	ssyncset.done $0x0  }
0x145: {  	[sflag:s17] =	ssyncadd.s32 $0xFFFFF000  }
0x146: {  	[tilespmem:s18], [sflag:$0x3] =	stream.linear.gather [spmem:s10], $0x1000, $0x38;
	[tilespmem:$0x1EE20] =	vst v63  }
0x147: {  	_ =	swait.ge [sflag:s17], $0x1000  }
0x148: {  	[sflag:s17] =	ssyncset.done $0x0  }
0x149: {  	s29 =	rddreg [dreg:$0x11];
	[sflag:s17] =	ssyncadd.s32 $0xFFFFF000  }
0x14a: {  	[hbm4b:s29+s1] =	stream.linear.scatter [tilespmem:s18], [sflag:$0x3], $0x1000, $0x38;
	[tilespmem:$0x1EE20] =	vst v63  }
0x14b: {  	_ =	swait.ge [sflag:s17], $0x1000  }
0x14c: {  	[sflag:s17] =	ssyncset.done $0x0  }
0x14d: {  	[sflag:s17] =	ssyncadd.s32 $0xFFFFF000  }
0x14e: {  	[tilespmem:s18], [sflag:$0x3] =	stream.linear.gather [spmem:s11], $0x1000, $0x38;
	[tilespmem:$0x1EE20] =	vst v63  }
0x14f: {  	_ =	swait.ge [sflag:s17], $0x1000  }
0x150: {  	[sflag:s17] =	ssyncset.done $0x0  }
0x151: {  	s30 =	rddreg [dreg:$0x12];
	[sflag:s17] =	ssyncadd.s32 $0xFFFFF000  }
0x152: {  	[hbm4b:s30+s1] =	stream.linear.scatter [tilespmem:s18], [sflag:$0x3], $0x1000, $0x38;
	[tilespmem:$0x1EE20] =	vst v63  }
0x153: {  	_ =	swait.ge [sflag:s17], $0x1000  }
0x154: {  	[sflag:s17] =	ssyncset.done $0x0  }
0x155: {  	[sflag:s17] =	ssyncadd.s32 $0xFFFFF000  }
0x156: {  	[tilespmem:s18], [sflag:$0x3] =	stream.linear.gather [spmem:s12], $0x1000, $0x38;
	[tilespmem:$0x1EE20] =	vst v63  }
0x157: {  	_ =	swait.ge [sflag:s17], $0x1000  }
0x158: {  	[sflag:s17] =	ssyncset.done $0x0  }
0x159: {  	s31 =	rddreg [dreg:$0x13];
	[sflag:s17] =	ssyncadd.s32 $0xFFFFF000  }
0x15a: {  	[hbm4b:s31+s1] =	stream.linear.scatter [tilespmem:s18], [sflag:$0x3], $0x1000, $0x38;
	[tilespmem:$0x1EE20] =	vst v63  }
0x15b: {  	_ =	swait.ge [sflag:s17], $0x1000  }
0x15c: {  	[sflag:s17] =	ssyncset.done $0x0  }
0x15d: {  	[sflag:s17] =	ssyncadd.s32 $0xFFFFF000  }
0x15e: {  	[tilespmem:s18], [sflag:$0x3] =	stream.linear.gather [spmem:s13], $0x1000, $0x38;
	[tilespmem:$0x1EE20] =	vst v63  }
0x15f: {  	_ =	swait.ge [sflag:s17], $0x1000  }
0x160: {  	[sflag:s17] =	ssyncset.done $0x0  }
0x161: {  	s28 =	rddreg [dreg:$0x14];
	[sflag:s17] =	ssyncadd.s32 $0xFFFFF000  }
0x162: {  	[hbm4b:s28+s1] =	stream.linear.scatter [tilespmem:s18], [sflag:$0x3], $0x1000, $0x38;
	[tilespmem:$0x1EE20] =	vst v63  }
0x163: {  	_ =	swait.ge [sflag:s17], $0x1000  }
0x164: {  	[sflag:s17] =	ssyncset.done $0x0  }
0x165: {  	[sflag:s17] =	ssyncadd.s32 $0xFFFFF000  }
0x166: {  	[tilespmem:s18], [sflag:$0x3] =	stream.linear.gather [spmem:s14], $0x1000, $0x38;
	[tilespmem:$0x1EE20] =	vst v63  }
0x167: {  	_ =	swait.ge [sflag:s17], $0x1000  }
0x168: {  	[sflag:s17] =	ssyncset.done $0x0  }
0x169: {  	s29 =	rddreg [dreg:$0x15];
	[sflag:s17] =	ssyncadd.s32 $0xFFFFF000  }
0x16a: {  	[hbm4b:s29+s1] =	stream.linear.scatter [tilespmem:s18], [sflag:$0x3], $0x1000, $0x38;
	[tilespmem:$0x1EE20] =	vst v63  }
0x16b: {  	_ =	swait.ge [sflag:s17], $0x1000  }
0x16c: {  	[sflag:s17] =	ssyncset.done $0x0  }
0x16d: {  	[sflag:s17] =	ssyncadd.s32 $0xFFFFF000  }
0x16e: {  	[tilespmem:s18], [sflag:$0x3] =	stream.linear.gather [spmem:s15], $0x1000, $0x38;
	[tilespmem:$0x1EE20] =	vst v63  }
0x16f: {  	_ =	swait.ge [sflag:s17], $0x1000  }
0x170: {  	[sflag:s17] =	ssyncset.done $0x0  }
0x171: {  	s30 =	rddreg [dreg:$0x16];
	[sflag:s17] =	ssyncadd.s32 $0xFFFFF000  }
0x172: {  	[hbm4b:s30+s1] =	stream.linear.scatter [tilespmem:s18], [sflag:$0x3], $0x1000, $0x38;
	[tilespmem:$0x1EE20] =	vst v63  }
0x173: {  	_ =	swait.ge [sflag:s17], $0x1000  }
0x174: {  	s16 =	sadd.s32 $0x1, s16;
	s31 =	rddreg [dreg:$0x1e]  }
0x175: {  	p0 =	sne.s32 s16, s31  }
.Ltmp2:
0x176: {  	_ = 	snop;
	(pc) =	sbr.rel @p0 .LBB2_1-.Ltmp2, $3  }
0x177: {  	_ =	sdelay $0x1  }
0x178: {  	[sflag:s17] =	ssyncset.done $0x0  }
0x179: {  	[sflag:s17] =	ssyncadd.s32 $0xFFFFF000  }
0x17a: {  	_ =	sfence.sel $0x180000  }
0x17b: {  	[bflag:$0x0] =	sbarrier.arrive $0xFFFF  }
0x17c: {  	_ =	strace $0x9000004A  }
0x17d: {  	s0 =	stileid.u32;
	[bflag:$0x2] =	sbarrier.arrive $0xFFFF  }
0x17e: {  	p0 =	sne.s32 s0, $0x0;
	s0 =	rddreg [dreg:$0x2]  }
0x17f: {  	s0 =	sadd.s32 @!p0 $0x100000, s0  }
0x180: {  	[sflag:s0] =	ssyncadd.tile.s32 @!p0 $0x1;
	_ =	shalt  }
.Lfunc_end2:
_tile_overlayer_lowered:
.L_overlay_start_2:
0x181: {  	(tag) =	ssettag $0x2  }
0x182: {  	s0 =	rddreg [dreg:$0x0];
	s2 =	stileid.u32  }
0x183: {  	s1 =	rddreg [dreg:$0x1];
	p0 =	sne.s32 s2, $0x0  }
0x184: {  	s3 =	rddreg [dreg:$0x2];
	[bflag:$0x3] =	sbarrier.arrive $0xFFFF;
	s2 =	simm.s32 @!p0 $0x1C03  }
0x185: {  	[timem:s3], [sflag:s2] =	dma.local @!p0 [hbm:s0], s1  }
0x186: {  	s0 =	simm.s32 @!p0 $0x3  }
0x187: {  	_ =	swait.ge @!p0 [sflag:s0], s1  }
0x188: {  	s1 =	ssub.s32 @!p0 $0x0, s1;
	[sflag:s0] =	ssyncset.done @!p0 $0x0  }
0x189: {  	[sflag:s0] =	ssyncadd.s32 @!p0 s1  }
0x18a: {  	[bflag:$0x3] =	sbarrier.arrive $0xFFFF  }
0x18b: {  	_ =	shalt  }

// kernel: kernel.14.cloned.1.call-start
scs
__scs_entry_jumppad:
0x0: {  	(pc) =	sbr.rel $0x88, $3  }
0x1: {  	(tag) =	ssettag $0x0;
	lr =	simm.s32 $0x1  }
0x2: {  	[smem:$0x3F9B] =	sst lr;
	_ =	strace $0xD0000000  }
0x3: {  	_ = 	snop  }
0x4: {  	_ = 	snop  }
0x5: {  	_ = 	snop  }
0x6: {  	_ = 	snop  }
0x7: {  	_ = 	snop  }
__scs_overlays_trampoline_lowered:
0x8: {  	[smem:$0x3FAA] =	sst s0  }
0x9: {  	[smem:$0x3FAB] =	sst s1  }
0xa: {  	[smem:$0x3FAC] =	sst s2  }
0xb: {  	[smem:$0x3FAD] =	sst s3  }
0xc: {  	[smem:$0x3FAE] =	sst s4  }
0xd: {  	[smem:$0x3FAF] =	sst s5  }
0xe: {  	[smem:$0x3FB0] =	sst s6  }
0xf: {  	[smem:$0x3FB1] =	sst s7  }
0x10: {  	[smem:$0x3FB2] =	sst s8  }
0x11: {  	[smem:$0x3FB3] =	sst s9;
	s0 =	simm.s32 @!p0 $0x0  }
0x12: {  	s1 =	sld [smem:$0x3F99];
	s0 =	simm.s32 @p0 $0x1  }
0x13: {  	[smem:$0x3FB4] =	sst s0;
	s0 =	simm.s32 @!p1 $0x0  }
0x14: {  	s2 =	sld [smem:$0x3F98];
	s0 =	simm.s32 @p1 $0x1  }
0x15: {  	[smem:$0x3FB5] =	sst s0;
	s0 =	simm.s32 @!p2 $0x0  }
0x16: {  	s3 =	sld [smem:$0x3FDB];
	s0 =	simm.s32 @p2 $0x1  }
0x17: {  	s4 =	simm.s32 $0x1BF5;
	[smem:$0x3FB7] =	sst s0  }
0x18: {  	s0 =	sld [smem:$0x3F9A];
	_ =	swait.ge [sflag:s4], $0x0  }
0x19: {  	s7 =	sld [smem:$0x3F9B]  }
0x1a: {  	s8 =	sadd.s32 $0xFFFFE003, lr  }
0x1b: {  	s9 =	sadd.s32 $0xFFFFFEF7, lr;
	s5 =	simm.s32 $0xFFFFFFFF;
	p2 =	slt.u32 s8, $0xFFFFF086  }
0x1c: {  	p1 =	slt.u32 s9, $0xF7A;
	s5 =	simm.s32 @!p2 $0x0  }
0x1d: {  	s5 =	simm.s32 @p1 $0x1;
	p0 =	seq.s32 s7, s2  }
0x1e: {  	s7 =	smul.u32 @!p0 $0xF7A, s2;
	p2 =	seq.s32 @!p0 s5, $0x0  }
0x1f: {  	s9 =	smul.u32 $0xF7A, s1;
	s8 =	simm.s32 @!p0 $0x1BF5;
	p2 =	por !p2, p0  }
0x20: {  	[sflag:s8] =	ssyncset.s32 @!p0 $0xFFFFF086;
	s6 =	sadd.s32 @!p0 s3, s7;
	s7 =	simm.s32 @!p0 $0x108  }
0x21: {  	s3 =	sadd.s32 s3, s9;
	s6 =	sadd.s32 @!p0 $0x88, s6;
	s7 =	simm.s32 @p2 $0x1082  }
0x22: {  	[simem:s7], [sflag:s8] =	dma.local @!p0 [hbm:s6], $0xF7A  }
0x23: {  	s9 =	sor.u32 $0xD0000000, s2;
	s6 =	simm.s32 $0x108;
	_ =	swait.ge @!p0 [sflag:s8], $0x0  }
0x24: {  	s3 =	sadd.s32 $0x88, s3;
	s6 =	simm.s32 @!p1 $0x1082;
	[sflag:s4] =	ssyncset.s32 $0xFFFFF086  }
0x25: {  	[simem:s6], [sflag:s4] =	dma.local [hbm:s3], $0xF7A  }
0x26: {  	[smem:$0x3F9B] =	sst s1;
	(tag) =	ssettag s2;
	_ =	strace s9  }
0x27: {  	s1 =	sld [smem:$0x3FAB]  }
0x28: {  	s2 =	sld [smem:$0x3FAC]  }
0x29: {  	s4 =	sld [smem:$0x3FAE]  }
0x2a: {  	p0 =	seq.s32 s5, $0x0;
	s5 =	sld [smem:$0x3FAF]  }
0x2b: {  	s6 =	sld [smem:$0x3FB0]  }
0x2c: {  	s7 =	sld [smem:$0x3FB1]  }
0x2d: {  	s3 =	simm.s32 $0x108;
	s8 =	sld [smem:$0x3FB2]  }
0x2e: {  	s3 =	simm.s32 @!p0 $0x1082;
	s9 =	sld [smem:$0x3FB3]  }
0x2f: {  	lr =	sadd.s32 s0, s3;
	s0 =	sld [smem:$0x3FAA]  }
0x30: {  	s3 =	sld [smem:$0x3FAD]  }
0x31: {  	[smem:$0x3FB6] =	sst s10  }
0x32: {  	s10 =	sld [smem:$0x3FB4];
	_ =	sdelay $0x3  }
0x33: {  	p0 =	seq.s32 s10, $0x1;
	s10 =	sld [smem:$0x3FB6];
	_ =	sdelay $0x3  }
0x34: {  	[smem:$0x3FB6] =	sst s10  }
0x35: {  	s10 =	sld [smem:$0x3FB5];
	_ =	sdelay $0x3  }
0x36: {  	p1 =	seq.s32 s10, $0x1;
	s10 =	sld [smem:$0x3FB6];
	_ =	sdelay $0x3  }
0x37: {  	[smem:$0x3FB6] =	sst s10  }
0x38: {  	s10 =	sld [smem:$0x3FB7]  }
0x39: {  	_ = 	snop;
	(pc) =	sbr.ind lr, $3  }
0x3a: {  	_ = 	snop  }
0x3b: {  	_ = 	snop  }
0x3c: {  	p2 =	seq.s32 s10, $0x1;
	s10 =	sld [smem:$0x3FB6]  }
0x3d: {  	_ =	shalt  }
0x3e: {  	_ =	shalt  }
0x3f: {  	_ =	shalt  }
0x40: {  	_ =	shalt  }
0x41: {  	_ =	shalt  }
0x42: {  	_ =	shalt  }
0x43: {  	_ =	shalt  }
0x44: {  	_ =	shalt  }
0x45: {  	_ =	shalt  }
0x46: {  	_ =	shalt  }
0x47: {  	_ =	shalt  }
0x48: {  	_ =	shalt  }
0x49: {  	_ =	shalt  }
0x4a: {  	_ =	shalt  }
0x4b: {  	_ =	shalt  }
0x4c: {  	_ =	shalt  }
0x4d: {  	_ =	shalt  }
0x4e: {  	_ =	shalt  }
0x4f: {  	_ =	shalt  }
0x50: {  	_ =	shalt  }
0x51: {  	_ =	shalt  }
0x52: {  	_ =	shalt  }
0x53: {  	_ =	shalt  }
0x54: {  	_ =	shalt  }
0x55: {  	_ =	shalt  }
0x56: {  	_ =	shalt  }
0x57: {  	_ =	shalt  }
0x58: {  	_ =	shalt  }
0x59: {  	_ =	shalt  }
0x5a: {  	_ =	shalt  }
0x5b: {  	_ =	shalt  }
0x5c: {  	_ =	shalt  }
0x5d: {  	_ =	shalt  }
0x5e: {  	_ =	shalt  }
0x5f: {  	_ =	shalt  }
0x60: {  	_ =	shalt  }
0x61: {  	_ =	shalt  }
0x62: {  	_ =	shalt  }
0x63: {  	_ =	shalt  }
0x64: {  	_ =	shalt  }
0x65: {  	_ =	shalt  }
0x66: {  	_ =	shalt  }
0x67: {  	_ =	shalt  }
0x68: {  	_ =	shalt  }
0x69: {  	_ =	shalt  }
0x6a: {  	_ =	shalt  }
0x6b: {  	_ =	shalt  }
0x6c: {  	_ =	shalt  }
0x6d: {  	_ =	shalt  }
0x6e: {  	_ =	shalt  }
0x6f: {  	_ =	shalt  }
0x70: {  	_ =	shalt  }
0x71: {  	_ =	shalt  }
0x72: {  	_ =	shalt  }
0x73: {  	_ =	shalt  }
0x74: {  	_ =	shalt  }
0x75: {  	_ =	shalt  }
0x76: {  	_ =	shalt  }
0x77: {  	_ =	shalt  }
0x78: {  	_ =	shalt  }
0x79: {  	_ =	shalt  }
0x7a: {  	_ =	shalt  }
0x7b: {  	_ =	shalt  }
0x7c: {  	_ =	shalt  }
0x7d: {  	_ =	shalt  }
0x7e: {  	_ =	shalt  }
0x7f: {  	_ =	shalt  }
0x80: {  	_ =	shalt  }
0x81: {  	_ =	shalt  }
0x82: {  	_ =	shalt  }
0x83: {  	_ =	shalt  }
0x84: {  	_ =	shalt  }
0x85: {  	_ =	shalt  }
0x86: {  	_ =	shalt  }
0x87: {  	_ =	shalt  }
.Lfunc_end0:
.L_simem_size_0:
called_computation.2_lowered:
.L_overlay_start_0:
0x88: {  	s2 =	sld [smem:$0x3FD9]  }
0x89: {  	s3 =	sld [smem:$0x3FFE];
	_ =	sdelay $0x1  }
0x8a: {  	s1 =	srdreg.scid  }
0x8b: {  	s0 =	sand.u32 $0x1, s1  }
0x8c: {  	s17 =	sshll.u32 s0, $0xA;
	s2 =	sadd.s32 s3, s2  }
0x8d: {  	s2 =	sadd.s32 s2, s17  }
0x8e: {  	[smem:$0x3FC2] =	sst s2  }
0x8f: {  	_ = 	snop  }
0x90: {  	s2 =	sld [smem:$0x3FD0];
	(tm) =	ssettm $0x1  }
0x91: {  	s18 =	sld [smem:$0x3FFB];
	_ =	sdelay $0x3  }
0x92: {  	_ =	strace s18  }
0x93: {  	s3 =	sld [smem:$0x3FFC];
	_ =	sdelay $0x3  }
0x94: {  	_ =	strace s3  }
0x95: {  	s3 =	sld [smem:$0x3FFD];
	_ =	sdelay $0x3  }
0x96: {  	_ =	strace s3  }
0x97: {  	_ =	strace $0x8FFFFFFF  }
0x98: {  	s19 =	sld [smem:$0x3FDB];
	_ =	sdelay $0x1  }
0x99: {  	s4 =	simm.s32 $_scs_section_size  }
0x9a: {  	s5 =	simm.s32 $_size__tile_overlayer_lowered;
	s6 =	simm.s32 $_tile_overlayer_lowered  }
0x9b: {  	s22 =	simm.s32 $0x1BFF;
	s21 =	sshll.u32 s6, $0x1;
	s3 =	sadd.s32 s4, s19  }
0x9c: {  	s7 =	simm.s32 $0x0;
	s20 =	sshll.u32 s5, $0x1;
	s5 =	sadd.s32 s21, s3  }
0x9d: {  	[timem:s7], [sflag:s22] =	dma.local [hbm:s5], s20  }
0x9e: {  	_ =	swait.ge [sflag:s22], s20  }
0x9f: {  	s4 =	ssub.s32 $0x0, s20;
	[sflag:s22] =	ssyncset.done $0x0  }
0xa0: {  	[sflag:s22] =	ssyncadd.s32 s4;
	_ =	sdelay $0x1  }
0xa1: {  	s23 =	simm.s32 $0x1B8B  }
0xa2: {  	_ =	swait.ge [sflag:s23], $0x1  }
0xa3: {  	[sflag:s23] =	ssyncset.done $0x0  }
0xa4: {  	s25 =	simm.s32 $0x1B8E;
	s24 =	sld [smem:$0x3FFE];
	[sflag:s23] =	ssyncadd.s32 $0xFFFFFFFF  }
0xa5: {  	s26 =	simm.s32 $execute0_lowered;
	[smem:$0x3FD2] =	sst s25  }
0xa6: {  	s5 =	sshll.u32 s26, $0x1;
	_ =	strace $0x8000004C;
	[dreg:$0x1] =	wrdreg $0xFFFFFFFF  }
0xa7: {  	s28 =	simm.s32 $_size_execute0_lowered;
	s3 =	sadd.s32 s3, s5;
	[dreg:$0x0] =	wrdreg $0x0  }
0xa8: {  	s5 =	sshll.u32 s28, $0x1;
	[dreg:$0x2] =	wrdreg s3  }
0xa9: {  	[dreg:$0x3] =	wrdreg s5  }
0xaa: {  	[dreg:$0x4] =	wrdreg $0xC0  }
0xab: {  	_ =	task [dreg:s7], $0x5FFFF  }
0xac: {  	[dreg:$0x1] =	wrdreg $0xFFFFFFFF  }
0xad: {  	[dreg:$0x0] =	wrdreg $0x60  }
0xae: {  	[dreg:$0x2] =	wrdreg s2  }
0xaf: {  	[dreg:$0x3] =	wrdreg s24  }
0xb0: {  	[dreg:$0x4] =	wrdreg $0x7E200  }
0xb1: {  	[dreg:$0x5] =	wrdreg $0x9  }
0xb2: {  	_ =	task.clear_ibuf [dreg:s7], $0x6FFFF;
	_ =	strace $0x9000004C  }
0xb3: {  	s29 =	simm.s32 $0x9;
	_ =	strace $0x8000004E  }
0xb4: {  	_ =	swait.ge [sflag:s29], $0x1  }
0xb5: {  	[sflag:s29] =	ssyncadd.s32 $0xFFFFFFFF  }
0xb6: {  	_ =	strace $0x9000004E  }
0xb7: {  	_ =	sfence  }
0xb8: {  	s30 =	sld [smem:$0x0];
	_ =	sdelay $0x2  }
0xb9: {  	s31 =	sshll.u32 s1, $0xD;
	s1 =	sshrl.u32 s1, $0x2  }
0xba: {  	s3 =	sand.u32 $0x4000, s31;
	s1 =	sadd.s32 s1, s30  }
0xbb: {  	s0 =	sor.u32 s3, s0;
	s1 =	sshll.u32 s1, $0x11  }
0xbc: {  	s0 =	sor.u32 s1, s0  }
0xbd: {  	s0 =	sadd.s32 $0x8F2B, s0  }
0xbe: {  	[sflag:s0] =	ssyncadd.remote.s32 $0x1  }
0xbf: {  	_ =	sfence.sel $0xFFFF  }
0xc0: {  	[dreg:$0x0] =	wrdreg $0xFFFFFFFF;
	(pc) =	sbr.abs _section_cstart, $3  }
0xc1: {  	[dreg:$0x1] =	wrdreg $0xFFFFFFFF  }
0xc2: {  	_ =	task.clear_ibuf [dreg:s7], $0x2FFFF;
	_ =	strace $0x9FFFFFFF  }
0xc3: {  	(tm) =	ssettm $0x7FFFFFFF  }
tec
execute0_lowered:
.L_overlay_start_1:
0x0: {  	(tag) =	ssettag $0x1  }
0x1: {  	s0 =	srdreg.scid  }
0x2: {  	s8 =	sand.u32 $0x1, s0  }
0x3: {  	s6 =	stileid.u32;
	s0 =	sshll.u32 s8, $0x4  }
0x4: {  	s3 =	rddreg [dreg:$0x1];
	s0 =	sor.u32 s6, s0  }
0x5: {  	s1 =	simm.s32 $0x0;
	s4 =	ssub.s32 $0x2, s8;
	s2 =	smul.u32 $0x4E2, s0  }
0x6: {  	[smem:$0x7FF] =	sst s1;
	s5 =	sshrl.u32 s4, $0x1;
	s0 =	smul.u32 $0xA000, s6  }
0x7: {  	s13 =	sadd.s32 $0x15800, s3;
	s14 =	smul.u32 $0xA0000, s8;
	s16 =	ssub.s32 s4, s5  }
0x8: {  	s2 =	sadd.s32 s2, s3;
	s3 =	sor.u32 $0x800, s0;
	s4 =	sor.u32 $0x1000, s0  }
0x9: {  	s5 =	sor.u32 $0x1800, s0;
	s6 =	sadd.s32 $0x2000, s0;
	s7 =	sadd.s32 $0x2800, s0  }
0xa: {  	s8 =	sadd.s32 $0x3000, s0;
	s9 =	sadd.s32 $0x3800, s0;
	s10 =	sadd.s32 $0x4000, s0  }
0xb: {  	s11 =	sadd.s32 $0x4800, s0;
	s12 =	sadd.s32 $0x5000, s0;
	s15 =	sadd.s32 s0, s14  }
0xc: {  	s15 =	sshrl.u32 s15, $0x3;
	s17 =	sadd.s32 s14, s3;
	s18 =	sadd.s32 s14, s4  }
0xd: {  	s29 =	sadd.s32 s14, s5;
	s30 =	sadd.s32 s14, s6;
	s31 =	sadd.s32 s14, s7  }
0xe: {  	s20 =	sadd.s32 s14, s8;
	s21 =	sadd.s32 s14, s9;
	s22 =	sadd.s32 s14, s10  }
0xf: {  	s15 =	sadd.s32 s13, s15;
	s25 =	sshrl.u32 s17, $0x3;
	s26 =	sshrl.u32 s18, $0x3  }
0x10: {  	s17 =	sshrl.u32 s30, $0x3;
	s18 =	sshrl.u32 s31, $0x3;
	s23 =	sshrl.u32 s21, $0x3  }
0x11: {  	s24 =	sshrl.u32 s22, $0x3;
	[dreg:$0x4] =	wrdreg s15;
	s15 =	sadd.s32 s13, s25  }
0x12: {  	s28 =	sadd.s32 s13, s26;
	s19 =	sadd.s32 s13, s18;
	[dreg:$0x5] =	wrdreg s15  }
0x13: {  	s25 =	sadd.s32 s13, s24;
	s26 =	sadd.s32 s14, s11;
	[dreg:$0x6] =	wrdreg s28  }
0x14: {  	s24 =	sadd.s32 $0x8000, s0;
	s15 =	sshrl.u32 s29, $0x3;
	[dreg:$0x9] =	wrdreg s19  }
0x15: {  	[dreg:$0xc] =	wrdreg s25;
	s28 =	sadd.s32 s14, s12;
	s15 =	sadd.s32 s13, s15  }
0x16: {  	s18 =	sshrl.u32 s28, $0x3;
	[dreg:$0x7] =	wrdreg s15;
	s15 =	sadd.s32 s13, s17  }
0x17: {  	s17 =	sshrl.u32 s26, $0x3;
	s29 =	sadd.s32 s13, s18;
	[dreg:$0x8] =	wrdreg s15  }
0x18: {  	s15 =	sshrl.u32 s20, $0x3;
	s17 =	sadd.s32 s13, s17;
	[dreg:$0xe] =	wrdreg s29  }
0x19: {  	s25 =	sadd.s32 $0x8800, s0;
	s15 =	sadd.s32 s13, s15;
	[dreg:$0xd] =	wrdreg s17  }
0x1a: {  	s18 =	sadd.s32 $0x6800, s0;
	[dreg:$0xa] =	wrdreg s15;
	s15 =	sadd.s32 s13, s23  }
0x1b: {  	s21 =	sadd.s32 s14, s18;
	[dreg:$0xb] =	wrdreg s15;
	s15 =	sadd.s32 $0x5800, s0  }
0x1c: {  	s17 =	sadd.s32 $0x6000, s0;
	s21 =	sshrl.u32 s21, $0x3;
	s19 =	sadd.s32 s14, s15  }
0x1d: {  	s20 =	sadd.s32 s14, s17;
	s31 =	sadd.s32 s13, s21;
	s19 =	sshrl.u32 s19, $0x3  }
0x1e: {  	s20 =	sshrl.u32 s20, $0x3;
	s30 =	sadd.s32 s13, s19;
	s19 =	sadd.s32 $0x7000, s0  }
0x1f: {  	[dreg:$0x11] =	wrdreg s31;
	s20 =	sadd.s32 s13, s20;
	s22 =	sadd.s32 s14, s19  }
0x20: {  	s28 =	sadd.s32 s14, s25;
	[dreg:$0x10] =	wrdreg s20;
	s22 =	sshrl.u32 s22, $0x3  }
0x21: {  	s23 =	sadd.s32 $0x7800, s0;
	[dreg:$0xf] =	wrdreg s30;
	s21 =	sadd.s32 s13, s22  }
0x22: {  	s26 =	sadd.s32 s14, s24;
	s22 =	sadd.s32 s14, s23;
	[dreg:$0x12] =	wrdreg s21  }
0x23: {  	s20 =	sshrl.u32 s22, $0x3;
	s21 =	sshrl.u32 s26, $0x3;
	s22 =	sshrl.u32 s28, $0x3  }
0x24: {  	s20 =	sadd.s32 s13, s20;
	s30 =	sadd.s32 s13, s22;
	s22 =	rddreg [dreg:$0x2]  }
0x25: {  	s29 =	sadd.s32 s13, s21;
	[dreg:$0x13] =	wrdreg s20  }
0x26: {  	s16 =	smax.u32 s16, $0x1;
	[dreg:$0x14] =	wrdreg s29  }
0x27: {  	s26 =	sadd.s32 $0x9000, s0;
	s28 =	sadd.s32 $0x9800, s0;
	[dreg:$0x15] =	wrdreg s30  }
0x28: {  	s31 =	sadd.s32 s14, s26;
	s14 =	sadd.s32 s14, s28;
	s20 =	rddreg [dreg:$0x0]  }
0x29: {  	s21 =	sshrl.u32 s31, $0x3;
	s14 =	sshrl.u32 s14, $0x3;
	s0 =	sadd.s32 s0, s22  }
0x2a: {  	s29 =	sadd.s32 s4, s22;
	s30 =	sadd.s32 s5, s22;
	s31 =	sadd.s32 s6, s22  }
0x2b: {  	s4 =	sadd.s32 s10, s22;
	s5 =	sadd.s32 s11, s22;
	s21 =	sadd.s32 s13, s21  }
0x2c: {  	s6 =	sadd.s32 s12, s22;
	s13 =	sadd.s32 s13, s14;
	[dreg:$0x16] =	wrdreg s21  }
0x2d: {  	s10 =	sadd.s32 s19, s22;
	s14 =	sadd.s32 $0x1C00, s2;
	[dreg:$0x17] =	wrdreg s13  }
0x2e: {  	s2 =	sadd.s32 $0xBA00, s2;
	_ =	strace $0x8000004D;
	[dreg:$0x18] =	wrdreg s14  }
0x2f: {  	s11 =	sadd.s32 s23, s22;
	s12 =	sadd.s32 s24, s22;
	[dreg:$0x19] =	wrdreg s2  }
0x30: {  	s19 =	simm.s32 $0x50;
	s21 =	sadd.s32 s3, s22;
	[dreg:$0x1a] =	wrdreg s0  }
0x31: {  	s23 =	simm.s32 $0x4E20;
	s24 =	simm.s32 $0x6220;
	[dreg:$0x1b] =	wrdreg s21  }
0x32: {  	s3 =	sadd.s32 s9, s22;
	s9 =	sadd.s32 s18, s22;
	[dreg:$0x1c] =	wrdreg s29  }
0x33: {  	s13 =	sadd.s32 s25, s22;
	s18 =	simm.s32 $0x7620;
	[dreg:$0x1d] =	wrdreg s30  }
0x34: {  	s25 =	simm.s32 $0x1;
	[dreg:$0x1e] =	wrdreg s31;
	s0 =	sadd.s32 s7, s22  }
0x35: {  	s2 =	sadd.s32 s8, s22;
	s7 =	sadd.s32 s15, s22;
	s8 =	sadd.s32 s17, s22  }
0x36: {  	s14 =	sadd.s32 s26, s22;
	s15 =	sadd.s32 s28, s22;
	[dreg:$0x1f] =	wrdreg s16  }
0x37: {  	v0 =	vimm.f32 $0.0e+00;
	s17 =	simm.s32 $0x3;
	s26 =	simm.s32 $0x2;
	s16 =	simm.s32 $0x0  }
.LBB2_1:
0x38: {  	s28 =	sand.u32 $0x1F00, s1  }
0x39: {  	s29 =	sand.u32 $0x30, s1;
	s30 =	sshrl.u32 s28, $0x2  }
0x3a: {  	s28 =	simm.s32 $0x40;
	s30 =	sor.u32 s29, s30;
	s29 =	simm.s32 $0x0  }
.LBB2_2:
0x3b: {  	p0 =	sne.s32 s28, $0x1FC0  }
0x3c: {  	[tilespmem:s30+$0x7620] =	vst v0;
	s29 =	sadd.s32 $0x10, s29;
	s30 =	smov.u32 s28;
	s28 =	sadd.s32 $0x40, s28  }
.Ltmp0:
0x3d: {  	(pc) =	sbr.rel @p0 .LBB2_2-.Ltmp0, $4  }
0x3e: {  	_ = 	snop  }
0x3f: {  	s30 =	sand.u32 $0x1F00, s30  }
0x40: {  	s31 =	sand.u32 $0x30, s29;
	s30 =	sshrl.u32 s30, $0x2  }
0x41: {  	s30 =	sor.u32 s31, s30  }
0x42: {  	[tilespmem:s30+$0x7620] =	vst v0;
	s28 =	simm.s32 $0x0;
	s21 =	rddreg [dreg:$0x18]  }
0x43: {  	[tilespmem:s28], [sflag:$0x3] =	stream.linear.gather [hbm4b:s21+s28], $0x2710, $0x38;
	[tilespmem:$0x11E20] =	vst v63  }
0x44: {  	_ =	swait.ge [sflag:s17], $0x2710  }
0x45: {  	[sflag:s17] =	ssyncset.done $0x0  }
0x46: {  	s29 =	simm.s32 $0x2710;
	s30 =	rddreg [dreg:$0x19];
	[sflag:s17] =	ssyncadd.s32 $0xFFFFD8F0  }
0x47: {  	[tilespmem:s29], [sflag:$0x3] =	stream.linear.gather [hbm4b:s30+s28], $0x2710, $0x38;
	[tilespmem:$0x11E20] =	vst v63  }
0x48: {  	_ =	swait.ge [sflag:s17], $0x2710  }
0x49: {  	[sflag:s17] =	ssyncset.done $0x0  }
0x4a: {  	s31 =	rddreg [dreg:$0x1a];
	[sflag:s17] =	ssyncadd.s32 $0xFFFFD8F0  }
0x4b: {  	[spmem:s31] =	stream.linear.scatter [tilespmem:s18], [sflag:$0x3], $0x800, $0x38;
	[tilespmem:$0x11E20] =	vst v63  }
0x4c: {  	_ =	swait.ge [sflag:s17], $0x800  }
0x4d: {  	[sflag:s17] =	ssyncset.done $0x0  }
0x4e: {  	s30 =	rddreg [dreg:$0x1b];
	[sflag:s17] =	ssyncadd.s32 $0xFFFFF800  }
0x4f: {  	[spmem:s30] =	stream.linear.scatter [tilespmem:s18], [sflag:$0x3], $0x800, $0x38;
	[tilespmem:$0x11E20] =	vst v63  }
0x50: {  	_ =	swait.ge [sflag:s17], $0x800  }
0x51: {  	[sflag:s17] =	ssyncset.done $0x0  }
0x52: {  	s31 =	rddreg [dreg:$0x1c];
	[sflag:s17] =	ssyncadd.s32 $0xFFFFF800  }
0x53: {  	[spmem:s31] =	stream.linear.scatter [tilespmem:s18], [sflag:$0x3], $0x800, $0x38;
	[tilespmem:$0x11E20] =	vst v63  }
0x54: {  	_ =	swait.ge [sflag:s17], $0x800  }
0x55: {  	[sflag:s17] =	ssyncset.done $0x0  }
0x56: {  	s30 =	rddreg [dreg:$0x1d];
	[sflag:s17] =	ssyncadd.s32 $0xFFFFF800  }
0x57: {  	[spmem:s30] =	stream.linear.scatter [tilespmem:s18], [sflag:$0x3], $0x800, $0x38;
	[tilespmem:$0x11E20] =	vst v63  }
0x58: {  	_ =	swait.ge [sflag:s17], $0x800  }
0x59: {  	[sflag:s17] =	ssyncset.done $0x0  }
0x5a: {  	s31 =	rddreg [dreg:$0x1e];
	[sflag:s17] =	ssyncadd.s32 $0xFFFFF800  }
0x5b: {  	[spmem:s31] =	stream.linear.scatter [tilespmem:s18], [sflag:$0x3], $0x800, $0x38;
	[tilespmem:$0x11E20] =	vst v63  }
0x5c: {  	_ =	swait.ge [sflag:s17], $0x800  }
0x5d: {  	[sflag:s17] =	ssyncset.done $0x0  }
0x5e: {  	[sflag:s17] =	ssyncadd.s32 $0xFFFFF800  }
0x5f: {  	[spmem:s0] =	stream.linear.scatter [tilespmem:s18], [sflag:$0x3], $0x800, $0x38;
	[tilespmem:$0x11E20] =	vst v63  }
0x60: {  	_ =	swait.ge [sflag:s17], $0x800  }
0x61: {  	[sflag:s17] =	ssyncset.done $0x0  }
0x62: {  	[sflag:s17] =	ssyncadd.s32 $0xFFFFF800  }
0x63: {  	[spmem:s2] =	stream.linear.scatter [tilespmem:s18], [sflag:$0x3], $0x800, $0x38;
	[tilespmem:$0x11E20] =	vst v63  }
0x64: {  	_ =	swait.ge [sflag:s17], $0x800  }
0x65: {  	[sflag:s17] =	ssyncset.done $0x0  }
0x66: {  	[sflag:s17] =	ssyncadd.s32 $0xFFFFF800  }
0x67: {  	[spmem:s3] =	stream.linear.scatter [tilespmem:s18], [sflag:$0x3], $0x800, $0x38;
	[tilespmem:$0x11E20] =	vst v63  }
0x68: {  	_ =	swait.ge [sflag:s17], $0x800  }
0x69: {  	[sflag:s17] =	ssyncset.done $0x0  }
0x6a: {  	[sflag:s17] =	ssyncadd.s32 $0xFFFFF800  }
0x6b: {  	[spmem:s4] =	stream.linear.scatter [tilespmem:s18], [sflag:$0x3], $0x800, $0x38;
	[tilespmem:$0x11E20] =	vst v63  }
0x6c: {  	_ =	swait.ge [sflag:s17], $0x800  }
0x6d: {  	[sflag:s17] =	ssyncset.done $0x0  }
0x6e: {  	[sflag:s17] =	ssyncadd.s32 $0xFFFFF800  }
0x6f: {  	[spmem:s5] =	stream.linear.scatter [tilespmem:s18], [sflag:$0x3], $0x800, $0x38;
	[tilespmem:$0x11E20] =	vst v63  }
0x70: {  	_ =	swait.ge [sflag:s17], $0x800  }
0x71: {  	[sflag:s17] =	ssyncset.done $0x0  }
0x72: {  	[sflag:s17] =	ssyncadd.s32 $0xFFFFF800  }
0x73: {  	[spmem:s6] =	stream.linear.scatter [tilespmem:s18], [sflag:$0x3], $0x800, $0x38;
	[tilespmem:$0x11E20] =	vst v63  }
0x74: {  	_ =	swait.ge [sflag:s17], $0x800  }
0x75: {  	[sflag:s17] =	ssyncset.done $0x0  }
0x76: {  	[sflag:s17] =	ssyncadd.s32 $0xFFFFF800  }
0x77: {  	[spmem:s7] =	stream.linear.scatter [tilespmem:s18], [sflag:$0x3], $0x800, $0x38;
	[tilespmem:$0x11E20] =	vst v63  }
0x78: {  	_ =	swait.ge [sflag:s17], $0x800  }
0x79: {  	[sflag:s17] =	ssyncset.done $0x0  }
0x7a: {  	[sflag:s17] =	ssyncadd.s32 $0xFFFFF800  }
0x7b: {  	[spmem:s8] =	stream.linear.scatter [tilespmem:s18], [sflag:$0x3], $0x800, $0x38;
	[tilespmem:$0x11E20] =	vst v63  }
0x7c: {  	_ =	swait.ge [sflag:s17], $0x800  }
0x7d: {  	[sflag:s17] =	ssyncset.done $0x0  }
0x7e: {  	[sflag:s17] =	ssyncadd.s32 $0xFFFFF800  }
0x7f: {  	[spmem:s9] =	stream.linear.scatter [tilespmem:s18], [sflag:$0x3], $0x800, $0x38;
	[tilespmem:$0x11E20] =	vst v63  }
0x80: {  	_ =	swait.ge [sflag:s17], $0x800  }
0x81: {  	[sflag:s17] =	ssyncset.done $0x0  }
0x82: {  	[sflag:s17] =	ssyncadd.s32 $0xFFFFF800  }
0x83: {  	[spmem:s10] =	stream.linear.scatter [tilespmem:s18], [sflag:$0x3], $0x800, $0x38;
	[tilespmem:$0x11E20] =	vst v63  }
0x84: {  	_ =	swait.ge [sflag:s17], $0x800  }
0x85: {  	[sflag:s17] =	ssyncset.done $0x0  }
0x86: {  	[sflag:s17] =	ssyncadd.s32 $0xFFFFF800  }
0x87: {  	[spmem:s11] =	stream.linear.scatter [tilespmem:s18], [sflag:$0x3], $0x800, $0x38;
	[tilespmem:$0x11E20] =	vst v63  }
0x88: {  	_ =	swait.ge [sflag:s17], $0x800  }
0x89: {  	[sflag:s17] =	ssyncset.done $0x0  }
0x8a: {  	[sflag:s17] =	ssyncadd.s32 $0xFFFFF800  }
0x8b: {  	[spmem:s12] =	stream.linear.scatter [tilespmem:s18], [sflag:$0x3], $0x800, $0x38;
	[tilespmem:$0x11E20] =	vst v63  }
0x8c: {  	_ =	swait.ge [sflag:s17], $0x800  }
0x8d: {  	[sflag:s17] =	ssyncset.done $0x0  }
0x8e: {  	[sflag:s17] =	ssyncadd.s32 $0xFFFFF800  }
0x8f: {  	[spmem:s13] =	stream.linear.scatter [tilespmem:s18], [sflag:$0x3], $0x800, $0x38;
	[tilespmem:$0x11E20] =	vst v63  }
0x90: {  	_ =	swait.ge [sflag:s17], $0x800  }
0x91: {  	[sflag:s17] =	ssyncset.done $0x0  }
0x92: {  	[sflag:s17] =	ssyncadd.s32 $0xFFFFF800  }
0x93: {  	[spmem:s14] =	stream.linear.scatter [tilespmem:s18], [sflag:$0x3], $0x800, $0x38;
	[tilespmem:$0x11E20] =	vst v63  }
0x94: {  	_ =	swait.ge [sflag:s17], $0x800  }
0x95: {  	[sflag:s17] =	ssyncset.done $0x0  }
0x96: {  	[sflag:s17] =	ssyncadd.s32 $0xFFFFF800  }
0x97: {  	[spmem:s15] =	stream.linear.scatter [tilespmem:s18], [sflag:$0x3], $0x800, $0x38;
	[tilespmem:$0x11E20] =	vst v63  }
0x98: {  	_ =	swait.ge [sflag:s17], $0x800  }
0x99: {  	[sflag:s17] =	ssyncset.done $0x0  }
0x9a: {  	[sflag:s17] =	ssyncadd.s32 $0xFFFFF800  }
0x9b: {  	[bflag:$0x0] =	sbarrier.arrive $0xFFFF  }
0x9c: {  	[tilespmem:s23], [sflag:$0x1] =	stream.indirect.gather [hbm4b:s20+s19], $0x40, s28, s19, $0xb8;
	[tilespmem:$0x11E20] =	vst v63  }
0x9d: {  	s28 =	simm.s32 $0x50  }
0x9e: {  	[tilespmem:s24], [sflag:$0x2] =	stream.indirect.gather [hbm4b:s20+s19], $0x40, s28, s19, $0xb8;
	[tilespmem:$0x11E20] =	vst v63  }
0x9f: {  	_ =	swait.ge [sflag:s25], $0x1400  }
0xa0: {  	[sflag:s25] =	ssyncset.done $0x0  }
0xa1: {  	s28 =	simm.s32 $0x2710;
	[sflag:s25] =	ssyncadd.s32 $0xFFFFEC00  }
0xa2: {  	[spmem:s22] =	stream.indirect.scatter.add.f32 [tilespmem:s23], [sflag:$0x3], $0x40, s28, s19, $0xb8;
	[tilespmem:$0x11E20] =	vst v63  }
0xa3: {  	_ =	swait.ge [sflag:s17], $0x1400  }
0xa4: {  	[sflag:s17] =	ssyncset.done $0x0  }
0xa5: {  	s28 =	simm.s32 $0xA0;
	[sflag:s17] =	ssyncadd.s32 $0xFFFFEC00  }
0xa6: {  	[tilespmem:s23], [sflag:$0x1] =	stream.indirect.gather [hbm4b:s20+s19], $0x40, s28, s19, $0xb8;
	[tilespmem:$0x11E20] =	vst v63  }
0xa7: {  	_ =	swait.ge [sflag:s26], $0x1400  }
0xa8: {  	[sflag:s26] =	ssyncset.done $0x0  }
0xa9: {  	s28 =	simm.s32 $0x2760;
	[sflag:s26] =	ssyncadd.s32 $0xFFFFEC00  }
0xaa: {  	[spmem:s22] =	stream.indirect.scatter.add.f32 [tilespmem:s24], [sflag:$0x3], $0x40, s28, s19, $0xb8;
	[tilespmem:$0x11E20] =	vst v63  }
0xab: {  	_ =	swait.ge [sflag:s17], $0x1400  }
0xac: {  	s29 =	simm.s32 $0x500;
	s28 =	simm.s32 $0xA0;
	[sflag:s17] =	ssyncset.done $0x0  }
.LBB2_4:
0xad: {  	s30 =	sadd.s32 $0x50, s28  }
0xae: {  	[sflag:s17] =	ssyncadd.s32 $0xFFFFEC00;
	s31 =	smov.u32 s29;
	s21 =	sadd.s32 $0x280, s29  }
0xaf: {  	[tilespmem:s24], [sflag:$0x2] =	stream.indirect.gather [hbm4b:s20+s19], $0x40, s30, s19, $0xb8;
	[tilespmem:$0x11E20] =	vst v63  }
0xb0: {  	p0 =	sne.s32 s29, $0x9880;
	_ =	swait.ge [sflag:s25], $0x1400  }
0xb1: {  	[sflag:s25] =	ssyncset.done $0x0  }
0xb2: {  	s29 =	sadd.s32 $0x2710, s28;
	[sflag:s25] =	ssyncadd.s32 $0xFFFFEC00  }
0xb3: {  	[spmem:s22] =	stream.indirect.scatter.add.f32 [tilespmem:s23], [sflag:$0x3], $0x40, s29, s19, $0xb8;
	[tilespmem:$0x11E20] =	vst v63  }
0xb4: {  	_ =	swait.ge [sflag:s17], $0x1400  }
0xb5: {  	[sflag:s17] =	ssyncset.done $0x0  }
0xb6: {  	s29 =	sadd.s32 $0xA0, s28;
	[sflag:s17] =	ssyncadd.s32 $0xFFFFEC00  }
0xb7: {  	[tilespmem:s23], [sflag:$0x1] =	stream.indirect.gather [hbm4b:s20+s19], $0x40, s29, s19, $0xb8;
	[tilespmem:$0x11E20] =	vst v63  }
0xb8: {  	_ =	swait.ge [sflag:s26], $0x1400  }
.Ltmp1:
0xb9: {  	[sflag:s26] =	ssyncset.done $0x0;
	(pc) =	sbr.rel @p0 .LBB2_4-.Ltmp1, $4  }
0xba: {  	s28 =	sadd.s32 $0x2760, s28;
	[sflag:s26] =	ssyncadd.s32 $0xFFFFEC00  }
0xbb: {  	[spmem:s22] =	stream.indirect.scatter.add.f32 [tilespmem:s24], [sflag:$0x3], $0x40, s28, s19, $0xb8;
	[tilespmem:$0x11E20] =	vst v63  }
0xbc: {  	_ =	swait.ge [sflag:s17], $0x1400  }
0xbd: {  	s29 =	smov.u32 s21;
	s28 =	sshra.s32 s31, $0x2;
	[sflag:s17] =	ssyncset.done $0x0  }
0xbe: {  	s21 =	sadd.s32 $0x50, s28;
	[sflag:s17] =	ssyncadd.s32 $0xFFFFEC00  }
0xbf: {  	[tilespmem:s24], [sflag:$0x2] =	stream.indirect.gather [hbm4b:s20+s19], $0x40, s21, s19, $0xb8;
	[tilespmem:$0x11E20] =	vst v63  }
0xc0: {  	_ =	swait.ge [sflag:s25], $0x1400  }
0xc1: {  	[sflag:s25] =	ssyncset.done $0x0  }
0xc2: {  	s30 =	sadd.s32 $0x2710, s28;
	[sflag:s25] =	ssyncadd.s32 $0xFFFFEC00  }
0xc3: {  	[spmem:s22] =	stream.indirect.scatter.add.f32 [tilespmem:s23], [sflag:$0x3], $0x40, s30, s19, $0xb8;
	[tilespmem:$0x11E20] =	vst v63  }
0xc4: {  	_ =	swait.ge [sflag:s17], $0x1400  }
0xc5: {  	[sflag:s17] =	ssyncset.done $0x0  }
0xc6: {  	s31 =	sadd.s32 $0xA0, s28;
	[sflag:s17] =	ssyncadd.s32 $0xFFFFEC00  }
0xc7: {  	[tilespmem:s23], [sflag:$0x1] =	stream.indirect.gather [hbm4b:s20+s19], $0x40, s31, s19, $0xb8;
	[tilespmem:$0x11E20] =	vst v63  }
0xc8: {  	_ =	swait.ge [sflag:s26], $0x1400  }
0xc9: {  	[sflag:s26] =	ssyncset.done $0x0  }
0xca: {  	s28 =	sadd.s32 $0x2760, s28;
	[sflag:s26] =	ssyncadd.s32 $0xFFFFEC00  }
0xcb: {  	[spmem:s22] =	stream.indirect.scatter.add.f32 [tilespmem:s24], [sflag:$0x3], $0x40, s28, s19, $0xb8;
	[tilespmem:$0x11E20] =	vst v63  }
0xcc: {  	_ =	swait.ge [sflag:s17], $0x1400  }
0xcd: {  	[sflag:s17] =	ssyncset.done $0x0  }
0xce: {  	[sflag:s17] =	ssyncadd.s32 $0xFFFFEC00  }
0xcf: {  	_ =	swait.ge [sflag:s25], $0x1400  }
0xd0: {  	[sflag:s25] =	ssyncset.done $0x0  }
0xd1: {  	s29 =	simm.s32 $0x4DD0;
	[sflag:s25] =	ssyncadd.s32 $0xFFFFEC00  }
0xd2: {  	[spmem:s22] =	stream.indirect.scatter.add.f32 [tilespmem:s23], [sflag:$0x3], $0x40, s29, s19, $0xb8;
	[tilespmem:$0x11E20] =	vst v63  }
0xd3: {  	_ =	swait.ge [sflag:s17], $0x1400  }
0xd4: {  	[sflag:s17] =	ssyncset.done $0x0  }
0xd5: {  	[sflag:s17] =	ssyncadd.s32 $0xFFFFEC00  }
0xd6: {  	[bflag:$0x0] =	sbarrier.arrive $0xFFFF  }
0xd7: {  	s30 =	rddreg [dreg:$0x1a]  }
0xd8: {  	[tilespmem:s18], [sflag:$0x3] =	stream.linear.gather [spmem:s30], $0x800, $0x38;
	[tilespmem:$0x11E20] =	vst v63  }
0xd9: {  	_ =	swait.ge [sflag:s17], $0x800  }
0xda: {  	[sflag:s17] =	ssyncset.done $0x0  }
0xdb: {  	s31 =	rddreg [dreg:$0x4];
	[sflag:s17] =	ssyncadd.s32 $0xFFFFF800  }
0xdc: {  	[hbm4b:s31+s1] =	stream.linear.scatter [tilespmem:s18], [sflag:$0x3], $0x800, $0x38;
	[tilespmem:$0x11E20] =	vst v63  }
0xdd: {  	_ =	swait.ge [sflag:s17], $0x800  }
0xde: {  	[sflag:s17] =	ssyncset.done $0x0  }
0xdf: {  	s28 =	rddreg [dreg:$0x1b];
	[sflag:s17] =	ssyncadd.s32 $0xFFFFF800  }
0xe0: {  	[tilespmem:s18], [sflag:$0x3] =	stream.linear.gather [spmem:s28], $0x800, $0x38;
	[tilespmem:$0x11E20] =	vst v63  }
0xe1: {  	_ =	swait.ge [sflag:s17], $0x800  }
0xe2: {  	[sflag:s17] =	ssyncset.done $0x0  }
0xe3: {  	s29 =	rddreg [dreg:$0x5];
	[sflag:s17] =	ssyncadd.s32 $0xFFFFF800  }
0xe4: {  	[hbm4b:s29+s1] =	stream.linear.scatter [tilespmem:s18], [sflag:$0x3], $0x800, $0x38;
	[tilespmem:$0x11E20] =	vst v63  }
0xe5: {  	_ =	swait.ge [sflag:s17], $0x800  }
0xe6: {  	[sflag:s17] =	ssyncset.done $0x0  }
0xe7: {  	s30 =	rddreg [dreg:$0x1c];
	[sflag:s17] =	ssyncadd.s32 $0xFFFFF800  }
0xe8: {  	[tilespmem:s18], [sflag:$0x3] =	stream.linear.gather [spmem:s30], $0x800, $0x38;
	[tilespmem:$0x11E20] =	vst v63  }
0xe9: {  	_ =	swait.ge [sflag:s17], $0x800  }
0xea: {  	[sflag:s17] =	ssyncset.done $0x0  }
0xeb: {  	s31 =	rddreg [dreg:$0x6];
	[sflag:s17] =	ssyncadd.s32 $0xFFFFF800  }
0xec: {  	[hbm4b:s31+s1] =	stream.linear.scatter [tilespmem:s18], [sflag:$0x3], $0x800, $0x38;
	[tilespmem:$0x11E20] =	vst v63  }
0xed: {  	_ =	swait.ge [sflag:s17], $0x800  }
0xee: {  	[sflag:s17] =	ssyncset.done $0x0  }
0xef: {  	s28 =	rddreg [dreg:$0x1d];
	[sflag:s17] =	ssyncadd.s32 $0xFFFFF800  }
0xf0: {  	[tilespmem:s18], [sflag:$0x3] =	stream.linear.gather [spmem:s28], $0x800, $0x38;
	[tilespmem:$0x11E20] =	vst v63  }
0xf1: {  	_ =	swait.ge [sflag:s17], $0x800  }
0xf2: {  	[sflag:s17] =	ssyncset.done $0x0  }
0xf3: {  	s29 =	rddreg [dreg:$0x7];
	[sflag:s17] =	ssyncadd.s32 $0xFFFFF800  }
0xf4: {  	[hbm4b:s29+s1] =	stream.linear.scatter [tilespmem:s18], [sflag:$0x3], $0x800, $0x38;
	[tilespmem:$0x11E20] =	vst v63  }
0xf5: {  	_ =	swait.ge [sflag:s17], $0x800  }
0xf6: {  	[sflag:s17] =	ssyncset.done $0x0  }
0xf7: {  	s30 =	rddreg [dreg:$0x1e];
	[sflag:s17] =	ssyncadd.s32 $0xFFFFF800  }
0xf8: {  	[tilespmem:s18], [sflag:$0x3] =	stream.linear.gather [spmem:s30], $0x800, $0x38;
	[tilespmem:$0x11E20] =	vst v63  }
0xf9: {  	_ =	swait.ge [sflag:s17], $0x800  }
0xfa: {  	[sflag:s17] =	ssyncset.done $0x0  }
0xfb: {  	s31 =	rddreg [dreg:$0x8];
	[sflag:s17] =	ssyncadd.s32 $0xFFFFF800  }
0xfc: {  	[hbm4b:s31+s1] =	stream.linear.scatter [tilespmem:s18], [sflag:$0x3], $0x800, $0x38;
	[tilespmem:$0x11E20] =	vst v63  }
0xfd: {  	_ =	swait.ge [sflag:s17], $0x800  }
0xfe: {  	[sflag:s17] =	ssyncset.done $0x0  }
0xff: {  	[sflag:s17] =	ssyncadd.s32 $0xFFFFF800  }
0x100: {  	[tilespmem:s18], [sflag:$0x3] =	stream.linear.gather [spmem:s0], $0x800, $0x38;
	[tilespmem:$0x11E20] =	vst v63  }
0x101: {  	_ =	swait.ge [sflag:s17], $0x800  }
0x102: {  	[sflag:s17] =	ssyncset.done $0x0  }
0x103: {  	s28 =	rddreg [dreg:$0x9];
	[sflag:s17] =	ssyncadd.s32 $0xFFFFF800  }
0x104: {  	[hbm4b:s28+s1] =	stream.linear.scatter [tilespmem:s18], [sflag:$0x3], $0x800, $0x38;
	[tilespmem:$0x11E20] =	vst v63  }
0x105: {  	_ =	swait.ge [sflag:s17], $0x800  }
0x106: {  	[sflag:s17] =	ssyncset.done $0x0  }
0x107: {  	[sflag:s17] =	ssyncadd.s32 $0xFFFFF800  }
0x108: {  	[tilespmem:s18], [sflag:$0x3] =	stream.linear.gather [spmem:s2], $0x800, $0x38;
	[tilespmem:$0x11E20] =	vst v63  }
0x109: {  	_ =	swait.ge [sflag:s17], $0x800  }
0x10a: {  	[sflag:s17] =	ssyncset.done $0x0  }
0x10b: {  	s29 =	rddreg [dreg:$0xa];
	[sflag:s17] =	ssyncadd.s32 $0xFFFFF800  }
0x10c: {  	[hbm4b:s29+s1] =	stream.linear.scatter [tilespmem:s18], [sflag:$0x3], $0x800, $0x38;
	[tilespmem:$0x11E20] =	vst v63  }
0x10d: {  	_ =	swait.ge [sflag:s17], $0x800  }
0x10e: {  	[sflag:s17] =	ssyncset.done $0x0  }
0x10f: {  	[sflag:s17] =	ssyncadd.s32 $0xFFFFF800  }
0x110: {  	[tilespmem:s18], [sflag:$0x3] =	stream.linear.gather [spmem:s3], $0x800, $0x38;
	[tilespmem:$0x11E20] =	vst v63  }
0x111: {  	_ =	swait.ge [sflag:s17], $0x800  }
0x112: {  	[sflag:s17] =	ssyncset.done $0x0  }
0x113: {  	s30 =	rddreg [dreg:$0xb];
	[sflag:s17] =	ssyncadd.s32 $0xFFFFF800  }
0x114: {  	[hbm4b:s30+s1] =	stream.linear.scatter [tilespmem:s18], [sflag:$0x3], $0x800, $0x38;
	[tilespmem:$0x11E20] =	vst v63  }
0x115: {  	_ =	swait.ge [sflag:s17], $0x800  }
0x116: {  	[sflag:s17] =	ssyncset.done $0x0  }
0x117: {  	[sflag:s17] =	ssyncadd.s32 $0xFFFFF800  }
0x118: {  	[tilespmem:s18], [sflag:$0x3] =	stream.linear.gather [spmem:s4], $0x800, $0x38;
	[tilespmem:$0x11E20] =	vst v63  }
0x119: {  	_ =	swait.ge [sflag:s17], $0x800  }
0x11a: {  	[sflag:s17] =	ssyncset.done $0x0  }
0x11b: {  	s31 =	rddreg [dreg:$0xc];
	[sflag:s17] =	ssyncadd.s32 $0xFFFFF800  }
0x11c: {  	[hbm4b:s31+s1] =	stream.linear.scatter [tilespmem:s18], [sflag:$0x3], $0x800, $0x38;
	[tilespmem:$0x11E20] =	vst v63  }
0x11d: {  	_ =	swait.ge [sflag:s17], $0x800  }
0x11e: {  	[sflag:s17] =	ssyncset.done $0x0  }
0x11f: {  	[sflag:s17] =	ssyncadd.s32 $0xFFFFF800  }
0x120: {  	[tilespmem:s18], [sflag:$0x3] =	stream.linear.gather [spmem:s5], $0x800, $0x38;
	[tilespmem:$0x11E20] =	vst v63  }
0x121: {  	_ =	swait.ge [sflag:s17], $0x800  }
0x122: {  	[sflag:s17] =	ssyncset.done $0x0  }
0x123: {  	s28 =	rddreg [dreg:$0xd];
	[sflag:s17] =	ssyncadd.s32 $0xFFFFF800  }
0x124: {  	[hbm4b:s28+s1] =	stream.linear.scatter [tilespmem:s18], [sflag:$0x3], $0x800, $0x38;
	[tilespmem:$0x11E20] =	vst v63  }
0x125: {  	_ =	swait.ge [sflag:s17], $0x800  }
0x126: {  	[sflag:s17] =	ssyncset.done $0x0  }
0x127: {  	[sflag:s17] =	ssyncadd.s32 $0xFFFFF800  }
0x128: {  	[tilespmem:s18], [sflag:$0x3] =	stream.linear.gather [spmem:s6], $0x800, $0x38;
	[tilespmem:$0x11E20] =	vst v63  }
0x129: {  	_ =	swait.ge [sflag:s17], $0x800  }
0x12a: {  	[sflag:s17] =	ssyncset.done $0x0  }
0x12b: {  	s29 =	rddreg [dreg:$0xe];
	[sflag:s17] =	ssyncadd.s32 $0xFFFFF800  }
0x12c: {  	[hbm4b:s29+s1] =	stream.linear.scatter [tilespmem:s18], [sflag:$0x3], $0x800, $0x38;
	[tilespmem:$0x11E20] =	vst v63  }
0x12d: {  	_ =	swait.ge [sflag:s17], $0x800  }
0x12e: {  	[sflag:s17] =	ssyncset.done $0x0  }
0x12f: {  	[sflag:s17] =	ssyncadd.s32 $0xFFFFF800  }
0x130: {  	[tilespmem:s18], [sflag:$0x3] =	stream.linear.gather [spmem:s7], $0x800, $0x38;
	[tilespmem:$0x11E20] =	vst v63  }
0x131: {  	_ =	swait.ge [sflag:s17], $0x800  }
0x132: {  	[sflag:s17] =	ssyncset.done $0x0  }
0x133: {  	s30 =	rddreg [dreg:$0xf];
	[sflag:s17] =	ssyncadd.s32 $0xFFFFF800  }
0x134: {  	[hbm4b:s30+s1] =	stream.linear.scatter [tilespmem:s18], [sflag:$0x3], $0x800, $0x38;
	[tilespmem:$0x11E20] =	vst v63  }
0x135: {  	_ =	swait.ge [sflag:s17], $0x800  }
0x136: {  	[sflag:s17] =	ssyncset.done $0x0  }
0x137: {  	[sflag:s17] =	ssyncadd.s32 $0xFFFFF800  }
0x138: {  	[tilespmem:s18], [sflag:$0x3] =	stream.linear.gather [spmem:s8], $0x800, $0x38;
	[tilespmem:$0x11E20] =	vst v63  }
0x139: {  	_ =	swait.ge [sflag:s17], $0x800  }
0x13a: {  	[sflag:s17] =	ssyncset.done $0x0  }
0x13b: {  	s31 =	rddreg [dreg:$0x10];
	[sflag:s17] =	ssyncadd.s32 $0xFFFFF800  }
0x13c: {  	[hbm4b:s31+s1] =	stream.linear.scatter [tilespmem:s18], [sflag:$0x3], $0x800, $0x38;
	[tilespmem:$0x11E20] =	vst v63  }
0x13d: {  	_ =	swait.ge [sflag:s17], $0x800  }
0x13e: {  	[sflag:s17] =	ssyncset.done $0x0  }
0x13f: {  	[sflag:s17] =	ssyncadd.s32 $0xFFFFF800  }
0x140: {  	[tilespmem:s18], [sflag:$0x3] =	stream.linear.gather [spmem:s9], $0x800, $0x38;
	[tilespmem:$0x11E20] =	vst v63  }
0x141: {  	_ =	swait.ge [sflag:s17], $0x800  }
0x142: {  	[sflag:s17] =	ssyncset.done $0x0  }
0x143: {  	s28 =	rddreg [dreg:$0x11];
	[sflag:s17] =	ssyncadd.s32 $0xFFFFF800  }
0x144: {  	[hbm4b:s28+s1] =	stream.linear.scatter [tilespmem:s18], [sflag:$0x3], $0x800, $0x38;
	[tilespmem:$0x11E20] =	vst v63  }
0x145: {  	_ =	swait.ge [sflag:s17], $0x800  }
0x146: {  	[sflag:s17] =	ssyncset.done $0x0  }
0x147: {  	[sflag:s17] =	ssyncadd.s32 $0xFFFFF800  }
0x148: {  	[tilespmem:s18], [sflag:$0x3] =	stream.linear.gather [spmem:s10], $0x800, $0x38;
	[tilespmem:$0x11E20] =	vst v63  }
0x149: {  	_ =	swait.ge [sflag:s17], $0x800  }
0x14a: {  	[sflag:s17] =	ssyncset.done $0x0  }
0x14b: {  	s29 =	rddreg [dreg:$0x12];
	[sflag:s17] =	ssyncadd.s32 $0xFFFFF800  }
0x14c: {  	[hbm4b:s29+s1] =	stream.linear.scatter [tilespmem:s18], [sflag:$0x3], $0x800, $0x38;
	[tilespmem:$0x11E20] =	vst v63  }
0x14d: {  	_ =	swait.ge [sflag:s17], $0x800  }
0x14e: {  	[sflag:s17] =	ssyncset.done $0x0  }
0x14f: {  	[sflag:s17] =	ssyncadd.s32 $0xFFFFF800  }
0x150: {  	[tilespmem:s18], [sflag:$0x3] =	stream.linear.gather [spmem:s11], $0x800, $0x38;
	[tilespmem:$0x11E20] =	vst v63  }
0x151: {  	_ =	swait.ge [sflag:s17], $0x800  }
0x152: {  	[sflag:s17] =	ssyncset.done $0x0  }
0x153: {  	s30 =	rddreg [dreg:$0x13];
	[sflag:s17] =	ssyncadd.s32 $0xFFFFF800  }
0x154: {  	[hbm4b:s30+s1] =	stream.linear.scatter [tilespmem:s18], [sflag:$0x3], $0x800, $0x38;
	[tilespmem:$0x11E20] =	vst v63  }
0x155: {  	_ =	swait.ge [sflag:s17], $0x800  }
0x156: {  	[sflag:s17] =	ssyncset.done $0x0  }
0x157: {  	[sflag:s17] =	ssyncadd.s32 $0xFFFFF800  }
0x158: {  	[tilespmem:s18], [sflag:$0x3] =	stream.linear.gather [spmem:s12], $0x800, $0x38;
	[tilespmem:$0x11E20] =	vst v63  }
0x159: {  	_ =	swait.ge [sflag:s17], $0x800  }
0x15a: {  	[sflag:s17] =	ssyncset.done $0x0  }
0x15b: {  	s31 =	rddreg [dreg:$0x14];
	[sflag:s17] =	ssyncadd.s32 $0xFFFFF800  }
0x15c: {  	[hbm4b:s31+s1] =	stream.linear.scatter [tilespmem:s18], [sflag:$0x3], $0x800, $0x38;
	[tilespmem:$0x11E20] =	vst v63  }
0x15d: {  	_ =	swait.ge [sflag:s17], $0x800  }
0x15e: {  	[sflag:s17] =	ssyncset.done $0x0  }
0x15f: {  	[sflag:s17] =	ssyncadd.s32 $0xFFFFF800  }
0x160: {  	[tilespmem:s18], [sflag:$0x3] =	stream.linear.gather [spmem:s13], $0x800, $0x38;
	[tilespmem:$0x11E20] =	vst v63  }
0x161: {  	_ =	swait.ge [sflag:s17], $0x800  }
0x162: {  	[sflag:s17] =	ssyncset.done $0x0  }
0x163: {  	s28 =	rddreg [dreg:$0x15];
	[sflag:s17] =	ssyncadd.s32 $0xFFFFF800  }
0x164: {  	[hbm4b:s28+s1] =	stream.linear.scatter [tilespmem:s18], [sflag:$0x3], $0x800, $0x38;
	[tilespmem:$0x11E20] =	vst v63  }
0x165: {  	_ =	swait.ge [sflag:s17], $0x800  }
0x166: {  	[sflag:s17] =	ssyncset.done $0x0  }
0x167: {  	[sflag:s17] =	ssyncadd.s32 $0xFFFFF800  }
0x168: {  	[tilespmem:s18], [sflag:$0x3] =	stream.linear.gather [spmem:s14], $0x800, $0x38;
	[tilespmem:$0x11E20] =	vst v63  }
0x169: {  	_ =	swait.ge [sflag:s17], $0x800  }
0x16a: {  	[sflag:s17] =	ssyncset.done $0x0  }
0x16b: {  	s29 =	rddreg [dreg:$0x16];
	[sflag:s17] =	ssyncadd.s32 $0xFFFFF800  }
0x16c: {  	[hbm4b:s29+s1] =	stream.linear.scatter [tilespmem:s18], [sflag:$0x3], $0x800, $0x38;
	[tilespmem:$0x11E20] =	vst v63  }
0x16d: {  	_ =	swait.ge [sflag:s17], $0x800  }
0x16e: {  	[sflag:s17] =	ssyncset.done $0x0  }
0x16f: {  	[sflag:s17] =	ssyncadd.s32 $0xFFFFF800  }
0x170: {  	[tilespmem:s18], [sflag:$0x3] =	stream.linear.gather [spmem:s15], $0x800, $0x38;
	[tilespmem:$0x11E20] =	vst v63  }
0x171: {  	_ =	swait.ge [sflag:s17], $0x800  }
0x172: {  	[sflag:s17] =	ssyncset.done $0x0  }
0x173: {  	s30 =	rddreg [dreg:$0x17];
	[sflag:s17] =	ssyncadd.s32 $0xFFFFF800  }
0x174: {  	[hbm4b:s30+s1] =	stream.linear.scatter [tilespmem:s18], [sflag:$0x3], $0x800, $0x38;
	[tilespmem:$0x11E20] =	vst v63  }
0x175: {  	_ =	swait.ge [sflag:s17], $0x800  }
0x176: {  	s16 =	sadd.s32 $0x1, s16;
	s31 =	rddreg [dreg:$0x1f]  }
0x177: {  	p0 =	sne.s32 s16, s31  }
.Ltmp2:
0x178: {  	_ = 	snop;
	(pc) =	sbr.rel @p0 .LBB2_1-.Ltmp2, $3  }
0x179: {  	_ =	sdelay $0x1  }
0x17a: {  	[sflag:s17] =	ssyncset.done $0x0  }
0x17b: {  	[sflag:s17] =	ssyncadd.s32 $0xFFFFF800  }
0x17c: {  	_ =	sfence.sel $0x180000  }
0x17d: {  	[bflag:$0x0] =	sbarrier.arrive $0xFFFF  }
0x17e: {  	_ =	strace $0x9000004D  }
0x17f: {  	s0 =	stileid.u32;
	[bflag:$0x2] =	sbarrier.arrive $0xFFFF  }
0x180: {  	p0 =	sne.s32 s0, $0x0;
	s0 =	rddreg [dreg:$0x3]  }
0x181: {  	s0 =	sadd.s32 @!p0 $0x100000, s0  }
0x182: {  	[sflag:s0] =	ssyncadd.tile.s32 @!p0 $0x1;
	_ =	shalt  }
.Lfunc_end2:
_tile_overlayer_lowered:
.L_overlay_start_2:
0x183: {  	(tag) =	ssettag $0x2  }
0x184: {  	s0 =	rddreg [dreg:$0x0];
	s2 =	stileid.u32  }
0x185: {  	s1 =	rddreg [dreg:$0x1];
	p0 =	sne.s32 s2, $0x0  }
0x186: {  	s3 =	rddreg [dreg:$0x2];
	[bflag:$0x3] =	sbarrier.arrive $0xFFFF;
	s2 =	simm.s32 @!p0 $0x1C03  }
0x187: {  	[timem:s3], [sflag:s2] =	dma.local @!p0 [hbm:s0], s1  }
0x188: {  	s0 =	simm.s32 @!p0 $0x3  }
0x189: {  	_ =	swait.ge @!p0 [sflag:s0], s1  }
0x18a: {  	s1 =	ssub.s32 @!p0 $0x0, s1;
	[sflag:s0] =	ssyncset.done @!p0 $0x0  }
0x18b: {  	[sflag:s0] =	ssyncadd.s32 @!p0 s1  }
0x18c: {  	[bflag:$0x3] =	sbarrier.arrive $0xFFFF  }
0x18d: {  	_ =	shalt  }

// kernel: kernel.8.cloned.1.call-start
scs
__scs_entry_jumppad:
0x0: {  	(pc) =	sbr.rel $0x88, $3  }
0x1: {  	(tag) =	ssettag $0x0;
	lr =	simm.s32 $0x1  }
0x2: {  	[smem:$0x3F9B] =	sst lr;
	_ =	strace $0xD0000000  }
0x3: {  	_ = 	snop  }
0x4: {  	_ = 	snop  }
0x5: {  	_ = 	snop  }
0x6: {  	_ = 	snop  }
0x7: {  	_ = 	snop  }
__scs_overlays_trampoline_lowered:
0x8: {  	[smem:$0x3FAA] =	sst s0  }
0x9: {  	[smem:$0x3FAB] =	sst s1  }
0xa: {  	[smem:$0x3FAC] =	sst s2  }
0xb: {  	[smem:$0x3FAD] =	sst s3  }
0xc: {  	[smem:$0x3FAE] =	sst s4  }
0xd: {  	[smem:$0x3FAF] =	sst s5  }
0xe: {  	[smem:$0x3FB0] =	sst s6  }
0xf: {  	[smem:$0x3FB1] =	sst s7  }
0x10: {  	[smem:$0x3FB2] =	sst s8  }
0x11: {  	[smem:$0x3FB3] =	sst s9;
	s0 =	simm.s32 @!p0 $0x0  }
0x12: {  	s1 =	sld [smem:$0x3F99];
	s0 =	simm.s32 @p0 $0x1  }
0x13: {  	[smem:$0x3FB4] =	sst s0;
	s0 =	simm.s32 @!p1 $0x0  }
0x14: {  	s2 =	sld [smem:$0x3F98];
	s0 =	simm.s32 @p1 $0x1  }
0x15: {  	[smem:$0x3FB5] =	sst s0;
	s0 =	simm.s32 @!p2 $0x0  }
0x16: {  	s3 =	sld [smem:$0x3FDB];
	s0 =	simm.s32 @p2 $0x1  }
0x17: {  	s4 =	simm.s32 $0x1BF5;
	[smem:$0x3FB7] =	sst s0  }
0x18: {  	s0 =	sld [smem:$0x3F9A];
	_ =	swait.ge [sflag:s4], $0x0  }
0x19: {  	s7 =	sld [smem:$0x3F9B]  }
0x1a: {  	s8 =	sadd.s32 $0xFFFFE003, lr  }
0x1b: {  	s9 =	sadd.s32 $0xFFFFFEF7, lr;
	s5 =	simm.s32 $0xFFFFFFFF;
	p2 =	slt.u32 s8, $0xFFFFF086  }
0x1c: {  	p1 =	slt.u32 s9, $0xF7A;
	s5 =	simm.s32 @!p2 $0x0  }
0x1d: {  	s5 =	simm.s32 @p1 $0x1;
	p0 =	seq.s32 s7, s2  }
0x1e: {  	s7 =	smul.u32 @!p0 $0xF7A, s2;
	p2 =	seq.s32 @!p0 s5, $0x0  }
0x1f: {  	s9 =	smul.u32 $0xF7A, s1;
	s8 =	simm.s32 @!p0 $0x1BF5;
	p2 =	por !p2, p0  }
0x20: {  	[sflag:s8] =	ssyncset.s32 @!p0 $0xFFFFF086;
	s6 =	sadd.s32 @!p0 s3, s7;
	s7 =	simm.s32 @!p0 $0x108  }
0x21: {  	s3 =	sadd.s32 s3, s9;
	s6 =	sadd.s32 @!p0 $0x88, s6;
	s7 =	simm.s32 @p2 $0x1082  }
0x22: {  	[simem:s7], [sflag:s8] =	dma.local @!p0 [hbm:s6], $0xF7A  }
0x23: {  	s9 =	sor.u32 $0xD0000000, s2;
	s6 =	simm.s32 $0x108;
	_ =	swait.ge @!p0 [sflag:s8], $0x0  }
0x24: {  	s3 =	sadd.s32 $0x88, s3;
	s6 =	simm.s32 @!p1 $0x1082;
	[sflag:s4] =	ssyncset.s32 $0xFFFFF086  }
0x25: {  	[simem:s6], [sflag:s4] =	dma.local [hbm:s3], $0xF7A  }
0x26: {  	[smem:$0x3F9B] =	sst s1;
	(tag) =	ssettag s2;
	_ =	strace s9  }
0x27: {  	s1 =	sld [smem:$0x3FAB]  }
0x28: {  	s2 =	sld [smem:$0x3FAC]  }
0x29: {  	s4 =	sld [smem:$0x3FAE]  }
0x2a: {  	p0 =	seq.s32 s5, $0x0;
	s5 =	sld [smem:$0x3FAF]  }
0x2b: {  	s6 =	sld [smem:$0x3FB0]  }
0x2c: {  	s7 =	sld [smem:$0x3FB1]  }
0x2d: {  	s3 =	simm.s32 $0x108;
	s8 =	sld [smem:$0x3FB2]  }
0x2e: {  	s3 =	simm.s32 @!p0 $0x1082;
	s9 =	sld [smem:$0x3FB3]  }
0x2f: {  	lr =	sadd.s32 s0, s3;
	s0 =	sld [smem:$0x3FAA]  }
0x30: {  	s3 =	sld [smem:$0x3FAD]  }
0x31: {  	[smem:$0x3FB6] =	sst s10  }
0x32: {  	s10 =	sld [smem:$0x3FB4];
	_ =	sdelay $0x3  }
0x33: {  	p0 =	seq.s32 s10, $0x1;
	s10 =	sld [smem:$0x3FB6];
	_ =	sdelay $0x3  }
0x34: {  	[smem:$0x3FB6] =	sst s10  }
0x35: {  	s10 =	sld [smem:$0x3FB5];
	_ =	sdelay $0x3  }
0x36: {  	p1 =	seq.s32 s10, $0x1;
	s10 =	sld [smem:$0x3FB6];
	_ =	sdelay $0x3  }
0x37: {  	[smem:$0x3FB6] =	sst s10  }
0x38: {  	s10 =	sld [smem:$0x3FB7]  }
0x39: {  	_ = 	snop;
	(pc) =	sbr.ind lr, $3  }
0x3a: {  	_ = 	snop  }
0x3b: {  	_ = 	snop  }
0x3c: {  	p2 =	seq.s32 s10, $0x1;
	s10 =	sld [smem:$0x3FB6]  }
0x3d: {  	_ =	shalt  }
0x3e: {  	_ =	shalt  }
0x3f: {  	_ =	shalt  }
0x40: {  	_ =	shalt  }
0x41: {  	_ =	shalt  }
0x42: {  	_ =	shalt  }
0x43: {  	_ =	shalt  }
0x44: {  	_ =	shalt  }
0x45: {  	_ =	shalt  }
0x46: {  	_ =	shalt  }
0x47: {  	_ =	shalt  }
0x48: {  	_ =	shalt  }
0x49: {  	_ =	shalt  }
0x4a: {  	_ =	shalt  }
0x4b: {  	_ =	shalt  }
0x4c: {  	_ =	shalt  }
0x4d: {  	_ =	shalt  }
0x4e: {  	_ =	shalt  }
0x4f: {  	_ =	shalt  }
0x50: {  	_ =	shalt  }
0x51: {  	_ =	shalt  }
0x52: {  	_ =	shalt  }
0x53: {  	_ =	shalt  }
0x54: {  	_ =	shalt  }
0x55: {  	_ =	shalt  }
0x56: {  	_ =	shalt  }
0x57: {  	_ =	shalt  }
0x58: {  	_ =	shalt  }
0x59: {  	_ =	shalt  }
0x5a: {  	_ =	shalt  }
0x5b: {  	_ =	shalt  }
0x5c: {  	_ =	shalt  }
0x5d: {  	_ =	shalt  }
0x5e: {  	_ =	shalt  }
0x5f: {  	_ =	shalt  }
0x60: {  	_ =	shalt  }
0x61: {  	_ =	shalt  }
0x62: {  	_ =	shalt  }
0x63: {  	_ =	shalt  }
0x64: {  	_ =	shalt  }
0x65: {  	_ =	shalt  }
0x66: {  	_ =	shalt  }
0x67: {  	_ =	shalt  }
0x68: {  	_ =	shalt  }
0x69: {  	_ =	shalt  }
0x6a: {  	_ =	shalt  }
0x6b: {  	_ =	shalt  }
0x6c: {  	_ =	shalt  }
0x6d: {  	_ =	shalt  }
0x6e: {  	_ =	shalt  }
0x6f: {  	_ =	shalt  }
0x70: {  	_ =	shalt  }
0x71: {  	_ =	shalt  }
0x72: {  	_ =	shalt  }
0x73: {  	_ =	shalt  }
0x74: {  	_ =	shalt  }
0x75: {  	_ =	shalt  }
0x76: {  	_ =	shalt  }
0x77: {  	_ =	shalt  }
0x78: {  	_ =	shalt  }
0x79: {  	_ =	shalt  }
0x7a: {  	_ =	shalt  }
0x7b: {  	_ =	shalt  }
0x7c: {  	_ =	shalt  }
0x7d: {  	_ =	shalt  }
0x7e: {  	_ =	shalt  }
0x7f: {  	_ =	shalt  }
0x80: {  	_ =	shalt  }
0x81: {  	_ =	shalt  }
0x82: {  	_ =	shalt  }
0x83: {  	_ =	shalt  }
0x84: {  	_ =	shalt  }
0x85: {  	_ =	shalt  }
0x86: {  	_ =	shalt  }
0x87: {  	_ =	shalt  }
.Lfunc_end0:
.L_simem_size_0:
called_computation_lowered:
.L_overlay_start_0:
0x88: {  	s2 =	sld [smem:$0x3FD9]  }
0x89: {  	s3 =	sld [smem:$0x3FFE];
	_ =	sdelay $0x1  }
0x8a: {  	s1 =	srdreg.scid  }
0x8b: {  	s0 =	sand.u32 $0x1, s1  }
0x8c: {  	s17 =	sshll.u32 s0, $0xA;
	s2 =	sadd.s32 s3, s2  }
0x8d: {  	s2 =	sadd.s32 s2, s17  }
0x8e: {  	[smem:$0x3FC2] =	sst s2  }
0x8f: {  	_ = 	snop  }
0x90: {  	s2 =	sld [smem:$0x3FD0];
	(tm) =	ssettm $0x1  }
0x91: {  	s18 =	sld [smem:$0x3FFB];
	_ =	sdelay $0x3  }
0x92: {  	_ =	strace s18  }
0x93: {  	s3 =	sld [smem:$0x3FFC];
	_ =	sdelay $0x3  }
0x94: {  	_ =	strace s3  }
0x95: {  	s3 =	sld [smem:$0x3FFD];
	_ =	sdelay $0x3  }
0x96: {  	_ =	strace s3  }
0x97: {  	_ =	strace $0x8FFFFFFF  }
0x98: {  	s19 =	sld [smem:$0x3FDB];
	_ =	sdelay $0x1  }
0x99: {  	s4 =	simm.s32 $_scs_section_size  }
0x9a: {  	s5 =	simm.s32 $_size__tile_overlayer_lowered;
	s6 =	simm.s32 $_tile_overlayer_lowered  }
0x9b: {  	s22 =	simm.s32 $0x1BFF;
	s21 =	sshll.u32 s6, $0x1;
	s3 =	sadd.s32 s4, s19  }
0x9c: {  	s7 =	simm.s32 $0x0;
	s20 =	sshll.u32 s5, $0x1;
	s5 =	sadd.s32 s21, s3  }
0x9d: {  	[timem:s7], [sflag:s22] =	dma.local [hbm:s5], s20  }
0x9e: {  	_ =	swait.ge [sflag:s22], s20  }
0x9f: {  	s4 =	ssub.s32 $0x0, s20;
	[sflag:s22] =	ssyncset.done $0x0  }
0xa0: {  	[sflag:s22] =	ssyncadd.s32 s4;
	_ =	sdelay $0x1  }
0xa1: {  	s23 =	simm.s32 $0x1B8B  }
0xa2: {  	_ =	swait.ge [sflag:s23], $0x1  }
0xa3: {  	[sflag:s23] =	ssyncset.done $0x0  }
0xa4: {  	s25 =	simm.s32 $0x1B8E;
	s24 =	sld [smem:$0x3FFE];
	[sflag:s23] =	ssyncadd.s32 $0xFFFFFFFF  }
0xa5: {  	s26 =	simm.s32 $execute0_lowered;
	[smem:$0x3FD2] =	sst s25  }
0xa6: {  	s5 =	sshll.u32 s26, $0x1;
	_ =	strace $0x80000046;
	[dreg:$0x1] =	wrdreg $0xFFFFFFFF  }
0xa7: {  	s28 =	simm.s32 $_size_execute0_lowered;
	s3 =	sadd.s32 s3, s5;
	[dreg:$0x0] =	wrdreg $0x0  }
0xa8: {  	s5 =	sshll.u32 s28, $0x1;
	[dreg:$0x2] =	wrdreg s3  }
0xa9: {  	[dreg:$0x3] =	wrdreg s5  }
0xaa: {  	[dreg:$0x4] =	wrdreg $0xC0  }
0xab: {  	_ =	task [dreg:s7], $0x5FFFF  }
0xac: {  	[dreg:$0x1] =	wrdreg $0xFFFFFFFF  }
0xad: {  	[dreg:$0x0] =	wrdreg $0x60  }
0xae: {  	[dreg:$0x2] =	wrdreg s24  }
0xaf: {  	[dreg:$0x3] =	wrdreg s2  }
0xb0: {  	[dreg:$0x4] =	wrdreg $0x29E00  }
0xb1: {  	[dreg:$0x5] =	wrdreg $0x9  }
0xb2: {  	_ =	task.clear_ibuf [dreg:s7], $0x6FFFF;
	_ =	strace $0x90000046  }
0xb3: {  	s29 =	simm.s32 $0x9;
	_ =	strace $0x80000048  }
0xb4: {  	_ =	swait.ge [sflag:s29], $0x1  }
0xb5: {  	[sflag:s29] =	ssyncadd.s32 $0xFFFFFFFF  }
0xb6: {  	_ =	strace $0x90000048  }
0xb7: {  	_ =	sfence  }
0xb8: {  	s30 =	sld [smem:$0x0];
	_ =	sdelay $0x2  }
0xb9: {  	s31 =	sshll.u32 s1, $0xD;
	s1 =	sshrl.u32 s1, $0x2  }
0xba: {  	s3 =	sand.u32 $0x4000, s31;
	s1 =	sadd.s32 s1, s30  }
0xbb: {  	s0 =	sor.u32 s3, s0;
	s1 =	sshll.u32 s1, $0x11  }
0xbc: {  	s0 =	sor.u32 s1, s0  }
0xbd: {  	s0 =	sadd.s32 $0x8F2B, s0  }
0xbe: {  	[sflag:s0] =	ssyncadd.remote.s32 $0x1  }
0xbf: {  	_ =	sfence.sel $0xFFFF  }
0xc0: {  	[dreg:$0x0] =	wrdreg $0xFFFFFFFF;
	(pc) =	sbr.abs _section_cstart, $3  }
0xc1: {  	[dreg:$0x1] =	wrdreg $0xFFFFFFFF  }
0xc2: {  	_ =	task.clear_ibuf [dreg:s7], $0x2FFFF;
	_ =	strace $0x9FFFFFFF  }
0xc3: {  	(tm) =	ssettm $0x7FFFFFFF  }
tec
execute0_lowered:
.L_overlay_start_1:
0x0: {  	(tag) =	ssettag $0x1  }
0x1: {  	s4 =	rddreg [dreg:$0x0]  }
0x2: {  	s6 =	rddreg [dreg:$0x1];
	s0 =	srdreg.scid  }
0x3: {  	s2 =	rddreg [dreg:$0x2];
	s1 =	stileid.u32;
	s3 =	simm.s32 $0x0  }
0x4: {  	s11 =	simm.s32 $0x2710;
	s12 =	simm.s32 $0x0;
	s5 =	sand.u32 $0x1, s0  }
0x5: {  	s0 =	rddreg [dreg:$0x3];
	s8 =	smul.u32 $0x280, s1;
	s7 =	sshll.u32 s5, $0x4  }
0x6: {  	s9 =	smul.u32 $0x2800, s5;
	s5 =	ssub.s32 $0x2, s5;
	s7 =	sor.u32 s1, s7  }
0x7: {  	[smem:$0x7FF] =	sst s3;
	s10 =	sshrl.u32 s5, $0x1;
	s7 =	smul.u32 $0x4E2, s7  }
0x8: {  	_ =	strace $0x80000047;
	s9 =	sadd.s32 s8, s9;
	s10 =	ssub.s32 s5, s10  }
0x9: {  	s9 =	sshrl.u32 s9, $0x3;
	s7 =	sadd.s32 s7, s4;
	s4 =	sadd.s32 s8, s2  }
0xa: {  	s6 =	sadd.s32 s6, s9;
	s8 =	simm.s32 $0x2760;
	s9 =	simm.s32 $0x1  }
0xb: {  	v0 =	vimm.f32 $0.0e+00;
	v1 =	vimm.f32 $1.000000000e+00;
	s5 =	sadd.s32 $0xBA00, s7;
	s7 =	smax.u32 s10, $0x1;
	s10 =	simm.s32 $0x50  }
.LBB2_1:
0xc: {  	[tilespmem:$0x2760] =	vst v0  }
0xd: {  	[tilespmem:$0x2770] =	vst v0  }
0xe: {  	[tilespmem:$0x2780] =	vst v0  }
0xf: {  	[tilespmem:$0x2790] =	vst v0  }
0x10: {  	[tilespmem:$0x27A0] =	vst v0  }
0x11: {  	[tilespmem:$0x27B0] =	vst v0  }
0x12: {  	[tilespmem:$0x27C0] =	vst v0  }
0x13: {  	[tilespmem:$0x27D0] =	vst v0  }
0x14: {  	[tilespmem:$0x27E0] =	vst v0  }
0x15: {  	[tilespmem:$0x27F0] =	vst v0  }
0x16: {  	[tilespmem:$0x2800] =	vst v0  }
0x17: {  	[tilespmem:$0x2810] =	vst v0  }
0x18: {  	[tilespmem:$0x2820] =	vst v0  }
0x19: {  	[tilespmem:$0x2830] =	vst v0  }
0x1a: {  	[tilespmem:$0x2840] =	vst v0  }
0x1b: {  	[tilespmem:$0x2850] =	vst v0  }
0x1c: {  	[tilespmem:$0x2860] =	vst v0  }
0x1d: {  	[tilespmem:$0x2870] =	vst v0  }
0x1e: {  	[tilespmem:$0x2880] =	vst v0  }
0x1f: {  	[tilespmem:$0x2890] =	vst v0  }
0x20: {  	[tilespmem:$0x28A0] =	vst v0  }
0x21: {  	[tilespmem:$0x28B0] =	vst v0  }
0x22: {  	[tilespmem:$0x28C0] =	vst v0  }
0x23: {  	[tilespmem:$0x28D0] =	vst v0  }
0x24: {  	[tilespmem:$0x28E0] =	vst v0  }
0x25: {  	[tilespmem:$0x28F0] =	vst v0  }
0x26: {  	[tilespmem:$0x2900] =	vst v0  }
0x27: {  	[tilespmem:$0x2910] =	vst v0  }
0x28: {  	[tilespmem:$0x2920] =	vst v0  }
0x29: {  	[tilespmem:$0x2930] =	vst v0  }
0x2a: {  	[tilespmem:$0x2940] =	vst v0  }
0x2b: {  	[tilespmem:$0x2950] =	vst v0  }
0x2c: {  	[tilespmem:$0x2960] =	vst v0  }
0x2d: {  	[tilespmem:$0x2970] =	vst v0  }
0x2e: {  	[tilespmem:$0x2980] =	vst v0  }
0x2f: {  	[tilespmem:$0x2990] =	vst v0  }
0x30: {  	[tilespmem:$0x29A0] =	vst v0  }
0x31: {  	[tilespmem:$0x29B0] =	vst v0  }
0x32: {  	[tilespmem:$0x29C0] =	vst v0  }
0x33: {  	[tilespmem:$0x29D0] =	vst v0  }
0x34: {  	[tilespmem:$0x2710] =	vst v1  }
0x35: {  	[tilespmem:$0x2720] =	vst v1  }
0x36: {  	[tilespmem:$0x2730] =	vst v1  }
0x37: {  	[tilespmem:$0x2740] =	vst v1  }
0x38: {  	[tilespmem:$0x2750] =	vst v1  }
0x39: {  	[spmem:s4] =	stream.linear.scatter [tilespmem:s8], [sflag:$0x1], $0x280, $0x38;
	[tilespmem:$0x2C60] =	vst v63  }
0x3a: {  	_ =	swait.ge [sflag:s9], $0x280  }
0x3b: {  	[sflag:s9] =	ssyncset.done $0x0  }
0x3c: {  	[sflag:s9] =	ssyncadd.s32 $0xFFFFFD80  }
0x3d: {  	[bflag:$0x0] =	sbarrier.arrive $0xFFFF  }
0x3e: {  	[tilespmem:s3], [sflag:$0x1] =	stream.linear.gather [hbm4b:s5+s3], $0x2710, $0x38;
	[tilespmem:$0x2C60] =	vst v63  }
0x3f: {  	_ =	swait.ge [sflag:s9], $0x2710  }
0x40: {  	[sflag:s9] =	ssyncset.done $0x0  }
0x41: {  	s13 =	simm.s32 $0x0;
	[sflag:s9] =	ssyncadd.s32 $0xFFFFD8F0  }
0x42: {  	[spmem:s2] =	stream.indirect.scatter.add.f32 [tilespmem:s11], [sflag:$0x1], $0x1, s13, s10, $0xb8;
	[tilespmem:$0x2C60] =	vst v63  }
0x43: {  	_ =	swait.ge [sflag:s9], $0x50  }
0x44: {  	s13 =	simm.s32 $0x140;
	[sflag:s9] =	ssyncset.done $0x0  }
.LBB2_2:
0x45: {  	s14 =	sshra.s32 s13, $0x2;
	[sflag:s9] =	ssyncadd.s32 $0xFFFFFFB0;
	p0 =	sne.s32 s13, $0x9B00  }
0x46: {  	[spmem:s2] =	stream.indirect.scatter.add.f32 [tilespmem:s11], [sflag:$0x1], $0x1, s14, s10, $0xb8;
	[tilespmem:$0x2C60] =	vst v63  }
.Ltmp0:
0x47: {  	_ = 	snop;
	(pc) =	sbr.rel @p0 .LBB2_2-.Ltmp0, $4  }
0x48: {  	_ = 	snop  }
0x49: {  	s13 =	sadd.s32 $0x140, s13  }
0x4a: {  	_ =	swait.ge [sflag:s9], $0x50  }
0x4b: {  	[sflag:s9] =	ssyncset.done $0x0  }
0x4c: {  	[sflag:s9] =	ssyncadd.s32 $0xFFFFFFB0  }
0x4d: {  	[bflag:$0x0] =	sbarrier.arrive $0xFFFF  }
0x4e: {  	[tilespmem:s8], [sflag:$0x1] =	stream.linear.gather [spmem:s4], $0x280, $0x38;
	[tilespmem:$0x2C60] =	vst v63  }
0x4f: {  	s12 =	sadd.s32 $0x1, s12;
	_ =	swait.ge [sflag:s9], $0x280  }
0x50: {  	p0 =	sne.s32 s12, s7;
	[sflag:s9] =	ssyncset.done $0x0  }
.Ltmp1:
0x51: {  	[sflag:s9] =	ssyncadd.s32 $0xFFFFFD80;
	(pc) =	sbr.rel @p0 .LBB2_1-.Ltmp1, $4  }
0x52: {  	[hbm4b:s6+s3] =	stream.linear.scatter [tilespmem:s8], [sflag:$0x1], $0x280, $0x38;
	[tilespmem:$0x2C60] =	vst v63  }
0x53: {  	_ =	swait.ge [sflag:s9], $0x280  }
0x54: {  	[sflag:s9] =	ssyncset.done $0x0  }
0x55: {  	[sflag:s9] =	ssyncadd.s32 $0xFFFFFD80  }
0x56: {  	_ =	sfence.sel $0x180000  }
0x57: {  	[bflag:$0x0] =	sbarrier.arrive $0xFFFF  }
0x58: {  	p0 =	sne.s32 s1, $0x0;
	_ =	strace $0x90000047  }
0x59: {  	s0 =	sadd.s32 @!p0 $0x100000, s0;
	[bflag:$0x2] =	sbarrier.arrive $0xFFFF  }
0x5a: {  	[sflag:s0] =	ssyncadd.tile.s32 @!p0 $0x1;
	_ =	shalt  }
.Lfunc_end2:
_tile_overlayer_lowered:
.L_overlay_start_2:
0x5b: {  	(tag) =	ssettag $0x2  }
0x5c: {  	s0 =	rddreg [dreg:$0x0];
	s2 =	stileid.u32  }
0x5d: {  	s1 =	rddreg [dreg:$0x1];
	p0 =	sne.s32 s2, $0x0  }
0x5e: {  	s3 =	rddreg [dreg:$0x2];
	[bflag:$0x3] =	sbarrier.arrive $0xFFFF;
	s2 =	simm.s32 @!p0 $0x1C01  }
0x5f: {  	[timem:s3], [sflag:s2] =	dma.local @!p0 [hbm:s0], s1  }
0x60: {  	s0 =	simm.s32 @!p0 $0x1  }
0x61: {  	_ =	swait.ge @!p0 [sflag:s0], s1  }
0x62: {  	s1 =	ssub.s32 @!p0 $0x0, s1;
	[sflag:s0] =	ssyncset.done @!p0 $0x0  }
0x63: {  	[sflag:s0] =	ssyncadd.s32 @!p0 s1  }
0x64: {  	[bflag:$0x3] =	sbarrier.arrive $0xFFFF  }
0x65: {  	_ =	shalt  }

</sc_bundles>
